<compile_context>
chip_gen: v7x
topology: tpu7x:2x2x1
jax: 0.10.2.dev20260603
libtpu: 0.0.44.dev20260713+nightly
codegen_flags: <defaults>
</compile_context>

<pallas_src>
import functools

import jax
import jax.numpy as jnp
from jax import lax
from jax.experimental import pallas as pl
from jax.experimental.pallas import tpu as pltpu
from jax.experimental.pallas import tpu_sc as plsc

NC = 2
NS = 16
NW = NC * NS
CHUNK = 128
NBUF = 2
IBLK = 8
D = 128


def _make_prop(np_, nchunk):
    rpt = np_ // NS
    nblk = nchunk // IBLK
    mesh = plsc.VectorSubcoreMesh(core_axis_name="c", subcore_axis_name="s")

    @functools.partial(
        pl.kernel,
        out_type=jax.ShapeDtypeStruct((NC, np_, D), jnp.float32),
        mesh=mesh,
        scratch_types=[
            pltpu.VMEM_SHARED((np_, D), jnp.float32),
            pltpu.VMEM((2, 2, IBLK, CHUNK), jnp.int32),
        ] + [pltpu.VMEM((CHUNK, D), jnp.float32)] * NBUF
          + [pltpu.SemaphoreType.DMA] * 2
          + [pltpu.SemaphoreType.DMA] * NBUF,
    )
    def prop(g_hbm, e_hbm, zrows_hbm, out_hbm, acc, idx_v, *rest):
        bufs = rest[:NBUF]
        isems = rest[NBUF:NBUF + 2]
        gsems = rest[NBUF + 2:]
        c = lax.axis_index("c")
        s = lax.axis_index("s")
        wid = c * NS + s
        pltpu.sync_copy(zrows_hbm, acc.at[pl.ds(s * rpt, rpt)])

        def idx_copies(bk, slot):
            return [pltpu.make_async_copy(
                e_hbm.at[i, wid].at[pl.ds(bk * IBLK, IBLK)],
                idx_v.at[slot, i], isems[slot]) for i in (0, 1)]

        def gather(bk, k, b):
            slot = bk % 2
            return pltpu.make_async_copy(
                g_hbm.at[idx_v.at[slot, 0, k]], bufs[b], gsems[b])

        for cp in idx_copies(0, 0) + idx_copies(1, 1):
            cp.start()
        plsc.subcore_barrier()

        def do_block(bk, slot):
            for cp in idx_copies(bk, slot):
                cp.wait()
            for p in range(NBUF - 1):
                gather(bk, p, p).start()
            for k in range(IBLK):
                b = k % NBUF
                nk = k + NBUF - 1
                if nk < IBLK:
                    gather(bk, nk, nk % NBUF).start()
                gather(bk, k, b).wait()
                pltpu.sync_copy(bufs[b], acc.at[idx_v.at[slot, 1, k]],
                                add=True)

            def prefetch():
                for cp in idx_copies(bk + 2, slot):
                    cp.start()

            pl.when(bk + 2 < nblk)(prefetch)

        def outer(i, carry):
            do_block(2 * i, 0)
            do_block(2 * i + 1, 1)
            return carry

        lax.fori_loop(0, nblk // 2, outer, 0)
        plsc.subcore_barrier()
        pltpu.sync_copy(acc.at[pl.ds(s * rpt, rpt)],
                        out_hbm.at[c, pl.ds(s * rpt, rpt)])

    return prop


def _make_deg(np_, nchunk):
    rpt = np_ // NS
    ndeep = 4
    mesh = plsc.VectorSubcoreMesh(core_axis_name="c", subcore_axis_name="s")

    @functools.partial(
        pl.kernel,
        out_type=jax.ShapeDtypeStruct((NC, np_, D), jnp.float32),
        mesh=mesh,
        scratch_types=[
            pltpu.VMEM_SHARED((np_, D), jnp.float32),
            pltpu.VMEM((nchunk, CHUNK), jnp.int32),
            pltpu.VMEM((CHUNK, D), jnp.float32),
        ] + [pltpu.SemaphoreType.DMA] * 4,
    )
    def deg(e_hbm, ones_hbm, zrows_hbm, out_hbm, acc, idx_v, ones_v, *sems):
        c = lax.axis_index("c")
        s = lax.axis_index("s")
        wid = c * NS + s
        pltpu.sync_copy(zrows_hbm, acc.at[pl.ds(s * rpt, rpt)])
        pltpu.sync_copy(e_hbm.at[1, wid], idx_v)
        pltpu.sync_copy(ones_hbm, ones_v)
        plsc.subcore_barrier()

        def scat(j, b):
            return pltpu.make_async_copy(ones_v, acc.at[idx_v.at[j]],
                                         sems[b])

        for b in range(ndeep):
            scat(b, b).start(add=True)

        def outer(i, carry):
            for b in range(ndeep):
                j = i * ndeep + b
                scat(j, b).wait()
                nj = j + ndeep
                pl.when(nj < nchunk)(
                    lambda nj=nj, b=b: scat(nj, b).start(add=True))
            return carry

        lax.fori_loop(0, nchunk // ndeep, outer, 0)
        plsc.subcore_barrier()
        pltpu.sync_copy(acc.at[pl.ds(s * rpt, rpt)],
                        out_hbm.at[c, pl.ds(s * rpt, rpt)])

    return deg


def _mm_scale_body(x_ref, w_ref, d_ref, o_ref):
    o_ref[...] = d_ref[...] * jnp.dot(x_ref[...], w_ref[...],
                                      preferred_element_type=jnp.float32,
                                      precision=lax.Precision.HIGHEST)


def _mid_body(p_ref, g_ref, d_ref, b_ref, w_ref, o_ref):
    t = d_ref[...] * (p_ref[0] + p_ref[1] + g_ref[...]) + b_ref[...]
    t = jnp.maximum(t, 0.0)
    o_ref[...] = d_ref[...] * jnp.dot(t, w_ref[...],
                                      preferred_element_type=jnp.float32,
                                      precision=lax.Precision.HIGHEST)


def _fin_body(p_ref, g_ref, d_ref, b_ref, o_ref):
    o_ref[...] = (d_ref[...] * (p_ref[0] + p_ref[1] + g_ref[...])
                  + b_ref[...])


def _row_spec(r):
    return pl.BlockSpec((r, D), lambda i: (i, 0))


def _col_spec(r):
    return pl.BlockSpec((r, 1), lambda i: (i, 0))


def _part_spec(r):
    return pl.BlockSpec((NC, r, D), lambda i: (0, i, 0))


def _full_spec(shape):
    return pl.BlockSpec(shape, lambda i: tuple(0 for _ in shape))


def kernel(x, edge_index, W1, b1, W2, b2):
    n, d_in = x.shape
    assert d_in == D
    e = edge_index.shape[1]

    np_ = ((n + NS * 8 - 1) // (NS * 8)) * (NS * 8)
    if np_ == n:
        np_ += NS * 8
    estep = NW * CHUNK * IBLK * 2
    e_pad = ((e + estep - 1) // estep) * estep
    nchunk = e_pad // (NW * CHUNK)
    rb = n // 5 if n % 5 == 0 and (n // 5) % 8 == 0 else None
    if rb is None:
        rb = 8
        while n % (rb * 2) == 0 and rb < 2048:
            rb *= 2

    pad = n + (jnp.arange(e_pad - e, dtype=jnp.int32) % (np_ - n))
    e2 = jnp.concatenate(
        [edge_index.astype(jnp.int32), jnp.broadcast_to(pad, (2, e_pad - e))],
        axis=1).reshape(2, NW, nchunk, CHUNK)

    rpt = np_ // NS
    zrows = jnp.zeros((rpt, D), jnp.float32)
    ones = jnp.ones((CHUNK, D), jnp.float32)

    deg_k = _make_deg(np_, nchunk)
    prop_k = _make_prop(np_, nchunk)

    degp = deg_k(e2, ones, zrows)
    dcol = lax.rsqrt(degp[0, :, 0] + degp[1, :, 0] + 1.0)[:, None]

    grid = (n // rb,)
    g1 = pl.pallas_call(
        _mm_scale_body,
        grid=grid,
        in_specs=[_row_spec(rb), _full_spec((D, D)), _col_spec(rb)],
        out_specs=_row_spec(rb),
        out_shape=jax.ShapeDtypeStruct((np_, D), jnp.float32),
    )(x, W1, dcol)

    parts1 = prop_k(g1, e2, zrows)

    g2 = pl.pallas_call(
        _mid_body,
        grid=grid,
        in_specs=[_part_spec(rb), _row_spec(rb), _col_spec(rb),
                  _full_spec((1, D)), _full_spec((D, D))],
        out_specs=_row_spec(rb),
        out_shape=jax.ShapeDtypeStruct((np_, D), jnp.float32),
    )(parts1, g1, dcol, b1.reshape(1, D), W2)

    parts2 = prop_k(g2, e2, zrows)

    out = pl.pallas_call(
        _fin_body,
        grid=grid,
        in_specs=[_part_spec(rb), _row_spec(rb), _col_spec(rb),
                  _full_spec((1, D))],
        out_specs=_row_spec(rb),
        out_shape=jax.ShapeDtypeStruct((n, D), jnp.float32),
    )(parts2, g2, dcol, b2.reshape(1, D))

    return out

# --- scband reference (transcript-rebuilt; emitter-appended) ---
"""Pipeline reference for scband-gcnencoder-27633819583001 (READ-ONLY COPY).

The authoritative reference and input builder live on the scoring server;
editing this copy changes nothing except your own understanding.
"""

import jax, jax.numpy as jnp
import numpy as np

N_NODES = 10000
N_EDGES = 320000
D_IN = 128
D_HID = 128

def setup_inputs(seed: int = 0) -> dict:
    key = jax.random.key(seed)
    k1, k2, k3, k4, k5, k6 = jax.random.split(key, 6)
    x = jax.random.normal(k1, (N_NODES, D_IN), dtype=jnp.float32)
    edge_index = jax.random.randint(k2, (2, N_EDGES), 0, N_NODES, dtype=jnp.int64)
    # glorot-style init for GCNConv weights
    s1 = (6.0 / (D_IN + D_HID)) ** 0.5
    W1 = jax.random.uniform(k3, (D_IN, D_HID), dtype=jnp.float32, minval=-s1, maxval=s1)
    b1 = jnp.zeros((D_HID,), dtype=jnp.float32)
    s2 = (6.0 / (D_HID + D_HID)) ** 0.5
    W2 = jax.random.uniform(k4, (D_HID, D_HID), dtype=jnp.float32, minval=-s2, maxval=s2)
    b2 = jnp.zeros((D_HID,), dtype=jnp.float32)
    return {"x": x, "edge_index": edge_index, "W1": W1, "b1": b1, "W2": W2, "b2": b2}


def _gcn_conv(x, edge_index, W, b):
    n = x.shape[0]
    src = edge_index[0]
    dst = edge_index[1]
    # add self-loops (GCNConv default add_self_loops=True)
    loop = jnp.arange(n, dtype=src.dtype)
    src = jnp.concatenate([src, loop], axis=0)
    dst = jnp.concatenate([dst, loop], axis=0)
    # symmetric normalization: deg^-1/2[src] * deg^-1/2[dst]
    deg = jnp.zeros((n,), dtype=x.dtype).at[dst].add(1.0)
    deg_inv_sqrt = jnp.where(deg > 0, deg ** -0.5, 0.0)
    norm = deg_inv_sqrt[src] * deg_inv_sqrt[dst]
    # linear transform then propagate
    h = x @ W
    msg = h[src] * norm[:, None]
    out = jnp.zeros((n, W.shape[1]), dtype=x.dtype).at[dst].add(msg)
    return out + b


def reference(x, edge_index, W1, b1, W2, b2):
    h = _gcn_conv(x, edge_index, W1, b1)
    h = jax.nn.relu(h)
    out = _gcn_conv(h, edge_index, W2, b2)
    return out

if __name__ == "__main__":
    import jax
    _d = setup_inputs()
    print(jax.jit(kernel)(*tuple(_d.values())))

</pallas_src>

<mosaic_0001>
#map = affine_map<(d0, d1) -> (0, 0)>
#map1 = affine_map<(d0, d1) -> (0, 0, 0, 0)>
#map2 = affine_map<(d0, d1) -> (0, 0, 0)>
module attributes {stable_mosaic.version = 14 : i64} {
  func.func @prop(%arg0: i32, %arg1: i32, %arg2: memref<10112x128xf32, #tpu.memory_space<hbm>>, %arg3: memref<2x32x80x128xi32, #tpu.memory_space<hbm>>, %arg4: memref<632x128xf32, #tpu.memory_space<hbm>>, %arg5: memref<2x10112x128xf32, #tpu.memory_space<hbm>>, %arg6: memref<10112x128xf32, #tpu.memory_space<vmem_shared>>, %arg7: memref<2x2x8x128xi32, #tpu.memory_space<vmem>>, %arg8: memref<128x128xf32, #tpu.memory_space<vmem>>, %arg9: memref<128x128xf32, #tpu.memory_space<vmem>>, %arg10: memref<!tpu.dma_semaphore, #tpu.memory_space<semaphore_mem>>, %arg11: memref<!tpu.dma_semaphore, #tpu.memory_space<semaphore_mem>>, %arg12: memref<!tpu.dma_semaphore, #tpu.memory_space<semaphore_mem>>, %arg13: memref<!tpu.dma_semaphore, #tpu.memory_space<semaphore_mem>>) attributes {dimension_semantics = [#tpu.dimension_semantics<core_parallel>, #tpu.dimension_semantics<subcore_parallel>], iteration_bounds = array<i64: 2, 16>, scalar_prefetch = 0 : i64, scratch_operands = 8 : i64, tpu.core_type = #tpu.core_type<sc_vector_subcore>, window_params = [{transform_indices = #map}, {transform_indices = #map1}, {transform_indices = #map}, {transform_indices = #map2}]} {
    %mul3A = arith.constant 16 : i32
    %mul3A_0 = arith.muli %arg0, %mul3A : i32
    %add3A = arith.addi %mul3A_0, %arg1 : i32
    %mul3A_1 = arith.constant 632 : i32
    %mul3A_2 = arith.muli %arg1, %mul3A_1 : i32
    "tpu.region"() ({
      %run_scoped3A = tpu.sem_alloc : memref<!tpu.dma_semaphore, #tpu.memory_space<semaphore_mem>>
      %dma_start3A_112 = arith.constant 0 : i32
      %dma_start3A_113 = tpu.memref_slice %arg6[%mul3A_2, %dma_start3A_112] : memref<10112x128xf32, #tpu.memory_space<vmem_shared>> -> memref<632x128xf32, #tpu.memory_space<vmem_shared>>
      tpu.enqueue_dma source(%arg4 : memref<632x128xf32, #tpu.memory_space<hbm>>) target(%dma_start3A_113 : memref<632x128xf32, #tpu.memory_space<vmem_shared>>) target_semaphore(%run_scoped3A : memref<!tpu.dma_semaphore, #tpu.memory_space<semaphore_mem>>)
      %dma_wait3A = arith.constant 0 : i32
      %dma_wait3A_114 = tpu.memref_slice %arg6[%mul3A_2, %dma_wait3A] : memref<10112x128xf32, #tpu.memory_space<vmem_shared>> -> memref<632x128xf32, #tpu.memory_space<vmem_shared>>
      tpu.wait_dma2 semaphore(%run_scoped3A : memref<!tpu.dma_semaphore, #tpu.memory_space<semaphore_mem>>) src(%arg4 : memref<632x128xf32, #tpu.memory_space<hbm>>) dst(%dma_wait3A_114 : memref<632x128xf32, #tpu.memory_space<vmem_shared>>)
      tpu.yield
    }) : () -> ()
    %dma_start3A = arith.constant 0 : i32
    %dma_start3A_3 = arith.constant 0 : i32
    %dma_start3A_4 = arith.constant 0 : i32
    %dma_start3A_5 = arith.constant 0 : i32
    %dma_start3A_6 = arith.constant 0 : i32
    %dma_start3A_7 = tpu.memref_slice %arg7[%dma_start3A_3, %dma_start3A_4, %dma_start3A_5, %dma_start3A_6] : memref<2x2x8x128xi32, #tpu.memory_space<vmem>> -> memref<1x1x8x128xi32, #tpu.memory_space<vmem>>
    %dma_start3A_8 = tpu.memref_squeeze %dma_start3A_7 : memref<1x1x8x128xi32, #tpu.memory_space<vmem>> -> memref<8x128xi32, #tpu.memory_space<vmem>>
    %dma_start3A_9 = arith.constant 0 : i32
    %dma_start3A_10 = arith.constant 0 : i32
    %dma_start3A_11 = tpu.memref_slice %arg3[%dma_start3A, %add3A, %dma_start3A_9, %dma_start3A_10] : memref<2x32x80x128xi32, #tpu.memory_space<hbm>> -> memref<1x1x80x128xi32, #tpu.memory_space<hbm>>
    %dma_start3A_12 = tpu.memref_squeeze %dma_start3A_11 : memref<1x1x80x128xi32, #tpu.memory_space<hbm>> -> memref<80x128xi32, #tpu.memory_space<hbm>>
    %dma_start3A_13 = arith.constant 0 : i32
    %dma_start3A_14 = arith.constant 0 : i32
    %dma_start3A_15 = tpu.memref_slice %dma_start3A_12[%dma_start3A_13, %dma_start3A_14] : memref<80x128xi32, #tpu.memory_space<hbm>> -> memref<8x128xi32, #tpu.memory_space<hbm>>
    %dma_start3A_16 = arith.constant 0 : i32
    %dma_start3A_17 = arith.constant 0 : i32
    %dma_start3A_18 = tpu.memref_slice %arg7[%dma_start3A_3, %dma_start3A_4, %dma_start3A_16, %dma_start3A_17] : memref<2x2x8x128xi32, #tpu.memory_space<vmem>> -> memref<1x1x8x128xi32, #tpu.memory_space<vmem>>
    %dma_start3A_19 = tpu.memref_squeeze %dma_start3A_18 : memref<1x1x8x128xi32, #tpu.memory_space<vmem>> -> memref<8x128xi32, #tpu.memory_space<vmem>>
    %dma_start3A_20 = arith.constant 0 : i32
    %dma_start3A_21 = arith.constant 0 : i32
    %dma_start3A_22 = tpu.memref_slice %arg3[%dma_start3A, %add3A, %dma_start3A_20, %dma_start3A_21] : memref<2x32x80x128xi32, #tpu.memory_space<hbm>> -> memref<1x1x80x128xi32, #tpu.memory_space<hbm>>
    %dma_start3A_23 = tpu.memref_squeeze %dma_start3A_22 : memref<1x1x80x128xi32, #tpu.memory_space<hbm>> -> memref<80x128xi32, #tpu.memory_space<hbm>>
    %dma_start3A_24 = arith.constant 0 : i32
    %dma_start3A_25 = arith.constant 0 : i32
    %dma_start3A_26 = tpu.memref_slice %dma_start3A_23[%dma_start3A_24, %dma_start3A_25] : memref<80x128xi32, #tpu.memory_space<hbm>> -> memref<8x128xi32, #tpu.memory_space<hbm>>
    tpu.enqueue_dma source(%dma_start3A_26 : memref<8x128xi32, #tpu.memory_space<hbm>>) target(%dma_start3A_19 : memref<8x128xi32, #tpu.memory_space<vmem>>) target_semaphore(%arg10 : memref<!tpu.dma_semaphore, #tpu.memory_space<semaphore_mem>>)
    %dma_start3A_27 = arith.constant 1 : i32
    %dma_start3A_28 = arith.constant 0 : i32
    %dma_start3A_29 = arith.constant 1 : i32
    %dma_start3A_30 = arith.constant 0 : i32
    %dma_start3A_31 = arith.constant 0 : i32
    %dma_start3A_32 = tpu.memref_slice %arg7[%dma_start3A_28, %dma_start3A_29, %dma_start3A_30, %dma_start3A_31] : memref<2x2x8x128xi32, #tpu.memory_space<vmem>> -> memref<1x1x8x128xi32, #tpu.memory_space<vmem>>
    %dma_start3A_33 = tpu.memref_squeeze %dma_start3A_32 : memref<1x1x8x128xi32, #tpu.memory_space<vmem>> -> memref<8x128xi32, #tpu.memory_space<vmem>>
    %dma_start3A_34 = arith.constant 0 : i32
    %dma_start3A_35 = arith.constant 0 : i32
    %dma_start3A_36 = tpu.memref_slice %arg3[%dma_start3A_27, %add3A, %dma_start3A_34, %dma_start3A_35] : memref<2x32x80x128xi32, #tpu.memory_space<hbm>> -> memref<1x1x80x128xi32, #tpu.memory_space<hbm>>
    %dma_start3A_37 = tpu.memref_squeeze %dma_start3A_36 : memref<1x1x80x128xi32, #tpu.memory_space<hbm>> -> memref<80x128xi32, #tpu.memory_space<hbm>>
    %dma_start3A_38 = arith.constant 0 : i32
    %dma_start3A_39 = arith.constant 0 : i32
    %dma_start3A_40 = tpu.memref_slice %dma_start3A_37[%dma_start3A_38, %dma_start3A_39] : memref<80x128xi32, #tpu.memory_space<hbm>> -> memref<8x128xi32, #tpu.memory_space<hbm>>
    %dma_start3A_41 = arith.constant 0 : i32
    %dma_start3A_42 = arith.constant 0 : i32
    %dma_start3A_43 = tpu.memref_slice %arg7[%dma_start3A_28, %dma_start3A_29, %dma_start3A_41, %dma_start3A_42] : memref<2x2x8x128xi32, #tpu.memory_space<vmem>> -> memref<1x1x8x128xi32, #tpu.memory_space<vmem>>
    %dma_start3A_44 = tpu.memref_squeeze %dma_start3A_43 : memref<1x1x8x128xi32, #tpu.memory_space<vmem>> -> memref<8x128xi32, #tpu.memory_space<vmem>>
    %dma_start3A_45 = arith.constant 0 : i32
    %dma_start3A_46 = arith.constant 0 : i32
    %dma_start3A_47 = tpu.memref_slice %arg3[%dma_start3A_27, %add3A, %dma_start3A_45, %dma_start3A_46] : memref<2x32x80x128xi32, #tpu.memory_space<hbm>> -> memref<1x1x80x128xi32, #tpu.memory_space<hbm>>
    %dma_start3A_48 = tpu.memref_squeeze %dma_start3A_47 : memref<1x1x80x128xi32, #tpu.memory_space<hbm>> -> memref<80x128xi32, #tpu.memory_space<hbm>>
    %dma_start3A_49 = arith.constant 0 : i32
    %dma_start3A_50 = arith.constant 0 : i32
    %dma_start3A_51 = tpu.memref_slice %dma_start3A_48[%dma_start3A_49, %dma_start3A_50] : memref<80x128xi32, #tpu.memory_space<hbm>> -> memref<8x128xi32, #tpu.memory_space<hbm>>
    tpu.enqueue_dma source(%dma_start3A_51 : memref<8x128xi32, #tpu.memory_space<hbm>>) target(%dma_start3A_44 : memref<8x128xi32, #tpu.memory_space<vmem>>) target_semaphore(%arg10 : memref<!tpu.dma_semaphore, #tpu.memory_space<semaphore_mem>>)
    %dma_start3A_52 = arith.constant 0 : i32
    %dma_start3A_53 = arith.constant 1 : i32
    %dma_start3A_54 = arith.constant 0 : i32
    %dma_start3A_55 = arith.constant 0 : i32
    %dma_start3A_56 = arith.constant 0 : i32
    %dma_start3A_57 = tpu.memref_slice %arg7[%dma_start3A_53, %dma_start3A_54, %dma_start3A_55, %dma_start3A_56] : memref<2x2x8x128xi32, #tpu.memory_space<vmem>> -> memref<1x1x8x128xi32, #tpu.memory_space<vmem>>
    %dma_start3A_58 = tpu.memref_squeeze %dma_start3A_57 : memref<1x1x8x128xi32, #tpu.memory_space<vmem>> -> memref<8x128xi32, #tpu.memory_space<vmem>>
    %dma_start3A_59 = arith.constant 0 : i32
    %dma_start3A_60 = arith.constant 0 : i32
    %dma_start3A_61 = tpu.memref_slice %arg3[%dma_start3A_52, %add3A, %dma_start3A_59, %dma_start3A_60] : memref<2x32x80x128xi32, #tpu.memory_space<hbm>> -> memref<1x1x80x128xi32, #tpu.memory_space<hbm>>
    %dma_start3A_62 = tpu.memref_squeeze %dma_start3A_61 : memref<1x1x80x128xi32, #tpu.memory_space<hbm>> -> memref<80x128xi32, #tpu.memory_space<hbm>>
    %dma_start3A_63 = arith.constant 8 : i32
    %dma_start3A_64 = arith.constant 0 : i32
    %dma_start3A_65 = tpu.memref_slice %dma_start3A_62[%dma_start3A_63, %dma_start3A_64] : memref<80x128xi32, #tpu.memory_space<hbm>> -> memref<8x128xi32, #tpu.memory_space<hbm>>
    %dma_start3A_66 = arith.constant 0 : i32
    %dma_start3A_67 = arith.constant 0 : i32
    %dma_start3A_68 = tpu.memref_slice %arg7[%dma_start3A_53, %dma_start3A_54, %dma_start3A_66, %dma_start3A_67] : memref<2x2x8x128xi32, #tpu.memory_space<vmem>> -> memref<1x1x8x128xi32, #tpu.memory_space<vmem>>
    %dma_start3A_69 = tpu.memref_squeeze %dma_start3A_68 : memref<1x1x8x128xi32, #tpu.memory_space<vmem>> -> memref<8x128xi32, #tpu.memory_space<vmem>>
    %dma_start3A_70 = arith.constant 0 : i32
    %dma_start3A_71 = arith.constant 0 : i32
    %dma_start3A_72 = tpu.memref_slice %arg3[%dma_start3A_52, %add3A, %dma_start3A_70, %dma_start3A_71] : memref<2x32x80x128xi32, #tpu.memory_space<hbm>> -> memref<1x1x80x128xi32, #tpu.memory_space<hbm>>
    %dma_start3A_73 = tpu.memref_squeeze %dma_start3A_72 : memref<1x1x80x128xi32, #tpu.memory_space<hbm>> -> memref<80x128xi32, #tpu.memory_space<hbm>>
    %dma_start3A_74 = arith.constant 8 : i32
    %dma_start3A_75 = arith.constant 0 : i32
    %dma_start3A_76 = tpu.memref_slice %dma_start3A_73[%dma_start3A_74, %dma_start3A_75] : memref<80x128xi32, #tpu.memory_space<hbm>> -> memref<8x128xi32, #tpu.memory_space<hbm>>
    tpu.enqueue_dma source(%dma_start3A_76 : memref<8x128xi32, #tpu.memory_space<hbm>>) target(%dma_start3A_69 : memref<8x128xi32, #tpu.memory_space<vmem>>) target_semaphore(%arg11 : memref<!tpu.dma_semaphore, #tpu.memory_space<semaphore_mem>>)
    %dma_start3A_77 = arith.constant 1 : i32
    %dma_start3A_78 = arith.constant 1 : i32
    %dma_start3A_79 = arith.constant 1 : i32
    %dma_start3A_80 = arith.constant 0 : i32
    %dma_start3A_81 = arith.constant 0 : i32
    %dma_start3A_82 = tpu.memref_slice %arg7[%dma_start3A_78, %dma_start3A_79, %dma_start3A_80, %dma_start3A_81] : memref<2x2x8x128xi32, #tpu.memory_space<vmem>> -> memref<1x1x8x128xi32, #tpu.memory_space<vmem>>
    %dma_start3A_83 = tpu.memref_squeeze %dma_start3A_82 : memref<1x1x8x128xi32, #tpu.memory_space<vmem>> -> memref<8x128xi32, #tpu.memory_space<vmem>>
    %dma_start3A_84 = arith.constant 0 : i32
    %dma_start3A_85 = arith.constant 0 : i32
    %dma_start3A_86 = tpu.memref_slice %arg3[%dma_start3A_77, %add3A, %dma_start3A_84, %dma_start3A_85] : memref<2x32x80x128xi32, #tpu.memory_space<hbm>> -> memref<1x1x80x128xi32, #tpu.memory_space<hbm>>
    %dma_start3A_87 = tpu.memref_squeeze %dma_start3A_86 : memref<1x1x80x128xi32, #tpu.memory_space<hbm>> -> memref<80x128xi32, #tpu.memory_space<hbm>>
    %dma_start3A_88 = arith.constant 8 : i32
    %dma_start3A_89 = arith.constant 0 : i32
    %dma_start3A_90 = tpu.memref_slice %dma_start3A_87[%dma_start3A_88, %dma_start3A_89] : memref<80x128xi32, #tpu.memory_space<hbm>> -> memref<8x128xi32, #tpu.memory_space<hbm>>
    %dma_start3A_91 = arith.constant 0 : i32
    %dma_start3A_92 = arith.constant 0 : i32
    %dma_start3A_93 = tpu.memref_slice %arg7[%dma_start3A_78, %dma_start3A_79, %dma_start3A_91, %dma_start3A_92] : memref<2x2x8x128xi32, #tpu.memory_space<vmem>> -> memref<1x1x8x128xi32, #tpu.memory_space<vmem>>
    %dma_start3A_94 = tpu.memref_squeeze %dma_start3A_93 : memref<1x1x8x128xi32, #tpu.memory_space<vmem>> -> memref<8x128xi32, #tpu.memory_space<vmem>>
    %dma_start3A_95 = arith.constant 0 : i32
    %dma_start3A_96 = arith.constant 0 : i32
    %dma_start3A_97 = tpu.memref_slice %arg3[%dma_start3A_77, %add3A, %dma_start3A_95, %dma_start3A_96] : memref<2x32x80x128xi32, #tpu.memory_space<hbm>> -> memref<1x1x80x128xi32, #tpu.memory_space<hbm>>
    %dma_start3A_98 = tpu.memref_squeeze %dma_start3A_97 : memref<1x1x80x128xi32, #tpu.memory_space<hbm>> -> memref<80x128xi32, #tpu.memory_space<hbm>>
    %dma_start3A_99 = arith.constant 8 : i32
    %dma_start3A_100 = arith.constant 0 : i32
    %dma_start3A_101 = tpu.memref_slice %dma_start3A_98[%dma_start3A_99, %dma_start3A_100] : memref<80x128xi32, #tpu.memory_space<hbm>> -> memref<8x128xi32, #tpu.memory_space<hbm>>
    tpu.enqueue_dma source(%dma_start3A_101 : memref<8x128xi32, #tpu.memory_space<hbm>>) target(%dma_start3A_94 : memref<8x128xi32, #tpu.memory_space<vmem>>) target_semaphore(%arg11 : memref<!tpu.dma_semaphore, #tpu.memory_space<semaphore_mem>>)
    %barrier3A = arith.constant 0 : index
    tpu.barrier barrier_id(%barrier3A)
    %scan3A = arith.constant 0 : i32
    %scan3A_102 = arith.constant 0 : i32
    %scan3A_103 = arith.constant 5 : i32
    %scan3A_104 = arith.addi %scan3A_102, %scan3A_103 : i32
    %scan3A_105 = arith.constant 1 : i32
    scf.for %scan3A_112 = %scan3A_102 to %scan3A_104 step %scan3A_105  : i32 {
      %mul3A_113 = arith.constant 2 : i32
      %mul3A_114 = arith.muli %mul3A_113, %scan3A_112 : i32
      %mul3A_115 = arith.constant 8 : i32
      %mul3A_116 = arith.muli %mul3A_114, %mul3A_115 : i32
      %mul3A_117 = arith.constant 8 : i32
      %mul3A_118 = arith.muli %mul3A_114, %mul3A_117 : i32
      %dma_wait3A = arith.constant 0 : i32
      %dma_wait3A_119 = arith.constant 0 : i32
      %dma_wait3A_120 = arith.constant 0 : i32
      %dma_wait3A_121 = arith.constant 0 : i32
      %dma_wait3A_122 = arith.constant 0 : i32
      %dma_wait3A_123 = tpu.memref_slice %arg7[%dma_wait3A_119, %dma_wait3A_120, %dma_wait3A_121, %dma_wait3A_122] : memref<2x2x8x128xi32, #tpu.memory_space<vmem>> -> memref<1x1x8x128xi32, #tpu.memory_space<vmem>>
      %dma_wait3A_124 = tpu.memref_squeeze %dma_wait3A_123 : memref<1x1x8x128xi32, #tpu.memory_space<vmem>> -> memref<8x128xi32, #tpu.memory_space<vmem>>
      %dma_wait3A_125 = arith.constant 0 : i32
      %dma_wait3A_126 = arith.constant 0 : i32
      %dma_wait3A_127 = tpu.memref_slice %arg3[%dma_wait3A, %add3A, %dma_wait3A_125, %dma_wait3A_126] : memref<2x32x80x128xi32, #tpu.memory_space<hbm>> -> memref<1x1x80x128xi32, #tpu.memory_space<hbm>>
      %dma_wait3A_128 = tpu.memref_squeeze %dma_wait3A_127 : memref<1x1x80x128xi32, #tpu.memory_space<hbm>> -> memref<80x128xi32, #tpu.memory_space<hbm>>
      %dma_wait3A_129 = arith.constant 0 : i32
      %dma_wait3A_130 = tpu.memref_slice %dma_wait3A_128[%mul3A_116, %dma_wait3A_129] : memref<80x128xi32, #tpu.memory_space<hbm>> -> memref<8x128xi32, #tpu.memory_space<hbm>>
      %dma_wait3A_131 = arith.constant 0 : i32
      %dma_wait3A_132 = arith.constant 0 : i32
      %dma_wait3A_133 = tpu.memref_slice %arg7[%dma_wait3A_119, %dma_wait3A_120, %dma_wait3A_131, %dma_wait3A_132] : memref<2x2x8x128xi32, #tpu.memory_space<vmem>> -> memref<1x1x8x128xi32, #tpu.memory_space<vmem>>
      %dma_wait3A_134 = tpu.memref_squeeze %dma_wait3A_133 : memref<1x1x8x128xi32, #tpu.memory_space<vmem>> -> memref<8x128xi32, #tpu.memory_space<vmem>>
      %dma_wait3A_135 = arith.constant 0 : i32
      %dma_wait3A_136 = arith.constant 0 : i32
      %dma_wait3A_137 = tpu.memref_slice %arg3[%dma_wait3A, %add3A, %dma_wait3A_135, %dma_wait3A_136] : memref<2x32x80x128xi32, #tpu.memory_space<hbm>> -> memref<1x1x80x128xi32, #tpu.memory_space<hbm>>
      %dma_wait3A_138 = tpu.memref_squeeze %dma_wait3A_137 : memref<1x1x80x128xi32, #tpu.memory_space<hbm>> -> memref<80x128xi32, #tpu.memory_space<hbm>>
      %dma_wait3A_139 = arith.constant 0 : i32
      %dma_wait3A_140 = tpu.memref_slice %dma_wait3A_138[%mul3A_116, %dma_wait3A_139] : memref<80x128xi32, #tpu.memory_space<hbm>> -> memref<8x128xi32, #tpu.memory_space<hbm>>
      tpu.wait_dma2 semaphore(%arg10 : memref<!tpu.dma_semaphore, #tpu.memory_space<semaphore_mem>>) src(%dma_wait3A_140 : memref<8x128xi32, #tpu.memory_space<hbm>>) dst(%dma_wait3A_134 : memref<8x128xi32, #tpu.memory_space<vmem>>)
      %dma_wait3A_141 = arith.constant 1 : i32
      %dma_wait3A_142 = arith.constant 0 : i32
      %dma_wait3A_143 = arith.constant 1 : i32
      %dma_wait3A_144 = arith.constant 0 : i32
      %dma_wait3A_145 = arith.constant 0 : i32
      %dma_wait3A_146 = tpu.memref_slice %arg7[%dma_wait3A_142, %dma_wait3A_143, %dma_wait3A_144, %dma_wait3A_145] : memref<2x2x8x128xi32, #tpu.memory_space<vmem>> -> memref<1x1x8x128xi32, #tpu.memory_space<vmem>>
      %dma_wait3A_147 = tpu.memref_squeeze %dma_wait3A_146 : memref<1x1x8x128xi32, #tpu.memory_space<vmem>> -> memref<8x128xi32, #tpu.memory_space<vmem>>
      %dma_wait3A_148 = arith.constant 0 : i32
      %dma_wait3A_149 = arith.constant 0 : i32
      %dma_wait3A_150 = tpu.memref_slice %arg3[%dma_wait3A_141, %add3A, %dma_wait3A_148, %dma_wait3A_149] : memref<2x32x80x128xi32, #tpu.memory_space<hbm>> -> memref<1x1x80x128xi32, #tpu.memory_space<hbm>>
      %dma_wait3A_151 = tpu.memref_squeeze %dma_wait3A_150 : memref<1x1x80x128xi32, #tpu.memory_space<hbm>> -> memref<80x128xi32, #tpu.memory_space<hbm>>
      %dma_wait3A_152 = arith.constant 0 : i32
      %dma_wait3A_153 = tpu.memref_slice %dma_wait3A_151[%mul3A_118, %dma_wait3A_152] : memref<80x128xi32, #tpu.memory_space<hbm>> -> memref<8x128xi32, #tpu.memory_space<hbm>>
      %dma_wait3A_154 = arith.constant 0 : i32
      %dma_wait3A_155 = arith.constant 0 : i32
      %dma_wait3A_156 = tpu.memref_slice %arg7[%dma_wait3A_142, %dma_wait3A_143, %dma_wait3A_154, %dma_wait3A_155] : memref<2x2x8x128xi32, #tpu.memory_space<vmem>> -> memref<1x1x8x128xi32, #tpu.memory_space<vmem>>
      %dma_wait3A_157 = tpu.memref_squeeze %dma_wait3A_156 : memref<1x1x8x128xi32, #tpu.memory_space<vmem>> -> memref<8x128xi32, #tpu.memory_space<vmem>>
      %dma_wait3A_158 = arith.constant 0 : i32
      %dma_wait3A_159 = arith.constant 0 : i32
      %dma_wait3A_160 = tpu.memref_slice %arg3[%dma_wait3A_141, %add3A, %dma_wait3A_158, %dma_wait3A_159] : memref<2x32x80x128xi32, #tpu.memory_space<hbm>> -> memref<1x1x80x128xi32, #tpu.memory_space<hbm>>
      %dma_wait3A_161 = tpu.memref_squeeze %dma_wait3A_160 : memref<1x1x80x128xi32, #tpu.memory_space<hbm>> -> memref<80x128xi32, #tpu.memory_space<hbm>>
      %dma_wait3A_162 = arith.constant 0 : i32
      %dma_wait3A_163 = tpu.memref_slice %dma_wait3A_161[%mul3A_118, %dma_wait3A_162] : memref<80x128xi32, #tpu.memory_space<hbm>> -> memref<8x128xi32, #tpu.memory_space<hbm>>
      tpu.wait_dma2 semaphore(%arg10 : memref<!tpu.dma_semaphore, #tpu.memory_space<semaphore_mem>>) src(%dma_wait3A_163 : memref<8x128xi32, #tpu.memory_space<hbm>>) dst(%dma_wait3A_157 : memref<8x128xi32, #tpu.memory_space<vmem>>)
      %jit3A = arith.constant 2 : i32
      %eq3A = arith.constant 0 : i32
      %eq3A_164 = arith.cmpi eq, %jit3A, %eq3A : i32
      %jit3A_165 = arith.constant 1 : i32
      %select_n3A = arith.select %eq3A_164, %jit3A_165, %jit3A : i32
      %rem3A = arith.remsi %mul3A_114, %select_n3A : i32
      %ne3A = arith.constant 0 : i32
      %ne3A_166 = arith.cmpi ne, %rem3A, %ne3A : i32
      %lt3A = arith.constant 0 : i32
      %lt3A_167 = arith.cmpi slt, %rem3A, %lt3A : i32
      %lt3A_168 = arith.constant 0 : i32
      %lt3A_169 = arith.cmpi slt, %select_n3A, %lt3A_168 : i32
      %ne3A_170 = arith.xori %lt3A_167, %lt3A_169 : i1
      %and3A = arith.andi %ne3A_170, %ne3A_166 : i1
      %add3A_171 = arith.addi %rem3A, %select_n3A : i32
      %select_n3A_172 = arith.select %and3A, %add3A_171, %rem3A : i32
      %dma_start3A_173 = arith.constant 0 : i32
      %dma_start3A_174 = arith.constant 0 : i32
      %dma_start3A_175 = arith.constant 0 : i32
      %dma_start3A_176 = tpu.memref_slice %arg7[%select_n3A_172, %dma_start3A_173, %dma_start3A_174, %dma_start3A_175] : memref<2x2x8x128xi32, #tpu.memory_space<vmem>> -> memref<1x1x1x128xi32, #tpu.memory_space<vmem>>
      %dma_start3A_177 = tpu.memref_squeeze %dma_start3A_176 : memref<1x1x1x128xi32, #tpu.memory_space<vmem>> -> memref<128xi32, #tpu.memory_space<vmem>>
      %dma_start3A_178 = arith.constant 0 : i32
      %dma_start3A_179 = arith.constant 0 : i32
      %dma_start3A_180 = tpu.memref_slice %arg2[%dma_start3A_178, %dma_start3A_179] : memref<10112x128xf32, #tpu.memory_space<hbm>> -> memref<10112x128xf32, #tpu.memory_space<hbm>>
      tpu.enqueue_indirect_dma source(%dma_start3A_180 : memref<10112x128xf32, #tpu.memory_space<hbm>>) target(%arg8 : memref<128x128xf32, #tpu.memory_space<vmem>>) offsets(%dma_start3A_177 : memref<128xi32, #tpu.memory_space<vmem>>) semaphore(%arg12 : memref<!tpu.dma_semaphore, #tpu.memory_space<semaphore_mem>>)
      %jit3A_181 = arith.constant 2 : i32
      %eq3A_182 = arith.constant 0 : i32
      %eq3A_183 = arith.cmpi eq, %jit3A_181, %eq3A_182 : i32
      %jit3A_184 = arith.constant 1 : i32
      %select_n3A_185 = arith.select %eq3A_183, %jit3A_184, %jit3A_181 : i32
      %rem3A_186 = arith.remsi %mul3A_114, %select_n3A_185 : i32
      %ne3A_187 = arith.constant 0 : i32
      %ne3A_188 = arith.cmpi ne, %rem3A_186, %ne3A_187 : i32
      %lt3A_189 = arith.constant 0 : i32
      %lt3A_190 = arith.cmpi slt, %rem3A_186, %lt3A_189 : i32
      %lt3A_191 = arith.constant 0 : i32
      %lt3A_192 = arith.cmpi slt, %select_n3A_185, %lt3A_191 : i32
      %ne3A_193 = arith.xori %lt3A_190, %lt3A_192 : i1
      %and3A_194 = arith.andi %ne3A_193, %ne3A_188 : i1
      %add3A_195 = arith.addi %rem3A_186, %select_n3A_185 : i32
      %select_n3A_196 = arith.select %and3A_194, %add3A_195, %rem3A_186 : i32
      %dma_start3A_197 = arith.constant 0 : i32
      %dma_start3A_198 = arith.constant 1 : i32
      %dma_start3A_199 = arith.constant 0 : i32
      %dma_start3A_200 = tpu.memref_slice %arg7[%select_n3A_196, %dma_start3A_197, %dma_start3A_198, %dma_start3A_199] : memref<2x2x8x128xi32, #tpu.memory_space<vmem>> -> memref<1x1x1x128xi32, #tpu.memory_space<vmem>>
      %dma_start3A_201 = tpu.memref_squeeze %dma_start3A_200 : memref<1x1x1x128xi32, #tpu.memory_space<vmem>> -> memref<128xi32, #tpu.memory_space<vmem>>
      %dma_start3A_202 = arith.constant 0 : i32
      %dma_start3A_203 = arith.constant 0 : i32
      %dma_start3A_204 = tpu.memref_slice %arg2[%dma_start3A_202, %dma_start3A_203] : memref<10112x128xf32, #tpu.memory_space<hbm>> -> memref<10112x128xf32, #tpu.memory_space<hbm>>
      tpu.enqueue_indirect_dma source(%dma_start3A_204 : memref<10112x128xf32, #tpu.memory_space<hbm>>) target(%arg9 : memref<128x128xf32, #tpu.memory_space<vmem>>) offsets(%dma_start3A_201 : memref<128xi32, #tpu.memory_space<vmem>>) semaphore(%arg13 : memref<!tpu.dma_semaphore, #tpu.memory_space<semaphore_mem>>)
      %jit3A_205 = arith.constant 2 : i32
      %eq3A_206 = arith.constant 0 : i32
      %eq3A_207 = arith.cmpi eq, %jit3A_205, %eq3A_206 : i32
      %jit3A_208 = arith.constant 1 : i32
      %select_n3A_209 = arith.select %eq3A_207, %jit3A_208, %jit3A_205 : i32
      %rem3A_210 = arith.remsi %mul3A_114, %select_n3A_209 : i32
      %ne3A_211 = arith.constant 0 : i32
      %ne3A_212 = arith.cmpi ne, %rem3A_210, %ne3A_211 : i32
      %lt3A_213 = arith.constant 0 : i32
      %lt3A_214 = arith.cmpi slt, %rem3A_210, %lt3A_213 : i32
      %lt3A_215 = arith.constant 0 : i32
      %lt3A_216 = arith.cmpi slt, %select_n3A_209, %lt3A_215 : i32
      %ne3A_217 = arith.xori %lt3A_214, %lt3A_216 : i1
      %and3A_218 = arith.andi %ne3A_217, %ne3A_212 : i1
      %add3A_219 = arith.addi %rem3A_210, %select_n3A_209 : i32
      %select_n3A_220 = arith.select %and3A_218, %add3A_219, %rem3A_210 : i32
      %dma_wait3A_221 = arith.constant 0 : i32
      %dma_wait3A_222 = arith.constant 0 : i32
      %dma_wait3A_223 = arith.constant 0 : i32
      %dma_wait3A_224 = tpu.memref_slice %arg7[%select_n3A_220, %dma_wait3A_221, %dma_wait3A_222, %dma_wait3A_223] : memref<2x2x8x128xi32, #tpu.memory_space<vmem>> -> memref<1x1x1x128xi32, #tpu.memory_space<vmem>>
      %dma_wait3A_225 = tpu.memref_squeeze %dma_wait3A_224 : memref<1x1x1x128xi32, #tpu.memory_space<vmem>> -> memref<128xi32, #tpu.memory_space<vmem>>
      %dma_wait3A_226 = arith.constant 0 : i32
      %dma_wait3A_227 = arith.constant 0 : i32
      %dma_wait3A_228 = tpu.memref_slice %arg2[%dma_wait3A_226, %dma_wait3A_227] : memref<10112x128xf32, #tpu.memory_space<hbm>> -> memref<10112x128xf32, #tpu.memory_space<hbm>>
      tpu.wait_indirect_dma semaphore(%arg12 : memref<!tpu.dma_semaphore, #tpu.memory_space<semaphore_mem>>) src(%dma_wait3A_228 : memref<10112x128xf32, #tpu.memory_space<hbm>>) dst(%arg8 : memref<128x128xf32, #tpu.memory_space<vmem>>)
      %run_scoped3A = arith.constant 0 : i32
      %run_scoped3A_229 = arith.constant 1 : i32
      %run_scoped3A_230 = arith.constant 0 : i32
      "tpu.region"() ({
        %run_scoped3A_1038 = tpu.sem_alloc : memref<!tpu.dma_semaphore, #tpu.memory_space<semaphore_mem>>
        %dma_start3A_1039 = arith.constant 0 : i32
        %dma_start3A_1040 = tpu.memref_slice %arg7[%run_scoped3A, %run_scoped3A_229, %run_scoped3A_230, %dma_start3A_1039] : memref<2x2x8x128xi32, #tpu.memory_space<vmem>> -> memref<1x1x1x128xi32, #tpu.memory_space<vmem>>
        %dma_start3A_1041 = tpu.memref_squeeze %dma_start3A_1040 : memref<1x1x1x128xi32, #tpu.memory_space<vmem>> -> memref<128xi32, #tpu.memory_space<vmem>>
        %dma_start3A_1042 = arith.constant 0 : i32
        %dma_start3A_1043 = arith.constant 0 : i32
        %dma_start3A_1044 = tpu.memref_slice %arg6[%dma_start3A_1042, %dma_start3A_1043] : memref<10112x128xf32, #tpu.memory_space<vmem_shared>> -> memref<10112x128xf32, #tpu.memory_space<vmem_shared>>
        tpu.enqueue_indirect_dma source(%arg8 : memref<128x128xf32, #tpu.memory_space<vmem>>) target(%dma_start3A_1044 : memref<10112x128xf32, #tpu.memory_space<vmem_shared>>) offsets(%dma_start3A_1041 : memref<128xi32, #tpu.memory_space<vmem>>) semaphore(%run_scoped3A_1038 : memref<!tpu.dma_semaphore, #tpu.memory_space<semaphore_mem>>) {add = true}
        %dma_wait3A_1045 = arith.constant 0 : i32
        %dma_wait3A_1046 = tpu.memref_slice %arg7[%run_scoped3A, %run_scoped3A_229, %run_scoped3A_230, %dma_wait3A_1045] : memref<2x2x8x128xi32, #tpu.memory_space<vmem>> -> memref<1x1x1x128xi32, #tpu.memory_space<vmem>>
        %dma_wait3A_1047 = tpu.memref_squeeze %dma_wait3A_1046 : memref<1x1x1x128xi32, #tpu.memory_space<vmem>> -> memref<128xi32, #tpu.memory_space<vmem>>
        %dma_wait3A_1048 = arith.constant 0 : i32
        %dma_wait3A_1049 = arith.constant 0 : i32
        %dma_wait3A_1050 = tpu.memref_slice %arg6[%dma_wait3A_1048, %dma_wait3A_1049] : memref<10112x128xf32, #tpu.memory_space<vmem_shared>> -> memref<10112x128xf32, #tpu.memory_space<vmem_shared>>
        tpu.wait_indirect_dma semaphore(%run_scoped3A_1038 : memref<!tpu.dma_semaphore, #tpu.memory_space<semaphore_mem>>) src(%arg8 : memref<128x128xf32, #tpu.memory_space<vmem>>) dst(%dma_wait3A_1050 : memref<10112x128xf32, #tpu.memory_space<vmem_shared>>)
        tpu.yield
      }) : () -> ()
      %jit3A_231 = arith.constant 2 : i32
      %eq3A_232 = arith.constant 0 : i32
      %eq3A_233 = arith.cmpi eq, %jit3A_231, %eq3A_232 : i32
      %jit3A_234 = arith.constant 1 : i32
      %select_n3A_235 = arith.select %eq3A_233, %jit3A_234, %jit3A_231 : i32
      %rem3A_236 = arith.remsi %mul3A_114, %select_n3A_235 : i32
      %ne3A_237 = arith.constant 0 : i32
      %ne3A_238 = arith.cmpi ne, %rem3A_236, %ne3A_237 : i32
      %lt3A_239 = arith.constant 0 : i32
      %lt3A_240 = arith.cmpi slt, %rem3A_236, %lt3A_239 : i32
      %lt3A_241 = arith.constant 0 : i32
      %lt3A_242 = arith.cmpi slt, %select_n3A_235, %lt3A_241 : i32
      %ne3A_243 = arith.xori %lt3A_240, %lt3A_242 : i1
      %and3A_244 = arith.andi %ne3A_243, %ne3A_238 : i1
      %add3A_245 = arith.addi %rem3A_236, %select_n3A_235 : i32
      %select_n3A_246 = arith.select %and3A_244, %add3A_245, %rem3A_236 : i32
      %dma_start3A_247 = arith.constant 0 : i32
      %dma_start3A_248 = arith.constant 2 : i32
      %dma_start3A_249 = arith.constant 0 : i32
      %dma_start3A_250 = tpu.memref_slice %arg7[%select_n3A_246, %dma_start3A_247, %dma_start3A_248, %dma_start3A_249] : memref<2x2x8x128xi32, #tpu.memory_space<vmem>> -> memref<1x1x1x128xi32, #tpu.memory_space<vmem>>
      %dma_start3A_251 = tpu.memref_squeeze %dma_start3A_250 : memref<1x1x1x128xi32, #tpu.memory_space<vmem>> -> memref<128xi32, #tpu.memory_space<vmem>>
      %dma_start3A_252 = arith.constant 0 : i32
      %dma_start3A_253 = arith.constant 0 : i32
      %dma_start3A_254 = tpu.memref_slice %arg2[%dma_start3A_252, %dma_start3A_253] : memref<10112x128xf32, #tpu.memory_space<hbm>> -> memref<10112x128xf32, #tpu.memory_space<hbm>>
      tpu.enqueue_indirect_dma source(%dma_start3A_254 : memref<10112x128xf32, #tpu.memory_space<hbm>>) target(%arg8 : memref<128x128xf32, #tpu.memory_space<vmem>>) offsets(%dma_start3A_251 : memref<128xi32, #tpu.memory_space<vmem>>) semaphore(%arg12 : memref<!tpu.dma_semaphore, #tpu.memory_space<semaphore_mem>>)
      %jit3A_255 = arith.constant 2 : i32
      %eq3A_256 = arith.constant 0 : i32
      %eq3A_257 = arith.cmpi eq, %jit3A_255, %eq3A_256 : i32
      %jit3A_258 = arith.constant 1 : i32
      %select_n3A_259 = arith.select %eq3A_257, %jit3A_258, %jit3A_255 : i32
      %rem3A_260 = arith.remsi %mul3A_114, %select_n3A_259 : i32
      %ne3A_261 = arith.constant 0 : i32
      %ne3A_262 = arith.cmpi ne, %rem3A_260, %ne3A_261 : i32
      %lt3A_263 = arith.constant 0 : i32
      %lt3A_264 = arith.cmpi slt, %rem3A_260, %lt3A_263 : i32
      %lt3A_265 = arith.constant 0 : i32
      %lt3A_266 = arith.cmpi slt, %select_n3A_259, %lt3A_265 : i32
      %ne3A_267 = arith.xori %lt3A_264, %lt3A_266 : i1
      %and3A_268 = arith.andi %ne3A_267, %ne3A_262 : i1
      %add3A_269 = arith.addi %rem3A_260, %select_n3A_259 : i32
      %select_n3A_270 = arith.select %and3A_268, %add3A_269, %rem3A_260 : i32
      %dma_wait3A_271 = arith.constant 0 : i32
      %dma_wait3A_272 = arith.constant 1 : i32
      %dma_wait3A_273 = arith.constant 0 : i32
      %dma_wait3A_274 = tpu.memref_slice %arg7[%select_n3A_270, %dma_wait3A_271, %dma_wait3A_272, %dma_wait3A_273] : memref<2x2x8x128xi32, #tpu.memory_space<vmem>> -> memref<1x1x1x128xi32, #tpu.memory_space<vmem>>
      %dma_wait3A_275 = tpu.memref_squeeze %dma_wait3A_274 : memref<1x1x1x128xi32, #tpu.memory_space<vmem>> -> memref<128xi32, #tpu.memory_space<vmem>>
      %dma_wait3A_276 = arith.constant 0 : i32
      %dma_wait3A_277 = arith.constant 0 : i32
      %dma_wait3A_278 = tpu.memref_slice %arg2[%dma_wait3A_276, %dma_wait3A_277] : memref<10112x128xf32, #tpu.memory_space<hbm>> -> memref<10112x128xf32, #tpu.memory_space<hbm>>
      tpu.wait_indirect_dma semaphore(%arg13 : memref<!tpu.dma_semaphore, #tpu.memory_space<semaphore_mem>>) src(%dma_wait3A_278 : memref<10112x128xf32, #tpu.memory_space<hbm>>) dst(%arg9 : memref<128x128xf32, #tpu.memory_space<vmem>>)
      %run_scoped3A_279 = arith.constant 0 : i32
      %run_scoped3A_280 = arith.constant 1 : i32
      %run_scoped3A_281 = arith.constant 1 : i32
      "tpu.region"() ({
        %run_scoped3A_1038 = tpu.sem_alloc : memref<!tpu.dma_semaphore, #tpu.memory_space<semaphore_mem>>
        %dma_start3A_1039 = arith.constant 0 : i32
        %dma_start3A_1040 = tpu.memref_slice %arg7[%run_scoped3A_279, %run_scoped3A_280, %run_scoped3A_281, %dma_start3A_1039] : memref<2x2x8x128xi32, #tpu.memory_space<vmem>> -> memref<1x1x1x128xi32, #tpu.memory_space<vmem>>
        %dma_start3A_1041 = tpu.memref_squeeze %dma_start3A_1040 : memref<1x1x1x128xi32, #tpu.memory_space<vmem>> -> memref<128xi32, #tpu.memory_space<vmem>>
        %dma_start3A_1042 = arith.constant 0 : i32
        %dma_start3A_1043 = arith.constant 0 : i32
        %dma_start3A_1044 = tpu.memref_slice %arg6[%dma_start3A_1042, %dma_start3A_1043] : memref<10112x128xf32, #tpu.memory_space<vmem_shared>> -> memref<10112x128xf32, #tpu.memory_space<vmem_shared>>
        tpu.enqueue_indirect_dma source(%arg9 : memref<128x128xf32, #tpu.memory_space<vmem>>) target(%dma_start3A_1044 : memref<10112x128xf32, #tpu.memory_space<vmem_shared>>) offsets(%dma_start3A_1041 : memref<128xi32, #tpu.memory_space<vmem>>) semaphore(%run_scoped3A_1038 : memref<!tpu.dma_semaphore, #tpu.memory_space<semaphore_mem>>) {add = true}
        %dma_wait3A_1045 = arith.constant 0 : i32
        %dma_wait3A_1046 = tpu.memref_slice %arg7[%run_scoped3A_279, %run_scoped3A_280, %run_scoped3A_281, %dma_wait3A_1045] : memref<2x2x8x128xi32, #tpu.memory_space<vmem>> -> memref<1x1x1x128xi32, #tpu.memory_space<vmem>>
        %dma_wait3A_1047 = tpu.memref_squeeze %dma_wait3A_1046 : memref<1x1x1x128xi32, #tpu.memory_space<vmem>> -> memref<128xi32, #tpu.memory_space<vmem>>
        %dma_wait3A_1048 = arith.constant 0 : i32
        %dma_wait3A_1049 = arith.constant 0 : i32
        %dma_wait3A_1050 = tpu.memref_slice %arg6[%dma_wait3A_1048, %dma_wait3A_1049] : memref<10112x128xf32, #tpu.memory_space<vmem_shared>> -> memref<10112x128xf32, #tpu.memory_space<vmem_shared>>
        tpu.wait_indirect_dma semaphore(%run_scoped3A_1038 : memref<!tpu.dma_semaphore, #tpu.memory_space<semaphore_mem>>) src(%arg9 : memref<128x128xf32, #tpu.memory_space<vmem>>) dst(%dma_wait3A_1050 : memref<10112x128xf32, #tpu.memory_space<vmem_shared>>)
        tpu.yield
      }) : () -> ()
      %jit3A_282 = arith.constant 2 : i32
      %eq3A_283 = arith.constant 0 : i32
      %eq3A_284 = arith.cmpi eq, %jit3A_282, %eq3A_283 : i32
      %jit3A_285 = arith.constant 1 : i32
      %select_n3A_286 = arith.select %eq3A_284, %jit3A_285, %jit3A_282 : i32
      %rem3A_287 = arith.remsi %mul3A_114, %select_n3A_286 : i32
      %ne3A_288 = arith.constant 0 : i32
      %ne3A_289 = arith.cmpi ne, %rem3A_287, %ne3A_288 : i32
      %lt3A_290 = arith.constant 0 : i32
      %lt3A_291 = arith.cmpi slt, %rem3A_287, %lt3A_290 : i32
      %lt3A_292 = arith.constant 0 : i32
      %lt3A_293 = arith.cmpi slt, %select_n3A_286, %lt3A_292 : i32
      %ne3A_294 = arith.xori %lt3A_291, %lt3A_293 : i1
      %and3A_295 = arith.andi %ne3A_294, %ne3A_289 : i1
      %add3A_296 = arith.addi %rem3A_287, %select_n3A_286 : i32
      %select_n3A_297 = arith.select %and3A_295, %add3A_296, %rem3A_287 : i32
      %dma_start3A_298 = arith.constant 0 : i32
      %dma_start3A_299 = arith.constant 3 : i32
      %dma_start3A_300 = arith.constant 0 : i32
      %dma_start3A_301 = tpu.memref_slice %arg7[%select_n3A_297, %dma_start3A_298, %dma_start3A_299, %dma_start3A_300] : memref<2x2x8x128xi32, #tpu.memory_space<vmem>> -> memref<1x1x1x128xi32, #tpu.memory_space<vmem>>
      %dma_start3A_302 = tpu.memref_squeeze %dma_start3A_301 : memref<1x1x1x128xi32, #tpu.memory_space<vmem>> -> memref<128xi32, #tpu.memory_space<vmem>>
      %dma_start3A_303 = arith.constant 0 : i32
      %dma_start3A_304 = arith.constant 0 : i32
      %dma_start3A_305 = tpu.memref_slice %arg2[%dma_start3A_303, %dma_start3A_304] : memref<10112x128xf32, #tpu.memory_space<hbm>> -> memref<10112x128xf32, #tpu.memory_space<hbm>>
      tpu.enqueue_indirect_dma source(%dma_start3A_305 : memref<10112x128xf32, #tpu.memory_space<hbm>>) target(%arg9 : memref<128x128xf32, #tpu.memory_space<vmem>>) offsets(%dma_start3A_302 : memref<128xi32, #tpu.memory_space<vmem>>) semaphore(%arg13 : memref<!tpu.dma_semaphore, #tpu.memory_space<semaphore_mem>>)
      %jit3A_306 = arith.constant 2 : i32
      %eq3A_307 = arith.constant 0 : i32
      %eq3A_308 = arith.cmpi eq, %jit3A_306, %eq3A_307 : i32
      %jit3A_309 = arith.constant 1 : i32
      %select_n3A_310 = arith.select %eq3A_308, %jit3A_309, %jit3A_306 : i32
      %rem3A_311 = arith.remsi %mul3A_114, %select_n3A_310 : i32
      %ne3A_312 = arith.constant 0 : i32
      %ne3A_313 = arith.cmpi ne, %rem3A_311, %ne3A_312 : i32
      %lt3A_314 = arith.constant 0 : i32
      %lt3A_315 = arith.cmpi slt, %rem3A_311, %lt3A_314 : i32
      %lt3A_316 = arith.constant 0 : i32
      %lt3A_317 = arith.cmpi slt, %select_n3A_310, %lt3A_316 : i32
      %ne3A_318 = arith.xori %lt3A_315, %lt3A_317 : i1
      %and3A_319 = arith.andi %ne3A_318, %ne3A_313 : i1
      %add3A_320 = arith.addi %rem3A_311, %select_n3A_310 : i32
      %select_n3A_321 = arith.select %and3A_319, %add3A_320, %rem3A_311 : i32
      %dma_wait3A_322 = arith.constant 0 : i32
      %dma_wait3A_323 = arith.constant 2 : i32
      %dma_wait3A_324 = arith.constant 0 : i32
      %dma_wait3A_325 = tpu.memref_slice %arg7[%select_n3A_321, %dma_wait3A_322, %dma_wait3A_323, %dma_wait3A_324] : memref<2x2x8x128xi32, #tpu.memory_space<vmem>> -> memref<1x1x1x128xi32, #tpu.memory_space<vmem>>
      %dma_wait3A_326 = tpu.memref_squeeze %dma_wait3A_325 : memref<1x1x1x128xi32, #tpu.memory_space<vmem>> -> memref<128xi32, #tpu.memory_space<vmem>>
      %dma_wait3A_327 = arith.constant 0 : i32
      %dma_wait3A_328 = arith.constant 0 : i32
      %dma_wait3A_329 = tpu.memref_slice %arg2[%dma_wait3A_327, %dma_wait3A_328] : memref<10112x128xf32, #tpu.memory_space<hbm>> -> memref<10112x128xf32, #tpu.memory_space<hbm>>
      tpu.wait_indirect_dma semaphore(%arg12 : memref<!tpu.dma_semaphore, #tpu.memory_space<semaphore_mem>>) src(%dma_wait3A_329 : memref<10112x128xf32, #tpu.memory_space<hbm>>) dst(%arg8 : memref<128x128xf32, #tpu.memory_space<vmem>>)
      %run_scoped3A_330 = arith.constant 0 : i32
      %run_scoped3A_331 = arith.constant 1 : i32
      %run_scoped3A_332 = arith.constant 2 : i32
      "tpu.region"() ({
        %run_scoped3A_1038 = tpu.sem_alloc : memref<!tpu.dma_semaphore, #tpu.memory_space<semaphore_mem>>
        %dma_start3A_1039 = arith.constant 0 : i32
        %dma_start3A_1040 = tpu.memref_slice %arg7[%run_scoped3A_330, %run_scoped3A_331, %run_scoped3A_332, %dma_start3A_1039] : memref<2x2x8x128xi32, #tpu.memory_space<vmem>> -> memref<1x1x1x128xi32, #tpu.memory_space<vmem>>
        %dma_start3A_1041 = tpu.memref_squeeze %dma_start3A_1040 : memref<1x1x1x128xi32, #tpu.memory_space<vmem>> -> memref<128xi32, #tpu.memory_space<vmem>>
        %dma_start3A_1042 = arith.constant 0 : i32
        %dma_start3A_1043 = arith.constant 0 : i32
        %dma_start3A_1044 = tpu.memref_slice %arg6[%dma_start3A_1042, %dma_start3A_1043] : memref<10112x128xf32, #tpu.memory_space<vmem_shared>> -> memref<10112x128xf32, #tpu.memory_space<vmem_shared>>
        tpu.enqueue_indirect_dma source(%arg8 : memref<128x128xf32, #tpu.memory_space<vmem>>) target(%dma_start3A_1044 : memref<10112x128xf32, #tpu.memory_space<vmem_shared>>) offsets(%dma_start3A_1041 : memref<128xi32, #tpu.memory_space<vmem>>) semaphore(%run_scoped3A_1038 : memref<!tpu.dma_semaphore, #tpu.memory_space<semaphore_mem>>) {add = true}
        %dma_wait3A_1045 = arith.constant 0 : i32
        %dma_wait3A_1046 = tpu.memref_slice %arg7[%run_scoped3A_330, %run_scoped3A_331, %run_scoped3A_332, %dma_wait3A_1045] : memref<2x2x8x128xi32, #tpu.memory_space<vmem>> -> memref<1x1x1x128xi32, #tpu.memory_space<vmem>>
        %dma_wait3A_1047 = tpu.memref_squeeze %dma_wait3A_1046 : memref<1x1x1x128xi32, #tpu.memory_space<vmem>> -> memref<128xi32, #tpu.memory_space<vmem>>
        %dma_wait3A_1048 = arith.constant 0 : i32
        %dma_wait3A_1049 = arith.constant 0 : i32
        %dma_wait3A_1050 = tpu.memref_slice %arg6[%dma_wait3A_1048, %dma_wait3A_1049] : memref<10112x128xf32, #tpu.memory_space<vmem_shared>> -> memref<10112x128xf32, #tpu.memory_space<vmem_shared>>
        tpu.wait_indirect_dma semaphore(%run_scoped3A_1038 : memref<!tpu.dma_semaphore, #tpu.memory_space<semaphore_mem>>) src(%arg8 : memref<128x128xf32, #tpu.memory_space<vmem>>) dst(%dma_wait3A_1050 : memref<10112x128xf32, #tpu.memory_space<vmem_shared>>)
        tpu.yield
      }) : () -> ()
      %jit3A_333 = arith.constant 2 : i32
      %eq3A_334 = arith.constant 0 : i32
      %eq3A_335 = arith.cmpi eq, %jit3A_333, %eq3A_334 : i32
      %jit3A_336 = arith.constant 1 : i32
      %select_n3A_337 = arith.select %eq3A_335, %jit3A_336, %jit3A_333 : i32
      %rem3A_338 = arith.remsi %mul3A_114, %select_n3A_337 : i32
      %ne3A_339 = arith.constant 0 : i32
      %ne3A_340 = arith.cmpi ne, %rem3A_338, %ne3A_339 : i32
      %lt3A_341 = arith.constant 0 : i32
      %lt3A_342 = arith.cmpi slt, %rem3A_338, %lt3A_341 : i32
      %lt3A_343 = arith.constant 0 : i32
      %lt3A_344 = arith.cmpi slt, %select_n3A_337, %lt3A_343 : i32
      %ne3A_345 = arith.xori %lt3A_342, %lt3A_344 : i1
      %and3A_346 = arith.andi %ne3A_345, %ne3A_340 : i1
      %add3A_347 = arith.addi %rem3A_338, %select_n3A_337 : i32
      %select_n3A_348 = arith.select %and3A_346, %add3A_347, %rem3A_338 : i32
      %dma_start3A_349 = arith.constant 0 : i32
      %dma_start3A_350 = arith.constant 4 : i32
      %dma_start3A_351 = arith.constant 0 : i32
      %dma_start3A_352 = tpu.memref_slice %arg7[%select_n3A_348, %dma_start3A_349, %dma_start3A_350, %dma_start3A_351] : memref<2x2x8x128xi32, #tpu.memory_space<vmem>> -> memref<1x1x1x128xi32, #tpu.memory_space<vmem>>
      %dma_start3A_353 = tpu.memref_squeeze %dma_start3A_352 : memref<1x1x1x128xi32, #tpu.memory_space<vmem>> -> memref<128xi32, #tpu.memory_space<vmem>>
      %dma_start3A_354 = arith.constant 0 : i32
      %dma_start3A_355 = arith.constant 0 : i32
      %dma_start3A_356 = tpu.memref_slice %arg2[%dma_start3A_354, %dma_start3A_355] : memref<10112x128xf32, #tpu.memory_space<hbm>> -> memref<10112x128xf32, #tpu.memory_space<hbm>>
      tpu.enqueue_indirect_dma source(%dma_start3A_356 : memref<10112x128xf32, #tpu.memory_space<hbm>>) target(%arg8 : memref<128x128xf32, #tpu.memory_space<vmem>>) offsets(%dma_start3A_353 : memref<128xi32, #tpu.memory_space<vmem>>) semaphore(%arg12 : memref<!tpu.dma_semaphore, #tpu.memory_space<semaphore_mem>>)
      %jit3A_357 = arith.constant 2 : i32
      %eq3A_358 = arith.constant 0 : i32
      %eq3A_359 = arith.cmpi eq, %jit3A_357, %eq3A_358 : i32
      %jit3A_360 = arith.constant 1 : i32
      %select_n3A_361 = arith.select %eq3A_359, %jit3A_360, %jit3A_357 : i32
      %rem3A_362 = arith.remsi %mul3A_114, %select_n3A_361 : i32
      %ne3A_363 = arith.constant 0 : i32
      %ne3A_364 = arith.cmpi ne, %rem3A_362, %ne3A_363 : i32
      %lt3A_365 = arith.constant 0 : i32
      %lt3A_366 = arith.cmpi slt, %rem3A_362, %lt3A_365 : i32
      %lt3A_367 = arith.constant 0 : i32
      %lt3A_368 = arith.cmpi slt, %select_n3A_361, %lt3A_367 : i32
      %ne3A_369 = arith.xori %lt3A_366, %lt3A_368 : i1
      %and3A_370 = arith.andi %ne3A_369, %ne3A_364 : i1
      %add3A_371 = arith.addi %rem3A_362, %select_n3A_361 : i32
      %select_n3A_372 = arith.select %and3A_370, %add3A_371, %rem3A_362 : i32
      %dma_wait3A_373 = arith.constant 0 : i32
      %dma_wait3A_374 = arith.constant 3 : i32
      %dma_wait3A_375 = arith.constant 0 : i32
      %dma_wait3A_376 = tpu.memref_slice %arg7[%select_n3A_372, %dma_wait3A_373, %dma_wait3A_374, %dma_wait3A_375] : memref<2x2x8x128xi32, #tpu.memory_space<vmem>> -> memref<1x1x1x128xi32, #tpu.memory_space<vmem>>
      %dma_wait3A_377 = tpu.memref_squeeze %dma_wait3A_376 : memref<1x1x1x128xi32, #tpu.memory_space<vmem>> -> memref<128xi32, #tpu.memory_space<vmem>>
      %dma_wait3A_378 = arith.constant 0 : i32
      %dma_wait3A_379 = arith.constant 0 : i32
      %dma_wait3A_380 = tpu.memref_slice %arg2[%dma_wait3A_378, %dma_wait3A_379] : memref<10112x128xf32, #tpu.memory_space<hbm>> -> memref<10112x128xf32, #tpu.memory_space<hbm>>
      tpu.wait_indirect_dma semaphore(%arg13 : memref<!tpu.dma_semaphore, #tpu.memory_space<semaphore_mem>>) src(%dma_wait3A_380 : memref<10112x128xf32, #tpu.memory_space<hbm>>) dst(%arg9 : memref<128x128xf32, #tpu.memory_space<vmem>>)
      %run_scoped3A_381 = arith.constant 0 : i32
      %run_scoped3A_382 = arith.constant 1 : i32
      %run_scoped3A_383 = arith.constant 3 : i32
      "tpu.region"() ({
        %run_scoped3A_1038 = tpu.sem_alloc : memref<!tpu.dma_semaphore, #tpu.memory_space<semaphore_mem>>
        %dma_start3A_1039 = arith.constant 0 : i32
        %dma_start3A_1040 = tpu.memref_slice %arg7[%run_scoped3A_381, %run_scoped3A_382, %run_scoped3A_383, %dma_start3A_1039] : memref<2x2x8x128xi32, #tpu.memory_space<vmem>> -> memref<1x1x1x128xi32, #tpu.memory_space<vmem>>
        %dma_start3A_1041 = tpu.memref_squeeze %dma_start3A_1040 : memref<1x1x1x128xi32, #tpu.memory_space<vmem>> -> memref<128xi32, #tpu.memory_space<vmem>>
        %dma_start3A_1042 = arith.constant 0 : i32
        %dma_start3A_1043 = arith.constant 0 : i32
        %dma_start3A_1044 = tpu.memref_slice %arg6[%dma_start3A_1042, %dma_start3A_1043] : memref<10112x128xf32, #tpu.memory_space<vmem_shared>> -> memref<10112x128xf32, #tpu.memory_space<vmem_shared>>
        tpu.enqueue_indirect_dma source(%arg9 : memref<128x128xf32, #tpu.memory_space<vmem>>) target(%dma_start3A_1044 : memref<10112x128xf32, #tpu.memory_space<vmem_shared>>) offsets(%dma_start3A_1041 : memref<128xi32, #tpu.memory_space<vmem>>) semaphore(%run_scoped3A_1038 : memref<!tpu.dma_semaphore, #tpu.memory_space<semaphore_mem>>) {add = true}
        %dma_wait3A_1045 = arith.constant 0 : i32
        %dma_wait3A_1046 = tpu.memref_slice %arg7[%run_scoped3A_381, %run_scoped3A_382, %run_scoped3A_383, %dma_wait3A_1045] : memref<2x2x8x128xi32, #tpu.memory_space<vmem>> -> memref<1x1x1x128xi32, #tpu.memory_space<vmem>>
        %dma_wait3A_1047 = tpu.memref_squeeze %dma_wait3A_1046 : memref<1x1x1x128xi32, #tpu.memory_space<vmem>> -> memref<128xi32, #tpu.memory_space<vmem>>
        %dma_wait3A_1048 = arith.constant 0 : i32
        %dma_wait3A_1049 = arith.constant 0 : i32
        %dma_wait3A_1050 = tpu.memref_slice %arg6[%dma_wait3A_1048, %dma_wait3A_1049] : memref<10112x128xf32, #tpu.memory_space<vmem_shared>> -> memref<10112x128xf32, #tpu.memory_space<vmem_shared>>
        tpu.wait_indirect_dma semaphore(%run_scoped3A_1038 : memref<!tpu.dma_semaphore, #tpu.memory_space<semaphore_mem>>) src(%arg9 : memref<128x128xf32, #tpu.memory_space<vmem>>) dst(%dma_wait3A_1050 : memref<10112x128xf32, #tpu.memory_space<vmem_shared>>)
        tpu.yield
      }) : () -> ()
      %jit3A_384 = arith.constant 2 : i32
      %eq3A_385 = arith.constant 0 : i32
      %eq3A_386 = arith.cmpi eq, %jit3A_384, %eq3A_385 : i32
      %jit3A_387 = arith.constant 1 : i32
      %select_n3A_388 = arith.select %eq3A_386, %jit3A_387, %jit3A_384 : i32
      %rem3A_389 = arith.remsi %mul3A_114, %select_n3A_388 : i32
      %ne3A_390 = arith.constant 0 : i32
      %ne3A_391 = arith.cmpi ne, %rem3A_389, %ne3A_390 : i32
      %lt3A_392 = arith.constant 0 : i32
      %lt3A_393 = arith.cmpi slt, %rem3A_389, %lt3A_392 : i32
      %lt3A_394 = arith.constant 0 : i32
      %lt3A_395 = arith.cmpi slt, %select_n3A_388, %lt3A_394 : i32
      %ne3A_396 = arith.xori %lt3A_393, %lt3A_395 : i1
      %and3A_397 = arith.andi %ne3A_396, %ne3A_391 : i1
      %add3A_398 = arith.addi %rem3A_389, %select_n3A_388 : i32
      %select_n3A_399 = arith.select %and3A_397, %add3A_398, %rem3A_389 : i32
      %dma_start3A_400 = arith.constant 0 : i32
      %dma_start3A_401 = arith.constant 5 : i32
      %dma_start3A_402 = arith.constant 0 : i32
      %dma_start3A_403 = tpu.memref_slice %arg7[%select_n3A_399, %dma_start3A_400, %dma_start3A_401, %dma_start3A_402] : memref<2x2x8x128xi32, #tpu.memory_space<vmem>> -> memref<1x1x1x128xi32, #tpu.memory_space<vmem>>
      %dma_start3A_404 = tpu.memref_squeeze %dma_start3A_403 : memref<1x1x1x128xi32, #tpu.memory_space<vmem>> -> memref<128xi32, #tpu.memory_space<vmem>>
      %dma_start3A_405 = arith.constant 0 : i32
      %dma_start3A_406 = arith.constant 0 : i32
      %dma_start3A_407 = tpu.memref_slice %arg2[%dma_start3A_405, %dma_start3A_406] : memref<10112x128xf32, #tpu.memory_space<hbm>> -> memref<10112x128xf32, #tpu.memory_space<hbm>>
      tpu.enqueue_indirect_dma source(%dma_start3A_407 : memref<10112x128xf32, #tpu.memory_space<hbm>>) target(%arg9 : memref<128x128xf32, #tpu.memory_space<vmem>>) offsets(%dma_start3A_404 : memref<128xi32, #tpu.memory_space<vmem>>) semaphore(%arg13 : memref<!tpu.dma_semaphore, #tpu.memory_space<semaphore_mem>>)
      %jit3A_408 = arith.constant 2 : i32
      %eq3A_409 = arith.constant 0 : i32
      %eq3A_410 = arith.cmpi eq, %jit3A_408, %eq3A_409 : i32
      %jit3A_411 = arith.constant 1 : i32
      %select_n3A_412 = arith.select %eq3A_410, %jit3A_411, %jit3A_408 : i32
      %rem3A_413 = arith.remsi %mul3A_114, %select_n3A_412 : i32
      %ne3A_414 = arith.constant 0 : i32
      %ne3A_415 = arith.cmpi ne, %rem3A_413, %ne3A_414 : i32
      %lt3A_416 = arith.constant 0 : i32
      %lt3A_417 = arith.cmpi slt, %rem3A_413, %lt3A_416 : i32
      %lt3A_418 = arith.constant 0 : i32
      %lt3A_419 = arith.cmpi slt, %select_n3A_412, %lt3A_418 : i32
      %ne3A_420 = arith.xori %lt3A_417, %lt3A_419 : i1
      %and3A_421 = arith.andi %ne3A_420, %ne3A_415 : i1
      %add3A_422 = arith.addi %rem3A_413, %select_n3A_412 : i32
      %select_n3A_423 = arith.select %and3A_421, %add3A_422, %rem3A_413 : i32
      %dma_wait3A_424 = arith.constant 0 : i32
      %dma_wait3A_425 = arith.constant 4 : i32
      %dma_wait3A_426 = arith.constant 0 : i32
      %dma_wait3A_427 = tpu.memref_slice %arg7[%select_n3A_423, %dma_wait3A_424, %dma_wait3A_425, %dma_wait3A_426] : memref<2x2x8x128xi32, #tpu.memory_space<vmem>> -> memref<1x1x1x128xi32, #tpu.memory_space<vmem>>
      %dma_wait3A_428 = tpu.memref_squeeze %dma_wait3A_427 : memref<1x1x1x128xi32, #tpu.memory_space<vmem>> -> memref<128xi32, #tpu.memory_space<vmem>>
      %dma_wait3A_429 = arith.constant 0 : i32
      %dma_wait3A_430 = arith.constant 0 : i32
      %dma_wait3A_431 = tpu.memref_slice %arg2[%dma_wait3A_429, %dma_wait3A_430] : memref<10112x128xf32, #tpu.memory_space<hbm>> -> memref<10112x128xf32, #tpu.memory_space<hbm>>
      tpu.wait_indirect_dma semaphore(%arg12 : memref<!tpu.dma_semaphore, #tpu.memory_space<semaphore_mem>>) src(%dma_wait3A_431 : memref<10112x128xf32, #tpu.memory_space<hbm>>) dst(%arg8 : memref<128x128xf32, #tpu.memory_space<vmem>>)
      %run_scoped3A_432 = arith.constant 0 : i32
      %run_scoped3A_433 = arith.constant 1 : i32
      %run_scoped3A_434 = arith.constant 4 : i32
      "tpu.region"() ({
        %run_scoped3A_1038 = tpu.sem_alloc : memref<!tpu.dma_semaphore, #tpu.memory_space<semaphore_mem>>
        %dma_start3A_1039 = arith.constant 0 : i32
        %dma_start3A_1040 = tpu.memref_slice %arg7[%run_scoped3A_432, %run_scoped3A_433, %run_scoped3A_434, %dma_start3A_1039] : memref<2x2x8x128xi32, #tpu.memory_space<vmem>> -> memref<1x1x1x128xi32, #tpu.memory_space<vmem>>
        %dma_start3A_1041 = tpu.memref_squeeze %dma_start3A_1040 : memref<1x1x1x128xi32, #tpu.memory_space<vmem>> -> memref<128xi32, #tpu.memory_space<vmem>>
        %dma_start3A_1042 = arith.constant 0 : i32
        %dma_start3A_1043 = arith.constant 0 : i32
        %dma_start3A_1044 = tpu.memref_slice %arg6[%dma_start3A_1042, %dma_start3A_1043] : memref<10112x128xf32, #tpu.memory_space<vmem_shared>> -> memref<10112x128xf32, #tpu.memory_space<vmem_shared>>
        tpu.enqueue_indirect_dma source(%arg8 : memref<128x128xf32, #tpu.memory_space<vmem>>) target(%dma_start3A_1044 : memref<10112x128xf32, #tpu.memory_space<vmem_shared>>) offsets(%dma_start3A_1041 : memref<128xi32, #tpu.memory_space<vmem>>) semaphore(%run_scoped3A_1038 : memref<!tpu.dma_semaphore, #tpu.memory_space<semaphore_mem>>) {add = true}
        %dma_wait3A_1045 = arith.constant 0 : i32
        %dma_wait3A_1046 = tpu.memref_slice %arg7[%run_scoped3A_432, %run_scoped3A_433, %run_scoped3A_434, %dma_wait3A_1045] : memref<2x2x8x128xi32, #tpu.memory_space<vmem>> -> memref<1x1x1x128xi32, #tpu.memory_space<vmem>>
        %dma_wait3A_1047 = tpu.memref_squeeze %dma_wait3A_1046 : memref<1x1x1x128xi32, #tpu.memory_space<vmem>> -> memref<128xi32, #tpu.memory_space<vmem>>
        %dma_wait3A_1048 = arith.constant 0 : i32
        %dma_wait3A_1049 = arith.constant 0 : i32
        %dma_wait3A_1050 = tpu.memref_slice %arg6[%dma_wait3A_1048, %dma_wait3A_1049] : memref<10112x128xf32, #tpu.memory_space<vmem_shared>> -> memref<10112x128xf32, #tpu.memory_space<vmem_shared>>
        tpu.wait_indirect_dma semaphore(%run_scoped3A_1038 : memref<!tpu.dma_semaphore, #tpu.memory_space<semaphore_mem>>) src(%arg8 : memref<128x128xf32, #tpu.memory_space<vmem>>) dst(%dma_wait3A_1050 : memref<10112x128xf32, #tpu.memory_space<vmem_shared>>)
        tpu.yield
      }) : () -> ()
      %jit3A_435 = arith.constant 2 : i32
      %eq3A_436 = arith.constant 0 : i32
      %eq3A_437 = arith.cmpi eq, %jit3A_435, %eq3A_436 : i32
      %jit3A_438 = arith.constant 1 : i32
      %select_n3A_439 = arith.select %eq3A_437, %jit3A_438, %jit3A_435 : i32
      %rem3A_440 = arith.remsi %mul3A_114, %select_n3A_439 : i32
      %ne3A_441 = arith.constant 0 : i32
      %ne3A_442 = arith.cmpi ne, %rem3A_440, %ne3A_441 : i32
      %lt3A_443 = arith.constant 0 : i32
      %lt3A_444 = arith.cmpi slt, %rem3A_440, %lt3A_443 : i32
      %lt3A_445 = arith.constant 0 : i32
      %lt3A_446 = arith.cmpi slt, %select_n3A_439, %lt3A_445 : i32
      %ne3A_447 = arith.xori %lt3A_444, %lt3A_446 : i1
      %and3A_448 = arith.andi %ne3A_447, %ne3A_442 : i1
      %add3A_449 = arith.addi %rem3A_440, %select_n3A_439 : i32
      %select_n3A_450 = arith.select %and3A_448, %add3A_449, %rem3A_440 : i32
      %dma_start3A_451 = arith.constant 0 : i32
      %dma_start3A_452 = arith.constant 6 : i32
      %dma_start3A_453 = arith.constant 0 : i32
      %dma_start3A_454 = tpu.memref_slice %arg7[%select_n3A_450, %dma_start3A_451, %dma_start3A_452, %dma_start3A_453] : memref<2x2x8x128xi32, #tpu.memory_space<vmem>> -> memref<1x1x1x128xi32, #tpu.memory_space<vmem>>
      %dma_start3A_455 = tpu.memref_squeeze %dma_start3A_454 : memref<1x1x1x128xi32, #tpu.memory_space<vmem>> -> memref<128xi32, #tpu.memory_space<vmem>>
      %dma_start3A_456 = arith.constant 0 : i32
      %dma_start3A_457 = arith.constant 0 : i32
      %dma_start3A_458 = tpu.memref_slice %arg2[%dma_start3A_456, %dma_start3A_457] : memref<10112x128xf32, #tpu.memory_space<hbm>> -> memref<10112x128xf32, #tpu.memory_space<hbm>>
      tpu.enqueue_indirect_dma source(%dma_start3A_458 : memref<10112x128xf32, #tpu.memory_space<hbm>>) target(%arg8 : memref<128x128xf32, #tpu.memory_space<vmem>>) offsets(%dma_start3A_455 : memref<128xi32, #tpu.memory_space<vmem>>) semaphore(%arg12 : memref<!tpu.dma_semaphore, #tpu.memory_space<semaphore_mem>>)
      %jit3A_459 = arith.constant 2 : i32
      %eq3A_460 = arith.constant 0 : i32
      %eq3A_461 = arith.cmpi eq, %jit3A_459, %eq3A_460 : i32
      %jit3A_462 = arith.constant 1 : i32
      %select_n3A_463 = arith.select %eq3A_461, %jit3A_462, %jit3A_459 : i32
      %rem3A_464 = arith.remsi %mul3A_114, %select_n3A_463 : i32
      %ne3A_465 = arith.constant 0 : i32
      %ne3A_466 = arith.cmpi ne, %rem3A_464, %ne3A_465 : i32
      %lt3A_467 = arith.constant 0 : i32
      %lt3A_468 = arith.cmpi slt, %rem3A_464, %lt3A_467 : i32
      %lt3A_469 = arith.constant 0 : i32
      %lt3A_470 = arith.cmpi slt, %select_n3A_463, %lt3A_469 : i32
      %ne3A_471 = arith.xori %lt3A_468, %lt3A_470 : i1
      %and3A_472 = arith.andi %ne3A_471, %ne3A_466 : i1
      %add3A_473 = arith.addi %rem3A_464, %select_n3A_463 : i32
      %select_n3A_474 = arith.select %and3A_472, %add3A_473, %rem3A_464 : i32
      %dma_wait3A_475 = arith.constant 0 : i32
      %dma_wait3A_476 = arith.constant 5 : i32
      %dma_wait3A_477 = arith.constant 0 : i32
      %dma_wait3A_478 = tpu.memref_slice %arg7[%select_n3A_474, %dma_wait3A_475, %dma_wait3A_476, %dma_wait3A_477] : memref<2x2x8x128xi32, #tpu.memory_space<vmem>> -> memref<1x1x1x128xi32, #tpu.memory_space<vmem>>
      %dma_wait3A_479 = tpu.memref_squeeze %dma_wait3A_478 : memref<1x1x1x128xi32, #tpu.memory_space<vmem>> -> memref<128xi32, #tpu.memory_space<vmem>>
      %dma_wait3A_480 = arith.constant 0 : i32
      %dma_wait3A_481 = arith.constant 0 : i32
      %dma_wait3A_482 = tpu.memref_slice %arg2[%dma_wait3A_480, %dma_wait3A_481] : memref<10112x128xf32, #tpu.memory_space<hbm>> -> memref<10112x128xf32, #tpu.memory_space<hbm>>
      tpu.wait_indirect_dma semaphore(%arg13 : memref<!tpu.dma_semaphore, #tpu.memory_space<semaphore_mem>>) src(%dma_wait3A_482 : memref<10112x128xf32, #tpu.memory_space<hbm>>) dst(%arg9 : memref<128x128xf32, #tpu.memory_space<vmem>>)
      %run_scoped3A_483 = arith.constant 0 : i32
      %run_scoped3A_484 = arith.constant 1 : i32
      %run_scoped3A_485 = arith.constant 5 : i32
      "tpu.region"() ({
        %run_scoped3A_1038 = tpu.sem_alloc : memref<!tpu.dma_semaphore, #tpu.memory_space<semaphore_mem>>
        %dma_start3A_1039 = arith.constant 0 : i32
        %dma_start3A_1040 = tpu.memref_slice %arg7[%run_scoped3A_483, %run_scoped3A_484, %run_scoped3A_485, %dma_start3A_1039] : memref<2x2x8x128xi32, #tpu.memory_space<vmem>> -> memref<1x1x1x128xi32, #tpu.memory_space<vmem>>
        %dma_start3A_1041 = tpu.memref_squeeze %dma_start3A_1040 : memref<1x1x1x128xi32, #tpu.memory_space<vmem>> -> memref<128xi32, #tpu.memory_space<vmem>>
        %dma_start3A_1042 = arith.constant 0 : i32
        %dma_start3A_1043 = arith.constant 0 : i32
        %dma_start3A_1044 = tpu.memref_slice %arg6[%dma_start3A_1042, %dma_start3A_1043] : memref<10112x128xf32, #tpu.memory_space<vmem_shared>> -> memref<10112x128xf32, #tpu.memory_space<vmem_shared>>
        tpu.enqueue_indirect_dma source(%arg9 : memref<128x128xf32, #tpu.memory_space<vmem>>) target(%dma_start3A_1044 : memref<10112x128xf32, #tpu.memory_space<vmem_shared>>) offsets(%dma_start3A_1041 : memref<128xi32, #tpu.memory_space<vmem>>) semaphore(%run_scoped3A_1038 : memref<!tpu.dma_semaphore, #tpu.memory_space<semaphore_mem>>) {add = true}
        %dma_wait3A_1045 = arith.constant 0 : i32
        %dma_wait3A_1046 = tpu.memref_slice %arg7[%run_scoped3A_483, %run_scoped3A_484, %run_scoped3A_485, %dma_wait3A_1045] : memref<2x2x8x128xi32, #tpu.memory_space<vmem>> -> memref<1x1x1x128xi32, #tpu.memory_space<vmem>>
        %dma_wait3A_1047 = tpu.memref_squeeze %dma_wait3A_1046 : memref<1x1x1x128xi32, #tpu.memory_space<vmem>> -> memref<128xi32, #tpu.memory_space<vmem>>
        %dma_wait3A_1048 = arith.constant 0 : i32
        %dma_wait3A_1049 = arith.constant 0 : i32
        %dma_wait3A_1050 = tpu.memref_slice %arg6[%dma_wait3A_1048, %dma_wait3A_1049] : memref<10112x128xf32, #tpu.memory_space<vmem_shared>> -> memref<10112x128xf32, #tpu.memory_space<vmem_shared>>
        tpu.wait_indirect_dma semaphore(%run_scoped3A_1038 : memref<!tpu.dma_semaphore, #tpu.memory_space<semaphore_mem>>) src(%arg9 : memref<128x128xf32, #tpu.memory_space<vmem>>) dst(%dma_wait3A_1050 : memref<10112x128xf32, #tpu.memory_space<vmem_shared>>)
        tpu.yield
      }) : () -> ()
      %jit3A_486 = arith.constant 2 : i32
      %eq3A_487 = arith.constant 0 : i32
      %eq3A_488 = arith.cmpi eq, %jit3A_486, %eq3A_487 : i32
      %jit3A_489 = arith.constant 1 : i32
      %select_n3A_490 = arith.select %eq3A_488, %jit3A_489, %jit3A_486 : i32
      %rem3A_491 = arith.remsi %mul3A_114, %select_n3A_490 : i32
      %ne3A_492 = arith.constant 0 : i32
      %ne3A_493 = arith.cmpi ne, %rem3A_491, %ne3A_492 : i32
      %lt3A_494 = arith.constant 0 : i32
      %lt3A_495 = arith.cmpi slt, %rem3A_491, %lt3A_494 : i32
      %lt3A_496 = arith.constant 0 : i32
      %lt3A_497 = arith.cmpi slt, %select_n3A_490, %lt3A_496 : i32
      %ne3A_498 = arith.xori %lt3A_495, %lt3A_497 : i1
      %and3A_499 = arith.andi %ne3A_498, %ne3A_493 : i1
      %add3A_500 = arith.addi %rem3A_491, %select_n3A_490 : i32
      %select_n3A_501 = arith.select %and3A_499, %add3A_500, %rem3A_491 : i32
      %dma_start3A_502 = arith.constant 0 : i32
      %dma_start3A_503 = arith.constant 7 : i32
      %dma_start3A_504 = arith.constant 0 : i32
      %dma_start3A_505 = tpu.memref_slice %arg7[%select_n3A_501, %dma_start3A_502, %dma_start3A_503, %dma_start3A_504] : memref<2x2x8x128xi32, #tpu.memory_space<vmem>> -> memref<1x1x1x128xi32, #tpu.memory_space<vmem>>
      %dma_start3A_506 = tpu.memref_squeeze %dma_start3A_505 : memref<1x1x1x128xi32, #tpu.memory_space<vmem>> -> memref<128xi32, #tpu.memory_space<vmem>>
      %dma_start3A_507 = arith.constant 0 : i32
      %dma_start3A_508 = arith.constant 0 : i32
      %dma_start3A_509 = tpu.memref_slice %arg2[%dma_start3A_507, %dma_start3A_508] : memref<10112x128xf32, #tpu.memory_space<hbm>> -> memref<10112x128xf32, #tpu.memory_space<hbm>>
      tpu.enqueue_indirect_dma source(%dma_start3A_509 : memref<10112x128xf32, #tpu.memory_space<hbm>>) target(%arg9 : memref<128x128xf32, #tpu.memory_space<vmem>>) offsets(%dma_start3A_506 : memref<128xi32, #tpu.memory_space<vmem>>) semaphore(%arg13 : memref<!tpu.dma_semaphore, #tpu.memory_space<semaphore_mem>>)
      %jit3A_510 = arith.constant 2 : i32
      %eq3A_511 = arith.constant 0 : i32
      %eq3A_512 = arith.cmpi eq, %jit3A_510, %eq3A_511 : i32
      %jit3A_513 = arith.constant 1 : i32
      %select_n3A_514 = arith.select %eq3A_512, %jit3A_513, %jit3A_510 : i32
      %rem3A_515 = arith.remsi %mul3A_114, %select_n3A_514 : i32
      %ne3A_516 = arith.constant 0 : i32
      %ne3A_517 = arith.cmpi ne, %rem3A_515, %ne3A_516 : i32
      %lt3A_518 = arith.constant 0 : i32
      %lt3A_519 = arith.cmpi slt, %rem3A_515, %lt3A_518 : i32
      %lt3A_520 = arith.constant 0 : i32
      %lt3A_521 = arith.cmpi slt, %select_n3A_514, %lt3A_520 : i32
      %ne3A_522 = arith.xori %lt3A_519, %lt3A_521 : i1
      %and3A_523 = arith.andi %ne3A_522, %ne3A_517 : i1
      %add3A_524 = arith.addi %rem3A_515, %select_n3A_514 : i32
      %select_n3A_525 = arith.select %and3A_523, %add3A_524, %rem3A_515 : i32
      %dma_wait3A_526 = arith.constant 0 : i32
      %dma_wait3A_527 = arith.constant 6 : i32
      %dma_wait3A_528 = arith.constant 0 : i32
      %dma_wait3A_529 = tpu.memref_slice %arg7[%select_n3A_525, %dma_wait3A_526, %dma_wait3A_527, %dma_wait3A_528] : memref<2x2x8x128xi32, #tpu.memory_space<vmem>> -> memref<1x1x1x128xi32, #tpu.memory_space<vmem>>
      %dma_wait3A_530 = tpu.memref_squeeze %dma_wait3A_529 : memref<1x1x1x128xi32, #tpu.memory_space<vmem>> -> memref<128xi32, #tpu.memory_space<vmem>>
      %dma_wait3A_531 = arith.constant 0 : i32
      %dma_wait3A_532 = arith.constant 0 : i32
      %dma_wait3A_533 = tpu.memref_slice %arg2[%dma_wait3A_531, %dma_wait3A_532] : memref<10112x128xf32, #tpu.memory_space<hbm>> -> memref<10112x128xf32, #tpu.memory_space<hbm>>
      tpu.wait_indirect_dma semaphore(%arg12 : memref<!tpu.dma_semaphore, #tpu.memory_space<semaphore_mem>>) src(%dma_wait3A_533 : memref<10112x128xf32, #tpu.memory_space<hbm>>) dst(%arg8 : memref<128x128xf32, #tpu.memory_space<vmem>>)
      %run_scoped3A_534 = arith.constant 0 : i32
      %run_scoped3A_535 = arith.constant 1 : i32
      %run_scoped3A_536 = arith.constant 6 : i32
      "tpu.region"() ({
        %run_scoped3A_1038 = tpu.sem_alloc : memref<!tpu.dma_semaphore, #tpu.memory_space<semaphore_mem>>
        %dma_start3A_1039 = arith.constant 0 : i32
        %dma_start3A_1040 = tpu.memref_slice %arg7[%run_scoped3A_534, %run_scoped3A_535, %run_scoped3A_536, %dma_start3A_1039] : memref<2x2x8x128xi32, #tpu.memory_space<vmem>> -> memref<1x1x1x128xi32, #tpu.memory_space<vmem>>
        %dma_start3A_1041 = tpu.memref_squeeze %dma_start3A_1040 : memref<1x1x1x128xi32, #tpu.memory_space<vmem>> -> memref<128xi32, #tpu.memory_space<vmem>>
        %dma_start3A_1042 = arith.constant 0 : i32
        %dma_start3A_1043 = arith.constant 0 : i32
        %dma_start3A_1044 = tpu.memref_slice %arg6[%dma_start3A_1042, %dma_start3A_1043] : memref<10112x128xf32, #tpu.memory_space<vmem_shared>> -> memref<10112x128xf32, #tpu.memory_space<vmem_shared>>
        tpu.enqueue_indirect_dma source(%arg8 : memref<128x128xf32, #tpu.memory_space<vmem>>) target(%dma_start3A_1044 : memref<10112x128xf32, #tpu.memory_space<vmem_shared>>) offsets(%dma_start3A_1041 : memref<128xi32, #tpu.memory_space<vmem>>) semaphore(%run_scoped3A_1038 : memref<!tpu.dma_semaphore, #tpu.memory_space<semaphore_mem>>) {add = true}
        %dma_wait3A_1045 = arith.constant 0 : i32
        %dma_wait3A_1046 = tpu.memref_slice %arg7[%run_scoped3A_534, %run_scoped3A_535, %run_scoped3A_536, %dma_wait3A_1045] : memref<2x2x8x128xi32, #tpu.memory_space<vmem>> -> memref<1x1x1x128xi32, #tpu.memory_space<vmem>>
        %dma_wait3A_1047 = tpu.memref_squeeze %dma_wait3A_1046 : memref<1x1x1x128xi32, #tpu.memory_space<vmem>> -> memref<128xi32, #tpu.memory_space<vmem>>
        %dma_wait3A_1048 = arith.constant 0 : i32
        %dma_wait3A_1049 = arith.constant 0 : i32
        %dma_wait3A_1050 = tpu.memref_slice %arg6[%dma_wait3A_1048, %dma_wait3A_1049] : memref<10112x128xf32, #tpu.memory_space<vmem_shared>> -> memref<10112x128xf32, #tpu.memory_space<vmem_shared>>
        tpu.wait_indirect_dma semaphore(%run_scoped3A_1038 : memref<!tpu.dma_semaphore, #tpu.memory_space<semaphore_mem>>) src(%arg8 : memref<128x128xf32, #tpu.memory_space<vmem>>) dst(%dma_wait3A_1050 : memref<10112x128xf32, #tpu.memory_space<vmem_shared>>)
        tpu.yield
      }) : () -> ()
      %jit3A_537 = arith.constant 2 : i32
      %eq3A_538 = arith.constant 0 : i32
      %eq3A_539 = arith.cmpi eq, %jit3A_537, %eq3A_538 : i32
      %jit3A_540 = arith.constant 1 : i32
      %select_n3A_541 = arith.select %eq3A_539, %jit3A_540, %jit3A_537 : i32
      %rem3A_542 = arith.remsi %mul3A_114, %select_n3A_541 : i32
      %ne3A_543 = arith.constant 0 : i32
      %ne3A_544 = arith.cmpi ne, %rem3A_542, %ne3A_543 : i32
      %lt3A_545 = arith.constant 0 : i32
      %lt3A_546 = arith.cmpi slt, %rem3A_542, %lt3A_545 : i32
      %lt3A_547 = arith.constant 0 : i32
      %lt3A_548 = arith.cmpi slt, %select_n3A_541, %lt3A_547 : i32
      %ne3A_549 = arith.xori %lt3A_546, %lt3A_548 : i1
      %and3A_550 = arith.andi %ne3A_549, %ne3A_544 : i1
      %add3A_551 = arith.addi %rem3A_542, %select_n3A_541 : i32
      %select_n3A_552 = arith.select %and3A_550, %add3A_551, %rem3A_542 : i32
      %dma_wait3A_553 = arith.constant 0 : i32
      %dma_wait3A_554 = arith.constant 7 : i32
      %dma_wait3A_555 = arith.constant 0 : i32
      %dma_wait3A_556 = tpu.memref_slice %arg7[%select_n3A_552, %dma_wait3A_553, %dma_wait3A_554, %dma_wait3A_555] : memref<2x2x8x128xi32, #tpu.memory_space<vmem>> -> memref<1x1x1x128xi32, #tpu.memory_space<vmem>>
      %dma_wait3A_557 = tpu.memref_squeeze %dma_wait3A_556 : memref<1x1x1x128xi32, #tpu.memory_space<vmem>> -> memref<128xi32, #tpu.memory_space<vmem>>
      %dma_wait3A_558 = arith.constant 0 : i32
      %dma_wait3A_559 = arith.constant 0 : i32
      %dma_wait3A_560 = tpu.memref_slice %arg2[%dma_wait3A_558, %dma_wait3A_559] : memref<10112x128xf32, #tpu.memory_space<hbm>> -> memref<10112x128xf32, #tpu.memory_space<hbm>>
      tpu.wait_indirect_dma semaphore(%arg13 : memref<!tpu.dma_semaphore, #tpu.memory_space<semaphore_mem>>) src(%dma_wait3A_560 : memref<10112x128xf32, #tpu.memory_space<hbm>>) dst(%arg9 : memref<128x128xf32, #tpu.memory_space<vmem>>)
      %run_scoped3A_561 = arith.constant 0 : i32
      %run_scoped3A_562 = arith.constant 1 : i32
      %run_scoped3A_563 = arith.constant 7 : i32
      "tpu.region"() ({
        %run_scoped3A_1038 = tpu.sem_alloc : memref<!tpu.dma_semaphore, #tpu.memory_space<semaphore_mem>>
        %dma_start3A_1039 = arith.constant 0 : i32
        %dma_start3A_1040 = tpu.memref_slice %arg7[%run_scoped3A_561, %run_scoped3A_562, %run_scoped3A_563, %dma_start3A_1039] : memref<2x2x8x128xi32, #tpu.memory_space<vmem>> -> memref<1x1x1x128xi32, #tpu.memory_space<vmem>>
        %dma_start3A_1041 = tpu.memref_squeeze %dma_start3A_1040 : memref<1x1x1x128xi32, #tpu.memory_space<vmem>> -> memref<128xi32, #tpu.memory_space<vmem>>
        %dma_start3A_1042 = arith.constant 0 : i32
        %dma_start3A_1043 = arith.constant 0 : i32
        %dma_start3A_1044 = tpu.memref_slice %arg6[%dma_start3A_1042, %dma_start3A_1043] : memref<10112x128xf32, #tpu.memory_space<vmem_shared>> -> memref<10112x128xf32, #tpu.memory_space<vmem_shared>>
        tpu.enqueue_indirect_dma source(%arg9 : memref<128x128xf32, #tpu.memory_space<vmem>>) target(%dma_start3A_1044 : memref<10112x128xf32, #tpu.memory_space<vmem_shared>>) offsets(%dma_start3A_1041 : memref<128xi32, #tpu.memory_space<vmem>>) semaphore(%run_scoped3A_1038 : memref<!tpu.dma_semaphore, #tpu.memory_space<semaphore_mem>>) {add = true}
        %dma_wait3A_1045 = arith.constant 0 : i32
        %dma_wait3A_1046 = tpu.memref_slice %arg7[%run_scoped3A_561, %run_scoped3A_562, %run_scoped3A_563, %dma_wait3A_1045] : memref<2x2x8x128xi32, #tpu.memory_space<vmem>> -> memref<1x1x1x128xi32, #tpu.memory_space<vmem>>
        %dma_wait3A_1047 = tpu.memref_squeeze %dma_wait3A_1046 : memref<1x1x1x128xi32, #tpu.memory_space<vmem>> -> memref<128xi32, #tpu.memory_space<vmem>>
        %dma_wait3A_1048 = arith.constant 0 : i32
        %dma_wait3A_1049 = arith.constant 0 : i32
        %dma_wait3A_1050 = tpu.memref_slice %arg6[%dma_wait3A_1048, %dma_wait3A_1049] : memref<10112x128xf32, #tpu.memory_space<vmem_shared>> -> memref<10112x128xf32, #tpu.memory_space<vmem_shared>>
        tpu.wait_indirect_dma semaphore(%run_scoped3A_1038 : memref<!tpu.dma_semaphore, #tpu.memory_space<semaphore_mem>>) src(%arg9 : memref<128x128xf32, #tpu.memory_space<vmem>>) dst(%dma_wait3A_1050 : memref<10112x128xf32, #tpu.memory_space<vmem_shared>>)
        tpu.yield
      }) : () -> ()
      %add3A_564 = arith.constant 2 : i32
      %add3A_565 = arith.addi %mul3A_114, %add3A_564 : i32
      %lt3A_566 = arith.constant 10 : i32
      %lt3A_567 = arith.cmpi slt, %add3A_565, %lt3A_566 : i32
      %convert_element_type3A = arith.extui %lt3A_567 : i1 to i32
      %cond3A = arith.constant 0 : i32
      %cond3A_568 = arith.cmpi ne, %convert_element_type3A, %cond3A : i32
      scf.if %cond3A_568 {
        %add3A_1038 = arith.constant 2 : i32
        %add3A_1039 = arith.addi %mul3A_114, %add3A_1038 : i32
        %mul3A_1040 = arith.constant 8 : i32
        %mul3A_1041 = arith.muli %add3A_1039, %mul3A_1040 : i32
        %mul3A_1042 = arith.constant 8 : i32
        %mul3A_1043 = arith.muli %add3A_1039, %mul3A_1042 : i32
        %dma_start3A_1044 = arith.constant 0 : i32
        %dma_start3A_1045 = arith.constant 0 : i32
        %dma_start3A_1046 = arith.constant 0 : i32
        %dma_start3A_1047 = arith.constant 0 : i32
        %dma_start3A_1048 = arith.constant 0 : i32
        %dma_start3A_1049 = tpu.memref_slice %arg7[%dma_start3A_1045, %dma_start3A_1046, %dma_start3A_1047, %dma_start3A_1048] : memref<2x2x8x128xi32, #tpu.memory_space<vmem>> -> memref<1x1x8x128xi32, #tpu.memory_space<vmem>>
        %dma_start3A_1050 = tpu.memref_squeeze %dma_start3A_1049 : memref<1x1x8x128xi32, #tpu.memory_space<vmem>> -> memref<8x128xi32, #tpu.memory_space<vmem>>
        %dma_start3A_1051 = arith.constant 0 : i32
        %dma_start3A_1052 = arith.constant 0 : i32
        %dma_start3A_1053 = tpu.memref_slice %arg3[%dma_start3A_1044, %add3A, %dma_start3A_1051, %dma_start3A_1052] : memref<2x32x80x128xi32, #tpu.memory_space<hbm>> -> memref<1x1x80x128xi32, #tpu.memory_space<hbm>>
        %dma_start3A_1054 = tpu.memref_squeeze %dma_start3A_1053 : memref<1x1x80x128xi32, #tpu.memory_space<hbm>> -> memref<80x128xi32, #tpu.memory_space<hbm>>
        %dma_start3A_1055 = arith.constant 0 : i32
        %dma_start3A_1056 = tpu.memref_slice %dma_start3A_1054[%mul3A_1041, %dma_start3A_1055] : memref<80x128xi32, #tpu.memory_space<hbm>> -> memref<8x128xi32, #tpu.memory_space<hbm>>
        %dma_start3A_1057 = arith.constant 0 : i32
        %dma_start3A_1058 = arith.constant 0 : i32
        %dma_start3A_1059 = tpu.memref_slice %arg7[%dma_start3A_1045, %dma_start3A_1046, %dma_start3A_1057, %dma_start3A_1058] : memref<2x2x8x128xi32, #tpu.memory_space<vmem>> -> memref<1x1x8x128xi32, #tpu.memory_space<vmem>>
        %dma_start3A_1060 = tpu.memref_squeeze %dma_start3A_1059 : memref<1x1x8x128xi32, #tpu.memory_space<vmem>> -> memref<8x128xi32, #tpu.memory_space<vmem>>
        %dma_start3A_1061 = arith.constant 0 : i32
        %dma_start3A_1062 = arith.constant 0 : i32
        %dma_start3A_1063 = tpu.memref_slice %arg3[%dma_start3A_1044, %add3A, %dma_start3A_1061, %dma_start3A_1062] : memref<2x32x80x128xi32, #tpu.memory_space<hbm>> -> memref<1x1x80x128xi32, #tpu.memory_space<hbm>>
        %dma_start3A_1064 = tpu.memref_squeeze %dma_start3A_1063 : memref<1x1x80x128xi32, #tpu.memory_space<hbm>> -> memref<80x128xi32, #tpu.memory_space<hbm>>
        %dma_start3A_1065 = arith.constant 0 : i32
        %dma_start3A_1066 = tpu.memref_slice %dma_start3A_1064[%mul3A_1041, %dma_start3A_1065] : memref<80x128xi32, #tpu.memory_space<hbm>> -> memref<8x128xi32, #tpu.memory_space<hbm>>
        tpu.enqueue_dma source(%dma_start3A_1066 : memref<8x128xi32, #tpu.memory_space<hbm>>) target(%dma_start3A_1060 : memref<8x128xi32, #tpu.memory_space<vmem>>) target_semaphore(%arg10 : memref<!tpu.dma_semaphore, #tpu.memory_space<semaphore_mem>>)
        %dma_start3A_1067 = arith.constant 1 : i32
        %dma_start3A_1068 = arith.constant 0 : i32
        %dma_start3A_1069 = arith.constant 1 : i32
        %dma_start3A_1070 = arith.constant 0 : i32
        %dma_start3A_1071 = arith.constant 0 : i32
        %dma_start3A_1072 = tpu.memref_slice %arg7[%dma_start3A_1068, %dma_start3A_1069, %dma_start3A_1070, %dma_start3A_1071] : memref<2x2x8x128xi32, #tpu.memory_space<vmem>> -> memref<1x1x8x128xi32, #tpu.memory_space<vmem>>
        %dma_start3A_1073 = tpu.memref_squeeze %dma_start3A_1072 : memref<1x1x8x128xi32, #tpu.memory_space<vmem>> -> memref<8x128xi32, #tpu.memory_space<vmem>>
        %dma_start3A_1074 = arith.constant 0 : i32
        %dma_start3A_1075 = arith.constant 0 : i32
        %dma_start3A_1076 = tpu.memref_slice %arg3[%dma_start3A_1067, %add3A, %dma_start3A_1074, %dma_start3A_1075] : memref<2x32x80x128xi32, #tpu.memory_space<hbm>> -> memref<1x1x80x128xi32, #tpu.memory_space<hbm>>
        %dma_start3A_1077 = tpu.memref_squeeze %dma_start3A_1076 : memref<1x1x80x128xi32, #tpu.memory_space<hbm>> -> memref<80x128xi32, #tpu.memory_space<hbm>>
        %dma_start3A_1078 = arith.constant 0 : i32
        %dma_start3A_1079 = tpu.memref_slice %dma_start3A_1077[%mul3A_1043, %dma_start3A_1078] : memref<80x128xi32, #tpu.memory_space<hbm>> -> memref<8x128xi32, #tpu.memory_space<hbm>>
        %dma_start3A_1080 = arith.constant 0 : i32
        %dma_start3A_1081 = arith.constant 0 : i32
        %dma_start3A_1082 = tpu.memref_slice %arg7[%dma_start3A_1068, %dma_start3A_1069, %dma_start3A_1080, %dma_start3A_1081] : memref<2x2x8x128xi32, #tpu.memory_space<vmem>> -> memref<1x1x8x128xi32, #tpu.memory_space<vmem>>
        %dma_start3A_1083 = tpu.memref_squeeze %dma_start3A_1082 : memref<1x1x8x128xi32, #tpu.memory_space<vmem>> -> memref<8x128xi32, #tpu.memory_space<vmem>>
        %dma_start3A_1084 = arith.constant 0 : i32
        %dma_start3A_1085 = arith.constant 0 : i32
        %dma_start3A_1086 = tpu.memref_slice %arg3[%dma_start3A_1067, %add3A, %dma_start3A_1084, %dma_start3A_1085] : memref<2x32x80x128xi32, #tpu.memory_space<hbm>> -> memref<1x1x80x128xi32, #tpu.memory_space<hbm>>
        %dma_start3A_1087 = tpu.memref_squeeze %dma_start3A_1086 : memref<1x1x80x128xi32, #tpu.memory_space<hbm>> -> memref<80x128xi32, #tpu.memory_space<hbm>>
        %dma_start3A_1088 = arith.constant 0 : i32
        %dma_start3A_1089 = tpu.memref_slice %dma_start3A_1087[%mul3A_1043, %dma_start3A_1088] : memref<80x128xi32, #tpu.memory_space<hbm>> -> memref<8x128xi32, #tpu.memory_space<hbm>>
        tpu.enqueue_dma source(%dma_start3A_1089 : memref<8x128xi32, #tpu.memory_space<hbm>>) target(%dma_start3A_1083 : memref<8x128xi32, #tpu.memory_space<vmem>>) target_semaphore(%arg10 : memref<!tpu.dma_semaphore, #tpu.memory_space<semaphore_mem>>)
      } else {
      }
      %mul3A_569 = arith.constant 2 : i32
      %mul3A_570 = arith.muli %mul3A_569, %scan3A_112 : i32
      %add3A_571 = arith.constant 1 : i32
      %add3A_572 = arith.addi %mul3A_570, %add3A_571 : i32
      %mul3A_573 = arith.constant 8 : i32
      %mul3A_574 = arith.muli %add3A_572, %mul3A_573 : i32
      %mul3A_575 = arith.constant 8 : i32
      %mul3A_576 = arith.muli %add3A_572, %mul3A_575 : i32
      %dma_wait3A_577 = arith.constant 0 : i32
      %dma_wait3A_578 = arith.constant 1 : i32
      %dma_wait3A_579 = arith.constant 0 : i32
      %dma_wait3A_580 = arith.constant 0 : i32
      %dma_wait3A_581 = arith.constant 0 : i32
      %dma_wait3A_582 = tpu.memref_slice %arg7[%dma_wait3A_578, %dma_wait3A_579, %dma_wait3A_580, %dma_wait3A_581] : memref<2x2x8x128xi32, #tpu.memory_space<vmem>> -> memref<1x1x8x128xi32, #tpu.memory_space<vmem>>
      %dma_wait3A_583 = tpu.memref_squeeze %dma_wait3A_582 : memref<1x1x8x128xi32, #tpu.memory_space<vmem>> -> memref<8x128xi32, #tpu.memory_space<vmem>>
      %dma_wait3A_584 = arith.constant 0 : i32
      %dma_wait3A_585 = arith.constant 0 : i32
      %dma_wait3A_586 = tpu.memref_slice %arg3[%dma_wait3A_577, %add3A, %dma_wait3A_584, %dma_wait3A_585] : memref<2x32x80x128xi32, #tpu.memory_space<hbm>> -> memref<1x1x80x128xi32, #tpu.memory_space<hbm>>
      %dma_wait3A_587 = tpu.memref_squeeze %dma_wait3A_586 : memref<1x1x80x128xi32, #tpu.memory_space<hbm>> -> memref<80x128xi32, #tpu.memory_space<hbm>>
      %dma_wait3A_588 = arith.constant 0 : i32
      %dma_wait3A_589 = tpu.memref_slice %dma_wait3A_587[%mul3A_574, %dma_wait3A_588] : memref<80x128xi32, #tpu.memory_space<hbm>> -> memref<8x128xi32, #tpu.memory_space<hbm>>
      %dma_wait3A_590 = arith.constant 0 : i32
      %dma_wait3A_591 = arith.constant 0 : i32
      %dma_wait3A_592 = tpu.memref_slice %arg7[%dma_wait3A_578, %dma_wait3A_579, %dma_wait3A_590, %dma_wait3A_591] : memref<2x2x8x128xi32, #tpu.memory_space<vmem>> -> memref<1x1x8x128xi32, #tpu.memory_space<vmem>>
      %dma_wait3A_593 = tpu.memref_squeeze %dma_wait3A_592 : memref<1x1x8x128xi32, #tpu.memory_space<vmem>> -> memref<8x128xi32, #tpu.memory_space<vmem>>
      %dma_wait3A_594 = arith.constant 0 : i32
      %dma_wait3A_595 = arith.constant 0 : i32
      %dma_wait3A_596 = tpu.memref_slice %arg3[%dma_wait3A_577, %add3A, %dma_wait3A_594, %dma_wait3A_595] : memref<2x32x80x128xi32, #tpu.memory_space<hbm>> -> memref<1x1x80x128xi32, #tpu.memory_space<hbm>>
      %dma_wait3A_597 = tpu.memref_squeeze %dma_wait3A_596 : memref<1x1x80x128xi32, #tpu.memory_space<hbm>> -> memref<80x128xi32, #tpu.memory_space<hbm>>
      %dma_wait3A_598 = arith.constant 0 : i32
      %dma_wait3A_599 = tpu.memref_slice %dma_wait3A_597[%mul3A_574, %dma_wait3A_598] : memref<80x128xi32, #tpu.memory_space<hbm>> -> memref<8x128xi32, #tpu.memory_space<hbm>>
      tpu.wait_dma2 semaphore(%arg11 : memref<!tpu.dma_semaphore, #tpu.memory_space<semaphore_mem>>) src(%dma_wait3A_599 : memref<8x128xi32, #tpu.memory_space<hbm>>) dst(%dma_wait3A_593 : memref<8x128xi32, #tpu.memory_space<vmem>>)
      %dma_wait3A_600 = arith.constant 1 : i32
      %dma_wait3A_601 = arith.constant 1 : i32
      %dma_wait3A_602 = arith.constant 1 : i32
      %dma_wait3A_603 = arith.constant 0 : i32
      %dma_wait3A_604 = arith.constant 0 : i32
      %dma_wait3A_605 = tpu.memref_slice %arg7[%dma_wait3A_601, %dma_wait3A_602, %dma_wait3A_603, %dma_wait3A_604] : memref<2x2x8x128xi32, #tpu.memory_space<vmem>> -> memref<1x1x8x128xi32, #tpu.memory_space<vmem>>
      %dma_wait3A_606 = tpu.memref_squeeze %dma_wait3A_605 : memref<1x1x8x128xi32, #tpu.memory_space<vmem>> -> memref<8x128xi32, #tpu.memory_space<vmem>>
      %dma_wait3A_607 = arith.constant 0 : i32
      %dma_wait3A_608 = arith.constant 0 : i32
      %dma_wait3A_609 = tpu.memref_slice %arg3[%dma_wait3A_600, %add3A, %dma_wait3A_607, %dma_wait3A_608] : memref<2x32x80x128xi32, #tpu.memory_space<hbm>> -> memref<1x1x80x128xi32, #tpu.memory_space<hbm>>
      %dma_wait3A_610 = tpu.memref_squeeze %dma_wait3A_609 : memref<1x1x80x128xi32, #tpu.memory_space<hbm>> -> memref<80x128xi32, #tpu.memory_space<hbm>>
      %dma_wait3A_611 = arith.constant 0 : i32
      %dma_wait3A_612 = tpu.memref_slice %dma_wait3A_610[%mul3A_576, %dma_wait3A_611] : memref<80x128xi32, #tpu.memory_space<hbm>> -> memref<8x128xi32, #tpu.memory_space<hbm>>
      %dma_wait3A_613 = arith.constant 0 : i32
      %dma_wait3A_614 = arith.constant 0 : i32
      %dma_wait3A_615 = tpu.memref_slice %arg7[%dma_wait3A_601, %dma_wait3A_602, %dma_wait3A_613, %dma_wait3A_614] : memref<2x2x8x128xi32, #tpu.memory_space<vmem>> -> memref<1x1x8x128xi32, #tpu.memory_space<vmem>>
      %dma_wait3A_616 = tpu.memref_squeeze %dma_wait3A_615 : memref<1x1x8x128xi32, #tpu.memory_space<vmem>> -> memref<8x128xi32, #tpu.memory_space<vmem>>
      %dma_wait3A_617 = arith.constant 0 : i32
      %dma_wait3A_618 = arith.constant 0 : i32
      %dma_wait3A_619 = tpu.memref_slice %arg3[%dma_wait3A_600, %add3A, %dma_wait3A_617, %dma_wait3A_618] : memref<2x32x80x128xi32, #tpu.memory_space<hbm>> -> memref<1x1x80x128xi32, #tpu.memory_space<hbm>>
      %dma_wait3A_620 = tpu.memref_squeeze %dma_wait3A_619 : memref<1x1x80x128xi32, #tpu.memory_space<hbm>> -> memref<80x128xi32, #tpu.memory_space<hbm>>
      %dma_wait3A_621 = arith.constant 0 : i32
      %dma_wait3A_622 = tpu.memref_slice %dma_wait3A_620[%mul3A_576, %dma_wait3A_621] : memref<80x128xi32, #tpu.memory_space<hbm>> -> memref<8x128xi32, #tpu.memory_space<hbm>>
      tpu.wait_dma2 semaphore(%arg11 : memref<!tpu.dma_semaphore, #tpu.memory_space<semaphore_mem>>) src(%dma_wait3A_622 : memref<8x128xi32, #tpu.memory_space<hbm>>) dst(%dma_wait3A_616 : memref<8x128xi32, #tpu.memory_space<vmem>>)
      %jit3A_623 = arith.constant 2 : i32
      %eq3A_624 = arith.constant 0 : i32
      %eq3A_625 = arith.cmpi eq, %jit3A_623, %eq3A_624 : i32
      %jit3A_626 = arith.constant 1 : i32
      %select_n3A_627 = arith.select %eq3A_625, %jit3A_626, %jit3A_623 : i32
      %rem3A_628 = arith.remsi %add3A_572, %select_n3A_627 : i32
      %ne3A_629 = arith.constant 0 : i32
      %ne3A_630 = arith.cmpi ne, %rem3A_628, %ne3A_629 : i32
      %lt3A_631 = arith.constant 0 : i32
      %lt3A_632 = arith.cmpi slt, %rem3A_628, %lt3A_631 : i32
      %lt3A_633 = arith.constant 0 : i32
      %lt3A_634 = arith.cmpi slt, %select_n3A_627, %lt3A_633 : i32
      %ne3A_635 = arith.xori %lt3A_632, %lt3A_634 : i1
      %and3A_636 = arith.andi %ne3A_635, %ne3A_630 : i1
      %add3A_637 = arith.addi %rem3A_628, %select_n3A_627 : i32
      %select_n3A_638 = arith.select %and3A_636, %add3A_637, %rem3A_628 : i32
      %dma_start3A_639 = arith.constant 0 : i32
      %dma_start3A_640 = arith.constant 0 : i32
      %dma_start3A_641 = arith.constant 0 : i32
      %dma_start3A_642 = tpu.memref_slice %arg7[%select_n3A_638, %dma_start3A_639, %dma_start3A_640, %dma_start3A_641] : memref<2x2x8x128xi32, #tpu.memory_space<vmem>> -> memref<1x1x1x128xi32, #tpu.memory_space<vmem>>
      %dma_start3A_643 = tpu.memref_squeeze %dma_start3A_642 : memref<1x1x1x128xi32, #tpu.memory_space<vmem>> -> memref<128xi32, #tpu.memory_space<vmem>>
      %dma_start3A_644 = arith.constant 0 : i32
      %dma_start3A_645 = arith.constant 0 : i32
      %dma_start3A_646 = tpu.memref_slice %arg2[%dma_start3A_644, %dma_start3A_645] : memref<10112x128xf32, #tpu.memory_space<hbm>> -> memref<10112x128xf32, #tpu.memory_space<hbm>>
      tpu.enqueue_indirect_dma source(%dma_start3A_646 : memref<10112x128xf32, #tpu.memory_space<hbm>>) target(%arg8 : memref<128x128xf32, #tpu.memory_space<vmem>>) offsets(%dma_start3A_643 : memref<128xi32, #tpu.memory_space<vmem>>) semaphore(%arg12 : memref<!tpu.dma_semaphore, #tpu.memory_space<semaphore_mem>>)
      %jit3A_647 = arith.constant 2 : i32
      %eq3A_648 = arith.constant 0 : i32
      %eq3A_649 = arith.cmpi eq, %jit3A_647, %eq3A_648 : i32
      %jit3A_650 = arith.constant 1 : i32
      %select_n3A_651 = arith.select %eq3A_649, %jit3A_650, %jit3A_647 : i32
      %rem3A_652 = arith.remsi %add3A_572, %select_n3A_651 : i32
      %ne3A_653 = arith.constant 0 : i32
      %ne3A_654 = arith.cmpi ne, %rem3A_652, %ne3A_653 : i32
      %lt3A_655 = arith.constant 0 : i32
      %lt3A_656 = arith.cmpi slt, %rem3A_652, %lt3A_655 : i32
      %lt3A_657 = arith.constant 0 : i32
      %lt3A_658 = arith.cmpi slt, %select_n3A_651, %lt3A_657 : i32
      %ne3A_659 = arith.xori %lt3A_656, %lt3A_658 : i1
      %and3A_660 = arith.andi %ne3A_659, %ne3A_654 : i1
      %add3A_661 = arith.addi %rem3A_652, %select_n3A_651 : i32
      %select_n3A_662 = arith.select %and3A_660, %add3A_661, %rem3A_652 : i32
      %dma_start3A_663 = arith.constant 0 : i32
      %dma_start3A_664 = arith.constant 1 : i32
      %dma_start3A_665 = arith.constant 0 : i32
      %dma_start3A_666 = tpu.memref_slice %arg7[%select_n3A_662, %dma_start3A_663, %dma_start3A_664, %dma_start3A_665] : memref<2x2x8x128xi32, #tpu.memory_space<vmem>> -> memref<1x1x1x128xi32, #tpu.memory_space<vmem>>
      %dma_start3A_667 = tpu.memref_squeeze %dma_start3A_666 : memref<1x1x1x128xi32, #tpu.memory_space<vmem>> -> memref<128xi32, #tpu.memory_space<vmem>>
      %dma_start3A_668 = arith.constant 0 : i32
      %dma_start3A_669 = arith.constant 0 : i32
      %dma_start3A_670 = tpu.memref_slice %arg2[%dma_start3A_668, %dma_start3A_669] : memref<10112x128xf32, #tpu.memory_space<hbm>> -> memref<10112x128xf32, #tpu.memory_space<hbm>>
      tpu.enqueue_indirect_dma source(%dma_start3A_670 : memref<10112x128xf32, #tpu.memory_space<hbm>>) target(%arg9 : memref<128x128xf32, #tpu.memory_space<vmem>>) offsets(%dma_start3A_667 : memref<128xi32, #tpu.memory_space<vmem>>) semaphore(%arg13 : memref<!tpu.dma_semaphore, #tpu.memory_space<semaphore_mem>>)
      %jit3A_671 = arith.constant 2 : i32
      %eq3A_672 = arith.constant 0 : i32
      %eq3A_673 = arith.cmpi eq, %jit3A_671, %eq3A_672 : i32
      %jit3A_674 = arith.constant 1 : i32
      %select_n3A_675 = arith.select %eq3A_673, %jit3A_674, %jit3A_671 : i32
      %rem3A_676 = arith.remsi %add3A_572, %select_n3A_675 : i32
      %ne3A_677 = arith.constant 0 : i32
      %ne3A_678 = arith.cmpi ne, %rem3A_676, %ne3A_677 : i32
      %lt3A_679 = arith.constant 0 : i32
      %lt3A_680 = arith.cmpi slt, %rem3A_676, %lt3A_679 : i32
      %lt3A_681 = arith.constant 0 : i32
      %lt3A_682 = arith.cmpi slt, %select_n3A_675, %lt3A_681 : i32
      %ne3A_683 = arith.xori %lt3A_680, %lt3A_682 : i1
      %and3A_684 = arith.andi %ne3A_683, %ne3A_678 : i1
      %add3A_685 = arith.addi %rem3A_676, %select_n3A_675 : i32
      %select_n3A_686 = arith.select %and3A_684, %add3A_685, %rem3A_676 : i32
      %dma_wait3A_687 = arith.constant 0 : i32
      %dma_wait3A_688 = arith.constant 0 : i32
      %dma_wait3A_689 = arith.constant 0 : i32
      %dma_wait3A_690 = tpu.memref_slice %arg7[%select_n3A_686, %dma_wait3A_687, %dma_wait3A_688, %dma_wait3A_689] : memref<2x2x8x128xi32, #tpu.memory_space<vmem>> -> memref<1x1x1x128xi32, #tpu.memory_space<vmem>>
      %dma_wait3A_691 = tpu.memref_squeeze %dma_wait3A_690 : memref<1x1x1x128xi32, #tpu.memory_space<vmem>> -> memref<128xi32, #tpu.memory_space<vmem>>
      %dma_wait3A_692 = arith.constant 0 : i32
      %dma_wait3A_693 = arith.constant 0 : i32
      %dma_wait3A_694 = tpu.memref_slice %arg2[%dma_wait3A_692, %dma_wait3A_693] : memref<10112x128xf32, #tpu.memory_space<hbm>> -> memref<10112x128xf32, #tpu.memory_space<hbm>>
      tpu.wait_indirect_dma semaphore(%arg12 : memref<!tpu.dma_semaphore, #tpu.memory_space<semaphore_mem>>) src(%dma_wait3A_694 : memref<10112x128xf32, #tpu.memory_space<hbm>>) dst(%arg8 : memref<128x128xf32, #tpu.memory_space<vmem>>)
      %run_scoped3A_695 = arith.constant 1 : i32
      %run_scoped3A_696 = arith.constant 1 : i32
      %run_scoped3A_697 = arith.constant 0 : i32
      "tpu.region"() ({
        %run_scoped3A_1038 = tpu.sem_alloc : memref<!tpu.dma_semaphore, #tpu.memory_space<semaphore_mem>>
        %dma_start3A_1039 = arith.constant 0 : i32
        %dma_start3A_1040 = tpu.memref_slice %arg7[%run_scoped3A_695, %run_scoped3A_696, %run_scoped3A_697, %dma_start3A_1039] : memref<2x2x8x128xi32, #tpu.memory_space<vmem>> -> memref<1x1x1x128xi32, #tpu.memory_space<vmem>>
        %dma_start3A_1041 = tpu.memref_squeeze %dma_start3A_1040 : memref<1x1x1x128xi32, #tpu.memory_space<vmem>> -> memref<128xi32, #tpu.memory_space<vmem>>
        %dma_start3A_1042 = arith.constant 0 : i32
        %dma_start3A_1043 = arith.constant 0 : i32
        %dma_start3A_1044 = tpu.memref_slice %arg6[%dma_start3A_1042, %dma_start3A_1043] : memref<10112x128xf32, #tpu.memory_space<vmem_shared>> -> memref<10112x128xf32, #tpu.memory_space<vmem_shared>>
        tpu.enqueue_indirect_dma source(%arg8 : memref<128x128xf32, #tpu.memory_space<vmem>>) target(%dma_start3A_1044 : memref<10112x128xf32, #tpu.memory_space<vmem_shared>>) offsets(%dma_start3A_1041 : memref<128xi32, #tpu.memory_space<vmem>>) semaphore(%run_scoped3A_1038 : memref<!tpu.dma_semaphore, #tpu.memory_space<semaphore_mem>>) {add = true}
        %dma_wait3A_1045 = arith.constant 0 : i32
        %dma_wait3A_1046 = tpu.memref_slice %arg7[%run_scoped3A_695, %run_scoped3A_696, %run_scoped3A_697, %dma_wait3A_1045] : memref<2x2x8x128xi32, #tpu.memory_space<vmem>> -> memref<1x1x1x128xi32, #tpu.memory_space<vmem>>
        %dma_wait3A_1047 = tpu.memref_squeeze %dma_wait3A_1046 : memref<1x1x1x128xi32, #tpu.memory_space<vmem>> -> memref<128xi32, #tpu.memory_space<vmem>>
        %dma_wait3A_1048 = arith.constant 0 : i32
        %dma_wait3A_1049 = arith.constant 0 : i32
        %dma_wait3A_1050 = tpu.memref_slice %arg6[%dma_wait3A_1048, %dma_wait3A_1049] : memref<10112x128xf32, #tpu.memory_space<vmem_shared>> -> memref<10112x128xf32, #tpu.memory_space<vmem_shared>>
        tpu.wait_indirect_dma semaphore(%run_scoped3A_1038 : memref<!tpu.dma_semaphore, #tpu.memory_space<semaphore_mem>>) src(%arg8 : memref<128x128xf32, #tpu.memory_space<vmem>>) dst(%dma_wait3A_1050 : memref<10112x128xf32, #tpu.memory_space<vmem_shared>>)
        tpu.yield
      }) : () -> ()
      %jit3A_698 = arith.constant 2 : i32
      %eq3A_699 = arith.constant 0 : i32
      %eq3A_700 = arith.cmpi eq, %jit3A_698, %eq3A_699 : i32
      %jit3A_701 = arith.constant 1 : i32
      %select_n3A_702 = arith.select %eq3A_700, %jit3A_701, %jit3A_698 : i32
      %rem3A_703 = arith.remsi %add3A_572, %select_n3A_702 : i32
      %ne3A_704 = arith.constant 0 : i32
      %ne3A_705 = arith.cmpi ne, %rem3A_703, %ne3A_704 : i32
      %lt3A_706 = arith.constant 0 : i32
      %lt3A_707 = arith.cmpi slt, %rem3A_703, %lt3A_706 : i32
      %lt3A_708 = arith.constant 0 : i32
      %lt3A_709 = arith.cmpi slt, %select_n3A_702, %lt3A_708 : i32
      %ne3A_710 = arith.xori %lt3A_707, %lt3A_709 : i1
      %and3A_711 = arith.andi %ne3A_710, %ne3A_705 : i1
      %add3A_712 = arith.addi %rem3A_703, %select_n3A_702 : i32
      %select_n3A_713 = arith.select %and3A_711, %add3A_712, %rem3A_703 : i32
      %dma_start3A_714 = arith.constant 0 : i32
      %dma_start3A_715 = arith.constant 2 : i32
      %dma_start3A_716 = arith.constant 0 : i32
      %dma_start3A_717 = tpu.memref_slice %arg7[%select_n3A_713, %dma_start3A_714, %dma_start3A_715, %dma_start3A_716] : memref<2x2x8x128xi32, #tpu.memory_space<vmem>> -> memref<1x1x1x128xi32, #tpu.memory_space<vmem>>
      %dma_start3A_718 = tpu.memref_squeeze %dma_start3A_717 : memref<1x1x1x128xi32, #tpu.memory_space<vmem>> -> memref<128xi32, #tpu.memory_space<vmem>>
      %dma_start3A_719 = arith.constant 0 : i32
      %dma_start3A_720 = arith.constant 0 : i32
      %dma_start3A_721 = tpu.memref_slice %arg2[%dma_start3A_719, %dma_start3A_720] : memref<10112x128xf32, #tpu.memory_space<hbm>> -> memref<10112x128xf32, #tpu.memory_space<hbm>>
      tpu.enqueue_indirect_dma source(%dma_start3A_721 : memref<10112x128xf32, #tpu.memory_space<hbm>>) target(%arg8 : memref<128x128xf32, #tpu.memory_space<vmem>>) offsets(%dma_start3A_718 : memref<128xi32, #tpu.memory_space<vmem>>) semaphore(%arg12 : memref<!tpu.dma_semaphore, #tpu.memory_space<semaphore_mem>>)
      %jit3A_722 = arith.constant 2 : i32
      %eq3A_723 = arith.constant 0 : i32
      %eq3A_724 = arith.cmpi eq, %jit3A_722, %eq3A_723 : i32
      %jit3A_725 = arith.constant 1 : i32
      %select_n3A_726 = arith.select %eq3A_724, %jit3A_725, %jit3A_722 : i32
      %rem3A_727 = arith.remsi %add3A_572, %select_n3A_726 : i32
      %ne3A_728 = arith.constant 0 : i32
      %ne3A_729 = arith.cmpi ne, %rem3A_727, %ne3A_728 : i32
      %lt3A_730 = arith.constant 0 : i32
      %lt3A_731 = arith.cmpi slt, %rem3A_727, %lt3A_730 : i32
      %lt3A_732 = arith.constant 0 : i32
      %lt3A_733 = arith.cmpi slt, %select_n3A_726, %lt3A_732 : i32
      %ne3A_734 = arith.xori %lt3A_731, %lt3A_733 : i1
      %and3A_735 = arith.andi %ne3A_734, %ne3A_729 : i1
      %add3A_736 = arith.addi %rem3A_727, %select_n3A_726 : i32
      %select_n3A_737 = arith.select %and3A_735, %add3A_736, %rem3A_727 : i32
      %dma_wait3A_738 = arith.constant 0 : i32
      %dma_wait3A_739 = arith.constant 1 : i32
      %dma_wait3A_740 = arith.constant 0 : i32
      %dma_wait3A_741 = tpu.memref_slice %arg7[%select_n3A_737, %dma_wait3A_738, %dma_wait3A_739, %dma_wait3A_740] : memref<2x2x8x128xi32, #tpu.memory_space<vmem>> -> memref<1x1x1x128xi32, #tpu.memory_space<vmem>>
      %dma_wait3A_742 = tpu.memref_squeeze %dma_wait3A_741 : memref<1x1x1x128xi32, #tpu.memory_space<vmem>> -> memref<128xi32, #tpu.memory_space<vmem>>
      %dma_wait3A_743 = arith.constant 0 : i32
      %dma_wait3A_744 = arith.constant 0 : i32
      %dma_wait3A_745 = tpu.memref_slice %arg2[%dma_wait3A_743, %dma_wait3A_744] : memref<10112x128xf32, #tpu.memory_space<hbm>> -> memref<10112x128xf32, #tpu.memory_space<hbm>>
      tpu.wait_indirect_dma semaphore(%arg13 : memref<!tpu.dma_semaphore, #tpu.memory_space<semaphore_mem>>) src(%dma_wait3A_745 : memref<10112x128xf32, #tpu.memory_space<hbm>>) dst(%arg9 : memref<128x128xf32, #tpu.memory_space<vmem>>)
      %run_scoped3A_746 = arith.constant 1 : i32
      %run_scoped3A_747 = arith.constant 1 : i32
      %run_scoped3A_748 = arith.constant 1 : i32
      "tpu.region"() ({
        %run_scoped3A_1038 = tpu.sem_alloc : memref<!tpu.dma_semaphore, #tpu.memory_space<semaphore_mem>>
        %dma_start3A_1039 = arith.constant 0 : i32
        %dma_start3A_1040 = tpu.memref_slice %arg7[%run_scoped3A_746, %run_scoped3A_747, %run_scoped3A_748, %dma_start3A_1039] : memref<2x2x8x128xi32, #tpu.memory_space<vmem>> -> memref<1x1x1x128xi32, #tpu.memory_space<vmem>>
        %dma_start3A_1041 = tpu.memref_squeeze %dma_start3A_1040 : memref<1x1x1x128xi32, #tpu.memory_space<vmem>> -> memref<128xi32, #tpu.memory_space<vmem>>
        %dma_start3A_1042 = arith.constant 0 : i32
        %dma_start3A_1043 = arith.constant 0 : i32
        %dma_start3A_1044 = tpu.memref_slice %arg6[%dma_start3A_1042, %dma_start3A_1043] : memref<10112x128xf32, #tpu.memory_space<vmem_shared>> -> memref<10112x128xf32, #tpu.memory_space<vmem_shared>>
        tpu.enqueue_indirect_dma source(%arg9 : memref<128x128xf32, #tpu.memory_space<vmem>>) target(%dma_start3A_1044 : memref<10112x128xf32, #tpu.memory_space<vmem_shared>>) offsets(%dma_start3A_1041 : memref<128xi32, #tpu.memory_space<vmem>>) semaphore(%run_scoped3A_1038 : memref<!tpu.dma_semaphore, #tpu.memory_space<semaphore_mem>>) {add = true}
        %dma_wait3A_1045 = arith.constant 0 : i32
        %dma_wait3A_1046 = tpu.memref_slice %arg7[%run_scoped3A_746, %run_scoped3A_747, %run_scoped3A_748, %dma_wait3A_1045] : memref<2x2x8x128xi32, #tpu.memory_space<vmem>> -> memref<1x1x1x128xi32, #tpu.memory_space<vmem>>
        %dma_wait3A_1047 = tpu.memref_squeeze %dma_wait3A_1046 : memref<1x1x1x128xi32, #tpu.memory_space<vmem>> -> memref<128xi32, #tpu.memory_space<vmem>>
        %dma_wait3A_1048 = arith.constant 0 : i32
        %dma_wait3A_1049 = arith.constant 0 : i32
        %dma_wait3A_1050 = tpu.memref_slice %arg6[%dma_wait3A_1048, %dma_wait3A_1049] : memref<10112x128xf32, #tpu.memory_space<vmem_shared>> -> memref<10112x128xf32, #tpu.memory_space<vmem_shared>>
        tpu.wait_indirect_dma semaphore(%run_scoped3A_1038 : memref<!tpu.dma_semaphore, #tpu.memory_space<semaphore_mem>>) src(%arg9 : memref<128x128xf32, #tpu.memory_space<vmem>>) dst(%dma_wait3A_1050 : memref<10112x128xf32, #tpu.memory_space<vmem_shared>>)
        tpu.yield
      }) : () -> ()
      %jit3A_749 = arith.constant 2 : i32
      %eq3A_750 = arith.constant 0 : i32
      %eq3A_751 = arith.cmpi eq, %jit3A_749, %eq3A_750 : i32
      %jit3A_752 = arith.constant 1 : i32
      %select_n3A_753 = arith.select %eq3A_751, %jit3A_752, %jit3A_749 : i32
      %rem3A_754 = arith.remsi %add3A_572, %select_n3A_753 : i32
      %ne3A_755 = arith.constant 0 : i32
      %ne3A_756 = arith.cmpi ne, %rem3A_754, %ne3A_755 : i32
      %lt3A_757 = arith.constant 0 : i32
      %lt3A_758 = arith.cmpi slt, %rem3A_754, %lt3A_757 : i32
      %lt3A_759 = arith.constant 0 : i32
      %lt3A_760 = arith.cmpi slt, %select_n3A_753, %lt3A_759 : i32
      %ne3A_761 = arith.xori %lt3A_758, %lt3A_760 : i1
      %and3A_762 = arith.andi %ne3A_761, %ne3A_756 : i1
      %add3A_763 = arith.addi %rem3A_754, %select_n3A_753 : i32
      %select_n3A_764 = arith.select %and3A_762, %add3A_763, %rem3A_754 : i32
      %dma_start3A_765 = arith.constant 0 : i32
      %dma_start3A_766 = arith.constant 3 : i32
      %dma_start3A_767 = arith.constant 0 : i32
      %dma_start3A_768 = tpu.memref_slice %arg7[%select_n3A_764, %dma_start3A_765, %dma_start3A_766, %dma_start3A_767] : memref<2x2x8x128xi32, #tpu.memory_space<vmem>> -> memref<1x1x1x128xi32, #tpu.memory_space<vmem>>
      %dma_start3A_769 = tpu.memref_squeeze %dma_start3A_768 : memref<1x1x1x128xi32, #tpu.memory_space<vmem>> -> memref<128xi32, #tpu.memory_space<vmem>>
      %dma_start3A_770 = arith.constant 0 : i32
      %dma_start3A_771 = arith.constant 0 : i32
      %dma_start3A_772 = tpu.memref_slice %arg2[%dma_start3A_770, %dma_start3A_771] : memref<10112x128xf32, #tpu.memory_space<hbm>> -> memref<10112x128xf32, #tpu.memory_space<hbm>>
      tpu.enqueue_indirect_dma source(%dma_start3A_772 : memref<10112x128xf32, #tpu.memory_space<hbm>>) target(%arg9 : memref<128x128xf32, #tpu.memory_space<vmem>>) offsets(%dma_start3A_769 : memref<128xi32, #tpu.memory_space<vmem>>) semaphore(%arg13 : memref<!tpu.dma_semaphore, #tpu.memory_space<semaphore_mem>>)
      %jit3A_773 = arith.constant 2 : i32
      %eq3A_774 = arith.constant 0 : i32
      %eq3A_775 = arith.cmpi eq, %jit3A_773, %eq3A_774 : i32
      %jit3A_776 = arith.constant 1 : i32
      %select_n3A_777 = arith.select %eq3A_775, %jit3A_776, %jit3A_773 : i32
      %rem3A_778 = arith.remsi %add3A_572, %select_n3A_777 : i32
      %ne3A_779 = arith.constant 0 : i32
      %ne3A_780 = arith.cmpi ne, %rem3A_778, %ne3A_779 : i32
      %lt3A_781 = arith.constant 0 : i32
      %lt3A_782 = arith.cmpi slt, %rem3A_778, %lt3A_781 : i32
      %lt3A_783 = arith.constant 0 : i32
      %lt3A_784 = arith.cmpi slt, %select_n3A_777, %lt3A_783 : i32
      %ne3A_785 = arith.xori %lt3A_782, %lt3A_784 : i1
      %and3A_786 = arith.andi %ne3A_785, %ne3A_780 : i1
      %add3A_787 = arith.addi %rem3A_778, %select_n3A_777 : i32
      %select_n3A_788 = arith.select %and3A_786, %add3A_787, %rem3A_778 : i32
      %dma_wait3A_789 = arith.constant 0 : i32
      %dma_wait3A_790 = arith.constant 2 : i32
      %dma_wait3A_791 = arith.constant 0 : i32
      %dma_wait3A_792 = tpu.memref_slice %arg7[%select_n3A_788, %dma_wait3A_789, %dma_wait3A_790, %dma_wait3A_791] : memref<2x2x8x128xi32, #tpu.memory_space<vmem>> -> memref<1x1x1x128xi32, #tpu.memory_space<vmem>>
      %dma_wait3A_793 = tpu.memref_squeeze %dma_wait3A_792 : memref<1x1x1x128xi32, #tpu.memory_space<vmem>> -> memref<128xi32, #tpu.memory_space<vmem>>
      %dma_wait3A_794 = arith.constant 0 : i32
      %dma_wait3A_795 = arith.constant 0 : i32
      %dma_wait3A_796 = tpu.memref_slice %arg2[%dma_wait3A_794, %dma_wait3A_795] : memref<10112x128xf32, #tpu.memory_space<hbm>> -> memref<10112x128xf32, #tpu.memory_space<hbm>>
      tpu.wait_indirect_dma semaphore(%arg12 : memref<!tpu.dma_semaphore, #tpu.memory_space<semaphore_mem>>) src(%dma_wait3A_796 : memref<10112x128xf32, #tpu.memory_space<hbm>>) dst(%arg8 : memref<128x128xf32, #tpu.memory_space<vmem>>)
      %run_scoped3A_797 = arith.constant 1 : i32
      %run_scoped3A_798 = arith.constant 1 : i32
      %run_scoped3A_799 = arith.constant 2 : i32
      "tpu.region"() ({
        %run_scoped3A_1038 = tpu.sem_alloc : memref<!tpu.dma_semaphore, #tpu.memory_space<semaphore_mem>>
        %dma_start3A_1039 = arith.constant 0 : i32
        %dma_start3A_1040 = tpu.memref_slice %arg7[%run_scoped3A_797, %run_scoped3A_798, %run_scoped3A_799, %dma_start3A_1039] : memref<2x2x8x128xi32, #tpu.memory_space<vmem>> -> memref<1x1x1x128xi32, #tpu.memory_space<vmem>>
        %dma_start3A_1041 = tpu.memref_squeeze %dma_start3A_1040 : memref<1x1x1x128xi32, #tpu.memory_space<vmem>> -> memref<128xi32, #tpu.memory_space<vmem>>
        %dma_start3A_1042 = arith.constant 0 : i32
        %dma_start3A_1043 = arith.constant 0 : i32
        %dma_start3A_1044 = tpu.memref_slice %arg6[%dma_start3A_1042, %dma_start3A_1043] : memref<10112x128xf32, #tpu.memory_space<vmem_shared>> -> memref<10112x128xf32, #tpu.memory_space<vmem_shared>>
        tpu.enqueue_indirect_dma source(%arg8 : memref<128x128xf32, #tpu.memory_space<vmem>>) target(%dma_start3A_1044 : memref<10112x128xf32, #tpu.memory_space<vmem_shared>>) offsets(%dma_start3A_1041 : memref<128xi32, #tpu.memory_space<vmem>>) semaphore(%run_scoped3A_1038 : memref<!tpu.dma_semaphore, #tpu.memory_space<semaphore_mem>>) {add = true}
        %dma_wait3A_1045 = arith.constant 0 : i32
        %dma_wait3A_1046 = tpu.memref_slice %arg7[%run_scoped3A_797, %run_scoped3A_798, %run_scoped3A_799, %dma_wait3A_1045] : memref<2x2x8x128xi32, #tpu.memory_space<vmem>> -> memref<1x1x1x128xi32, #tpu.memory_space<vmem>>
        %dma_wait3A_1047 = tpu.memref_squeeze %dma_wait3A_1046 : memref<1x1x1x128xi32, #tpu.memory_space<vmem>> -> memref<128xi32, #tpu.memory_space<vmem>>
        %dma_wait3A_1048 = arith.constant 0 : i32
        %dma_wait3A_1049 = arith.constant 0 : i32
        %dma_wait3A_1050 = tpu.memref_slice %arg6[%dma_wait3A_1048, %dma_wait3A_1049] : memref<10112x128xf32, #tpu.memory_space<vmem_shared>> -> memref<10112x128xf32, #tpu.memory_space<vmem_shared>>
        tpu.wait_indirect_dma semaphore(%run_scoped3A_1038 : memref<!tpu.dma_semaphore, #tpu.memory_space<semaphore_mem>>) src(%arg8 : memref<128x128xf32, #tpu.memory_space<vmem>>) dst(%dma_wait3A_1050 : memref<10112x128xf32, #tpu.memory_space<vmem_shared>>)
        tpu.yield
      }) : () -> ()
      %jit3A_800 = arith.constant 2 : i32
      %eq3A_801 = arith.constant 0 : i32
      %eq3A_802 = arith.cmpi eq, %jit3A_800, %eq3A_801 : i32
      %jit3A_803 = arith.constant 1 : i32
      %select_n3A_804 = arith.select %eq3A_802, %jit3A_803, %jit3A_800 : i32
      %rem3A_805 = arith.remsi %add3A_572, %select_n3A_804 : i32
      %ne3A_806 = arith.constant 0 : i32
      %ne3A_807 = arith.cmpi ne, %rem3A_805, %ne3A_806 : i32
      %lt3A_808 = arith.constant 0 : i32
      %lt3A_809 = arith.cmpi slt, %rem3A_805, %lt3A_808 : i32
      %lt3A_810 = arith.constant 0 : i32
      %lt3A_811 = arith.cmpi slt, %select_n3A_804, %lt3A_810 : i32
      %ne3A_812 = arith.xori %lt3A_809, %lt3A_811 : i1
      %and3A_813 = arith.andi %ne3A_812, %ne3A_807 : i1
      %add3A_814 = arith.addi %rem3A_805, %select_n3A_804 : i32
      %select_n3A_815 = arith.select %and3A_813, %add3A_814, %rem3A_805 : i32
      %dma_start3A_816 = arith.constant 0 : i32
      %dma_start3A_817 = arith.constant 4 : i32
      %dma_start3A_818 = arith.constant 0 : i32
      %dma_start3A_819 = tpu.memref_slice %arg7[%select_n3A_815, %dma_start3A_816, %dma_start3A_817, %dma_start3A_818] : memref<2x2x8x128xi32, #tpu.memory_space<vmem>> -> memref<1x1x1x128xi32, #tpu.memory_space<vmem>>
      %dma_start3A_820 = tpu.memref_squeeze %dma_start3A_819 : memref<1x1x1x128xi32, #tpu.memory_space<vmem>> -> memref<128xi32, #tpu.memory_space<vmem>>
      %dma_start3A_821 = arith.constant 0 : i32
      %dma_start3A_822 = arith.constant 0 : i32
      %dma_start3A_823 = tpu.memref_slice %arg2[%dma_start3A_821, %dma_start3A_822] : memref<10112x128xf32, #tpu.memory_space<hbm>> -> memref<10112x128xf32, #tpu.memory_space<hbm>>
      tpu.enqueue_indirect_dma source(%dma_start3A_823 : memref<10112x128xf32, #tpu.memory_space<hbm>>) target(%arg8 : memref<128x128xf32, #tpu.memory_space<vmem>>) offsets(%dma_start3A_820 : memref<128xi32, #tpu.memory_space<vmem>>) semaphore(%arg12 : memref<!tpu.dma_semaphore, #tpu.memory_space<semaphore_mem>>)
      %jit3A_824 = arith.constant 2 : i32
      %eq3A_825 = arith.constant 0 : i32
      %eq3A_826 = arith.cmpi eq, %jit3A_824, %eq3A_825 : i32
      %jit3A_827 = arith.constant 1 : i32
      %select_n3A_828 = arith.select %eq3A_826, %jit3A_827, %jit3A_824 : i32
      %rem3A_829 = arith.remsi %add3A_572, %select_n3A_828 : i32
      %ne3A_830 = arith.constant 0 : i32
      %ne3A_831 = arith.cmpi ne, %rem3A_829, %ne3A_830 : i32
      %lt3A_832 = arith.constant 0 : i32
      %lt3A_833 = arith.cmpi slt, %rem3A_829, %lt3A_832 : i32
      %lt3A_834 = arith.constant 0 : i32
      %lt3A_835 = arith.cmpi slt, %select_n3A_828, %lt3A_834 : i32
      %ne3A_836 = arith.xori %lt3A_833, %lt3A_835 : i1
      %and3A_837 = arith.andi %ne3A_836, %ne3A_831 : i1
      %add3A_838 = arith.addi %rem3A_829, %select_n3A_828 : i32
      %select_n3A_839 = arith.select %and3A_837, %add3A_838, %rem3A_829 : i32
      %dma_wait3A_840 = arith.constant 0 : i32
      %dma_wait3A_841 = arith.constant 3 : i32
      %dma_wait3A_842 = arith.constant 0 : i32
      %dma_wait3A_843 = tpu.memref_slice %arg7[%select_n3A_839, %dma_wait3A_840, %dma_wait3A_841, %dma_wait3A_842] : memref<2x2x8x128xi32, #tpu.memory_space<vmem>> -> memref<1x1x1x128xi32, #tpu.memory_space<vmem>>
      %dma_wait3A_844 = tpu.memref_squeeze %dma_wait3A_843 : memref<1x1x1x128xi32, #tpu.memory_space<vmem>> -> memref<128xi32, #tpu.memory_space<vmem>>
      %dma_wait3A_845 = arith.constant 0 : i32
      %dma_wait3A_846 = arith.constant 0 : i32
      %dma_wait3A_847 = tpu.memref_slice %arg2[%dma_wait3A_845, %dma_wait3A_846] : memref<10112x128xf32, #tpu.memory_space<hbm>> -> memref<10112x128xf32, #tpu.memory_space<hbm>>
      tpu.wait_indirect_dma semaphore(%arg13 : memref<!tpu.dma_semaphore, #tpu.memory_space<semaphore_mem>>) src(%dma_wait3A_847 : memref<10112x128xf32, #tpu.memory_space<hbm>>) dst(%arg9 : memref<128x128xf32, #tpu.memory_space<vmem>>)
      %run_scoped3A_848 = arith.constant 1 : i32
      %run_scoped3A_849 = arith.constant 1 : i32
      %run_scoped3A_850 = arith.constant 3 : i32
      "tpu.region"() ({
        %run_scoped3A_1038 = tpu.sem_alloc : memref<!tpu.dma_semaphore, #tpu.memory_space<semaphore_mem>>
        %dma_start3A_1039 = arith.constant 0 : i32
        %dma_start3A_1040 = tpu.memref_slice %arg7[%run_scoped3A_848, %run_scoped3A_849, %run_scoped3A_850, %dma_start3A_1039] : memref<2x2x8x128xi32, #tpu.memory_space<vmem>> -> memref<1x1x1x128xi32, #tpu.memory_space<vmem>>
        %dma_start3A_1041 = tpu.memref_squeeze %dma_start3A_1040 : memref<1x1x1x128xi32, #tpu.memory_space<vmem>> -> memref<128xi32, #tpu.memory_space<vmem>>
        %dma_start3A_1042 = arith.constant 0 : i32
        %dma_start3A_1043 = arith.constant 0 : i32
        %dma_start3A_1044 = tpu.memref_slice %arg6[%dma_start3A_1042, %dma_start3A_1043] : memref<10112x128xf32, #tpu.memory_space<vmem_shared>> -> memref<10112x128xf32, #tpu.memory_space<vmem_shared>>
        tpu.enqueue_indirect_dma source(%arg9 : memref<128x128xf32, #tpu.memory_space<vmem>>) target(%dma_start3A_1044 : memref<10112x128xf32, #tpu.memory_space<vmem_shared>>) offsets(%dma_start3A_1041 : memref<128xi32, #tpu.memory_space<vmem>>) semaphore(%run_scoped3A_1038 : memref<!tpu.dma_semaphore, #tpu.memory_space<semaphore_mem>>) {add = true}
        %dma_wait3A_1045 = arith.constant 0 : i32
        %dma_wait3A_1046 = tpu.memref_slice %arg7[%run_scoped3A_848, %run_scoped3A_849, %run_scoped3A_850, %dma_wait3A_1045] : memref<2x2x8x128xi32, #tpu.memory_space<vmem>> -> memref<1x1x1x128xi32, #tpu.memory_space<vmem>>
        %dma_wait3A_1047 = tpu.memref_squeeze %dma_wait3A_1046 : memref<1x1x1x128xi32, #tpu.memory_space<vmem>> -> memref<128xi32, #tpu.memory_space<vmem>>
        %dma_wait3A_1048 = arith.constant 0 : i32
        %dma_wait3A_1049 = arith.constant 0 : i32
        %dma_wait3A_1050 = tpu.memref_slice %arg6[%dma_wait3A_1048, %dma_wait3A_1049] : memref<10112x128xf32, #tpu.memory_space<vmem_shared>> -> memref<10112x128xf32, #tpu.memory_space<vmem_shared>>
        tpu.wait_indirect_dma semaphore(%run_scoped3A_1038 : memref<!tpu.dma_semaphore, #tpu.memory_space<semaphore_mem>>) src(%arg9 : memref<128x128xf32, #tpu.memory_space<vmem>>) dst(%dma_wait3A_1050 : memref<10112x128xf32, #tpu.memory_space<vmem_shared>>)
        tpu.yield
      }) : () -> ()
      %jit3A_851 = arith.constant 2 : i32
      %eq3A_852 = arith.constant 0 : i32
      %eq3A_853 = arith.cmpi eq, %jit3A_851, %eq3A_852 : i32
      %jit3A_854 = arith.constant 1 : i32
      %select_n3A_855 = arith.select %eq3A_853, %jit3A_854, %jit3A_851 : i32
      %rem3A_856 = arith.remsi %add3A_572, %select_n3A_855 : i32
      %ne3A_857 = arith.constant 0 : i32
      %ne3A_858 = arith.cmpi ne, %rem3A_856, %ne3A_857 : i32
      %lt3A_859 = arith.constant 0 : i32
      %lt3A_860 = arith.cmpi slt, %rem3A_856, %lt3A_859 : i32
      %lt3A_861 = arith.constant 0 : i32
      %lt3A_862 = arith.cmpi slt, %select_n3A_855, %lt3A_861 : i32
      %ne3A_863 = arith.xori %lt3A_860, %lt3A_862 : i1
      %and3A_864 = arith.andi %ne3A_863, %ne3A_858 : i1
      %add3A_865 = arith.addi %rem3A_856, %select_n3A_855 : i32
      %select_n3A_866 = arith.select %and3A_864, %add3A_865, %rem3A_856 : i32
      %dma_start3A_867 = arith.constant 0 : i32
      %dma_start3A_868 = arith.constant 5 : i32
      %dma_start3A_869 = arith.constant 0 : i32
      %dma_start3A_870 = tpu.memref_slice %arg7[%select_n3A_866, %dma_start3A_867, %dma_start3A_868, %dma_start3A_869] : memref<2x2x8x128xi32, #tpu.memory_space<vmem>> -> memref<1x1x1x128xi32, #tpu.memory_space<vmem>>
      %dma_start3A_871 = tpu.memref_squeeze %dma_start3A_870 : memref<1x1x1x128xi32, #tpu.memory_space<vmem>> -> memref<128xi32, #tpu.memory_space<vmem>>
      %dma_start3A_872 = arith.constant 0 : i32
      %dma_start3A_873 = arith.constant 0 : i32
      %dma_start3A_874 = tpu.memref_slice %arg2[%dma_start3A_872, %dma_start3A_873] : memref<10112x128xf32, #tpu.memory_space<hbm>> -> memref<10112x128xf32, #tpu.memory_space<hbm>>
      tpu.enqueue_indirect_dma source(%dma_start3A_874 : memref<10112x128xf32, #tpu.memory_space<hbm>>) target(%arg9 : memref<128x128xf32, #tpu.memory_space<vmem>>) offsets(%dma_start3A_871 : memref<128xi32, #tpu.memory_space<vmem>>) semaphore(%arg13 : memref<!tpu.dma_semaphore, #tpu.memory_space<semaphore_mem>>)
      %jit3A_875 = arith.constant 2 : i32
      %eq3A_876 = arith.constant 0 : i32
      %eq3A_877 = arith.cmpi eq, %jit3A_875, %eq3A_876 : i32
      %jit3A_878 = arith.constant 1 : i32
      %select_n3A_879 = arith.select %eq3A_877, %jit3A_878, %jit3A_875 : i32
      %rem3A_880 = arith.remsi %add3A_572, %select_n3A_879 : i32
      %ne3A_881 = arith.constant 0 : i32
      %ne3A_882 = arith.cmpi ne, %rem3A_880, %ne3A_881 : i32
      %lt3A_883 = arith.constant 0 : i32
      %lt3A_884 = arith.cmpi slt, %rem3A_880, %lt3A_883 : i32
      %lt3A_885 = arith.constant 0 : i32
      %lt3A_886 = arith.cmpi slt, %select_n3A_879, %lt3A_885 : i32
      %ne3A_887 = arith.xori %lt3A_884, %lt3A_886 : i1
      %and3A_888 = arith.andi %ne3A_887, %ne3A_882 : i1
      %add3A_889 = arith.addi %rem3A_880, %select_n3A_879 : i32
      %select_n3A_890 = arith.select %and3A_888, %add3A_889, %rem3A_880 : i32
      %dma_wait3A_891 = arith.constant 0 : i32
      %dma_wait3A_892 = arith.constant 4 : i32
      %dma_wait3A_893 = arith.constant 0 : i32
      %dma_wait3A_894 = tpu.memref_slice %arg7[%select_n3A_890, %dma_wait3A_891, %dma_wait3A_892, %dma_wait3A_893] : memref<2x2x8x128xi32, #tpu.memory_space<vmem>> -> memref<1x1x1x128xi32, #tpu.memory_space<vmem>>
      %dma_wait3A_895 = tpu.memref_squeeze %dma_wait3A_894 : memref<1x1x1x128xi32, #tpu.memory_space<vmem>> -> memref<128xi32, #tpu.memory_space<vmem>>
      %dma_wait3A_896 = arith.constant 0 : i32
      %dma_wait3A_897 = arith.constant 0 : i32
      %dma_wait3A_898 = tpu.memref_slice %arg2[%dma_wait3A_896, %dma_wait3A_897] : memref<10112x128xf32, #tpu.memory_space<hbm>> -> memref<10112x128xf32, #tpu.memory_space<hbm>>
      tpu.wait_indirect_dma semaphore(%arg12 : memref<!tpu.dma_semaphore, #tpu.memory_space<semaphore_mem>>) src(%dma_wait3A_898 : memref<10112x128xf32, #tpu.memory_space<hbm>>) dst(%arg8 : memref<128x128xf32, #tpu.memory_space<vmem>>)
      %run_scoped3A_899 = arith.constant 1 : i32
      %run_scoped3A_900 = arith.constant 1 : i32
      %run_scoped3A_901 = arith.constant 4 : i32
      "tpu.region"() ({
        %run_scoped3A_1038 = tpu.sem_alloc : memref<!tpu.dma_semaphore, #tpu.memory_space<semaphore_mem>>
        %dma_start3A_1039 = arith.constant 0 : i32
        %dma_start3A_1040 = tpu.memref_slice %arg7[%run_scoped3A_899, %run_scoped3A_900, %run_scoped3A_901, %dma_start3A_1039] : memref<2x2x8x128xi32, #tpu.memory_space<vmem>> -> memref<1x1x1x128xi32, #tpu.memory_space<vmem>>
        %dma_start3A_1041 = tpu.memref_squeeze %dma_start3A_1040 : memref<1x1x1x128xi32, #tpu.memory_space<vmem>> -> memref<128xi32, #tpu.memory_space<vmem>>
        %dma_start3A_1042 = arith.constant 0 : i32
        %dma_start3A_1043 = arith.constant 0 : i32
        %dma_start3A_1044 = tpu.memref_slice %arg6[%dma_start3A_1042, %dma_start3A_1043] : memref<10112x128xf32, #tpu.memory_space<vmem_shared>> -> memref<10112x128xf32, #tpu.memory_space<vmem_shared>>
        tpu.enqueue_indirect_dma source(%arg8 : memref<128x128xf32, #tpu.memory_space<vmem>>) target(%dma_start3A_1044 : memref<10112x128xf32, #tpu.memory_space<vmem_shared>>) offsets(%dma_start3A_1041 : memref<128xi32, #tpu.memory_space<vmem>>) semaphore(%run_scoped3A_1038 : memref<!tpu.dma_semaphore, #tpu.memory_space<semaphore_mem>>) {add = true}
        %dma_wait3A_1045 = arith.constant 0 : i32
        %dma_wait3A_1046 = tpu.memref_slice %arg7[%run_scoped3A_899, %run_scoped3A_900, %run_scoped3A_901, %dma_wait3A_1045] : memref<2x2x8x128xi32, #tpu.memory_space<vmem>> -> memref<1x1x1x128xi32, #tpu.memory_space<vmem>>
        %dma_wait3A_1047 = tpu.memref_squeeze %dma_wait3A_1046 : memref<1x1x1x128xi32, #tpu.memory_space<vmem>> -> memref<128xi32, #tpu.memory_space<vmem>>
        %dma_wait3A_1048 = arith.constant 0 : i32
        %dma_wait3A_1049 = arith.constant 0 : i32
        %dma_wait3A_1050 = tpu.memref_slice %arg6[%dma_wait3A_1048, %dma_wait3A_1049] : memref<10112x128xf32, #tpu.memory_space<vmem_shared>> -> memref<10112x128xf32, #tpu.memory_space<vmem_shared>>
        tpu.wait_indirect_dma semaphore(%run_scoped3A_1038 : memref<!tpu.dma_semaphore, #tpu.memory_space<semaphore_mem>>) src(%arg8 : memref<128x128xf32, #tpu.memory_space<vmem>>) dst(%dma_wait3A_1050 : memref<10112x128xf32, #tpu.memory_space<vmem_shared>>)
        tpu.yield
      }) : () -> ()
      %jit3A_902 = arith.constant 2 : i32
      %eq3A_903 = arith.constant 0 : i32
      %eq3A_904 = arith.cmpi eq, %jit3A_902, %eq3A_903 : i32
      %jit3A_905 = arith.constant 1 : i32
      %select_n3A_906 = arith.select %eq3A_904, %jit3A_905, %jit3A_902 : i32
      %rem3A_907 = arith.remsi %add3A_572, %select_n3A_906 : i32
      %ne3A_908 = arith.constant 0 : i32
      %ne3A_909 = arith.cmpi ne, %rem3A_907, %ne3A_908 : i32
      %lt3A_910 = arith.constant 0 : i32
      %lt3A_911 = arith.cmpi slt, %rem3A_907, %lt3A_910 : i32
      %lt3A_912 = arith.constant 0 : i32
      %lt3A_913 = arith.cmpi slt, %select_n3A_906, %lt3A_912 : i32
      %ne3A_914 = arith.xori %lt3A_911, %lt3A_913 : i1
      %and3A_915 = arith.andi %ne3A_914, %ne3A_909 : i1
      %add3A_916 = arith.addi %rem3A_907, %select_n3A_906 : i32
      %select_n3A_917 = arith.select %and3A_915, %add3A_916, %rem3A_907 : i32
      %dma_start3A_918 = arith.constant 0 : i32
      %dma_start3A_919 = arith.constant 6 : i32
      %dma_start3A_920 = arith.constant 0 : i32
      %dma_start3A_921 = tpu.memref_slice %arg7[%select_n3A_917, %dma_start3A_918, %dma_start3A_919, %dma_start3A_920] : memref<2x2x8x128xi32, #tpu.memory_space<vmem>> -> memref<1x1x1x128xi32, #tpu.memory_space<vmem>>
      %dma_start3A_922 = tpu.memref_squeeze %dma_start3A_921 : memref<1x1x1x128xi32, #tpu.memory_space<vmem>> -> memref<128xi32, #tpu.memory_space<vmem>>
      %dma_start3A_923 = arith.constant 0 : i32
      %dma_start3A_924 = arith.constant 0 : i32
      %dma_start3A_925 = tpu.memref_slice %arg2[%dma_start3A_923, %dma_start3A_924] : memref<10112x128xf32, #tpu.memory_space<hbm>> -> memref<10112x128xf32, #tpu.memory_space<hbm>>
      tpu.enqueue_indirect_dma source(%dma_start3A_925 : memref<10112x128xf32, #tpu.memory_space<hbm>>) target(%arg8 : memref<128x128xf32, #tpu.memory_space<vmem>>) offsets(%dma_start3A_922 : memref<128xi32, #tpu.memory_space<vmem>>) semaphore(%arg12 : memref<!tpu.dma_semaphore, #tpu.memory_space<semaphore_mem>>)
      %jit3A_926 = arith.constant 2 : i32
      %eq3A_927 = arith.constant 0 : i32
      %eq3A_928 = arith.cmpi eq, %jit3A_926, %eq3A_927 : i32
      %jit3A_929 = arith.constant 1 : i32
      %select_n3A_930 = arith.select %eq3A_928, %jit3A_929, %jit3A_926 : i32
      %rem3A_931 = arith.remsi %add3A_572, %select_n3A_930 : i32
      %ne3A_932 = arith.constant 0 : i32
      %ne3A_933 = arith.cmpi ne, %rem3A_931, %ne3A_932 : i32
      %lt3A_934 = arith.constant 0 : i32
      %lt3A_935 = arith.cmpi slt, %rem3A_931, %lt3A_934 : i32
      %lt3A_936 = arith.constant 0 : i32
      %lt3A_937 = arith.cmpi slt, %select_n3A_930, %lt3A_936 : i32
      %ne3A_938 = arith.xori %lt3A_935, %lt3A_937 : i1
      %and3A_939 = arith.andi %ne3A_938, %ne3A_933 : i1
      %add3A_940 = arith.addi %rem3A_931, %select_n3A_930 : i32
      %select_n3A_941 = arith.select %and3A_939, %add3A_940, %rem3A_931 : i32
      %dma_wait3A_942 = arith.constant 0 : i32
      %dma_wait3A_943 = arith.constant 5 : i32
      %dma_wait3A_944 = arith.constant 0 : i32
      %dma_wait3A_945 = tpu.memref_slice %arg7[%select_n3A_941, %dma_wait3A_942, %dma_wait3A_943, %dma_wait3A_944] : memref<2x2x8x128xi32, #tpu.memory_space<vmem>> -> memref<1x1x1x128xi32, #tpu.memory_space<vmem>>
      %dma_wait3A_946 = tpu.memref_squeeze %dma_wait3A_945 : memref<1x1x1x128xi32, #tpu.memory_space<vmem>> -> memref<128xi32, #tpu.memory_space<vmem>>
      %dma_wait3A_947 = arith.constant 0 : i32
      %dma_wait3A_948 = arith.constant 0 : i32
      %dma_wait3A_949 = tpu.memref_slice %arg2[%dma_wait3A_947, %dma_wait3A_948] : memref<10112x128xf32, #tpu.memory_space<hbm>> -> memref<10112x128xf32, #tpu.memory_space<hbm>>
      tpu.wait_indirect_dma semaphore(%arg13 : memref<!tpu.dma_semaphore, #tpu.memory_space<semaphore_mem>>) src(%dma_wait3A_949 : memref<10112x128xf32, #tpu.memory_space<hbm>>) dst(%arg9 : memref<128x128xf32, #tpu.memory_space<vmem>>)
      %run_scoped3A_950 = arith.constant 1 : i32
      %run_scoped3A_951 = arith.constant 1 : i32
      %run_scoped3A_952 = arith.constant 5 : i32
      "tpu.region"() ({
        %run_scoped3A_1038 = tpu.sem_alloc : memref<!tpu.dma_semaphore, #tpu.memory_space<semaphore_mem>>
        %dma_start3A_1039 = arith.constant 0 : i32
        %dma_start3A_1040 = tpu.memref_slice %arg7[%run_scoped3A_950, %run_scoped3A_951, %run_scoped3A_952, %dma_start3A_1039] : memref<2x2x8x128xi32, #tpu.memory_space<vmem>> -> memref<1x1x1x128xi32, #tpu.memory_space<vmem>>
        %dma_start3A_1041 = tpu.memref_squeeze %dma_start3A_1040 : memref<1x1x1x128xi32, #tpu.memory_space<vmem>> -> memref<128xi32, #tpu.memory_space<vmem>>
        %dma_start3A_1042 = arith.constant 0 : i32
        %dma_start3A_1043 = arith.constant 0 : i32
        %dma_start3A_1044 = tpu.memref_slice %arg6[%dma_start3A_1042, %dma_start3A_1043] : memref<10112x128xf32, #tpu.memory_space<vmem_shared>> -> memref<10112x128xf32, #tpu.memory_space<vmem_shared>>
        tpu.enqueue_indirect_dma source(%arg9 : memref<128x128xf32, #tpu.memory_space<vmem>>) target(%dma_start3A_1044 : memref<10112x128xf32, #tpu.memory_space<vmem_shared>>) offsets(%dma_start3A_1041 : memref<128xi32, #tpu.memory_space<vmem>>) semaphore(%run_scoped3A_1038 : memref<!tpu.dma_semaphore, #tpu.memory_space<semaphore_mem>>) {add = true}
        %dma_wait3A_1045 = arith.constant 0 : i32
        %dma_wait3A_1046 = tpu.memref_slice %arg7[%run_scoped3A_950, %run_scoped3A_951, %run_scoped3A_952, %dma_wait3A_1045] : memref<2x2x8x128xi32, #tpu.memory_space<vmem>> -> memref<1x1x1x128xi32, #tpu.memory_space<vmem>>
        %dma_wait3A_1047 = tpu.memref_squeeze %dma_wait3A_1046 : memref<1x1x1x128xi32, #tpu.memory_space<vmem>> -> memref<128xi32, #tpu.memory_space<vmem>>
        %dma_wait3A_1048 = arith.constant 0 : i32
        %dma_wait3A_1049 = arith.constant 0 : i32
        %dma_wait3A_1050 = tpu.memref_slice %arg6[%dma_wait3A_1048, %dma_wait3A_1049] : memref<10112x128xf32, #tpu.memory_space<vmem_shared>> -> memref<10112x128xf32, #tpu.memory_space<vmem_shared>>
        tpu.wait_indirect_dma semaphore(%run_scoped3A_1038 : memref<!tpu.dma_semaphore, #tpu.memory_space<semaphore_mem>>) src(%arg9 : memref<128x128xf32, #tpu.memory_space<vmem>>) dst(%dma_wait3A_1050 : memref<10112x128xf32, #tpu.memory_space<vmem_shared>>)
        tpu.yield
      }) : () -> ()
      %jit3A_953 = arith.constant 2 : i32
      %eq3A_954 = arith.constant 0 : i32
      %eq3A_955 = arith.cmpi eq, %jit3A_953, %eq3A_954 : i32
      %jit3A_956 = arith.constant 1 : i32
      %select_n3A_957 = arith.select %eq3A_955, %jit3A_956, %jit3A_953 : i32
      %rem3A_958 = arith.remsi %add3A_572, %select_n3A_957 : i32
      %ne3A_959 = arith.constant 0 : i32
      %ne3A_960 = arith.cmpi ne, %rem3A_958, %ne3A_959 : i32
      %lt3A_961 = arith.constant 0 : i32
      %lt3A_962 = arith.cmpi slt, %rem3A_958, %lt3A_961 : i32
      %lt3A_963 = arith.constant 0 : i32
      %lt3A_964 = arith.cmpi slt, %select_n3A_957, %lt3A_963 : i32
      %ne3A_965 = arith.xori %lt3A_962, %lt3A_964 : i1
      %and3A_966 = arith.andi %ne3A_965, %ne3A_960 : i1
      %add3A_967 = arith.addi %rem3A_958, %select_n3A_957 : i32
      %select_n3A_968 = arith.select %and3A_966, %add3A_967, %rem3A_958 : i32
      %dma_start3A_969 = arith.constant 0 : i32
      %dma_start3A_970 = arith.constant 7 : i32
      %dma_start3A_971 = arith.constant 0 : i32
      %dma_start3A_972 = tpu.memref_slice %arg7[%select_n3A_968, %dma_start3A_969, %dma_start3A_970, %dma_start3A_971] : memref<2x2x8x128xi32, #tpu.memory_space<vmem>> -> memref<1x1x1x128xi32, #tpu.memory_space<vmem>>
      %dma_start3A_973 = tpu.memref_squeeze %dma_start3A_972 : memref<1x1x1x128xi32, #tpu.memory_space<vmem>> -> memref<128xi32, #tpu.memory_space<vmem>>
      %dma_start3A_974 = arith.constant 0 : i32
      %dma_start3A_975 = arith.constant 0 : i32
      %dma_start3A_976 = tpu.memref_slice %arg2[%dma_start3A_974, %dma_start3A_975] : memref<10112x128xf32, #tpu.memory_space<hbm>> -> memref<10112x128xf32, #tpu.memory_space<hbm>>
      tpu.enqueue_indirect_dma source(%dma_start3A_976 : memref<10112x128xf32, #tpu.memory_space<hbm>>) target(%arg9 : memref<128x128xf32, #tpu.memory_space<vmem>>) offsets(%dma_start3A_973 : memref<128xi32, #tpu.memory_space<vmem>>) semaphore(%arg13 : memref<!tpu.dma_semaphore, #tpu.memory_space<semaphore_mem>>)
      %jit3A_977 = arith.constant 2 : i32
      %eq3A_978 = arith.constant 0 : i32
      %eq3A_979 = arith.cmpi eq, %jit3A_977, %eq3A_978 : i32
      %jit3A_980 = arith.constant 1 : i32
      %select_n3A_981 = arith.select %eq3A_979, %jit3A_980, %jit3A_977 : i32
      %rem3A_982 = arith.remsi %add3A_572, %select_n3A_981 : i32
      %ne3A_983 = arith.constant 0 : i32
      %ne3A_984 = arith.cmpi ne, %rem3A_982, %ne3A_983 : i32
      %lt3A_985 = arith.constant 0 : i32
      %lt3A_986 = arith.cmpi slt, %rem3A_982, %lt3A_985 : i32
      %lt3A_987 = arith.constant 0 : i32
      %lt3A_988 = arith.cmpi slt, %select_n3A_981, %lt3A_987 : i32
      %ne3A_989 = arith.xori %lt3A_986, %lt3A_988 : i1
      %and3A_990 = arith.andi %ne3A_989, %ne3A_984 : i1
      %add3A_991 = arith.addi %rem3A_982, %select_n3A_981 : i32
      %select_n3A_992 = arith.select %and3A_990, %add3A_991, %rem3A_982 : i32
      %dma_wait3A_993 = arith.constant 0 : i32
      %dma_wait3A_994 = arith.constant 6 : i32
      %dma_wait3A_995 = arith.constant 0 : i32
      %dma_wait3A_996 = tpu.memref_slice %arg7[%select_n3A_992, %dma_wait3A_993, %dma_wait3A_994, %dma_wait3A_995] : memref<2x2x8x128xi32, #tpu.memory_space<vmem>> -> memref<1x1x1x128xi32, #tpu.memory_space<vmem>>
      %dma_wait3A_997 = tpu.memref_squeeze %dma_wait3A_996 : memref<1x1x1x128xi32, #tpu.memory_space<vmem>> -> memref<128xi32, #tpu.memory_space<vmem>>
      %dma_wait3A_998 = arith.constant 0 : i32
      %dma_wait3A_999 = arith.constant 0 : i32
      %dma_wait3A_1000 = tpu.memref_slice %arg2[%dma_wait3A_998, %dma_wait3A_999] : memref<10112x128xf32, #tpu.memory_space<hbm>> -> memref<10112x128xf32, #tpu.memory_space<hbm>>
      tpu.wait_indirect_dma semaphore(%arg12 : memref<!tpu.dma_semaphore, #tpu.memory_space<semaphore_mem>>) src(%dma_wait3A_1000 : memref<10112x128xf32, #tpu.memory_space<hbm>>) dst(%arg8 : memref<128x128xf32, #tpu.memory_space<vmem>>)
      %run_scoped3A_1001 = arith.constant 1 : i32
      %run_scoped3A_1002 = arith.constant 1 : i32
      %run_scoped3A_1003 = arith.constant 6 : i32
      "tpu.region"() ({
        %run_scoped3A_1038 = tpu.sem_alloc : memref<!tpu.dma_semaphore, #tpu.memory_space<semaphore_mem>>
        %dma_start3A_1039 = arith.constant 0 : i32
        %dma_start3A_1040 = tpu.memref_slice %arg7[%run_scoped3A_1001, %run_scoped3A_1002, %run_scoped3A_1003, %dma_start3A_1039] : memref<2x2x8x128xi32, #tpu.memory_space<vmem>> -> memref<1x1x1x128xi32, #tpu.memory_space<vmem>>
        %dma_start3A_1041 = tpu.memref_squeeze %dma_start3A_1040 : memref<1x1x1x128xi32, #tpu.memory_space<vmem>> -> memref<128xi32, #tpu.memory_space<vmem>>
        %dma_start3A_1042 = arith.constant 0 : i32
        %dma_start3A_1043 = arith.constant 0 : i32
        %dma_start3A_1044 = tpu.memref_slice %arg6[%dma_start3A_1042, %dma_start3A_1043] : memref<10112x128xf32, #tpu.memory_space<vmem_shared>> -> memref<10112x128xf32, #tpu.memory_space<vmem_shared>>
        tpu.enqueue_indirect_dma source(%arg8 : memref<128x128xf32, #tpu.memory_space<vmem>>) target(%dma_start3A_1044 : memref<10112x128xf32, #tpu.memory_space<vmem_shared>>) offsets(%dma_start3A_1041 : memref<128xi32, #tpu.memory_space<vmem>>) semaphore(%run_scoped3A_1038 : memref<!tpu.dma_semaphore, #tpu.memory_space<semaphore_mem>>) {add = true}
        %dma_wait3A_1045 = arith.constant 0 : i32
        %dma_wait3A_1046 = tpu.memref_slice %arg7[%run_scoped3A_1001, %run_scoped3A_1002, %run_scoped3A_1003, %dma_wait3A_1045] : memref<2x2x8x128xi32, #tpu.memory_space<vmem>> -> memref<1x1x1x128xi32, #tpu.memory_space<vmem>>
        %dma_wait3A_1047 = tpu.memref_squeeze %dma_wait3A_1046 : memref<1x1x1x128xi32, #tpu.memory_space<vmem>> -> memref<128xi32, #tpu.memory_space<vmem>>
        %dma_wait3A_1048 = arith.constant 0 : i32
        %dma_wait3A_1049 = arith.constant 0 : i32
        %dma_wait3A_1050 = tpu.memref_slice %arg6[%dma_wait3A_1048, %dma_wait3A_1049] : memref<10112x128xf32, #tpu.memory_space<vmem_shared>> -> memref<10112x128xf32, #tpu.memory_space<vmem_shared>>
        tpu.wait_indirect_dma semaphore(%run_scoped3A_1038 : memref<!tpu.dma_semaphore, #tpu.memory_space<semaphore_mem>>) src(%arg8 : memref<128x128xf32, #tpu.memory_space<vmem>>) dst(%dma_wait3A_1050 : memref<10112x128xf32, #tpu.memory_space<vmem_shared>>)
        tpu.yield
      }) : () -> ()
      %jit3A_1004 = arith.constant 2 : i32
      %eq3A_1005 = arith.constant 0 : i32
      %eq3A_1006 = arith.cmpi eq, %jit3A_1004, %eq3A_1005 : i32
      %jit3A_1007 = arith.constant 1 : i32
      %select_n3A_1008 = arith.select %eq3A_1006, %jit3A_1007, %jit3A_1004 : i32
      %rem3A_1009 = arith.remsi %add3A_572, %select_n3A_1008 : i32
      %ne3A_1010 = arith.constant 0 : i32
      %ne3A_1011 = arith.cmpi ne, %rem3A_1009, %ne3A_1010 : i32
      %lt3A_1012 = arith.constant 0 : i32
      %lt3A_1013 = arith.cmpi slt, %rem3A_1009, %lt3A_1012 : i32
      %lt3A_1014 = arith.constant 0 : i32
      %lt3A_1015 = arith.cmpi slt, %select_n3A_1008, %lt3A_1014 : i32
      %ne3A_1016 = arith.xori %lt3A_1013, %lt3A_1015 : i1
      %and3A_1017 = arith.andi %ne3A_1016, %ne3A_1011 : i1
      %add3A_1018 = arith.addi %rem3A_1009, %select_n3A_1008 : i32
      %select_n3A_1019 = arith.select %and3A_1017, %add3A_1018, %rem3A_1009 : i32
      %dma_wait3A_1020 = arith.constant 0 : i32
      %dma_wait3A_1021 = arith.constant 7 : i32
      %dma_wait3A_1022 = arith.constant 0 : i32
      %dma_wait3A_1023 = tpu.memref_slice %arg7[%select_n3A_1019, %dma_wait3A_1020, %dma_wait3A_1021, %dma_wait3A_1022] : memref<2x2x8x128xi32, #tpu.memory_space<vmem>> -> memref<1x1x1x128xi32, #tpu.memory_space<vmem>>
      %dma_wait3A_1024 = tpu.memref_squeeze %dma_wait3A_1023 : memref<1x1x1x128xi32, #tpu.memory_space<vmem>> -> memref<128xi32, #tpu.memory_space<vmem>>
      %dma_wait3A_1025 = arith.constant 0 : i32
      %dma_wait3A_1026 = arith.constant 0 : i32
      %dma_wait3A_1027 = tpu.memref_slice %arg2[%dma_wait3A_1025, %dma_wait3A_1026] : memref<10112x128xf32, #tpu.memory_space<hbm>> -> memref<10112x128xf32, #tpu.memory_space<hbm>>
      tpu.wait_indirect_dma semaphore(%arg13 : memref<!tpu.dma_semaphore, #tpu.memory_space<semaphore_mem>>) src(%dma_wait3A_1027 : memref<10112x128xf32, #tpu.memory_space<hbm>>) dst(%arg9 : memref<128x128xf32, #tpu.memory_space<vmem>>)
      %run_scoped3A_1028 = arith.constant 1 : i32
      %run_scoped3A_1029 = arith.constant 1 : i32
      %run_scoped3A_1030 = arith.constant 7 : i32
      "tpu.region"() ({
        %run_scoped3A_1038 = tpu.sem_alloc : memref<!tpu.dma_semaphore, #tpu.memory_space<semaphore_mem>>
        %dma_start3A_1039 = arith.constant 0 : i32
        %dma_start3A_1040 = tpu.memref_slice %arg7[%run_scoped3A_1028, %run_scoped3A_1029, %run_scoped3A_1030, %dma_start3A_1039] : memref<2x2x8x128xi32, #tpu.memory_space<vmem>> -> memref<1x1x1x128xi32, #tpu.memory_space<vmem>>
        %dma_start3A_1041 = tpu.memref_squeeze %dma_start3A_1040 : memref<1x1x1x128xi32, #tpu.memory_space<vmem>> -> memref<128xi32, #tpu.memory_space<vmem>>
        %dma_start3A_1042 = arith.constant 0 : i32
        %dma_start3A_1043 = arith.constant 0 : i32
        %dma_start3A_1044 = tpu.memref_slice %arg6[%dma_start3A_1042, %dma_start3A_1043] : memref<10112x128xf32, #tpu.memory_space<vmem_shared>> -> memref<10112x128xf32, #tpu.memory_space<vmem_shared>>
        tpu.enqueue_indirect_dma source(%arg9 : memref<128x128xf32, #tpu.memory_space<vmem>>) target(%dma_start3A_1044 : memref<10112x128xf32, #tpu.memory_space<vmem_shared>>) offsets(%dma_start3A_1041 : memref<128xi32, #tpu.memory_space<vmem>>) semaphore(%run_scoped3A_1038 : memref<!tpu.dma_semaphore, #tpu.memory_space<semaphore_mem>>) {add = true}
        %dma_wait3A_1045 = arith.constant 0 : i32
        %dma_wait3A_1046 = tpu.memref_slice %arg7[%run_scoped3A_1028, %run_scoped3A_1029, %run_scoped3A_1030, %dma_wait3A_1045] : memref<2x2x8x128xi32, #tpu.memory_space<vmem>> -> memref<1x1x1x128xi32, #tpu.memory_space<vmem>>
        %dma_wait3A_1047 = tpu.memref_squeeze %dma_wait3A_1046 : memref<1x1x1x128xi32, #tpu.memory_space<vmem>> -> memref<128xi32, #tpu.memory_space<vmem>>
        %dma_wait3A_1048 = arith.constant 0 : i32
        %dma_wait3A_1049 = arith.constant 0 : i32
        %dma_wait3A_1050 = tpu.memref_slice %arg6[%dma_wait3A_1048, %dma_wait3A_1049] : memref<10112x128xf32, #tpu.memory_space<vmem_shared>> -> memref<10112x128xf32, #tpu.memory_space<vmem_shared>>
        tpu.wait_indirect_dma semaphore(%run_scoped3A_1038 : memref<!tpu.dma_semaphore, #tpu.memory_space<semaphore_mem>>) src(%arg9 : memref<128x128xf32, #tpu.memory_space<vmem>>) dst(%dma_wait3A_1050 : memref<10112x128xf32, #tpu.memory_space<vmem_shared>>)
        tpu.yield
      }) : () -> ()
      %add3A_1031 = arith.constant 2 : i32
      %add3A_1032 = arith.addi %add3A_572, %add3A_1031 : i32
      %lt3A_1033 = arith.constant 10 : i32
      %lt3A_1034 = arith.cmpi slt, %add3A_1032, %lt3A_1033 : i32
      %convert_element_type3A_1035 = arith.extui %lt3A_1034 : i1 to i32
      %cond3A_1036 = arith.constant 0 : i32
      %cond3A_1037 = arith.cmpi ne, %convert_element_type3A_1035, %cond3A_1036 : i32
      scf.if %cond3A_1037 {
        %add3A_1038 = arith.constant 2 : i32
        %add3A_1039 = arith.addi %add3A_572, %add3A_1038 : i32
        %mul3A_1040 = arith.constant 8 : i32
        %mul3A_1041 = arith.muli %add3A_1039, %mul3A_1040 : i32
        %mul3A_1042 = arith.constant 8 : i32
        %mul3A_1043 = arith.muli %add3A_1039, %mul3A_1042 : i32
        %dma_start3A_1044 = arith.constant 0 : i32
        %dma_start3A_1045 = arith.constant 1 : i32
        %dma_start3A_1046 = arith.constant 0 : i32
        %dma_start3A_1047 = arith.constant 0 : i32
        %dma_start3A_1048 = arith.constant 0 : i32
        %dma_start3A_1049 = tpu.memref_slice %arg7[%dma_start3A_1045, %dma_start3A_1046, %dma_start3A_1047, %dma_start3A_1048] : memref<2x2x8x128xi32, #tpu.memory_space<vmem>> -> memref<1x1x8x128xi32, #tpu.memory_space<vmem>>
        %dma_start3A_1050 = tpu.memref_squeeze %dma_start3A_1049 : memref<1x1x8x128xi32, #tpu.memory_space<vmem>> -> memref<8x128xi32, #tpu.memory_space<vmem>>
        %dma_start3A_1051 = arith.constant 0 : i32
        %dma_start3A_1052 = arith.constant 0 : i32
        %dma_start3A_1053 = tpu.memref_slice %arg3[%dma_start3A_1044, %add3A, %dma_start3A_1051, %dma_start3A_1052] : memref<2x32x80x128xi32, #tpu.memory_space<hbm>> -> memref<1x1x80x128xi32, #tpu.memory_space<hbm>>
        %dma_start3A_1054 = tpu.memref_squeeze %dma_start3A_1053 : memref<1x1x80x128xi32, #tpu.memory_space<hbm>> -> memref<80x128xi32, #tpu.memory_space<hbm>>
        %dma_start3A_1055 = arith.constant 0 : i32
        %dma_start3A_1056 = tpu.memref_slice %dma_start3A_1054[%mul3A_1041, %dma_start3A_1055] : memref<80x128xi32, #tpu.memory_space<hbm>> -> memref<8x128xi32, #tpu.memory_space<hbm>>
        %dma_start3A_1057 = arith.constant 0 : i32
        %dma_start3A_1058 = arith.constant 0 : i32
        %dma_start3A_1059 = tpu.memref_slice %arg7[%dma_start3A_1045, %dma_start3A_1046, %dma_start3A_1057, %dma_start3A_1058] : memref<2x2x8x128xi32, #tpu.memory_space<vmem>> -> memref<1x1x8x128xi32, #tpu.memory_space<vmem>>
        %dma_start3A_1060 = tpu.memref_squeeze %dma_start3A_1059 : memref<1x1x8x128xi32, #tpu.memory_space<vmem>> -> memref<8x128xi32, #tpu.memory_space<vmem>>
        %dma_start3A_1061 = arith.constant 0 : i32
        %dma_start3A_1062 = arith.constant 0 : i32
        %dma_start3A_1063 = tpu.memref_slice %arg3[%dma_start3A_1044, %add3A, %dma_start3A_1061, %dma_start3A_1062] : memref<2x32x80x128xi32, #tpu.memory_space<hbm>> -> memref<1x1x80x128xi32, #tpu.memory_space<hbm>>
        %dma_start3A_1064 = tpu.memref_squeeze %dma_start3A_1063 : memref<1x1x80x128xi32, #tpu.memory_space<hbm>> -> memref<80x128xi32, #tpu.memory_space<hbm>>
        %dma_start3A_1065 = arith.constant 0 : i32
        %dma_start3A_1066 = tpu.memref_slice %dma_start3A_1064[%mul3A_1041, %dma_start3A_1065] : memref<80x128xi32, #tpu.memory_space<hbm>> -> memref<8x128xi32, #tpu.memory_space<hbm>>
        tpu.enqueue_dma source(%dma_start3A_1066 : memref<8x128xi32, #tpu.memory_space<hbm>>) target(%dma_start3A_1060 : memref<8x128xi32, #tpu.memory_space<vmem>>) target_semaphore(%arg11 : memref<!tpu.dma_semaphore, #tpu.memory_space<semaphore_mem>>)
        %dma_start3A_1067 = arith.constant 1 : i32
        %dma_start3A_1068 = arith.constant 1 : i32
        %dma_start3A_1069 = arith.constant 1 : i32
        %dma_start3A_1070 = arith.constant 0 : i32
        %dma_start3A_1071 = arith.constant 0 : i32
        %dma_start3A_1072 = tpu.memref_slice %arg7[%dma_start3A_1068, %dma_start3A_1069, %dma_start3A_1070, %dma_start3A_1071] : memref<2x2x8x128xi32, #tpu.memory_space<vmem>> -> memref<1x1x8x128xi32, #tpu.memory_space<vmem>>
        %dma_start3A_1073 = tpu.memref_squeeze %dma_start3A_1072 : memref<1x1x8x128xi32, #tpu.memory_space<vmem>> -> memref<8x128xi32, #tpu.memory_space<vmem>>
        %dma_start3A_1074 = arith.constant 0 : i32
        %dma_start3A_1075 = arith.constant 0 : i32
        %dma_start3A_1076 = tpu.memref_slice %arg3[%dma_start3A_1067, %add3A, %dma_start3A_1074, %dma_start3A_1075] : memref<2x32x80x128xi32, #tpu.memory_space<hbm>> -> memref<1x1x80x128xi32, #tpu.memory_space<hbm>>
        %dma_start3A_1077 = tpu.memref_squeeze %dma_start3A_1076 : memref<1x1x80x128xi32, #tpu.memory_space<hbm>> -> memref<80x128xi32, #tpu.memory_space<hbm>>
        %dma_start3A_1078 = arith.constant 0 : i32
        %dma_start3A_1079 = tpu.memref_slice %dma_start3A_1077[%mul3A_1043, %dma_start3A_1078] : memref<80x128xi32, #tpu.memory_space<hbm>> -> memref<8x128xi32, #tpu.memory_space<hbm>>
        %dma_start3A_1080 = arith.constant 0 : i32
        %dma_start3A_1081 = arith.constant 0 : i32
        %dma_start3A_1082 = tpu.memref_slice %arg7[%dma_start3A_1068, %dma_start3A_1069, %dma_start3A_1080, %dma_start3A_1081] : memref<2x2x8x128xi32, #tpu.memory_space<vmem>> -> memref<1x1x8x128xi32, #tpu.memory_space<vmem>>
        %dma_start3A_1083 = tpu.memref_squeeze %dma_start3A_1082 : memref<1x1x8x128xi32, #tpu.memory_space<vmem>> -> memref<8x128xi32, #tpu.memory_space<vmem>>
        %dma_start3A_1084 = arith.constant 0 : i32
        %dma_start3A_1085 = arith.constant 0 : i32
        %dma_start3A_1086 = tpu.memref_slice %arg3[%dma_start3A_1067, %add3A, %dma_start3A_1084, %dma_start3A_1085] : memref<2x32x80x128xi32, #tpu.memory_space<hbm>> -> memref<1x1x80x128xi32, #tpu.memory_space<hbm>>
        %dma_start3A_1087 = tpu.memref_squeeze %dma_start3A_1086 : memref<1x1x80x128xi32, #tpu.memory_space<hbm>> -> memref<80x128xi32, #tpu.memory_space<hbm>>
        %dma_start3A_1088 = arith.constant 0 : i32
        %dma_start3A_1089 = tpu.memref_slice %dma_start3A_1087[%mul3A_1043, %dma_start3A_1088] : memref<80x128xi32, #tpu.memory_space<hbm>> -> memref<8x128xi32, #tpu.memory_space<hbm>>
        tpu.enqueue_dma source(%dma_start3A_1089 : memref<8x128xi32, #tpu.memory_space<hbm>>) target(%dma_start3A_1083 : memref<8x128xi32, #tpu.memory_space<vmem>>) target_semaphore(%arg11 : memref<!tpu.dma_semaphore, #tpu.memory_space<semaphore_mem>>)
      } else {
      }
    }
    %scan3A_106 = arith.constant 5 : i32
    %barrier3A_107 = arith.constant 0 : index
    tpu.barrier barrier_id(%barrier3A_107)
    %mul3A_108 = arith.constant 632 : i32
    %mul3A_109 = arith.muli %arg1, %mul3A_108 : i32
    %mul3A_110 = arith.constant 632 : i32
    %mul3A_111 = arith.muli %arg1, %mul3A_110 : i32
    "tpu.region"() ({
      %run_scoped3A = tpu.sem_alloc : memref<!tpu.dma_semaphore, #tpu.memory_space<semaphore_mem>>
      %dma_start3A_112 = arith.constant 0 : i32
      %dma_start3A_113 = tpu.memref_slice %arg5[%arg0, %mul3A_111, %dma_start3A_112] : memref<2x10112x128xf32, #tpu.memory_space<hbm>> -> memref<1x632x128xf32, #tpu.memory_space<hbm>>
      %dma_start3A_114 = tpu.memref_squeeze %dma_start3A_113 : memref<1x632x128xf32, #tpu.memory_space<hbm>> -> memref<632x128xf32, #tpu.memory_space<hbm>>
      %dma_start3A_115 = arith.constant 0 : i32
      %dma_start3A_116 = tpu.memref_slice %arg6[%mul3A_109, %dma_start3A_115] : memref<10112x128xf32, #tpu.memory_space<vmem_shared>> -> memref<632x128xf32, #tpu.memory_space<vmem_shared>>
      tpu.enqueue_dma source(%dma_start3A_116 : memref<632x128xf32, #tpu.memory_space<vmem_shared>>) target(%dma_start3A_114 : memref<632x128xf32, #tpu.memory_space<hbm>>) target_semaphore(%run_scoped3A : memref<!tpu.dma_semaphore, #tpu.memory_space<semaphore_mem>>)
      %dma_wait3A = arith.constant 0 : i32
      %dma_wait3A_117 = tpu.memref_slice %arg5[%arg0, %mul3A_111, %dma_wait3A] : memref<2x10112x128xf32, #tpu.memory_space<hbm>> -> memref<1x632x128xf32, #tpu.memory_space<hbm>>
      %dma_wait3A_118 = tpu.memref_squeeze %dma_wait3A_117 : memref<1x632x128xf32, #tpu.memory_space<hbm>> -> memref<632x128xf32, #tpu.memory_space<hbm>>
      %dma_wait3A_119 = arith.constant 0 : i32
      %dma_wait3A_120 = tpu.memref_slice %arg6[%mul3A_109, %dma_wait3A_119] : memref<10112x128xf32, #tpu.memory_space<vmem_shared>> -> memref<632x128xf32, #tpu.memory_space<vmem_shared>>
      tpu.wait_dma2 semaphore(%run_scoped3A : memref<!tpu.dma_semaphore, #tpu.memory_space<semaphore_mem>>) src(%dma_wait3A_120 : memref<632x128xf32, #tpu.memory_space<vmem_shared>>) dst(%dma_wait3A_118 : memref<632x128xf32, #tpu.memory_space<hbm>>)
      tpu.yield
    }) : () -> ()
    return
  }
}

#map = affine_map<(d0, d1) -> (0, 0, 0, 0)>
#map1 = affine_map<(d0, d1) -> (0, 0)>
#map2 = affine_map<(d0, d1) -> (0, 0, 0)>
module attributes {stable_mosaic.version = 14 : i64} {
  func.func @deg(%arg0: i32, %arg1: i32, %arg2: memref<2x32x80x128xi32, #tpu.memory_space<hbm>>, %arg3: memref<128x128xf32, #tpu.memory_space<hbm>>, %arg4: memref<632x128xf32, #tpu.memory_space<hbm>>, %arg5: memref<2x10112x128xf32, #tpu.memory_space<hbm>>, %arg6: memref<10112x128xf32, #tpu.memory_space<vmem_shared>>, %arg7: memref<80x128xi32, #tpu.memory_space<vmem>>, %arg8: memref<128x128xf32, #tpu.memory_space<vmem>>, %arg9: memref<!tpu.dma_semaphore, #tpu.memory_space<semaphore_mem>>, %arg10: memref<!tpu.dma_semaphore, #tpu.memory_space<semaphore_mem>>, %arg11: memref<!tpu.dma_semaphore, #tpu.memory_space<semaphore_mem>>, %arg12: memref<!tpu.dma_semaphore, #tpu.memory_space<semaphore_mem>>) attributes {dimension_semantics = [#tpu.dimension_semantics<core_parallel>, #tpu.dimension_semantics<subcore_parallel>], iteration_bounds = array<i64: 2, 16>, scalar_prefetch = 0 : i64, scratch_operands = 7 : i64, tpu.core_type = #tpu.core_type<sc_vector_subcore>, window_params = [{transform_indices = #map}, {transform_indices = #map1}, {transform_indices = #map1}, {transform_indices = #map2}]} {
    %mul3A = arith.constant 16 : i32
    %mul3A_0 = arith.muli %arg0, %mul3A : i32
    %add3A = arith.addi %mul3A_0, %arg1 : i32
    %mul3A_1 = arith.constant 632 : i32
    %mul3A_2 = arith.muli %arg1, %mul3A_1 : i32
    "tpu.region"() ({
      %run_scoped3A_40 = tpu.sem_alloc : memref<!tpu.dma_semaphore, #tpu.memory_space<semaphore_mem>>
      %dma_start3A_41 = arith.constant 0 : i32
      %dma_start3A_42 = tpu.memref_slice %arg6[%mul3A_2, %dma_start3A_41] : memref<10112x128xf32, #tpu.memory_space<vmem_shared>> -> memref<632x128xf32, #tpu.memory_space<vmem_shared>>
      tpu.enqueue_dma source(%arg4 : memref<632x128xf32, #tpu.memory_space<hbm>>) target(%dma_start3A_42 : memref<632x128xf32, #tpu.memory_space<vmem_shared>>) target_semaphore(%run_scoped3A_40 : memref<!tpu.dma_semaphore, #tpu.memory_space<semaphore_mem>>)
      %dma_wait3A = arith.constant 0 : i32
      %dma_wait3A_43 = tpu.memref_slice %arg6[%mul3A_2, %dma_wait3A] : memref<10112x128xf32, #tpu.memory_space<vmem_shared>> -> memref<632x128xf32, #tpu.memory_space<vmem_shared>>
      tpu.wait_dma2 semaphore(%run_scoped3A_40 : memref<!tpu.dma_semaphore, #tpu.memory_space<semaphore_mem>>) src(%arg4 : memref<632x128xf32, #tpu.memory_space<hbm>>) dst(%dma_wait3A_43 : memref<632x128xf32, #tpu.memory_space<vmem_shared>>)
      tpu.yield
    }) : () -> ()
    %run_scoped3A = arith.constant 1 : i32
    "tpu.region"() ({
      %run_scoped3A_40 = tpu.sem_alloc : memref<!tpu.dma_semaphore, #tpu.memory_space<semaphore_mem>>
      %dma_start3A_41 = arith.constant 0 : i32
      %dma_start3A_42 = arith.constant 0 : i32
      %dma_start3A_43 = tpu.memref_slice %arg2[%run_scoped3A, %add3A, %dma_start3A_41, %dma_start3A_42] : memref<2x32x80x128xi32, #tpu.memory_space<hbm>> -> memref<1x1x80x128xi32, #tpu.memory_space<hbm>>
      %dma_start3A_44 = tpu.memref_squeeze %dma_start3A_43 : memref<1x1x80x128xi32, #tpu.memory_space<hbm>> -> memref<80x128xi32, #tpu.memory_space<hbm>>
      %dma_start3A_45 = arith.constant 0 : i32
      %dma_start3A_46 = arith.constant 0 : i32
      %dma_start3A_47 = tpu.memref_slice %arg2[%run_scoped3A, %add3A, %dma_start3A_45, %dma_start3A_46] : memref<2x32x80x128xi32, #tpu.memory_space<hbm>> -> memref<1x1x80x128xi32, #tpu.memory_space<hbm>>
      %dma_start3A_48 = tpu.memref_squeeze %dma_start3A_47 : memref<1x1x80x128xi32, #tpu.memory_space<hbm>> -> memref<80x128xi32, #tpu.memory_space<hbm>>
      tpu.enqueue_dma source(%dma_start3A_48 : memref<80x128xi32, #tpu.memory_space<hbm>>) target(%arg7 : memref<80x128xi32, #tpu.memory_space<vmem>>) target_semaphore(%run_scoped3A_40 : memref<!tpu.dma_semaphore, #tpu.memory_space<semaphore_mem>>)
      %dma_wait3A = arith.constant 0 : i32
      %dma_wait3A_49 = arith.constant 0 : i32
      %dma_wait3A_50 = tpu.memref_slice %arg2[%run_scoped3A, %add3A, %dma_wait3A, %dma_wait3A_49] : memref<2x32x80x128xi32, #tpu.memory_space<hbm>> -> memref<1x1x80x128xi32, #tpu.memory_space<hbm>>
      %dma_wait3A_51 = tpu.memref_squeeze %dma_wait3A_50 : memref<1x1x80x128xi32, #tpu.memory_space<hbm>> -> memref<80x128xi32, #tpu.memory_space<hbm>>
      %dma_wait3A_52 = arith.constant 0 : i32
      %dma_wait3A_53 = arith.constant 0 : i32
      %dma_wait3A_54 = tpu.memref_slice %arg2[%run_scoped3A, %add3A, %dma_wait3A_52, %dma_wait3A_53] : memref<2x32x80x128xi32, #tpu.memory_space<hbm>> -> memref<1x1x80x128xi32, #tpu.memory_space<hbm>>
      %dma_wait3A_55 = tpu.memref_squeeze %dma_wait3A_54 : memref<1x1x80x128xi32, #tpu.memory_space<hbm>> -> memref<80x128xi32, #tpu.memory_space<hbm>>
      tpu.wait_dma2 semaphore(%run_scoped3A_40 : memref<!tpu.dma_semaphore, #tpu.memory_space<semaphore_mem>>) src(%dma_wait3A_55 : memref<80x128xi32, #tpu.memory_space<hbm>>) dst(%arg7 : memref<80x128xi32, #tpu.memory_space<vmem>>)
      tpu.yield
    }) : () -> ()
    "tpu.region"() ({
      %run_scoped3A_40 = tpu.sem_alloc : memref<!tpu.dma_semaphore, #tpu.memory_space<semaphore_mem>>
      tpu.enqueue_dma source(%arg3 : memref<128x128xf32, #tpu.memory_space<hbm>>) target(%arg8 : memref<128x128xf32, #tpu.memory_space<vmem>>) target_semaphore(%run_scoped3A_40 : memref<!tpu.dma_semaphore, #tpu.memory_space<semaphore_mem>>)
      tpu.wait_dma2 semaphore(%run_scoped3A_40 : memref<!tpu.dma_semaphore, #tpu.memory_space<semaphore_mem>>) src(%arg3 : memref<128x128xf32, #tpu.memory_space<hbm>>) dst(%arg8 : memref<128x128xf32, #tpu.memory_space<vmem>>)
      tpu.yield
    }) : () -> ()
    %barrier3A = arith.constant 0 : index
    tpu.barrier barrier_id(%barrier3A)
    %dma_start3A = arith.constant 0 : i32
    %dma_start3A_3 = arith.constant 0 : i32
    %dma_start3A_4 = tpu.memref_slice %arg7[%dma_start3A, %dma_start3A_3] : memref<80x128xi32, #tpu.memory_space<vmem>> -> memref<1x128xi32, #tpu.memory_space<vmem>>
    %dma_start3A_5 = tpu.memref_squeeze %dma_start3A_4 : memref<1x128xi32, #tpu.memory_space<vmem>> -> memref<128xi32, #tpu.memory_space<vmem>>
    %dma_start3A_6 = arith.constant 0 : i32
    %dma_start3A_7 = arith.constant 0 : i32
    %dma_start3A_8 = tpu.memref_slice %arg6[%dma_start3A_6, %dma_start3A_7] : memref<10112x128xf32, #tpu.memory_space<vmem_shared>> -> memref<10112x128xf32, #tpu.memory_space<vmem_shared>>
    tpu.enqueue_indirect_dma source(%arg8 : memref<128x128xf32, #tpu.memory_space<vmem>>) target(%dma_start3A_8 : memref<10112x128xf32, #tpu.memory_space<vmem_shared>>) offsets(%dma_start3A_5 : memref<128xi32, #tpu.memory_space<vmem>>) semaphore(%arg9 : memref<!tpu.dma_semaphore, #tpu.memory_space<semaphore_mem>>) {add = true}
    %dma_start3A_9 = arith.constant 1 : i32
    %dma_start3A_10 = arith.constant 0 : i32
    %dma_start3A_11 = tpu.memref_slice %arg7[%dma_start3A_9, %dma_start3A_10] : memref<80x128xi32, #tpu.memory_space<vmem>> -> memref<1x128xi32, #tpu.memory_space<vmem>>
    %dma_start3A_12 = tpu.memref_squeeze %dma_start3A_11 : memref<1x128xi32, #tpu.memory_space<vmem>> -> memref<128xi32, #tpu.memory_space<vmem>>
    %dma_start3A_13 = arith.constant 0 : i32
    %dma_start3A_14 = arith.constant 0 : i32
    %dma_start3A_15 = tpu.memref_slice %arg6[%dma_start3A_13, %dma_start3A_14] : memref<10112x128xf32, #tpu.memory_space<vmem_shared>> -> memref<10112x128xf32, #tpu.memory_space<vmem_shared>>
    tpu.enqueue_indirect_dma source(%arg8 : memref<128x128xf32, #tpu.memory_space<vmem>>) target(%dma_start3A_15 : memref<10112x128xf32, #tpu.memory_space<vmem_shared>>) offsets(%dma_start3A_12 : memref<128xi32, #tpu.memory_space<vmem>>) semaphore(%arg10 : memref<!tpu.dma_semaphore, #tpu.memory_space<semaphore_mem>>) {add = true}
    %dma_start3A_16 = arith.constant 2 : i32
    %dma_start3A_17 = arith.constant 0 : i32
    %dma_start3A_18 = tpu.memref_slice %arg7[%dma_start3A_16, %dma_start3A_17] : memref<80x128xi32, #tpu.memory_space<vmem>> -> memref<1x128xi32, #tpu.memory_space<vmem>>
    %dma_start3A_19 = tpu.memref_squeeze %dma_start3A_18 : memref<1x128xi32, #tpu.memory_space<vmem>> -> memref<128xi32, #tpu.memory_space<vmem>>
    %dma_start3A_20 = arith.constant 0 : i32
    %dma_start3A_21 = arith.constant 0 : i32
    %dma_start3A_22 = tpu.memref_slice %arg6[%dma_start3A_20, %dma_start3A_21] : memref<10112x128xf32, #tpu.memory_space<vmem_shared>> -> memref<10112x128xf32, #tpu.memory_space<vmem_shared>>
    tpu.enqueue_indirect_dma source(%arg8 : memref<128x128xf32, #tpu.memory_space<vmem>>) target(%dma_start3A_22 : memref<10112x128xf32, #tpu.memory_space<vmem_shared>>) offsets(%dma_start3A_19 : memref<128xi32, #tpu.memory_space<vmem>>) semaphore(%arg11 : memref<!tpu.dma_semaphore, #tpu.memory_space<semaphore_mem>>) {add = true}
    %dma_start3A_23 = arith.constant 3 : i32
    %dma_start3A_24 = arith.constant 0 : i32
    %dma_start3A_25 = tpu.memref_slice %arg7[%dma_start3A_23, %dma_start3A_24] : memref<80x128xi32, #tpu.memory_space<vmem>> -> memref<1x128xi32, #tpu.memory_space<vmem>>
    %dma_start3A_26 = tpu.memref_squeeze %dma_start3A_25 : memref<1x128xi32, #tpu.memory_space<vmem>> -> memref<128xi32, #tpu.memory_space<vmem>>
    %dma_start3A_27 = arith.constant 0 : i32
    %dma_start3A_28 = arith.constant 0 : i32
    %dma_start3A_29 = tpu.memref_slice %arg6[%dma_start3A_27, %dma_start3A_28] : memref<10112x128xf32, #tpu.memory_space<vmem_shared>> -> memref<10112x128xf32, #tpu.memory_space<vmem_shared>>
    tpu.enqueue_indirect_dma source(%arg8 : memref<128x128xf32, #tpu.memory_space<vmem>>) target(%dma_start3A_29 : memref<10112x128xf32, #tpu.memory_space<vmem_shared>>) offsets(%dma_start3A_26 : memref<128xi32, #tpu.memory_space<vmem>>) semaphore(%arg12 : memref<!tpu.dma_semaphore, #tpu.memory_space<semaphore_mem>>) {add = true}
    %scan3A = arith.constant 0 : i32
    %scan3A_30 = arith.constant 0 : i32
    %scan3A_31 = arith.constant 20 : i32
    %scan3A_32 = arith.addi %scan3A_30, %scan3A_31 : i32
    %scan3A_33 = arith.constant 1 : i32
    scf.for %scan3A_40 = %scan3A_30 to %scan3A_32 step %scan3A_33  : i32 {
      %mul3A_41 = arith.constant 4 : i32
      %mul3A_42 = arith.muli %scan3A_40, %mul3A_41 : i32
      %add3A_43 = arith.constant 0 : i32
      %add3A_44 = arith.addi %mul3A_42, %add3A_43 : i32
      %dma_wait3A = arith.constant 0 : i32
      %dma_wait3A_45 = tpu.memref_slice %arg7[%add3A_44, %dma_wait3A] : memref<80x128xi32, #tpu.memory_space<vmem>> -> memref<1x128xi32, #tpu.memory_space<vmem>>
      %dma_wait3A_46 = tpu.memref_squeeze %dma_wait3A_45 : memref<1x128xi32, #tpu.memory_space<vmem>> -> memref<128xi32, #tpu.memory_space<vmem>>
      %dma_wait3A_47 = arith.constant 0 : i32
      %dma_wait3A_48 = arith.constant 0 : i32
      %dma_wait3A_49 = tpu.memref_slice %arg6[%dma_wait3A_47, %dma_wait3A_48] : memref<10112x128xf32, #tpu.memory_space<vmem_shared>> -> memref<10112x128xf32, #tpu.memory_space<vmem_shared>>
      tpu.wait_indirect_dma semaphore(%arg9 : memref<!tpu.dma_semaphore, #tpu.memory_space<semaphore_mem>>) src(%arg8 : memref<128x128xf32, #tpu.memory_space<vmem>>) dst(%dma_wait3A_49 : memref<10112x128xf32, #tpu.memory_space<vmem_shared>>)
      %add3A_50 = arith.constant 4 : i32
      %add3A_51 = arith.addi %add3A_44, %add3A_50 : i32
      %lt3A = arith.constant 80 : i32
      %lt3A_52 = arith.cmpi slt, %add3A_51, %lt3A : i32
      %convert_element_type3A = arith.extui %lt3A_52 : i1 to i32
      %cond3A = arith.constant 0 : i32
      %cond3A_53 = arith.cmpi ne, %convert_element_type3A, %cond3A : i32
      scf.if %cond3A_53 {
        %dma_start3A_105 = arith.constant 0 : i32
        %dma_start3A_106 = tpu.memref_slice %arg7[%add3A_51, %dma_start3A_105] : memref<80x128xi32, #tpu.memory_space<vmem>> -> memref<1x128xi32, #tpu.memory_space<vmem>>
        %dma_start3A_107 = tpu.memref_squeeze %dma_start3A_106 : memref<1x128xi32, #tpu.memory_space<vmem>> -> memref<128xi32, #tpu.memory_space<vmem>>
        %dma_start3A_108 = arith.constant 0 : i32
        %dma_start3A_109 = arith.constant 0 : i32
        %dma_start3A_110 = tpu.memref_slice %arg6[%dma_start3A_108, %dma_start3A_109] : memref<10112x128xf32, #tpu.memory_space<vmem_shared>> -> memref<10112x128xf32, #tpu.memory_space<vmem_shared>>
        tpu.enqueue_indirect_dma source(%arg8 : memref<128x128xf32, #tpu.memory_space<vmem>>) target(%dma_start3A_110 : memref<10112x128xf32, #tpu.memory_space<vmem_shared>>) offsets(%dma_start3A_107 : memref<128xi32, #tpu.memory_space<vmem>>) semaphore(%arg9 : memref<!tpu.dma_semaphore, #tpu.memory_space<semaphore_mem>>) {add = true}
      } else {
      }
      %mul3A_54 = arith.constant 4 : i32
      %mul3A_55 = arith.muli %scan3A_40, %mul3A_54 : i32
      %add3A_56 = arith.constant 1 : i32
      %add3A_57 = arith.addi %mul3A_55, %add3A_56 : i32
      %dma_wait3A_58 = arith.constant 0 : i32
      %dma_wait3A_59 = tpu.memref_slice %arg7[%add3A_57, %dma_wait3A_58] : memref<80x128xi32, #tpu.memory_space<vmem>> -> memref<1x128xi32, #tpu.memory_space<vmem>>
      %dma_wait3A_60 = tpu.memref_squeeze %dma_wait3A_59 : memref<1x128xi32, #tpu.memory_space<vmem>> -> memref<128xi32, #tpu.memory_space<vmem>>
      %dma_wait3A_61 = arith.constant 0 : i32
      %dma_wait3A_62 = arith.constant 0 : i32
      %dma_wait3A_63 = tpu.memref_slice %arg6[%dma_wait3A_61, %dma_wait3A_62] : memref<10112x128xf32, #tpu.memory_space<vmem_shared>> -> memref<10112x128xf32, #tpu.memory_space<vmem_shared>>
      tpu.wait_indirect_dma semaphore(%arg10 : memref<!tpu.dma_semaphore, #tpu.memory_space<semaphore_mem>>) src(%arg8 : memref<128x128xf32, #tpu.memory_space<vmem>>) dst(%dma_wait3A_63 : memref<10112x128xf32, #tpu.memory_space<vmem_shared>>)
      %add3A_64 = arith.constant 4 : i32
      %add3A_65 = arith.addi %add3A_57, %add3A_64 : i32
      %lt3A_66 = arith.constant 80 : i32
      %lt3A_67 = arith.cmpi slt, %add3A_65, %lt3A_66 : i32
      %convert_element_type3A_68 = arith.extui %lt3A_67 : i1 to i32
      %cond3A_69 = arith.constant 0 : i32
      %cond3A_70 = arith.cmpi ne, %convert_element_type3A_68, %cond3A_69 : i32
      scf.if %cond3A_70 {
        %dma_start3A_105 = arith.constant 0 : i32
        %dma_start3A_106 = tpu.memref_slice %arg7[%add3A_65, %dma_start3A_105] : memref<80x128xi32, #tpu.memory_space<vmem>> -> memref<1x128xi32, #tpu.memory_space<vmem>>
        %dma_start3A_107 = tpu.memref_squeeze %dma_start3A_106 : memref<1x128xi32, #tpu.memory_space<vmem>> -> memref<128xi32, #tpu.memory_space<vmem>>
        %dma_start3A_108 = arith.constant 0 : i32
        %dma_start3A_109 = arith.constant 0 : i32
        %dma_start3A_110 = tpu.memref_slice %arg6[%dma_start3A_108, %dma_start3A_109] : memref<10112x128xf32, #tpu.memory_space<vmem_shared>> -> memref<10112x128xf32, #tpu.memory_space<vmem_shared>>
        tpu.enqueue_indirect_dma source(%arg8 : memref<128x128xf32, #tpu.memory_space<vmem>>) target(%dma_start3A_110 : memref<10112x128xf32, #tpu.memory_space<vmem_shared>>) offsets(%dma_start3A_107 : memref<128xi32, #tpu.memory_space<vmem>>) semaphore(%arg10 : memref<!tpu.dma_semaphore, #tpu.memory_space<semaphore_mem>>) {add = true}
      } else {
      }
      %mul3A_71 = arith.constant 4 : i32
      %mul3A_72 = arith.muli %scan3A_40, %mul3A_71 : i32
      %add3A_73 = arith.constant 2 : i32
      %add3A_74 = arith.addi %mul3A_72, %add3A_73 : i32
      %dma_wait3A_75 = arith.constant 0 : i32
      %dma_wait3A_76 = tpu.memref_slice %arg7[%add3A_74, %dma_wait3A_75] : memref<80x128xi32, #tpu.memory_space<vmem>> -> memref<1x128xi32, #tpu.memory_space<vmem>>
      %dma_wait3A_77 = tpu.memref_squeeze %dma_wait3A_76 : memref<1x128xi32, #tpu.memory_space<vmem>> -> memref<128xi32, #tpu.memory_space<vmem>>
      %dma_wait3A_78 = arith.constant 0 : i32
      %dma_wait3A_79 = arith.constant 0 : i32
      %dma_wait3A_80 = tpu.memref_slice %arg6[%dma_wait3A_78, %dma_wait3A_79] : memref<10112x128xf32, #tpu.memory_space<vmem_shared>> -> memref<10112x128xf32, #tpu.memory_space<vmem_shared>>
      tpu.wait_indirect_dma semaphore(%arg11 : memref<!tpu.dma_semaphore, #tpu.memory_space<semaphore_mem>>) src(%arg8 : memref<128x128xf32, #tpu.memory_space<vmem>>) dst(%dma_wait3A_80 : memref<10112x128xf32, #tpu.memory_space<vmem_shared>>)
      %add3A_81 = arith.constant 4 : i32
      %add3A_82 = arith.addi %add3A_74, %add3A_81 : i32
      %lt3A_83 = arith.constant 80 : i32
      %lt3A_84 = arith.cmpi slt, %add3A_82, %lt3A_83 : i32
      %convert_element_type3A_85 = arith.extui %lt3A_84 : i1 to i32
      %cond3A_86 = arith.constant 0 : i32
      %cond3A_87 = arith.cmpi ne, %convert_element_type3A_85, %cond3A_86 : i32
      scf.if %cond3A_87 {
        %dma_start3A_105 = arith.constant 0 : i32
        %dma_start3A_106 = tpu.memref_slice %arg7[%add3A_82, %dma_start3A_105] : memref<80x128xi32, #tpu.memory_space<vmem>> -> memref<1x128xi32, #tpu.memory_space<vmem>>
        %dma_start3A_107 = tpu.memref_squeeze %dma_start3A_106 : memref<1x128xi32, #tpu.memory_space<vmem>> -> memref<128xi32, #tpu.memory_space<vmem>>
        %dma_start3A_108 = arith.constant 0 : i32
        %dma_start3A_109 = arith.constant 0 : i32
        %dma_start3A_110 = tpu.memref_slice %arg6[%dma_start3A_108, %dma_start3A_109] : memref<10112x128xf32, #tpu.memory_space<vmem_shared>> -> memref<10112x128xf32, #tpu.memory_space<vmem_shared>>
        tpu.enqueue_indirect_dma source(%arg8 : memref<128x128xf32, #tpu.memory_space<vmem>>) target(%dma_start3A_110 : memref<10112x128xf32, #tpu.memory_space<vmem_shared>>) offsets(%dma_start3A_107 : memref<128xi32, #tpu.memory_space<vmem>>) semaphore(%arg11 : memref<!tpu.dma_semaphore, #tpu.memory_space<semaphore_mem>>) {add = true}
      } else {
      }
      %mul3A_88 = arith.constant 4 : i32
      %mul3A_89 = arith.muli %scan3A_40, %mul3A_88 : i32
      %add3A_90 = arith.constant 3 : i32
      %add3A_91 = arith.addi %mul3A_89, %add3A_90 : i32
      %dma_wait3A_92 = arith.constant 0 : i32
      %dma_wait3A_93 = tpu.memref_slice %arg7[%add3A_91, %dma_wait3A_92] : memref<80x128xi32, #tpu.memory_space<vmem>> -> memref<1x128xi32, #tpu.memory_space<vmem>>
      %dma_wait3A_94 = tpu.memref_squeeze %dma_wait3A_93 : memref<1x128xi32, #tpu.memory_space<vmem>> -> memref<128xi32, #tpu.memory_space<vmem>>
      %dma_wait3A_95 = arith.constant 0 : i32
      %dma_wait3A_96 = arith.constant 0 : i32
      %dma_wait3A_97 = tpu.memref_slice %arg6[%dma_wait3A_95, %dma_wait3A_96] : memref<10112x128xf32, #tpu.memory_space<vmem_shared>> -> memref<10112x128xf32, #tpu.memory_space<vmem_shared>>
      tpu.wait_indirect_dma semaphore(%arg12 : memref<!tpu.dma_semaphore, #tpu.memory_space<semaphore_mem>>) src(%arg8 : memref<128x128xf32, #tpu.memory_space<vmem>>) dst(%dma_wait3A_97 : memref<10112x128xf32, #tpu.memory_space<vmem_shared>>)
      %add3A_98 = arith.constant 4 : i32
      %add3A_99 = arith.addi %add3A_91, %add3A_98 : i32
      %lt3A_100 = arith.constant 80 : i32
      %lt3A_101 = arith.cmpi slt, %add3A_99, %lt3A_100 : i32
      %convert_element_type3A_102 = arith.extui %lt3A_101 : i1 to i32
      %cond3A_103 = arith.constant 0 : i32
      %cond3A_104 = arith.cmpi ne, %convert_element_type3A_102, %cond3A_103 : i32
      scf.if %cond3A_104 {
        %dma_start3A_105 = arith.constant 0 : i32
        %dma_start3A_106 = tpu.memref_slice %arg7[%add3A_99, %dma_start3A_105] : memref<80x128xi32, #tpu.memory_space<vmem>> -> memref<1x128xi32, #tpu.memory_space<vmem>>
        %dma_start3A_107 = tpu.memref_squeeze %dma_start3A_106 : memref<1x128xi32, #tpu.memory_space<vmem>> -> memref<128xi32, #tpu.memory_space<vmem>>
        %dma_start3A_108 = arith.constant 0 : i32
        %dma_start3A_109 = arith.constant 0 : i32
        %dma_start3A_110 = tpu.memref_slice %arg6[%dma_start3A_108, %dma_start3A_109] : memref<10112x128xf32, #tpu.memory_space<vmem_shared>> -> memref<10112x128xf32, #tpu.memory_space<vmem_shared>>
        tpu.enqueue_indirect_dma source(%arg8 : memref<128x128xf32, #tpu.memory_space<vmem>>) target(%dma_start3A_110 : memref<10112x128xf32, #tpu.memory_space<vmem_shared>>) offsets(%dma_start3A_107 : memref<128xi32, #tpu.memory_space<vmem>>) semaphore(%arg12 : memref<!tpu.dma_semaphore, #tpu.memory_space<semaphore_mem>>) {add = true}
      } else {
      }
    }
    %scan3A_34 = arith.constant 20 : i32
    %barrier3A_35 = arith.constant 0 : index
    tpu.barrier barrier_id(%barrier3A_35)
    %mul3A_36 = arith.constant 632 : i32
    %mul3A_37 = arith.muli %arg1, %mul3A_36 : i32
    %mul3A_38 = arith.constant 632 : i32
    %mul3A_39 = arith.muli %arg1, %mul3A_38 : i32
    "tpu.region"() ({
      %run_scoped3A_40 = tpu.sem_alloc : memref<!tpu.dma_semaphore, #tpu.memory_space<semaphore_mem>>
      %dma_start3A_41 = arith.constant 0 : i32
      %dma_start3A_42 = tpu.memref_slice %arg5[%arg0, %mul3A_39, %dma_start3A_41] : memref<2x10112x128xf32, #tpu.memory_space<hbm>> -> memref<1x632x128xf32, #tpu.memory_space<hbm>>
      %dma_start3A_43 = tpu.memref_squeeze %dma_start3A_42 : memref<1x632x128xf32, #tpu.memory_space<hbm>> -> memref<632x128xf32, #tpu.memory_space<hbm>>
      %dma_start3A_44 = arith.constant 0 : i32
      %dma_start3A_45 = tpu.memref_slice %arg6[%mul3A_37, %dma_start3A_44] : memref<10112x128xf32, #tpu.memory_space<vmem_shared>> -> memref<632x128xf32, #tpu.memory_space<vmem_shared>>
      tpu.enqueue_dma source(%dma_start3A_45 : memref<632x128xf32, #tpu.memory_space<vmem_shared>>) target(%dma_start3A_43 : memref<632x128xf32, #tpu.memory_space<hbm>>) target_semaphore(%run_scoped3A_40 : memref<!tpu.dma_semaphore, #tpu.memory_space<semaphore_mem>>)
      %dma_wait3A = arith.constant 0 : i32
      %dma_wait3A_46 = tpu.memref_slice %arg5[%arg0, %mul3A_39, %dma_wait3A] : memref<2x10112x128xf32, #tpu.memory_space<hbm>> -> memref<1x632x128xf32, #tpu.memory_space<hbm>>
      %dma_wait3A_47 = tpu.memref_squeeze %dma_wait3A_46 : memref<1x632x128xf32, #tpu.memory_space<hbm>> -> memref<632x128xf32, #tpu.memory_space<hbm>>
      %dma_wait3A_48 = arith.constant 0 : i32
      %dma_wait3A_49 = tpu.memref_slice %arg6[%mul3A_37, %dma_wait3A_48] : memref<10112x128xf32, #tpu.memory_space<vmem_shared>> -> memref<632x128xf32, #tpu.memory_space<vmem_shared>>
      tpu.wait_dma2 semaphore(%run_scoped3A_40 : memref<!tpu.dma_semaphore, #tpu.memory_space<semaphore_mem>>) src(%dma_wait3A_49 : memref<632x128xf32, #tpu.memory_space<vmem_shared>>) dst(%dma_wait3A_47 : memref<632x128xf32, #tpu.memory_space<hbm>>)
      tpu.yield
    }) : () -> ()
    return
  }
}

#map = affine_map<(d0, d1) -> (0, 0)>
#map1 = affine_map<(d0, d1) -> (0, 0, 0, 0)>
#map2 = affine_map<(d0, d1) -> (0, 0, 0)>
module attributes {stable_mosaic.version = 14 : i64} {
  func.func @prop(%arg0: i32, %arg1: i32, %arg2: memref<10112x128xf32, #tpu.memory_space<hbm>>, %arg3: memref<2x32x80x128xi32, #tpu.memory_space<hbm>>, %arg4: memref<632x128xf32, #tpu.memory_space<hbm>>, %arg5: memref<2x10112x128xf32, #tpu.memory_space<hbm>>, %arg6: memref<10112x128xf32, #tpu.memory_space<vmem_shared>>, %arg7: memref<2x2x8x128xi32, #tpu.memory_space<vmem>>, %arg8: memref<128x128xf32, #tpu.memory_space<vmem>>, %arg9: memref<128x128xf32, #tpu.memory_space<vmem>>, %arg10: memref<!tpu.dma_semaphore, #tpu.memory_space<semaphore_mem>>, %arg11: memref<!tpu.dma_semaphore, #tpu.memory_space<semaphore_mem>>, %arg12: memref<!tpu.dma_semaphore, #tpu.memory_space<semaphore_mem>>, %arg13: memref<!tpu.dma_semaphore, #tpu.memory_space<semaphore_mem>>) attributes {dimension_semantics = [#tpu.dimension_semantics<core_parallel>, #tpu.dimension_semantics<subcore_parallel>], iteration_bounds = array<i64: 2, 16>, scalar_prefetch = 0 : i64, scratch_operands = 8 : i64, tpu.core_type = #tpu.core_type<sc_vector_subcore>, window_params = [{transform_indices = #map}, {transform_indices = #map1}, {transform_indices = #map}, {transform_indices = #map2}]} {
    %mul3A = arith.constant 16 : i32
    %mul3A_0 = arith.muli %arg0, %mul3A : i32
    %add3A = arith.addi %mul3A_0, %arg1 : i32
    %mul3A_1 = arith.constant 632 : i32
    %mul3A_2 = arith.muli %arg1, %mul3A_1 : i32
    "tpu.region"() ({
      %run_scoped3A = tpu.sem_alloc : memref<!tpu.dma_semaphore, #tpu.memory_space<semaphore_mem>>
      %dma_start3A_112 = arith.constant 0 : i32
      %dma_start3A_113 = tpu.memref_slice %arg6[%mul3A_2, %dma_start3A_112] : memref<10112x128xf32, #tpu.memory_space<vmem_shared>> -> memref<632x128xf32, #tpu.memory_space<vmem_shared>>
      tpu.enqueue_dma source(%arg4 : memref<632x128xf32, #tpu.memory_space<hbm>>) target(%dma_start3A_113 : memref<632x128xf32, #tpu.memory_space<vmem_shared>>) target_semaphore(%run_scoped3A : memref<!tpu.dma_semaphore, #tpu.memory_space<semaphore_mem>>)
      %dma_wait3A = arith.constant 0 : i32
      %dma_wait3A_114 = tpu.memref_slice %arg6[%mul3A_2, %dma_wait3A] : memref<10112x128xf32, #tpu.memory_space<vmem_shared>> -> memref<632x128xf32, #tpu.memory_space<vmem_shared>>
      tpu.wait_dma2 semaphore(%run_scoped3A : memref<!tpu.dma_semaphore, #tpu.memory_space<semaphore_mem>>) src(%arg4 : memref<632x128xf32, #tpu.memory_space<hbm>>) dst(%dma_wait3A_114 : memref<632x128xf32, #tpu.memory_space<vmem_shared>>)
      tpu.yield
    }) : () -> ()
    %dma_start3A = arith.constant 0 : i32
    %dma_start3A_3 = arith.constant 0 : i32
    %dma_start3A_4 = arith.constant 0 : i32
    %dma_start3A_5 = arith.constant 0 : i32
    %dma_start3A_6 = arith.constant 0 : i32
    %dma_start3A_7 = tpu.memref_slice %arg7[%dma_start3A_3, %dma_start3A_4, %dma_start3A_5, %dma_start3A_6] : memref<2x2x8x128xi32, #tpu.memory_space<vmem>> -> memref<1x1x8x128xi32, #tpu.memory_space<vmem>>
    %dma_start3A_8 = tpu.memref_squeeze %dma_start3A_7 : memref<1x1x8x128xi32, #tpu.memory_space<vmem>> -> memref<8x128xi32, #tpu.memory_space<vmem>>
    %dma_start3A_9 = arith.constant 0 : i32
    %dma_start3A_10 = arith.constant 0 : i32
    %dma_start3A_11 = tpu.memref_slice %arg3[%dma_start3A, %add3A, %dma_start3A_9, %dma_start3A_10] : memref<2x32x80x128xi32, #tpu.memory_space<hbm>> -> memref<1x1x80x128xi32, #tpu.memory_space<hbm>>
    %dma_start3A_12 = tpu.memref_squeeze %dma_start3A_11 : memref<1x1x80x128xi32, #tpu.memory_space<hbm>> -> memref<80x128xi32, #tpu.memory_space<hbm>>
    %dma_start3A_13 = arith.constant 0 : i32
    %dma_start3A_14 = arith.constant 0 : i32
    %dma_start3A_15 = tpu.memref_slice %dma_start3A_12[%dma_start3A_13, %dma_start3A_14] : memref<80x128xi32, #tpu.memory_space<hbm>> -> memref<8x128xi32, #tpu.memory_space<hbm>>
    %dma_start3A_16 = arith.constant 0 : i32
    %dma_start3A_17 = arith.constant 0 : i32
    %dma_start3A_18 = tpu.memref_slice %arg7[%dma_start3A_3, %dma_start3A_4, %dma_start3A_16, %dma_start3A_17] : memref<2x2x8x128xi32, #tpu.memory_space<vmem>> -> memref<1x1x8x128xi32, #tpu.memory_space<vmem>>
    %dma_start3A_19 = tpu.memref_squeeze %dma_start3A_18 : memref<1x1x8x128xi32, #tpu.memory_space<vmem>> -> memref<8x128xi32, #tpu.memory_space<vmem>>
    %dma_start3A_20 = arith.constant 0 : i32
    %dma_start3A_21 = arith.constant 0 : i32
    %dma_start3A_22 = tpu.memref_slice %arg3[%dma_start3A, %add3A, %dma_start3A_20, %dma_start3A_21] : memref<2x32x80x128xi32, #tpu.memory_space<hbm>> -> memref<1x1x80x128xi32, #tpu.memory_space<hbm>>
    %dma_start3A_23 = tpu.memref_squeeze %dma_start3A_22 : memref<1x1x80x128xi32, #tpu.memory_space<hbm>> -> memref<80x128xi32, #tpu.memory_space<hbm>>
    %dma_start3A_24 = arith.constant 0 : i32
    %dma_start3A_25 = arith.constant 0 : i32
    %dma_start3A_26 = tpu.memref_slice %dma_start3A_23[%dma_start3A_24, %dma_start3A_25] : memref<80x128xi32, #tpu.memory_space<hbm>> -> memref<8x128xi32, #tpu.memory_space<hbm>>
    tpu.enqueue_dma source(%dma_start3A_26 : memref<8x128xi32, #tpu.memory_space<hbm>>) target(%dma_start3A_19 : memref<8x128xi32, #tpu.memory_space<vmem>>) target_semaphore(%arg10 : memref<!tpu.dma_semaphore, #tpu.memory_space<semaphore_mem>>)
    %dma_start3A_27 = arith.constant 1 : i32
    %dma_start3A_28 = arith.constant 0 : i32
    %dma_start3A_29 = arith.constant 1 : i32
    %dma_start3A_30 = arith.constant 0 : i32
    %dma_start3A_31 = arith.constant 0 : i32
    %dma_start3A_32 = tpu.memref_slice %arg7[%dma_start3A_28, %dma_start3A_29, %dma_start3A_30, %dma_start3A_31] : memref<2x2x8x128xi32, #tpu.memory_space<vmem>> -> memref<1x1x8x128xi32, #tpu.memory_space<vmem>>
    %dma_start3A_33 = tpu.memref_squeeze %dma_start3A_32 : memref<1x1x8x128xi32, #tpu.memory_space<vmem>> -> memref<8x128xi32, #tpu.memory_space<vmem>>
    %dma_start3A_34 = arith.constant 0 : i32
    %dma_start3A_35 = arith.constant 0 : i32
    %dma_start3A_36 = tpu.memref_slice %arg3[%dma_start3A_27, %add3A, %dma_start3A_34, %dma_start3A_35] : memref<2x32x80x128xi32, #tpu.memory_space<hbm>> -> memref<1x1x80x128xi32, #tpu.memory_space<hbm>>
    %dma_start3A_37 = tpu.memref_squeeze %dma_start3A_36 : memref<1x1x80x128xi32, #tpu.memory_space<hbm>> -> memref<80x128xi32, #tpu.memory_space<hbm>>
    %dma_start3A_38 = arith.constant 0 : i32
    %dma_start3A_39 = arith.constant 0 : i32
    %dma_start3A_40 = tpu.memref_slice %dma_start3A_37[%dma_start3A_38, %dma_start3A_39] : memref<80x128xi32, #tpu.memory_space<hbm>> -> memref<8x128xi32, #tpu.memory_space<hbm>>
    %dma_start3A_41 = arith.constant 0 : i32
    %dma_start3A_42 = arith.constant 0 : i32
    %dma_start3A_43 = tpu.memref_slice %arg7[%dma_start3A_28, %dma_start3A_29, %dma_start3A_41, %dma_start3A_42] : memref<2x2x8x128xi32, #tpu.memory_space<vmem>> -> memref<1x1x8x128xi32, #tpu.memory_space<vmem>>
    %dma_start3A_44 = tpu.memref_squeeze %dma_start3A_43 : memref<1x1x8x128xi32, #tpu.memory_space<vmem>> -> memref<8x128xi32, #tpu.memory_space<vmem>>
    %dma_start3A_45 = arith.constant 0 : i32
    %dma_start3A_46 = arith.constant 0 : i32
    %dma_start3A_47 = tpu.memref_slice %arg3[%dma_start3A_27, %add3A, %dma_start3A_45, %dma_start3A_46] : memref<2x32x80x128xi32, #tpu.memory_space<hbm>> -> memref<1x1x80x128xi32, #tpu.memory_space<hbm>>
    %dma_start3A_48 = tpu.memref_squeeze %dma_start3A_47 : memref<1x1x80x128xi32, #tpu.memory_space<hbm>> -> memref<80x128xi32, #tpu.memory_space<hbm>>
    %dma_start3A_49 = arith.constant 0 : i32
    %dma_start3A_50 = arith.constant 0 : i32
    %dma_start3A_51 = tpu.memref_slice %dma_start3A_48[%dma_start3A_49, %dma_start3A_50] : memref<80x128xi32, #tpu.memory_space<hbm>> -> memref<8x128xi32, #tpu.memory_space<hbm>>
    tpu.enqueue_dma source(%dma_start3A_51 : memref<8x128xi32, #tpu.memory_space<hbm>>) target(%dma_start3A_44 : memref<8x128xi32, #tpu.memory_space<vmem>>) target_semaphore(%arg10 : memref<!tpu.dma_semaphore, #tpu.memory_space<semaphore_mem>>)
    %dma_start3A_52 = arith.constant 0 : i32
    %dma_start3A_53 = arith.constant 1 : i32
    %dma_start3A_54 = arith.constant 0 : i32
    %dma_start3A_55 = arith.constant 0 : i32
    %dma_start3A_56 = arith.constant 0 : i32
    %dma_start3A_57 = tpu.memref_slice %arg7[%dma_start3A_53, %dma_start3A_54, %dma_start3A_55, %dma_start3A_56] : memref<2x2x8x128xi32, #tpu.memory_space<vmem>> -> memref<1x1x8x128xi32, #tpu.memory_space<vmem>>
    %dma_start3A_58 = tpu.memref_squeeze %dma_start3A_57 : memref<1x1x8x128xi32, #tpu.memory_space<vmem>> -> memref<8x128xi32, #tpu.memory_space<vmem>>
    %dma_start3A_59 = arith.constant 0 : i32
    %dma_start3A_60 = arith.constant 0 : i32
    %dma_start3A_61 = tpu.memref_slice %arg3[%dma_start3A_52, %add3A, %dma_start3A_59, %dma_start3A_60] : memref<2x32x80x128xi32, #tpu.memory_space<hbm>> -> memref<1x1x80x128xi32, #tpu.memory_space<hbm>>
    %dma_start3A_62 = tpu.memref_squeeze %dma_start3A_61 : memref<1x1x80x128xi32, #tpu.memory_space<hbm>> -> memref<80x128xi32, #tpu.memory_space<hbm>>
    %dma_start3A_63 = arith.constant 8 : i32
    %dma_start3A_64 = arith.constant 0 : i32
    %dma_start3A_65 = tpu.memref_slice %dma_start3A_62[%dma_start3A_63, %dma_start3A_64] : memref<80x128xi32, #tpu.memory_space<hbm>> -> memref<8x128xi32, #tpu.memory_space<hbm>>
    %dma_start3A_66 = arith.constant 0 : i32
    %dma_start3A_67 = arith.constant 0 : i32
    %dma_start3A_68 = tpu.memref_slice %arg7[%dma_start3A_53, %dma_start3A_54, %dma_start3A_66, %dma_start3A_67] : memref<2x2x8x128xi32, #tpu.memory_space<vmem>> -> memref<1x1x8x128xi32, #tpu.memory_space<vmem>>
    %dma_start3A_69 = tpu.memref_squeeze %dma_start3A_68 : memref<1x1x8x128xi32, #tpu.memory_space<vmem>> -> memref<8x128xi32, #tpu.memory_space<vmem>>
    %dma_start3A_70 = arith.constant 0 : i32
    %dma_start3A_71 = arith.constant 0 : i32
    %dma_start3A_72 = tpu.memref_slice %arg3[%dma_start3A_52, %add3A, %dma_start3A_70, %dma_start3A_71] : memref<2x32x80x128xi32, #tpu.memory_space<hbm>> -> memref<1x1x80x128xi32, #tpu.memory_space<hbm>>
    %dma_start3A_73 = tpu.memref_squeeze %dma_start3A_72 : memref<1x1x80x128xi32, #tpu.memory_space<hbm>> -> memref<80x128xi32, #tpu.memory_space<hbm>>
    %dma_start3A_74 = arith.constant 8 : i32
    %dma_start3A_75 = arith.constant 0 : i32
    %dma_start3A_76 = tpu.memref_slice %dma_start3A_73[%dma_start3A_74, %dma_start3A_75] : memref<80x128xi32, #tpu.memory_space<hbm>> -> memref<8x128xi32, #tpu.memory_space<hbm>>
    tpu.enqueue_dma source(%dma_start3A_76 : memref<8x128xi32, #tpu.memory_space<hbm>>) target(%dma_start3A_69 : memref<8x128xi32, #tpu.memory_space<vmem>>) target_semaphore(%arg11 : memref<!tpu.dma_semaphore, #tpu.memory_space<semaphore_mem>>)
    %dma_start3A_77 = arith.constant 1 : i32
    %dma_start3A_78 = arith.constant 1 : i32
    %dma_start3A_79 = arith.constant 1 : i32
    %dma_start3A_80 = arith.constant 0 : i32
    %dma_start3A_81 = arith.constant 0 : i32
    %dma_start3A_82 = tpu.memref_slice %arg7[%dma_start3A_78, %dma_start3A_79, %dma_start3A_80, %dma_start3A_81] : memref<2x2x8x128xi32, #tpu.memory_space<vmem>> -> memref<1x1x8x128xi32, #tpu.memory_space<vmem>>
    %dma_start3A_83 = tpu.memref_squeeze %dma_start3A_82 : memref<1x1x8x128xi32, #tpu.memory_space<vmem>> -> memref<8x128xi32, #tpu.memory_space<vmem>>
    %dma_start3A_84 = arith.constant 0 : i32
    %dma_start3A_85 = arith.constant 0 : i32
    %dma_start3A_86 = tpu.memref_slice %arg3[%dma_start3A_77, %add3A, %dma_start3A_84, %dma_start3A_85] : memref<2x32x80x128xi32, #tpu.memory_space<hbm>> -> memref<1x1x80x128xi32, #tpu.memory_space<hbm>>
    %dma_start3A_87 = tpu.memref_squeeze %dma_start3A_86 : memref<1x1x80x128xi32, #tpu.memory_space<hbm>> -> memref<80x128xi32, #tpu.memory_space<hbm>>
    %dma_start3A_88 = arith.constant 8 : i32
    %dma_start3A_89 = arith.constant 0 : i32
    %dma_start3A_90 = tpu.memref_slice %dma_start3A_87[%dma_start3A_88, %dma_start3A_89] : memref<80x128xi32, #tpu.memory_space<hbm>> -> memref<8x128xi32, #tpu.memory_space<hbm>>
    %dma_start3A_91 = arith.constant 0 : i32
    %dma_start3A_92 = arith.constant 0 : i32
    %dma_start3A_93 = tpu.memref_slice %arg7[%dma_start3A_78, %dma_start3A_79, %dma_start3A_91, %dma_start3A_92] : memref<2x2x8x128xi32, #tpu.memory_space<vmem>> -> memref<1x1x8x128xi32, #tpu.memory_space<vmem>>
    %dma_start3A_94 = tpu.memref_squeeze %dma_start3A_93 : memref<1x1x8x128xi32, #tpu.memory_space<vmem>> -> memref<8x128xi32, #tpu.memory_space<vmem>>
    %dma_start3A_95 = arith.constant 0 : i32
    %dma_start3A_96 = arith.constant 0 : i32
    %dma_start3A_97 = tpu.memref_slice %arg3[%dma_start3A_77, %add3A, %dma_start3A_95, %dma_start3A_96] : memref<2x32x80x128xi32, #tpu.memory_space<hbm>> -> memref<1x1x80x128xi32, #tpu.memory_space<hbm>>
    %dma_start3A_98 = tpu.memref_squeeze %dma_start3A_97 : memref<1x1x80x128xi32, #tpu.memory_space<hbm>> -> memref<80x128xi32, #tpu.memory_space<hbm>>
    %dma_start3A_99 = arith.constant 8 : i32
    %dma_start3A_100 = arith.constant 0 : i32
    %dma_start3A_101 = tpu.memref_slice %dma_start3A_98[%dma_start3A_99, %dma_start3A_100] : memref<80x128xi32, #tpu.memory_space<hbm>> -> memref<8x128xi32, #tpu.memory_space<hbm>>
    tpu.enqueue_dma source(%dma_start3A_101 : memref<8x128xi32, #tpu.memory_space<hbm>>) target(%dma_start3A_94 : memref<8x128xi32, #tpu.memory_space<vmem>>) target_semaphore(%arg11 : memref<!tpu.dma_semaphore, #tpu.memory_space<semaphore_mem>>)
    %barrier3A = arith.constant 0 : index
    tpu.barrier barrier_id(%barrier3A)
    %scan3A = arith.constant 0 : i32
    %scan3A_102 = arith.constant 0 : i32
    %scan3A_103 = arith.constant 5 : i32
    %scan3A_104 = arith.addi %scan3A_102, %scan3A_103 : i32
    %scan3A_105 = arith.constant 1 : i32
    scf.for %scan3A_112 = %scan3A_102 to %scan3A_104 step %scan3A_105  : i32 {
      %mul3A_113 = arith.constant 2 : i32
      %mul3A_114 = arith.muli %mul3A_113, %scan3A_112 : i32
      %mul3A_115 = arith.constant 8 : i32
      %mul3A_116 = arith.muli %mul3A_114, %mul3A_115 : i32
      %mul3A_117 = arith.constant 8 : i32
      %mul3A_118 = arith.muli %mul3A_114, %mul3A_117 : i32
      %dma_wait3A = arith.constant 0 : i32
      %dma_wait3A_119 = arith.constant 0 : i32
      %dma_wait3A_120 = arith.constant 0 : i32
      %dma_wait3A_121 = arith.constant 0 : i32
      %dma_wait3A_122 = arith.constant 0 : i32
      %dma_wait3A_123 = tpu.memref_slice %arg7[%dma_wait3A_119, %dma_wait3A_120, %dma_wait3A_121, %dma_wait3A_122] : memref<2x2x8x128xi32, #tpu.memory_space<vmem>> -> memref<1x1x8x128xi32, #tpu.memory_space<vmem>>
      %dma_wait3A_124 = tpu.memref_squeeze %dma_wait3A_123 : memref<1x1x8x128xi32, #tpu.memory_space<vmem>> -> memref<8x128xi32, #tpu.memory_space<vmem>>
      %dma_wait3A_125 = arith.constant 0 : i32
      %dma_wait3A_126 = arith.constant 0 : i32
      %dma_wait3A_127 = tpu.memref_slice %arg3[%dma_wait3A, %add3A, %dma_wait3A_125, %dma_wait3A_126] : memref<2x32x80x128xi32, #tpu.memory_space<hbm>> -> memref<1x1x80x128xi32, #tpu.memory_space<hbm>>
      %dma_wait3A_128 = tpu.memref_squeeze %dma_wait3A_127 : memref<1x1x80x128xi32, #tpu.memory_space<hbm>> -> memref<80x128xi32, #tpu.memory_space<hbm>>
      %dma_wait3A_129 = arith.constant 0 : i32
      %dma_wait3A_130 = tpu.memref_slice %dma_wait3A_128[%mul3A_116, %dma_wait3A_129] : memref<80x128xi32, #tpu.memory_space<hbm>> -> memref<8x128xi32, #tpu.memory_space<hbm>>
      %dma_wait3A_131 = arith.constant 0 : i32
      %dma_wait3A_132 = arith.constant 0 : i32
      %dma_wait3A_133 = tpu.memref_slice %arg7[%dma_wait3A_119, %dma_wait3A_120, %dma_wait3A_131, %dma_wait3A_132] : memref<2x2x8x128xi32, #tpu.memory_space<vmem>> -> memref<1x1x8x128xi32, #tpu.memory_space<vmem>>
      %dma_wait3A_134 = tpu.memref_squeeze %dma_wait3A_133 : memref<1x1x8x128xi32, #tpu.memory_space<vmem>> -> memref<8x128xi32, #tpu.memory_space<vmem>>
      %dma_wait3A_135 = arith.constant 0 : i32
      %dma_wait3A_136 = arith.constant 0 : i32
      %dma_wait3A_137 = tpu.memref_slice %arg3[%dma_wait3A, %add3A, %dma_wait3A_135, %dma_wait3A_136] : memref<2x32x80x128xi32, #tpu.memory_space<hbm>> -> memref<1x1x80x128xi32, #tpu.memory_space<hbm>>
      %dma_wait3A_138 = tpu.memref_squeeze %dma_wait3A_137 : memref<1x1x80x128xi32, #tpu.memory_space<hbm>> -> memref<80x128xi32, #tpu.memory_space<hbm>>
      %dma_wait3A_139 = arith.constant 0 : i32
      %dma_wait3A_140 = tpu.memref_slice %dma_wait3A_138[%mul3A_116, %dma_wait3A_139] : memref<80x128xi32, #tpu.memory_space<hbm>> -> memref<8x128xi32, #tpu.memory_space<hbm>>
      tpu.wait_dma2 semaphore(%arg10 : memref<!tpu.dma_semaphore, #tpu.memory_space<semaphore_mem>>) src(%dma_wait3A_140 : memref<8x128xi32, #tpu.memory_space<hbm>>) dst(%dma_wait3A_134 : memref<8x128xi32, #tpu.memory_space<vmem>>)
      %dma_wait3A_141 = arith.constant 1 : i32
      %dma_wait3A_142 = arith.constant 0 : i32
      %dma_wait3A_143 = arith.constant 1 : i32
      %dma_wait3A_144 = arith.constant 0 : i32
      %dma_wait3A_145 = arith.constant 0 : i32
      %dma_wait3A_146 = tpu.memref_slice %arg7[%dma_wait3A_142, %dma_wait3A_143, %dma_wait3A_144, %dma_wait3A_145] : memref<2x2x8x128xi32, #tpu.memory_space<vmem>> -> memref<1x1x8x128xi32, #tpu.memory_space<vmem>>
      %dma_wait3A_147 = tpu.memref_squeeze %dma_wait3A_146 : memref<1x1x8x128xi32, #tpu.memory_space<vmem>> -> memref<8x128xi32, #tpu.memory_space<vmem>>
      %dma_wait3A_148 = arith.constant 0 : i32
      %dma_wait3A_149 = arith.constant 0 : i32
      %dma_wait3A_150 = tpu.memref_slice %arg3[%dma_wait3A_141, %add3A, %dma_wait3A_148, %dma_wait3A_149] : memref<2x32x80x128xi32, #tpu.memory_space<hbm>> -> memref<1x1x80x128xi32, #tpu.memory_space<hbm>>
      %dma_wait3A_151 = tpu.memref_squeeze %dma_wait3A_150 : memref<1x1x80x128xi32, #tpu.memory_space<hbm>> -> memref<80x128xi32, #tpu.memory_space<hbm>>
      %dma_wait3A_152 = arith.constant 0 : i32
      %dma_wait3A_153 = tpu.memref_slice %dma_wait3A_151[%mul3A_118, %dma_wait3A_152] : memref<80x128xi32, #tpu.memory_space<hbm>> -> memref<8x128xi32, #tpu.memory_space<hbm>>
      %dma_wait3A_154 = arith.constant 0 : i32
      %dma_wait3A_155 = arith.constant 0 : i32
      %dma_wait3A_156 = tpu.memref_slice %arg7[%dma_wait3A_142, %dma_wait3A_143, %dma_wait3A_154, %dma_wait3A_155] : memref<2x2x8x128xi32, #tpu.memory_space<vmem>> -> memref<1x1x8x128xi32, #tpu.memory_space<vmem>>
      %dma_wait3A_157 = tpu.memref_squeeze %dma_wait3A_156 : memref<1x1x8x128xi32, #tpu.memory_space<vmem>> -> memref<8x128xi32, #tpu.memory_space<vmem>>
      %dma_wait3A_158 = arith.constant 0 : i32
      %dma_wait3A_159 = arith.constant 0 : i32
      %dma_wait3A_160 = tpu.memref_slice %arg3[%dma_wait3A_141, %add3A, %dma_wait3A_158, %dma_wait3A_159] : memref<2x32x80x128xi32, #tpu.memory_space<hbm>> -> memref<1x1x80x128xi32, #tpu.memory_space<hbm>>
      %dma_wait3A_161 = tpu.memref_squeeze %dma_wait3A_160 : memref<1x1x80x128xi32, #tpu.memory_space<hbm>> -> memref<80x128xi32, #tpu.memory_space<hbm>>
      %dma_wait3A_162 = arith.constant 0 : i32
      %dma_wait3A_163 = tpu.memref_slice %dma_wait3A_161[%mul3A_118, %dma_wait3A_162] : memref<80x128xi32, #tpu.memory_space<hbm>> -> memref<8x128xi32, #tpu.memory_space<hbm>>
      tpu.wait_dma2 semaphore(%arg10 : memref<!tpu.dma_semaphore, #tpu.memory_space<semaphore_mem>>) src(%dma_wait3A_163 : memref<8x128xi32, #tpu.memory_space<hbm>>) dst(%dma_wait3A_157 : memref<8x128xi32, #tpu.memory_space<vmem>>)
      %jit3A = arith.constant 2 : i32
      %eq3A = arith.constant 0 : i32
      %eq3A_164 = arith.cmpi eq, %jit3A, %eq3A : i32
      %jit3A_165 = arith.constant 1 : i32
      %select_n3A = arith.select %eq3A_164, %jit3A_165, %jit3A : i32
      %rem3A = arith.remsi %mul3A_114, %select_n3A : i32
      %ne3A = arith.constant 0 : i32
      %ne3A_166 = arith.cmpi ne, %rem3A, %ne3A : i32
      %lt3A = arith.constant 0 : i32
      %lt3A_167 = arith.cmpi slt, %rem3A, %lt3A : i32
      %lt3A_168 = arith.constant 0 : i32
      %lt3A_169 = arith.cmpi slt, %select_n3A, %lt3A_168 : i32
      %ne3A_170 = arith.xori %lt3A_167, %lt3A_169 : i1
      %and3A = arith.andi %ne3A_170, %ne3A_166 : i1
      %add3A_171 = arith.addi %rem3A, %select_n3A : i32
      %select_n3A_172 = arith.select %and3A, %add3A_171, %rem3A : i32
      %dma_start3A_173 = arith.constant 0 : i32
      %dma_start3A_174 = arith.constant 0 : i32
      %dma_start3A_175 = arith.constant 0 : i32
      %dma_start3A_176 = tpu.memref_slice %arg7[%select_n3A_172, %dma_start3A_173, %dma_start3A_174, %dma_start3A_175] : memref<2x2x8x128xi32, #tpu.memory_space<vmem>> -> memref<1x1x1x128xi32, #tpu.memory_space<vmem>>
      %dma_start3A_177 = tpu.memref_squeeze %dma_start3A_176 : memref<1x1x1x128xi32, #tpu.memory_space<vmem>> -> memref<128xi32, #tpu.memory_space<vmem>>
      %dma_start3A_178 = arith.constant 0 : i32
      %dma_start3A_179 = arith.constant 0 : i32
      %dma_start3A_180 = tpu.memref_slice %arg2[%dma_start3A_178, %dma_start3A_179] : memref<10112x128xf32, #tpu.memory_space<hbm>> -> memref<10112x128xf32, #tpu.memory_space<hbm>>
      tpu.enqueue_indirect_dma source(%dma_start3A_180 : memref<10112x128xf32, #tpu.memory_space<hbm>>) target(%arg8 : memref<128x128xf32, #tpu.memory_space<vmem>>) offsets(%dma_start3A_177 : memref<128xi32, #tpu.memory_space<vmem>>) semaphore(%arg12 : memref<!tpu.dma_semaphore, #tpu.memory_space<semaphore_mem>>)
      %jit3A_181 = arith.constant 2 : i32
      %eq3A_182 = arith.constant 0 : i32
      %eq3A_183 = arith.cmpi eq, %jit3A_181, %eq3A_182 : i32
      %jit3A_184 = arith.constant 1 : i32
      %select_n3A_185 = arith.select %eq3A_183, %jit3A_184, %jit3A_181 : i32
      %rem3A_186 = arith.remsi %mul3A_114, %select_n3A_185 : i32
      %ne3A_187 = arith.constant 0 : i32
      %ne3A_188 = arith.cmpi ne, %rem3A_186, %ne3A_187 : i32
      %lt3A_189 = arith.constant 0 : i32
      %lt3A_190 = arith.cmpi slt, %rem3A_186, %lt3A_189 : i32
      %lt3A_191 = arith.constant 0 : i32
      %lt3A_192 = arith.cmpi slt, %select_n3A_185, %lt3A_191 : i32
      %ne3A_193 = arith.xori %lt3A_190, %lt3A_192 : i1
      %and3A_194 = arith.andi %ne3A_193, %ne3A_188 : i1
      %add3A_195 = arith.addi %rem3A_186, %select_n3A_185 : i32
      %select_n3A_196 = arith.select %and3A_194, %add3A_195, %rem3A_186 : i32
      %dma_start3A_197 = arith.constant 0 : i32
      %dma_start3A_198 = arith.constant 1 : i32
      %dma_start3A_199 = arith.constant 0 : i32
      %dma_start3A_200 = tpu.memref_slice %arg7[%select_n3A_196, %dma_start3A_197, %dma_start3A_198, %dma_start3A_199] : memref<2x2x8x128xi32, #tpu.memory_space<vmem>> -> memref<1x1x1x128xi32, #tpu.memory_space<vmem>>
      %dma_start3A_201 = tpu.memref_squeeze %dma_start3A_200 : memref<1x1x1x128xi32, #tpu.memory_space<vmem>> -> memref<128xi32, #tpu.memory_space<vmem>>
      %dma_start3A_202 = arith.constant 0 : i32
      %dma_start3A_203 = arith.constant 0 : i32
      %dma_start3A_204 = tpu.memref_slice %arg2[%dma_start3A_202, %dma_start3A_203] : memref<10112x128xf32, #tpu.memory_space<hbm>> -> memref<10112x128xf32, #tpu.memory_space<hbm>>
      tpu.enqueue_indirect_dma source(%dma_start3A_204 : memref<10112x128xf32, #tpu.memory_space<hbm>>) target(%arg9 : memref<128x128xf32, #tpu.memory_space<vmem>>) offsets(%dma_start3A_201 : memref<128xi32, #tpu.memory_space<vmem>>) semaphore(%arg13 : memref<!tpu.dma_semaphore, #tpu.memory_space<semaphore_mem>>)
      %jit3A_205 = arith.constant 2 : i32
      %eq3A_206 = arith.constant 0 : i32
      %eq3A_207 = arith.cmpi eq, %jit3A_205, %eq3A_206 : i32
      %jit3A_208 = arith.constant 1 : i32
      %select_n3A_209 = arith.select %eq3A_207, %jit3A_208, %jit3A_205 : i32
      %rem3A_210 = arith.remsi %mul3A_114, %select_n3A_209 : i32
      %ne3A_211 = arith.constant 0 : i32
      %ne3A_212 = arith.cmpi ne, %rem3A_210, %ne3A_211 : i32
      %lt3A_213 = arith.constant 0 : i32
      %lt3A_214 = arith.cmpi slt, %rem3A_210, %lt3A_213 : i32
      %lt3A_215 = arith.constant 0 : i32
      %lt3A_216 = arith.cmpi slt, %select_n3A_209, %lt3A_215 : i32
      %ne3A_217 = arith.xori %lt3A_214, %lt3A_216 : i1
      %and3A_218 = arith.andi %ne3A_217, %ne3A_212 : i1
      %add3A_219 = arith.addi %rem3A_210, %select_n3A_209 : i32
      %select_n3A_220 = arith.select %and3A_218, %add3A_219, %rem3A_210 : i32
      %dma_wait3A_221 = arith.constant 0 : i32
      %dma_wait3A_222 = arith.constant 0 : i32
      %dma_wait3A_223 = arith.constant 0 : i32
      %dma_wait3A_224 = tpu.memref_slice %arg7[%select_n3A_220, %dma_wait3A_221, %dma_wait3A_222, %dma_wait3A_223] : memref<2x2x8x128xi32, #tpu.memory_space<vmem>> -> memref<1x1x1x128xi32, #tpu.memory_space<vmem>>
      %dma_wait3A_225 = tpu.memref_squeeze %dma_wait3A_224 : memref<1x1x1x128xi32, #tpu.memory_space<vmem>> -> memref<128xi32, #tpu.memory_space<vmem>>
      %dma_wait3A_226 = arith.constant 0 : i32
      %dma_wait3A_227 = arith.constant 0 : i32
      %dma_wait3A_228 = tpu.memref_slice %arg2[%dma_wait3A_226, %dma_wait3A_227] : memref<10112x128xf32, #tpu.memory_space<hbm>> -> memref<10112x128xf32, #tpu.memory_space<hbm>>
      tpu.wait_indirect_dma semaphore(%arg12 : memref<!tpu.dma_semaphore, #tpu.memory_space<semaphore_mem>>) src(%dma_wait3A_228 : memref<10112x128xf32, #tpu.memory_space<hbm>>) dst(%arg8 : memref<128x128xf32, #tpu.memory_space<vmem>>)
      %run_scoped3A = arith.constant 0 : i32
      %run_scoped3A_229 = arith.constant 1 : i32
      %run_scoped3A_230 = arith.constant 0 : i32
      "tpu.region"() ({
        %run_scoped3A_1038 = tpu.sem_alloc : memref<!tpu.dma_semaphore, #tpu.memory_space<semaphore_mem>>
        %dma_start3A_1039 = arith.constant 0 : i32
        %dma_start3A_1040 = tpu.memref_slice %arg7[%run_scoped3A, %run_scoped3A_229, %run_scoped3A_230, %dma_start3A_1039] : memref<2x2x8x128xi32, #tpu.memory_space<vmem>> -> memref<1x1x1x128xi32, #tpu.memory_space<vmem>>
        %dma_start3A_1041 = tpu.memref_squeeze %dma_start3A_1040 : memref<1x1x1x128xi32, #tpu.memory_space<vmem>> -> memref<128xi32, #tpu.memory_space<vmem>>
        %dma_start3A_1042 = arith.constant 0 : i32
        %dma_start3A_1043 = arith.constant 0 : i32
        %dma_start3A_1044 = tpu.memref_slice %arg6[%dma_start3A_1042, %dma_start3A_1043] : memref<10112x128xf32, #tpu.memory_space<vmem_shared>> -> memref<10112x128xf32, #tpu.memory_space<vmem_shared>>
        tpu.enqueue_indirect_dma source(%arg8 : memref<128x128xf32, #tpu.memory_space<vmem>>) target(%dma_start3A_1044 : memref<10112x128xf32, #tpu.memory_space<vmem_shared>>) offsets(%dma_start3A_1041 : memref<128xi32, #tpu.memory_space<vmem>>) semaphore(%run_scoped3A_1038 : memref<!tpu.dma_semaphore, #tpu.memory_space<semaphore_mem>>) {add = true}
        %dma_wait3A_1045 = arith.constant 0 : i32
        %dma_wait3A_1046 = tpu.memref_slice %arg7[%run_scoped3A, %run_scoped3A_229, %run_scoped3A_230, %dma_wait3A_1045] : memref<2x2x8x128xi32, #tpu.memory_space<vmem>> -> memref<1x1x1x128xi32, #tpu.memory_space<vmem>>
        %dma_wait3A_1047 = tpu.memref_squeeze %dma_wait3A_1046 : memref<1x1x1x128xi32, #tpu.memory_space<vmem>> -> memref<128xi32, #tpu.memory_space<vmem>>
        %dma_wait3A_1048 = arith.constant 0 : i32
        %dma_wait3A_1049 = arith.constant 0 : i32
        %dma_wait3A_1050 = tpu.memref_slice %arg6[%dma_wait3A_1048, %dma_wait3A_1049] : memref<10112x128xf32, #tpu.memory_space<vmem_shared>> -> memref<10112x128xf32, #tpu.memory_space<vmem_shared>>
        tpu.wait_indirect_dma semaphore(%run_scoped3A_1038 : memref<!tpu.dma_semaphore, #tpu.memory_space<semaphore_mem>>) src(%arg8 : memref<128x128xf32, #tpu.memory_space<vmem>>) dst(%dma_wait3A_1050 : memref<10112x128xf32, #tpu.memory_space<vmem_shared>>)
        tpu.yield
      }) : () -> ()
      %jit3A_231 = arith.constant 2 : i32
      %eq3A_232 = arith.constant 0 : i32
      %eq3A_233 = arith.cmpi eq, %jit3A_231, %eq3A_232 : i32
      %jit3A_234 = arith.constant 1 : i32
      %select_n3A_235 = arith.select %eq3A_233, %jit3A_234, %jit3A_231 : i32
      %rem3A_236 = arith.remsi %mul3A_114, %select_n3A_235 : i32
      %ne3A_237 = arith.constant 0 : i32
      %ne3A_238 = arith.cmpi ne, %rem3A_236, %ne3A_237 : i32
      %lt3A_239 = arith.constant 0 : i32
      %lt3A_240 = arith.cmpi slt, %rem3A_236, %lt3A_239 : i32
      %lt3A_241 = arith.constant 0 : i32
      %lt3A_242 = arith.cmpi slt, %select_n3A_235, %lt3A_241 : i32
      %ne3A_243 = arith.xori %lt3A_240, %lt3A_242 : i1
      %and3A_244 = arith.andi %ne3A_243, %ne3A_238 : i1
      %add3A_245 = arith.addi %rem3A_236, %select_n3A_235 : i32
      %select_n3A_246 = arith.select %and3A_244, %add3A_245, %rem3A_236 : i32
      %dma_start3A_247 = arith.constant 0 : i32
      %dma_start3A_248 = arith.constant 2 : i32
      %dma_start3A_249 = arith.constant 0 : i32
      %dma_start3A_250 = tpu.memref_slice %arg7[%select_n3A_246, %dma_start3A_247, %dma_start3A_248, %dma_start3A_249] : memref<2x2x8x128xi32, #tpu.memory_space<vmem>> -> memref<1x1x1x128xi32, #tpu.memory_space<vmem>>
      %dma_start3A_251 = tpu.memref_squeeze %dma_start3A_250 : memref<1x1x1x128xi32, #tpu.memory_space<vmem>> -> memref<128xi32, #tpu.memory_space<vmem>>
      %dma_start3A_252 = arith.constant 0 : i32
      %dma_start3A_253 = arith.constant 0 : i32
      %dma_start3A_254 = tpu.memref_slice %arg2[%dma_start3A_252, %dma_start3A_253] : memref<10112x128xf32, #tpu.memory_space<hbm>> -> memref<10112x128xf32, #tpu.memory_space<hbm>>
      tpu.enqueue_indirect_dma source(%dma_start3A_254 : memref<10112x128xf32, #tpu.memory_space<hbm>>) target(%arg8 : memref<128x128xf32, #tpu.memory_space<vmem>>) offsets(%dma_start3A_251 : memref<128xi32, #tpu.memory_space<vmem>>) semaphore(%arg12 : memref<!tpu.dma_semaphore, #tpu.memory_space<semaphore_mem>>)
      %jit3A_255 = arith.constant 2 : i32
      %eq3A_256 = arith.constant 0 : i32
      %eq3A_257 = arith.cmpi eq, %jit3A_255, %eq3A_256 : i32
      %jit3A_258 = arith.constant 1 : i32
      %select_n3A_259 = arith.select %eq3A_257, %jit3A_258, %jit3A_255 : i32
      %rem3A_260 = arith.remsi %mul3A_114, %select_n3A_259 : i32
      %ne3A_261 = arith.constant 0 : i32
      %ne3A_262 = arith.cmpi ne, %rem3A_260, %ne3A_261 : i32
      %lt3A_263 = arith.constant 0 : i32
      %lt3A_264 = arith.cmpi slt, %rem3A_260, %lt3A_263 : i32
      %lt3A_265 = arith.constant 0 : i32
      %lt3A_266 = arith.cmpi slt, %select_n3A_259, %lt3A_265 : i32
      %ne3A_267 = arith.xori %lt3A_264, %lt3A_266 : i1
      %and3A_268 = arith.andi %ne3A_267, %ne3A_262 : i1
      %add3A_269 = arith.addi %rem3A_260, %select_n3A_259 : i32
      %select_n3A_270 = arith.select %and3A_268, %add3A_269, %rem3A_260 : i32
      %dma_wait3A_271 = arith.constant 0 : i32
      %dma_wait3A_272 = arith.constant 1 : i32
      %dma_wait3A_273 = arith.constant 0 : i32
      %dma_wait3A_274 = tpu.memref_slice %arg7[%select_n3A_270, %dma_wait3A_271, %dma_wait3A_272, %dma_wait3A_273] : memref<2x2x8x128xi32, #tpu.memory_space<vmem>> -> memref<1x1x1x128xi32, #tpu.memory_space<vmem>>
      %dma_wait3A_275 = tpu.memref_squeeze %dma_wait3A_274 : memref<1x1x1x128xi32, #tpu.memory_space<vmem>> -> memref<128xi32, #tpu.memory_space<vmem>>
      %dma_wait3A_276 = arith.constant 0 : i32
      %dma_wait3A_277 = arith.constant 0 : i32
      %dma_wait3A_278 = tpu.memref_slice %arg2[%dma_wait3A_276, %dma_wait3A_277] : memref<10112x128xf32, #tpu.memory_space<hbm>> -> memref<10112x128xf32, #tpu.memory_space<hbm>>
      tpu.wait_indirect_dma semaphore(%arg13 : memref<!tpu.dma_semaphore, #tpu.memory_space<semaphore_mem>>) src(%dma_wait3A_278 : memref<10112x128xf32, #tpu.memory_space<hbm>>) dst(%arg9 : memref<128x128xf32, #tpu.memory_space<vmem>>)
      %run_scoped3A_279 = arith.constant 0 : i32
      %run_scoped3A_280 = arith.constant 1 : i32
      %run_scoped3A_281 = arith.constant 1 : i32
      "tpu.region"() ({
        %run_scoped3A_1038 = tpu.sem_alloc : memref<!tpu.dma_semaphore, #tpu.memory_space<semaphore_mem>>
        %dma_start3A_1039 = arith.constant 0 : i32
        %dma_start3A_1040 = tpu.memref_slice %arg7[%run_scoped3A_279, %run_scoped3A_280, %run_scoped3A_281, %dma_start3A_1039] : memref<2x2x8x128xi32, #tpu.memory_space<vmem>> -> memref<1x1x1x128xi32, #tpu.memory_space<vmem>>
        %dma_start3A_1041 = tpu.memref_squeeze %dma_start3A_1040 : memref<1x1x1x128xi32, #tpu.memory_space<vmem>> -> memref<128xi32, #tpu.memory_space<vmem>>
        %dma_start3A_1042 = arith.constant 0 : i32
        %dma_start3A_1043 = arith.constant 0 : i32
        %dma_start3A_1044 = tpu.memref_slice %arg6[%dma_start3A_1042, %dma_start3A_1043] : memref<10112x128xf32, #tpu.memory_space<vmem_shared>> -> memref<10112x128xf32, #tpu.memory_space<vmem_shared>>
        tpu.enqueue_indirect_dma source(%arg9 : memref<128x128xf32, #tpu.memory_space<vmem>>) target(%dma_start3A_1044 : memref<10112x128xf32, #tpu.memory_space<vmem_shared>>) offsets(%dma_start3A_1041 : memref<128xi32, #tpu.memory_space<vmem>>) semaphore(%run_scoped3A_1038 : memref<!tpu.dma_semaphore, #tpu.memory_space<semaphore_mem>>) {add = true}
        %dma_wait3A_1045 = arith.constant 0 : i32
        %dma_wait3A_1046 = tpu.memref_slice %arg7[%run_scoped3A_279, %run_scoped3A_280, %run_scoped3A_281, %dma_wait3A_1045] : memref<2x2x8x128xi32, #tpu.memory_space<vmem>> -> memref<1x1x1x128xi32, #tpu.memory_space<vmem>>
        %dma_wait3A_1047 = tpu.memref_squeeze %dma_wait3A_1046 : memref<1x1x1x128xi32, #tpu.memory_space<vmem>> -> memref<128xi32, #tpu.memory_space<vmem>>
        %dma_wait3A_1048 = arith.constant 0 : i32
        %dma_wait3A_1049 = arith.constant 0 : i32
        %dma_wait3A_1050 = tpu.memref_slice %arg6[%dma_wait3A_1048, %dma_wait3A_1049] : memref<10112x128xf32, #tpu.memory_space<vmem_shared>> -> memref<10112x128xf32, #tpu.memory_space<vmem_shared>>
        tpu.wait_indirect_dma semaphore(%run_scoped3A_1038 : memref<!tpu.dma_semaphore, #tpu.memory_space<semaphore_mem>>) src(%arg9 : memref<128x128xf32, #tpu.memory_space<vmem>>) dst(%dma_wait3A_1050 : memref<10112x128xf32, #tpu.memory_space<vmem_shared>>)
        tpu.yield
      }) : () -> ()
      %jit3A_282 = arith.constant 2 : i32
      %eq3A_283 = arith.constant 0 : i32
      %eq3A_284 = arith.cmpi eq, %jit3A_282, %eq3A_283 : i32
      %jit3A_285 = arith.constant 1 : i32
      %select_n3A_286 = arith.select %eq3A_284, %jit3A_285, %jit3A_282 : i32
      %rem3A_287 = arith.remsi %mul3A_114, %select_n3A_286 : i32
      %ne3A_288 = arith.constant 0 : i32
      %ne3A_289 = arith.cmpi ne, %rem3A_287, %ne3A_288 : i32
      %lt3A_290 = arith.constant 0 : i32
      %lt3A_291 = arith.cmpi slt, %rem3A_287, %lt3A_290 : i32
      %lt3A_292 = arith.constant 0 : i32
      %lt3A_293 = arith.cmpi slt, %select_n3A_286, %lt3A_292 : i32
      %ne3A_294 = arith.xori %lt3A_291, %lt3A_293 : i1
      %and3A_295 = arith.andi %ne3A_294, %ne3A_289 : i1
      %add3A_296 = arith.addi %rem3A_287, %select_n3A_286 : i32
      %select_n3A_297 = arith.select %and3A_295, %add3A_296, %rem3A_287 : i32
      %dma_start3A_298 = arith.constant 0 : i32
      %dma_start3A_299 = arith.constant 3 : i32
      %dma_start3A_300 = arith.constant 0 : i32
      %dma_start3A_301 = tpu.memref_slice %arg7[%select_n3A_297, %dma_start3A_298, %dma_start3A_299, %dma_start3A_300] : memref<2x2x8x128xi32, #tpu.memory_space<vmem>> -> memref<1x1x1x128xi32, #tpu.memory_space<vmem>>
      %dma_start3A_302 = tpu.memref_squeeze %dma_start3A_301 : memref<1x1x1x128xi32, #tpu.memory_space<vmem>> -> memref<128xi32, #tpu.memory_space<vmem>>
      %dma_start3A_303 = arith.constant 0 : i32
      %dma_start3A_304 = arith.constant 0 : i32
      %dma_start3A_305 = tpu.memref_slice %arg2[%dma_start3A_303, %dma_start3A_304] : memref<10112x128xf32, #tpu.memory_space<hbm>> -> memref<10112x128xf32, #tpu.memory_space<hbm>>
      tpu.enqueue_indirect_dma source(%dma_start3A_305 : memref<10112x128xf32, #tpu.memory_space<hbm>>) target(%arg9 : memref<128x128xf32, #tpu.memory_space<vmem>>) offsets(%dma_start3A_302 : memref<128xi32, #tpu.memory_space<vmem>>) semaphore(%arg13 : memref<!tpu.dma_semaphore, #tpu.memory_space<semaphore_mem>>)
      %jit3A_306 = arith.constant 2 : i32
      %eq3A_307 = arith.constant 0 : i32
      %eq3A_308 = arith.cmpi eq, %jit3A_306, %eq3A_307 : i32
      %jit3A_309 = arith.constant 1 : i32
      %select_n3A_310 = arith.select %eq3A_308, %jit3A_309, %jit3A_306 : i32
      %rem3A_311 = arith.remsi %mul3A_114, %select_n3A_310 : i32
      %ne3A_312 = arith.constant 0 : i32
      %ne3A_313 = arith.cmpi ne, %rem3A_311, %ne3A_312 : i32
      %lt3A_314 = arith.constant 0 : i32
      %lt3A_315 = arith.cmpi slt, %rem3A_311, %lt3A_314 : i32
      %lt3A_316 = arith.constant 0 : i32
      %lt3A_317 = arith.cmpi slt, %select_n3A_310, %lt3A_316 : i32
      %ne3A_318 = arith.xori %lt3A_315, %lt3A_317 : i1
      %and3A_319 = arith.andi %ne3A_318, %ne3A_313 : i1
      %add3A_320 = arith.addi %rem3A_311, %select_n3A_310 : i32
      %select_n3A_321 = arith.select %and3A_319, %add3A_320, %rem3A_311 : i32
      %dma_wait3A_322 = arith.constant 0 : i32
      %dma_wait3A_323 = arith.constant 2 : i32
      %dma_wait3A_324 = arith.constant 0 : i32
      %dma_wait3A_325 = tpu.memref_slice %arg7[%select_n3A_321, %dma_wait3A_322, %dma_wait3A_323, %dma_wait3A_324] : memref<2x2x8x128xi32, #tpu.memory_space<vmem>> -> memref<1x1x1x128xi32, #tpu.memory_space<vmem>>
      %dma_wait3A_326 = tpu.memref_squeeze %dma_wait3A_325 : memref<1x1x1x128xi32, #tpu.memory_space<vmem>> -> memref<128xi32, #tpu.memory_space<vmem>>
      %dma_wait3A_327 = arith.constant 0 : i32
      %dma_wait3A_328 = arith.constant 0 : i32
      %dma_wait3A_329 = tpu.memref_slice %arg2[%dma_wait3A_327, %dma_wait3A_328] : memref<10112x128xf32, #tpu.memory_space<hbm>> -> memref<10112x128xf32, #tpu.memory_space<hbm>>
      tpu.wait_indirect_dma semaphore(%arg12 : memref<!tpu.dma_semaphore, #tpu.memory_space<semaphore_mem>>) src(%dma_wait3A_329 : memref<10112x128xf32, #tpu.memory_space<hbm>>) dst(%arg8 : memref<128x128xf32, #tpu.memory_space<vmem>>)
      %run_scoped3A_330 = arith.constant 0 : i32
      %run_scoped3A_331 = arith.constant 1 : i32
      %run_scoped3A_332 = arith.constant 2 : i32
      "tpu.region"() ({
        %run_scoped3A_1038 = tpu.sem_alloc : memref<!tpu.dma_semaphore, #tpu.memory_space<semaphore_mem>>
        %dma_start3A_1039 = arith.constant 0 : i32
        %dma_start3A_1040 = tpu.memref_slice %arg7[%run_scoped3A_330, %run_scoped3A_331, %run_scoped3A_332, %dma_start3A_1039] : memref<2x2x8x128xi32, #tpu.memory_space<vmem>> -> memref<1x1x1x128xi32, #tpu.memory_space<vmem>>
        %dma_start3A_1041 = tpu.memref_squeeze %dma_start3A_1040 : memref<1x1x1x128xi32, #tpu.memory_space<vmem>> -> memref<128xi32, #tpu.memory_space<vmem>>
        %dma_start3A_1042 = arith.constant 0 : i32
        %dma_start3A_1043 = arith.constant 0 : i32
        %dma_start3A_1044 = tpu.memref_slice %arg6[%dma_start3A_1042, %dma_start3A_1043] : memref<10112x128xf32, #tpu.memory_space<vmem_shared>> -> memref<10112x128xf32, #tpu.memory_space<vmem_shared>>
        tpu.enqueue_indirect_dma source(%arg8 : memref<128x128xf32, #tpu.memory_space<vmem>>) target(%dma_start3A_1044 : memref<10112x128xf32, #tpu.memory_space<vmem_shared>>) offsets(%dma_start3A_1041 : memref<128xi32, #tpu.memory_space<vmem>>) semaphore(%run_scoped3A_1038 : memref<!tpu.dma_semaphore, #tpu.memory_space<semaphore_mem>>) {add = true}
        %dma_wait3A_1045 = arith.constant 0 : i32
        %dma_wait3A_1046 = tpu.memref_slice %arg7[%run_scoped3A_330, %run_scoped3A_331, %run_scoped3A_332, %dma_wait3A_1045] : memref<2x2x8x128xi32, #tpu.memory_space<vmem>> -> memref<1x1x1x128xi32, #tpu.memory_space<vmem>>
        %dma_wait3A_1047 = tpu.memref_squeeze %dma_wait3A_1046 : memref<1x1x1x128xi32, #tpu.memory_space<vmem>> -> memref<128xi32, #tpu.memory_space<vmem>>
        %dma_wait3A_1048 = arith.constant 0 : i32
        %dma_wait3A_1049 = arith.constant 0 : i32
        %dma_wait3A_1050 = tpu.memref_slice %arg6[%dma_wait3A_1048, %dma_wait3A_1049] : memref<10112x128xf32, #tpu.memory_space<vmem_shared>> -> memref<10112x128xf32, #tpu.memory_space<vmem_shared>>
        tpu.wait_indirect_dma semaphore(%run_scoped3A_1038 : memref<!tpu.dma_semaphore, #tpu.memory_space<semaphore_mem>>) src(%arg8 : memref<128x128xf32, #tpu.memory_space<vmem>>) dst(%dma_wait3A_1050 : memref<10112x128xf32, #tpu.memory_space<vmem_shared>>)
        tpu.yield
      }) : () -> ()
      %jit3A_333 = arith.constant 2 : i32
      %eq3A_334 = arith.constant 0 : i32
      %eq3A_335 = arith.cmpi eq, %jit3A_333, %eq3A_334 : i32
      %jit3A_336 = arith.constant 1 : i32
      %select_n3A_337 = arith.select %eq3A_335, %jit3A_336, %jit3A_333 : i32
      %rem3A_338 = arith.remsi %mul3A_114, %select_n3A_337 : i32
      %ne3A_339 = arith.constant 0 : i32
      %ne3A_340 = arith.cmpi ne, %rem3A_338, %ne3A_339 : i32
      %lt3A_341 = arith.constant 0 : i32
      %lt3A_342 = arith.cmpi slt, %rem3A_338, %lt3A_341 : i32
      %lt3A_343 = arith.constant 0 : i32
      %lt3A_344 = arith.cmpi slt, %select_n3A_337, %lt3A_343 : i32
      %ne3A_345 = arith.xori %lt3A_342, %lt3A_344 : i1
      %and3A_346 = arith.andi %ne3A_345, %ne3A_340 : i1
      %add3A_347 = arith.addi %rem3A_338, %select_n3A_337 : i32
      %select_n3A_348 = arith.select %and3A_346, %add3A_347, %rem3A_338 : i32
      %dma_start3A_349 = arith.constant 0 : i32
      %dma_start3A_350 = arith.constant 4 : i32
      %dma_start3A_351 = arith.constant 0 : i32
      %dma_start3A_352 = tpu.memref_slice %arg7[%select_n3A_348, %dma_start3A_349, %dma_start3A_350, %dma_start3A_351] : memref<2x2x8x128xi32, #tpu.memory_space<vmem>> -> memref<1x1x1x128xi32, #tpu.memory_space<vmem>>
      %dma_start3A_353 = tpu.memref_squeeze %dma_start3A_352 : memref<1x1x1x128xi32, #tpu.memory_space<vmem>> -> memref<128xi32, #tpu.memory_space<vmem>>
      %dma_start3A_354 = arith.constant 0 : i32
      %dma_start3A_355 = arith.constant 0 : i32
      %dma_start3A_356 = tpu.memref_slice %arg2[%dma_start3A_354, %dma_start3A_355] : memref<10112x128xf32, #tpu.memory_space<hbm>> -> memref<10112x128xf32, #tpu.memory_space<hbm>>
      tpu.enqueue_indirect_dma source(%dma_start3A_356 : memref<10112x128xf32, #tpu.memory_space<hbm>>) target(%arg8 : memref<128x128xf32, #tpu.memory_space<vmem>>) offsets(%dma_start3A_353 : memref<128xi32, #tpu.memory_space<vmem>>) semaphore(%arg12 : memref<!tpu.dma_semaphore, #tpu.memory_space<semaphore_mem>>)
      %jit3A_357 = arith.constant 2 : i32
      %eq3A_358 = arith.constant 0 : i32
      %eq3A_359 = arith.cmpi eq, %jit3A_357, %eq3A_358 : i32
      %jit3A_360 = arith.constant 1 : i32
      %select_n3A_361 = arith.select %eq3A_359, %jit3A_360, %jit3A_357 : i32
      %rem3A_362 = arith.remsi %mul3A_114, %select_n3A_361 : i32
      %ne3A_363 = arith.constant 0 : i32
      %ne3A_364 = arith.cmpi ne, %rem3A_362, %ne3A_363 : i32
      %lt3A_365 = arith.constant 0 : i32
      %lt3A_366 = arith.cmpi slt, %rem3A_362, %lt3A_365 : i32
      %lt3A_367 = arith.constant 0 : i32
      %lt3A_368 = arith.cmpi slt, %select_n3A_361, %lt3A_367 : i32
      %ne3A_369 = arith.xori %lt3A_366, %lt3A_368 : i1
      %and3A_370 = arith.andi %ne3A_369, %ne3A_364 : i1
      %add3A_371 = arith.addi %rem3A_362, %select_n3A_361 : i32
      %select_n3A_372 = arith.select %and3A_370, %add3A_371, %rem3A_362 : i32
      %dma_wait3A_373 = arith.constant 0 : i32
      %dma_wait3A_374 = arith.constant 3 : i32
      %dma_wait3A_375 = arith.constant 0 : i32
      %dma_wait3A_376 = tpu.memref_slice %arg7[%select_n3A_372, %dma_wait3A_373, %dma_wait3A_374, %dma_wait3A_375] : memref<2x2x8x128xi32, #tpu.memory_space<vmem>> -> memref<1x1x1x128xi32, #tpu.memory_space<vmem>>
      %dma_wait3A_377 = tpu.memref_squeeze %dma_wait3A_376 : memref<1x1x1x128xi32, #tpu.memory_space<vmem>> -> memref<128xi32, #tpu.memory_space<vmem>>
      %dma_wait3A_378 = arith.constant 0 : i32
      %dma_wait3A_379 = arith.constant 0 : i32
      %dma_wait3A_380 = tpu.memref_slice %arg2[%dma_wait3A_378, %dma_wait3A_379] : memref<10112x128xf32, #tpu.memory_space<hbm>> -> memref<10112x128xf32, #tpu.memory_space<hbm>>
      tpu.wait_indirect_dma semaphore(%arg13 : memref<!tpu.dma_semaphore, #tpu.memory_space<semaphore_mem>>) src(%dma_wait3A_380 : memref<10112x128xf32, #tpu.memory_space<hbm>>) dst(%arg9 : memref<128x128xf32, #tpu.memory_space<vmem>>)
      %run_scoped3A_381 = arith.constant 0 : i32
      %run_scoped3A_382 = arith.constant 1 : i32
      %run_scoped3A_383 = arith.constant 3 : i32
      "tpu.region"() ({
        %run_scoped3A_1038 = tpu.sem_alloc : memref<!tpu.dma_semaphore, #tpu.memory_space<semaphore_mem>>
        %dma_start3A_1039 = arith.constant 0 : i32
        %dma_start3A_1040 = tpu.memref_slice %arg7[%run_scoped3A_381, %run_scoped3A_382, %run_scoped3A_383, %dma_start3A_1039] : memref<2x2x8x128xi32, #tpu.memory_space<vmem>> -> memref<1x1x1x128xi32, #tpu.memory_space<vmem>>
        %dma_start3A_1041 = tpu.memref_squeeze %dma_start3A_1040 : memref<1x1x1x128xi32, #tpu.memory_space<vmem>> -> memref<128xi32, #tpu.memory_space<vmem>>
        %dma_start3A_1042 = arith.constant 0 : i32
        %dma_start3A_1043 = arith.constant 0 : i32
        %dma_start3A_1044 = tpu.memref_slice %arg6[%dma_start3A_1042, %dma_start3A_1043] : memref<10112x128xf32, #tpu.memory_space<vmem_shared>> -> memref<10112x128xf32, #tpu.memory_space<vmem_shared>>
        tpu.enqueue_indirect_dma source(%arg9 : memref<128x128xf32, #tpu.memory_space<vmem>>) target(%dma_start3A_1044 : memref<10112x128xf32, #tpu.memory_space<vmem_shared>>) offsets(%dma_start3A_1041 : memref<128xi32, #tpu.memory_space<vmem>>) semaphore(%run_scoped3A_1038 : memref<!tpu.dma_semaphore, #tpu.memory_space<semaphore_mem>>) {add = true}
        %dma_wait3A_1045 = arith.constant 0 : i32
        %dma_wait3A_1046 = tpu.memref_slice %arg7[%run_scoped3A_381, %run_scoped3A_382, %run_scoped3A_383, %dma_wait3A_1045] : memref<2x2x8x128xi32, #tpu.memory_space<vmem>> -> memref<1x1x1x128xi32, #tpu.memory_space<vmem>>
        %dma_wait3A_1047 = tpu.memref_squeeze %dma_wait3A_1046 : memref<1x1x1x128xi32, #tpu.memory_space<vmem>> -> memref<128xi32, #tpu.memory_space<vmem>>
        %dma_wait3A_1048 = arith.constant 0 : i32
        %dma_wait3A_1049 = arith.constant 0 : i32
        %dma_wait3A_1050 = tpu.memref_slice %arg6[%dma_wait3A_1048, %dma_wait3A_1049] : memref<10112x128xf32, #tpu.memory_space<vmem_shared>> -> memref<10112x128xf32, #tpu.memory_space<vmem_shared>>
        tpu.wait_indirect_dma semaphore(%run_scoped3A_1038 : memref<!tpu.dma_semaphore, #tpu.memory_space<semaphore_mem>>) src(%arg9 : memref<128x128xf32, #tpu.memory_space<vmem>>) dst(%dma_wait3A_1050 : memref<10112x128xf32, #tpu.memory_space<vmem_shared>>)
        tpu.yield
      }) : () -> ()
      %jit3A_384 = arith.constant 2 : i32
      %eq3A_385 = arith.constant 0 : i32
      %eq3A_386 = arith.cmpi eq, %jit3A_384, %eq3A_385 : i32
      %jit3A_387 = arith.constant 1 : i32
      %select_n3A_388 = arith.select %eq3A_386, %jit3A_387, %jit3A_384 : i32
      %rem3A_389 = arith.remsi %mul3A_114, %select_n3A_388 : i32
      %ne3A_390 = arith.constant 0 : i32
      %ne3A_391 = arith.cmpi ne, %rem3A_389, %ne3A_390 : i32
      %lt3A_392 = arith.constant 0 : i32
      %lt3A_393 = arith.cmpi slt, %rem3A_389, %lt3A_392 : i32
      %lt3A_394 = arith.constant 0 : i32
      %lt3A_395 = arith.cmpi slt, %select_n3A_388, %lt3A_394 : i32
      %ne3A_396 = arith.xori %lt3A_393, %lt3A_395 : i1
      %and3A_397 = arith.andi %ne3A_396, %ne3A_391 : i1
      %add3A_398 = arith.addi %rem3A_389, %select_n3A_388 : i32
      %select_n3A_399 = arith.select %and3A_397, %add3A_398, %rem3A_389 : i32
      %dma_start3A_400 = arith.constant 0 : i32
      %dma_start3A_401 = arith.constant 5 : i32
      %dma_start3A_402 = arith.constant 0 : i32
      %dma_start3A_403 = tpu.memref_slice %arg7[%select_n3A_399, %dma_start3A_400, %dma_start3A_401, %dma_start3A_402] : memref<2x2x8x128xi32, #tpu.memory_space<vmem>> -> memref<1x1x1x128xi32, #tpu.memory_space<vmem>>
      %dma_start3A_404 = tpu.memref_squeeze %dma_start3A_403 : memref<1x1x1x128xi32, #tpu.memory_space<vmem>> -> memref<128xi32, #tpu.memory_space<vmem>>
      %dma_start3A_405 = arith.constant 0 : i32
      %dma_start3A_406 = arith.constant 0 : i32
      %dma_start3A_407 = tpu.memref_slice %arg2[%dma_start3A_405, %dma_start3A_406] : memref<10112x128xf32, #tpu.memory_space<hbm>> -> memref<10112x128xf32, #tpu.memory_space<hbm>>
      tpu.enqueue_indirect_dma source(%dma_start3A_407 : memref<10112x128xf32, #tpu.memory_space<hbm>>) target(%arg9 : memref<128x128xf32, #tpu.memory_space<vmem>>) offsets(%dma_start3A_404 : memref<128xi32, #tpu.memory_space<vmem>>) semaphore(%arg13 : memref<!tpu.dma_semaphore, #tpu.memory_space<semaphore_mem>>)
      %jit3A_408 = arith.constant 2 : i32
      %eq3A_409 = arith.constant 0 : i32
      %eq3A_410 = arith.cmpi eq, %jit3A_408, %eq3A_409 : i32
      %jit3A_411 = arith.constant 1 : i32
      %select_n3A_412 = arith.select %eq3A_410, %jit3A_411, %jit3A_408 : i32
      %rem3A_413 = arith.remsi %mul3A_114, %select_n3A_412 : i32
      %ne3A_414 = arith.constant 0 : i32
      %ne3A_415 = arith.cmpi ne, %rem3A_413, %ne3A_414 : i32
      %lt3A_416 = arith.constant 0 : i32
      %lt3A_417 = arith.cmpi slt, %rem3A_413, %lt3A_416 : i32
      %lt3A_418 = arith.constant 0 : i32
      %lt3A_419 = arith.cmpi slt, %select_n3A_412, %lt3A_418 : i32
      %ne3A_420 = arith.xori %lt3A_417, %lt3A_419 : i1
      %and3A_421 = arith.andi %ne3A_420, %ne3A_415 : i1
      %add3A_422 = arith.addi %rem3A_413, %select_n3A_412 : i32
      %select_n3A_423 = arith.select %and3A_421, %add3A_422, %rem3A_413 : i32
      %dma_wait3A_424 = arith.constant 0 : i32
      %dma_wait3A_425 = arith.constant 4 : i32
      %dma_wait3A_426 = arith.constant 0 : i32
      %dma_wait3A_427 = tpu.memref_slice %arg7[%select_n3A_423, %dma_wait3A_424, %dma_wait3A_425, %dma_wait3A_426] : memref<2x2x8x128xi32, #tpu.memory_space<vmem>> -> memref<1x1x1x128xi32, #tpu.memory_space<vmem>>
      %dma_wait3A_428 = tpu.memref_squeeze %dma_wait3A_427 : memref<1x1x1x128xi32, #tpu.memory_space<vmem>> -> memref<128xi32, #tpu.memory_space<vmem>>
      %dma_wait3A_429 = arith.constant 0 : i32
      %dma_wait3A_430 = arith.constant 0 : i32
      %dma_wait3A_431 = tpu.memref_slice %arg2[%dma_wait3A_429, %dma_wait3A_430] : memref<10112x128xf32, #tpu.memory_space<hbm>> -> memref<10112x128xf32, #tpu.memory_space<hbm>>
      tpu.wait_indirect_dma semaphore(%arg12 : memref<!tpu.dma_semaphore, #tpu.memory_space<semaphore_mem>>) src(%dma_wait3A_431 : memref<10112x128xf32, #tpu.memory_space<hbm>>) dst(%arg8 : memref<128x128xf32, #tpu.memory_space<vmem>>)
      %run_scoped3A_432 = arith.constant 0 : i32
      %run_scoped3A_433 = arith.constant 1 : i32
      %run_scoped3A_434 = arith.constant 4 : i32
      "tpu.region"() ({
        %run_scoped3A_1038 = tpu.sem_alloc : memref<!tpu.dma_semaphore, #tpu.memory_space<semaphore_mem>>
        %dma_start3A_1039 = arith.constant 0 : i32
        %dma_start3A_1040 = tpu.memref_slice %arg7[%run_scoped3A_432, %run_scoped3A_433, %run_scoped3A_434, %dma_start3A_1039] : memref<2x2x8x128xi32, #tpu.memory_space<vmem>> -> memref<1x1x1x128xi32, #tpu.memory_space<vmem>>
        %dma_start3A_1041 = tpu.memref_squeeze %dma_start3A_1040 : memref<1x1x1x128xi32, #tpu.memory_space<vmem>> -> memref<128xi32, #tpu.memory_space<vmem>>
        %dma_start3A_1042 = arith.constant 0 : i32
        %dma_start3A_1043 = arith.constant 0 : i32
        %dma_start3A_1044 = tpu.memref_slice %arg6[%dma_start3A_1042, %dma_start3A_1043] : memref<10112x128xf32, #tpu.memory_space<vmem_shared>> -> memref<10112x128xf32, #tpu.memory_space<vmem_shared>>
        tpu.enqueue_indirect_dma source(%arg8 : memref<128x128xf32, #tpu.memory_space<vmem>>) target(%dma_start3A_1044 : memref<10112x128xf32, #tpu.memory_space<vmem_shared>>) offsets(%dma_start3A_1041 : memref<128xi32, #tpu.memory_space<vmem>>) semaphore(%run_scoped3A_1038 : memref<!tpu.dma_semaphore, #tpu.memory_space<semaphore_mem>>) {add = true}
        %dma_wait3A_1045 = arith.constant 0 : i32
        %dma_wait3A_1046 = tpu.memref_slice %arg7[%run_scoped3A_432, %run_scoped3A_433, %run_scoped3A_434, %dma_wait3A_1045] : memref<2x2x8x128xi32, #tpu.memory_space<vmem>> -> memref<1x1x1x128xi32, #tpu.memory_space<vmem>>
        %dma_wait3A_1047 = tpu.memref_squeeze %dma_wait3A_1046 : memref<1x1x1x128xi32, #tpu.memory_space<vmem>> -> memref<128xi32, #tpu.memory_space<vmem>>
        %dma_wait3A_1048 = arith.constant 0 : i32
        %dma_wait3A_1049 = arith.constant 0 : i32
        %dma_wait3A_1050 = tpu.memref_slice %arg6[%dma_wait3A_1048, %dma_wait3A_1049] : memref<10112x128xf32, #tpu.memory_space<vmem_shared>> -> memref<10112x128xf32, #tpu.memory_space<vmem_shared>>
        tpu.wait_indirect_dma semaphore(%run_scoped3A_1038 : memref<!tpu.dma_semaphore, #tpu.memory_space<semaphore_mem>>) src(%arg8 : memref<128x128xf32, #tpu.memory_space<vmem>>) dst(%dma_wait3A_1050 : memref<10112x128xf32, #tpu.memory_space<vmem_shared>>)
        tpu.yield
      }) : () -> ()
      %jit3A_435 = arith.constant 2 : i32
      %eq3A_436 = arith.constant 0 : i32
      %eq3A_437 = arith.cmpi eq, %jit3A_435, %eq3A_436 : i32
      %jit3A_438 = arith.constant 1 : i32
      %select_n3A_439 = arith.select %eq3A_437, %jit3A_438, %jit3A_435 : i32
      %rem3A_440 = arith.remsi %mul3A_114, %select_n3A_439 : i32
      %ne3A_441 = arith.constant 0 : i32
      %ne3A_442 = arith.cmpi ne, %rem3A_440, %ne3A_441 : i32
      %lt3A_443 = arith.constant 0 : i32
      %lt3A_444 = arith.cmpi slt, %rem3A_440, %lt3A_443 : i32
      %lt3A_445 = arith.constant 0 : i32
      %lt3A_446 = arith.cmpi slt, %select_n3A_439, %lt3A_445 : i32
      %ne3A_447 = arith.xori %lt3A_444, %lt3A_446 : i1
      %and3A_448 = arith.andi %ne3A_447, %ne3A_442 : i1
      %add3A_449 = arith.addi %rem3A_440, %select_n3A_439 : i32
      %select_n3A_450 = arith.select %and3A_448, %add3A_449, %rem3A_440 : i32
      %dma_start3A_451 = arith.constant 0 : i32
      %dma_start3A_452 = arith.constant 6 : i32
      %dma_start3A_453 = arith.constant 0 : i32
      %dma_start3A_454 = tpu.memref_slice %arg7[%select_n3A_450, %dma_start3A_451, %dma_start3A_452, %dma_start3A_453] : memref<2x2x8x128xi32, #tpu.memory_space<vmem>> -> memref<1x1x1x128xi32, #tpu.memory_space<vmem>>
      %dma_start3A_455 = tpu.memref_squeeze %dma_start3A_454 : memref<1x1x1x128xi32, #tpu.memory_space<vmem>> -> memref<128xi32, #tpu.memory_space<vmem>>
      %dma_start3A_456 = arith.constant 0 : i32
      %dma_start3A_457 = arith.constant 0 : i32
      %dma_start3A_458 = tpu.memref_slice %arg2[%dma_start3A_456, %dma_start3A_457] : memref<10112x128xf32, #tpu.memory_space<hbm>> -> memref<10112x128xf32, #tpu.memory_space<hbm>>
      tpu.enqueue_indirect_dma source(%dma_start3A_458 : memref<10112x128xf32, #tpu.memory_space<hbm>>) target(%arg8 : memref<128x128xf32, #tpu.memory_space<vmem>>) offsets(%dma_start3A_455 : memref<128xi32, #tpu.memory_space<vmem>>) semaphore(%arg12 : memref<!tpu.dma_semaphore, #tpu.memory_space<semaphore_mem>>)
      %jit3A_459 = arith.constant 2 : i32
      %eq3A_460 = arith.constant 0 : i32
      %eq3A_461 = arith.cmpi eq, %jit3A_459, %eq3A_460 : i32
      %jit3A_462 = arith.constant 1 : i32
      %select_n3A_463 = arith.select %eq3A_461, %jit3A_462, %jit3A_459 : i32
      %rem3A_464 = arith.remsi %mul3A_114, %select_n3A_463 : i32
      %ne3A_465 = arith.constant 0 : i32
      %ne3A_466 = arith.cmpi ne, %rem3A_464, %ne3A_465 : i32
      %lt3A_467 = arith.constant 0 : i32
      %lt3A_468 = arith.cmpi slt, %rem3A_464, %lt3A_467 : i32
      %lt3A_469 = arith.constant 0 : i32
      %lt3A_470 = arith.cmpi slt, %select_n3A_463, %lt3A_469 : i32
      %ne3A_471 = arith.xori %lt3A_468, %lt3A_470 : i1
      %and3A_472 = arith.andi %ne3A_471, %ne3A_466 : i1
      %add3A_473 = arith.addi %rem3A_464, %select_n3A_463 : i32
      %select_n3A_474 = arith.select %and3A_472, %add3A_473, %rem3A_464 : i32
      %dma_wait3A_475 = arith.constant 0 : i32
      %dma_wait3A_476 = arith.constant 5 : i32
      %dma_wait3A_477 = arith.constant 0 : i32
      %dma_wait3A_478 = tpu.memref_slice %arg7[%select_n3A_474, %dma_wait3A_475, %dma_wait3A_476, %dma_wait3A_477] : memref<2x2x8x128xi32, #tpu.memory_space<vmem>> -> memref<1x1x1x128xi32, #tpu.memory_space<vmem>>
      %dma_wait3A_479 = tpu.memref_squeeze %dma_wait3A_478 : memref<1x1x1x128xi32, #tpu.memory_space<vmem>> -> memref<128xi32, #tpu.memory_space<vmem>>
      %dma_wait3A_480 = arith.constant 0 : i32
      %dma_wait3A_481 = arith.constant 0 : i32
      %dma_wait3A_482 = tpu.memref_slice %arg2[%dma_wait3A_480, %dma_wait3A_481] : memref<10112x128xf32, #tpu.memory_space<hbm>> -> memref<10112x128xf32, #tpu.memory_space<hbm>>
      tpu.wait_indirect_dma semaphore(%arg13 : memref<!tpu.dma_semaphore, #tpu.memory_space<semaphore_mem>>) src(%dma_wait3A_482 : memref<10112x128xf32, #tpu.memory_space<hbm>>) dst(%arg9 : memref<128x128xf32, #tpu.memory_space<vmem>>)
      %run_scoped3A_483 = arith.constant 0 : i32
      %run_scoped3A_484 = arith.constant 1 : i32
      %run_scoped3A_485 = arith.constant 5 : i32
      "tpu.region"() ({
        %run_scoped3A_1038 = tpu.sem_alloc : memref<!tpu.dma_semaphore, #tpu.memory_space<semaphore_mem>>
        %dma_start3A_1039 = arith.constant 0 : i32
        %dma_start3A_1040 = tpu.memref_slice %arg7[%run_scoped3A_483, %run_scoped3A_484, %run_scoped3A_485, %dma_start3A_1039] : memref<2x2x8x128xi32, #tpu.memory_space<vmem>> -> memref<1x1x1x128xi32, #tpu.memory_space<vmem>>
        %dma_start3A_1041 = tpu.memref_squeeze %dma_start3A_1040 : memref<1x1x1x128xi32, #tpu.memory_space<vmem>> -> memref<128xi32, #tpu.memory_space<vmem>>
        %dma_start3A_1042 = arith.constant 0 : i32
        %dma_start3A_1043 = arith.constant 0 : i32
        %dma_start3A_1044 = tpu.memref_slice %arg6[%dma_start3A_1042, %dma_start3A_1043] : memref<10112x128xf32, #tpu.memory_space<vmem_shared>> -> memref<10112x128xf32, #tpu.memory_space<vmem_shared>>
        tpu.enqueue_indirect_dma source(%arg9 : memref<128x128xf32, #tpu.memory_space<vmem>>) target(%dma_start3A_1044 : memref<10112x128xf32, #tpu.memory_space<vmem_shared>>) offsets(%dma_start3A_1041 : memref<128xi32, #tpu.memory_space<vmem>>) semaphore(%run_scoped3A_1038 : memref<!tpu.dma_semaphore, #tpu.memory_space<semaphore_mem>>) {add = true}
        %dma_wait3A_1045 = arith.constant 0 : i32
        %dma_wait3A_1046 = tpu.memref_slice %arg7[%run_scoped3A_483, %run_scoped3A_484, %run_scoped3A_485, %dma_wait3A_1045] : memref<2x2x8x128xi32, #tpu.memory_space<vmem>> -> memref<1x1x1x128xi32, #tpu.memory_space<vmem>>
        %dma_wait3A_1047 = tpu.memref_squeeze %dma_wait3A_1046 : memref<1x1x1x128xi32, #tpu.memory_space<vmem>> -> memref<128xi32, #tpu.memory_space<vmem>>
        %dma_wait3A_1048 = arith.constant 0 : i32
        %dma_wait3A_1049 = arith.constant 0 : i32
        %dma_wait3A_1050 = tpu.memref_slice %arg6[%dma_wait3A_1048, %dma_wait3A_1049] : memref<10112x128xf32, #tpu.memory_space<vmem_shared>> -> memref<10112x128xf32, #tpu.memory_space<vmem_shared>>
        tpu.wait_indirect_dma semaphore(%run_scoped3A_1038 : memref<!tpu.dma_semaphore, #tpu.memory_space<semaphore_mem>>) src(%arg9 : memref<128x128xf32, #tpu.memory_space<vmem>>) dst(%dma_wait3A_1050 : memref<10112x128xf32, #tpu.memory_space<vmem_shared>>)
        tpu.yield
      }) : () -> ()
      %jit3A_486 = arith.constant 2 : i32
      %eq3A_487 = arith.constant 0 : i32
      %eq3A_488 = arith.cmpi eq, %jit3A_486, %eq3A_487 : i32
      %jit3A_489 = arith.constant 1 : i32
      %select_n3A_490 = arith.select %eq3A_488, %jit3A_489, %jit3A_486 : i32
      %rem3A_491 = arith.remsi %mul3A_114, %select_n3A_490 : i32
      %ne3A_492 = arith.constant 0 : i32
      %ne3A_493 = arith.cmpi ne, %rem3A_491, %ne3A_492 : i32
      %lt3A_494 = arith.constant 0 : i32
      %lt3A_495 = arith.cmpi slt, %rem3A_491, %lt3A_494 : i32
      %lt3A_496 = arith.constant 0 : i32
      %lt3A_497 = arith.cmpi slt, %select_n3A_490, %lt3A_496 : i32
      %ne3A_498 = arith.xori %lt3A_495, %lt3A_497 : i1
      %and3A_499 = arith.andi %ne3A_498, %ne3A_493 : i1
      %add3A_500 = arith.addi %rem3A_491, %select_n3A_490 : i32
      %select_n3A_501 = arith.select %and3A_499, %add3A_500, %rem3A_491 : i32
      %dma_start3A_502 = arith.constant 0 : i32
      %dma_start3A_503 = arith.constant 7 : i32
      %dma_start3A_504 = arith.constant 0 : i32
      %dma_start3A_505 = tpu.memref_slice %arg7[%select_n3A_501, %dma_start3A_502, %dma_start3A_503, %dma_start3A_504] : memref<2x2x8x128xi32, #tpu.memory_space<vmem>> -> memref<1x1x1x128xi32, #tpu.memory_space<vmem>>
      %dma_start3A_506 = tpu.memref_squeeze %dma_start3A_505 : memref<1x1x1x128xi32, #tpu.memory_space<vmem>> -> memref<128xi32, #tpu.memory_space<vmem>>
      %dma_start3A_507 = arith.constant 0 : i32
      %dma_start3A_508 = arith.constant 0 : i32
      %dma_start3A_509 = tpu.memref_slice %arg2[%dma_start3A_507, %dma_start3A_508] : memref<10112x128xf32, #tpu.memory_space<hbm>> -> memref<10112x128xf32, #tpu.memory_space<hbm>>
      tpu.enqueue_indirect_dma source(%dma_start3A_509 : memref<10112x128xf32, #tpu.memory_space<hbm>>) target(%arg9 : memref<128x128xf32, #tpu.memory_space<vmem>>) offsets(%dma_start3A_506 : memref<128xi32, #tpu.memory_space<vmem>>) semaphore(%arg13 : memref<!tpu.dma_semaphore, #tpu.memory_space<semaphore_mem>>)
      %jit3A_510 = arith.constant 2 : i32
      %eq3A_511 = arith.constant 0 : i32
      %eq3A_512 = arith.cmpi eq, %jit3A_510, %eq3A_511 : i32
      %jit3A_513 = arith.constant 1 : i32
      %select_n3A_514 = arith.select %eq3A_512, %jit3A_513, %jit3A_510 : i32
      %rem3A_515 = arith.remsi %mul3A_114, %select_n3A_514 : i32
      %ne3A_516 = arith.constant 0 : i32
      %ne3A_517 = arith.cmpi ne, %rem3A_515, %ne3A_516 : i32
      %lt3A_518 = arith.constant 0 : i32
      %lt3A_519 = arith.cmpi slt, %rem3A_515, %lt3A_518 : i32
      %lt3A_520 = arith.constant 0 : i32
      %lt3A_521 = arith.cmpi slt, %select_n3A_514, %lt3A_520 : i32
      %ne3A_522 = arith.xori %lt3A_519, %lt3A_521 : i1
      %and3A_523 = arith.andi %ne3A_522, %ne3A_517 : i1
      %add3A_524 = arith.addi %rem3A_515, %select_n3A_514 : i32
      %select_n3A_525 = arith.select %and3A_523, %add3A_524, %rem3A_515 : i32
      %dma_wait3A_526 = arith.constant 0 : i32
      %dma_wait3A_527 = arith.constant 6 : i32
      %dma_wait3A_528 = arith.constant 0 : i32
      %dma_wait3A_529 = tpu.memref_slice %arg7[%select_n3A_525, %dma_wait3A_526, %dma_wait3A_527, %dma_wait3A_528] : memref<2x2x8x128xi32, #tpu.memory_space<vmem>> -> memref<1x1x1x128xi32, #tpu.memory_space<vmem>>
      %dma_wait3A_530 = tpu.memref_squeeze %dma_wait3A_529 : memref<1x1x1x128xi32, #tpu.memory_space<vmem>> -> memref<128xi32, #tpu.memory_space<vmem>>
      %dma_wait3A_531 = arith.constant 0 : i32
      %dma_wait3A_532 = arith.constant 0 : i32
      %dma_wait3A_533 = tpu.memref_slice %arg2[%dma_wait3A_531, %dma_wait3A_532] : memref<10112x128xf32, #tpu.memory_space<hbm>> -> memref<10112x128xf32, #tpu.memory_space<hbm>>
      tpu.wait_indirect_dma semaphore(%arg12 : memref<!tpu.dma_semaphore, #tpu.memory_space<semaphore_mem>>) src(%dma_wait3A_533 : memref<10112x128xf32, #tpu.memory_space<hbm>>) dst(%arg8 : memref<128x128xf32, #tpu.memory_space<vmem>>)
      %run_scoped3A_534 = arith.constant 0 : i32
      %run_scoped3A_535 = arith.constant 1 : i32
      %run_scoped3A_536 = arith.constant 6 : i32
      "tpu.region"() ({
        %run_scoped3A_1038 = tpu.sem_alloc : memref<!tpu.dma_semaphore, #tpu.memory_space<semaphore_mem>>
        %dma_start3A_1039 = arith.constant 0 : i32
        %dma_start3A_1040 = tpu.memref_slice %arg7[%run_scoped3A_534, %run_scoped3A_535, %run_scoped3A_536, %dma_start3A_1039] : memref<2x2x8x128xi32, #tpu.memory_space<vmem>> -> memref<1x1x1x128xi32, #tpu.memory_space<vmem>>
        %dma_start3A_1041 = tpu.memref_squeeze %dma_start3A_1040 : memref<1x1x1x128xi32, #tpu.memory_space<vmem>> -> memref<128xi32, #tpu.memory_space<vmem>>
        %dma_start3A_1042 = arith.constant 0 : i32
        %dma_start3A_1043 = arith.constant 0 : i32
        %dma_start3A_1044 = tpu.memref_slice %arg6[%dma_start3A_1042, %dma_start3A_1043] : memref<10112x128xf32, #tpu.memory_space<vmem_shared>> -> memref<10112x128xf32, #tpu.memory_space<vmem_shared>>
        tpu.enqueue_indirect_dma source(%arg8 : memref<128x128xf32, #tpu.memory_space<vmem>>) target(%dma_start3A_1044 : memref<10112x128xf32, #tpu.memory_space<vmem_shared>>) offsets(%dma_start3A_1041 : memref<128xi32, #tpu.memory_space<vmem>>) semaphore(%run_scoped3A_1038 : memref<!tpu.dma_semaphore, #tpu.memory_space<semaphore_mem>>) {add = true}
        %dma_wait3A_1045 = arith.constant 0 : i32
        %dma_wait3A_1046 = tpu.memref_slice %arg7[%run_scoped3A_534, %run_scoped3A_535, %run_scoped3A_536, %dma_wait3A_1045] : memref<2x2x8x128xi32, #tpu.memory_space<vmem>> -> memref<1x1x1x128xi32, #tpu.memory_space<vmem>>
        %dma_wait3A_1047 = tpu.memref_squeeze %dma_wait3A_1046 : memref<1x1x1x128xi32, #tpu.memory_space<vmem>> -> memref<128xi32, #tpu.memory_space<vmem>>
        %dma_wait3A_1048 = arith.constant 0 : i32
        %dma_wait3A_1049 = arith.constant 0 : i32
        %dma_wait3A_1050 = tpu.memref_slice %arg6[%dma_wait3A_1048, %dma_wait3A_1049] : memref<10112x128xf32, #tpu.memory_space<vmem_shared>> -> memref<10112x128xf32, #tpu.memory_space<vmem_shared>>
        tpu.wait_indirect_dma semaphore(%run_scoped3A_1038 : memref<!tpu.dma_semaphore, #tpu.memory_space<semaphore_mem>>) src(%arg8 : memref<128x128xf32, #tpu.memory_space<vmem>>) dst(%dma_wait3A_1050 : memref<10112x128xf32, #tpu.memory_space<vmem_shared>>)
        tpu.yield
      }) : () -> ()
      %jit3A_537 = arith.constant 2 : i32
      %eq3A_538 = arith.constant 0 : i32
      %eq3A_539 = arith.cmpi eq, %jit3A_537, %eq3A_538 : i32
      %jit3A_540 = arith.constant 1 : i32
      %select_n3A_541 = arith.select %eq3A_539, %jit3A_540, %jit3A_537 : i32
      %rem3A_542 = arith.remsi %mul3A_114, %select_n3A_541 : i32
      %ne3A_543 = arith.constant 0 : i32
      %ne3A_544 = arith.cmpi ne, %rem3A_542, %ne3A_543 : i32
      %lt3A_545 = arith.constant 0 : i32
      %lt3A_546 = arith.cmpi slt, %rem3A_542, %lt3A_545 : i32
      %lt3A_547 = arith.constant 0 : i32
      %lt3A_548 = arith.cmpi slt, %select_n3A_541, %lt3A_547 : i32
      %ne3A_549 = arith.xori %lt3A_546, %lt3A_548 : i1
      %and3A_550 = arith.andi %ne3A_549, %ne3A_544 : i1
      %add3A_551 = arith.addi %rem3A_542, %select_n3A_541 : i32
      %select_n3A_552 = arith.select %and3A_550, %add3A_551, %rem3A_542 : i32
      %dma_wait3A_553 = arith.constant 0 : i32
      %dma_wait3A_554 = arith.constant 7 : i32
      %dma_wait3A_555 = arith.constant 0 : i32
      %dma_wait3A_556 = tpu.memref_slice %arg7[%select_n3A_552, %dma_wait3A_553, %dma_wait3A_554, %dma_wait3A_555] : memref<2x2x8x128xi32, #tpu.memory_space<vmem>> -> memref<1x1x1x128xi32, #tpu.memory_space<vmem>>
      %dma_wait3A_557 = tpu.memref_squeeze %dma_wait3A_556 : memref<1x1x1x128xi32, #tpu.memory_space<vmem>> -> memref<128xi32, #tpu.memory_space<vmem>>
      %dma_wait3A_558 = arith.constant 0 : i32
      %dma_wait3A_559 = arith.constant 0 : i32
      %dma_wait3A_560 = tpu.memref_slice %arg2[%dma_wait3A_558, %dma_wait3A_559] : memref<10112x128xf32, #tpu.memory_space<hbm>> -> memref<10112x128xf32, #tpu.memory_space<hbm>>
      tpu.wait_indirect_dma semaphore(%arg13 : memref<!tpu.dma_semaphore, #tpu.memory_space<semaphore_mem>>) src(%dma_wait3A_560 : memref<10112x128xf32, #tpu.memory_space<hbm>>) dst(%arg9 : memref<128x128xf32, #tpu.memory_space<vmem>>)
      %run_scoped3A_561 = arith.constant 0 : i32
      %run_scoped3A_562 = arith.constant 1 : i32
      %run_scoped3A_563 = arith.constant 7 : i32
      "tpu.region"() ({
        %run_scoped3A_1038 = tpu.sem_alloc : memref<!tpu.dma_semaphore, #tpu.memory_space<semaphore_mem>>
        %dma_start3A_1039 = arith.constant 0 : i32
        %dma_start3A_1040 = tpu.memref_slice %arg7[%run_scoped3A_561, %run_scoped3A_562, %run_scoped3A_563, %dma_start3A_1039] : memref<2x2x8x128xi32, #tpu.memory_space<vmem>> -> memref<1x1x1x128xi32, #tpu.memory_space<vmem>>
        %dma_start3A_1041 = tpu.memref_squeeze %dma_start3A_1040 : memref<1x1x1x128xi32, #tpu.memory_space<vmem>> -> memref<128xi32, #tpu.memory_space<vmem>>
        %dma_start3A_1042 = arith.constant 0 : i32
        %dma_start3A_1043 = arith.constant 0 : i32
        %dma_start3A_1044 = tpu.memref_slice %arg6[%dma_start3A_1042, %dma_start3A_1043] : memref<10112x128xf32, #tpu.memory_space<vmem_shared>> -> memref<10112x128xf32, #tpu.memory_space<vmem_shared>>
        tpu.enqueue_indirect_dma source(%arg9 : memref<128x128xf32, #tpu.memory_space<vmem>>) target(%dma_start3A_1044 : memref<10112x128xf32, #tpu.memory_space<vmem_shared>>) offsets(%dma_start3A_1041 : memref<128xi32, #tpu.memory_space<vmem>>) semaphore(%run_scoped3A_1038 : memref<!tpu.dma_semaphore, #tpu.memory_space<semaphore_mem>>) {add = true}
        %dma_wait3A_1045 = arith.constant 0 : i32
        %dma_wait3A_1046 = tpu.memref_slice %arg7[%run_scoped3A_561, %run_scoped3A_562, %run_scoped3A_563, %dma_wait3A_1045] : memref<2x2x8x128xi32, #tpu.memory_space<vmem>> -> memref<1x1x1x128xi32, #tpu.memory_space<vmem>>
        %dma_wait3A_1047 = tpu.memref_squeeze %dma_wait3A_1046 : memref<1x1x1x128xi32, #tpu.memory_space<vmem>> -> memref<128xi32, #tpu.memory_space<vmem>>
        %dma_wait3A_1048 = arith.constant 0 : i32
        %dma_wait3A_1049 = arith.constant 0 : i32
        %dma_wait3A_1050 = tpu.memref_slice %arg6[%dma_wait3A_1048, %dma_wait3A_1049] : memref<10112x128xf32, #tpu.memory_space<vmem_shared>> -> memref<10112x128xf32, #tpu.memory_space<vmem_shared>>
        tpu.wait_indirect_dma semaphore(%run_scoped3A_1038 : memref<!tpu.dma_semaphore, #tpu.memory_space<semaphore_mem>>) src(%arg9 : memref<128x128xf32, #tpu.memory_space<vmem>>) dst(%dma_wait3A_1050 : memref<10112x128xf32, #tpu.memory_space<vmem_shared>>)
        tpu.yield
      }) : () -> ()
      %add3A_564 = arith.constant 2 : i32
      %add3A_565 = arith.addi %mul3A_114, %add3A_564 : i32
      %lt3A_566 = arith.constant 10 : i32
      %lt3A_567 = arith.cmpi slt, %add3A_565, %lt3A_566 : i32
      %convert_element_type3A = arith.extui %lt3A_567 : i1 to i32
      %cond3A = arith.constant 0 : i32
      %cond3A_568 = arith.cmpi ne, %convert_element_type3A, %cond3A : i32
      scf.if %cond3A_568 {
        %add3A_1038 = arith.constant 2 : i32
        %add3A_1039 = arith.addi %mul3A_114, %add3A_1038 : i32
        %mul3A_1040 = arith.constant 8 : i32
        %mul3A_1041 = arith.muli %add3A_1039, %mul3A_1040 : i32
        %mul3A_1042 = arith.constant 8 : i32
        %mul3A_1043 = arith.muli %add3A_1039, %mul3A_1042 : i32
        %dma_start3A_1044 = arith.constant 0 : i32
        %dma_start3A_1045 = arith.constant 0 : i32
        %dma_start3A_1046 = arith.constant 0 : i32
        %dma_start3A_1047 = arith.constant 0 : i32
        %dma_start3A_1048 = arith.constant 0 : i32
        %dma_start3A_1049 = tpu.memref_slice %arg7[%dma_start3A_1045, %dma_start3A_1046, %dma_start3A_1047, %dma_start3A_1048] : memref<2x2x8x128xi32, #tpu.memory_space<vmem>> -> memref<1x1x8x128xi32, #tpu.memory_space<vmem>>
        %dma_start3A_1050 = tpu.memref_squeeze %dma_start3A_1049 : memref<1x1x8x128xi32, #tpu.memory_space<vmem>> -> memref<8x128xi32, #tpu.memory_space<vmem>>
        %dma_start3A_1051 = arith.constant 0 : i32
        %dma_start3A_1052 = arith.constant 0 : i32
        %dma_start3A_1053 = tpu.memref_slice %arg3[%dma_start3A_1044, %add3A, %dma_start3A_1051, %dma_start3A_1052] : memref<2x32x80x128xi32, #tpu.memory_space<hbm>> -> memref<1x1x80x128xi32, #tpu.memory_space<hbm>>
        %dma_start3A_1054 = tpu.memref_squeeze %dma_start3A_1053 : memref<1x1x80x128xi32, #tpu.memory_space<hbm>> -> memref<80x128xi32, #tpu.memory_space<hbm>>
        %dma_start3A_1055 = arith.constant 0 : i32
        %dma_start3A_1056 = tpu.memref_slice %dma_start3A_1054[%mul3A_1041, %dma_start3A_1055] : memref<80x128xi32, #tpu.memory_space<hbm>> -> memref<8x128xi32, #tpu.memory_space<hbm>>
        %dma_start3A_1057 = arith.constant 0 : i32
        %dma_start3A_1058 = arith.constant 0 : i32
        %dma_start3A_1059 = tpu.memref_slice %arg7[%dma_start3A_1045, %dma_start3A_1046, %dma_start3A_1057, %dma_start3A_1058] : memref<2x2x8x128xi32, #tpu.memory_space<vmem>> -> memref<1x1x8x128xi32, #tpu.memory_space<vmem>>
        %dma_start3A_1060 = tpu.memref_squeeze %dma_start3A_1059 : memref<1x1x8x128xi32, #tpu.memory_space<vmem>> -> memref<8x128xi32, #tpu.memory_space<vmem>>
        %dma_start3A_1061 = arith.constant 0 : i32
        %dma_start3A_1062 = arith.constant 0 : i32
        %dma_start3A_1063 = tpu.memref_slice %arg3[%dma_start3A_1044, %add3A, %dma_start3A_1061, %dma_start3A_1062] : memref<2x32x80x128xi32, #tpu.memory_space<hbm>> -> memref<1x1x80x128xi32, #tpu.memory_space<hbm>>
        %dma_start3A_1064 = tpu.memref_squeeze %dma_start3A_1063 : memref<1x1x80x128xi32, #tpu.memory_space<hbm>> -> memref<80x128xi32, #tpu.memory_space<hbm>>
        %dma_start3A_1065 = arith.constant 0 : i32
        %dma_start3A_1066 = tpu.memref_slice %dma_start3A_1064[%mul3A_1041, %dma_start3A_1065] : memref<80x128xi32, #tpu.memory_space<hbm>> -> memref<8x128xi32, #tpu.memory_space<hbm>>
        tpu.enqueue_dma source(%dma_start3A_1066 : memref<8x128xi32, #tpu.memory_space<hbm>>) target(%dma_start3A_1060 : memref<8x128xi32, #tpu.memory_space<vmem>>) target_semaphore(%arg10 : memref<!tpu.dma_semaphore, #tpu.memory_space<semaphore_mem>>)
        %dma_start3A_1067 = arith.constant 1 : i32
        %dma_start3A_1068 = arith.constant 0 : i32
        %dma_start3A_1069 = arith.constant 1 : i32
        %dma_start3A_1070 = arith.constant 0 : i32
        %dma_start3A_1071 = arith.constant 0 : i32
        %dma_start3A_1072 = tpu.memref_slice %arg7[%dma_start3A_1068, %dma_start3A_1069, %dma_start3A_1070, %dma_start3A_1071] : memref<2x2x8x128xi32, #tpu.memory_space<vmem>> -> memref<1x1x8x128xi32, #tpu.memory_space<vmem>>
        %dma_start3A_1073 = tpu.memref_squeeze %dma_start3A_1072 : memref<1x1x8x128xi32, #tpu.memory_space<vmem>> -> memref<8x128xi32, #tpu.memory_space<vmem>>
        %dma_start3A_1074 = arith.constant 0 : i32
        %dma_start3A_1075 = arith.constant 0 : i32
        %dma_start3A_1076 = tpu.memref_slice %arg3[%dma_start3A_1067, %add3A, %dma_start3A_1074, %dma_start3A_1075] : memref<2x32x80x128xi32, #tpu.memory_space<hbm>> -> memref<1x1x80x128xi32, #tpu.memory_space<hbm>>
        %dma_start3A_1077 = tpu.memref_squeeze %dma_start3A_1076 : memref<1x1x80x128xi32, #tpu.memory_space<hbm>> -> memref<80x128xi32, #tpu.memory_space<hbm>>
        %dma_start3A_1078 = arith.constant 0 : i32
        %dma_start3A_1079 = tpu.memref_slice %dma_start3A_1077[%mul3A_1043, %dma_start3A_1078] : memref<80x128xi32, #tpu.memory_space<hbm>> -> memref<8x128xi32, #tpu.memory_space<hbm>>
        %dma_start3A_1080 = arith.constant 0 : i32
        %dma_start3A_1081 = arith.constant 0 : i32
        %dma_start3A_1082 = tpu.memref_slice %arg7[%dma_start3A_1068, %dma_start3A_1069, %dma_start3A_1080, %dma_start3A_1081] : memref<2x2x8x128xi32, #tpu.memory_space<vmem>> -> memref<1x1x8x128xi32, #tpu.memory_space<vmem>>
        %dma_start3A_1083 = tpu.memref_squeeze %dma_start3A_1082 : memref<1x1x8x128xi32, #tpu.memory_space<vmem>> -> memref<8x128xi32, #tpu.memory_space<vmem>>
        %dma_start3A_1084 = arith.constant 0 : i32
        %dma_start3A_1085 = arith.constant 0 : i32
        %dma_start3A_1086 = tpu.memref_slice %arg3[%dma_start3A_1067, %add3A, %dma_start3A_1084, %dma_start3A_1085] : memref<2x32x80x128xi32, #tpu.memory_space<hbm>> -> memref<1x1x80x128xi32, #tpu.memory_space<hbm>>
        %dma_start3A_1087 = tpu.memref_squeeze %dma_start3A_1086 : memref<1x1x80x128xi32, #tpu.memory_space<hbm>> -> memref<80x128xi32, #tpu.memory_space<hbm>>
        %dma_start3A_1088 = arith.constant 0 : i32
        %dma_start3A_1089 = tpu.memref_slice %dma_start3A_1087[%mul3A_1043, %dma_start3A_1088] : memref<80x128xi32, #tpu.memory_space<hbm>> -> memref<8x128xi32, #tpu.memory_space<hbm>>
        tpu.enqueue_dma source(%dma_start3A_1089 : memref<8x128xi32, #tpu.memory_space<hbm>>) target(%dma_start3A_1083 : memref<8x128xi32, #tpu.memory_space<vmem>>) target_semaphore(%arg10 : memref<!tpu.dma_semaphore, #tpu.memory_space<semaphore_mem>>)
      } else {
      }
      %mul3A_569 = arith.constant 2 : i32
      %mul3A_570 = arith.muli %mul3A_569, %scan3A_112 : i32
      %add3A_571 = arith.constant 1 : i32
      %add3A_572 = arith.addi %mul3A_570, %add3A_571 : i32
      %mul3A_573 = arith.constant 8 : i32
      %mul3A_574 = arith.muli %add3A_572, %mul3A_573 : i32
      %mul3A_575 = arith.constant 8 : i32
      %mul3A_576 = arith.muli %add3A_572, %mul3A_575 : i32
      %dma_wait3A_577 = arith.constant 0 : i32
      %dma_wait3A_578 = arith.constant 1 : i32
      %dma_wait3A_579 = arith.constant 0 : i32
      %dma_wait3A_580 = arith.constant 0 : i32
      %dma_wait3A_581 = arith.constant 0 : i32
      %dma_wait3A_582 = tpu.memref_slice %arg7[%dma_wait3A_578, %dma_wait3A_579, %dma_wait3A_580, %dma_wait3A_581] : memref<2x2x8x128xi32, #tpu.memory_space<vmem>> -> memref<1x1x8x128xi32, #tpu.memory_space<vmem>>
      %dma_wait3A_583 = tpu.memref_squeeze %dma_wait3A_582 : memref<1x1x8x128xi32, #tpu.memory_space<vmem>> -> memref<8x128xi32, #tpu.memory_space<vmem>>
      %dma_wait3A_584 = arith.constant 0 : i32
      %dma_wait3A_585 = arith.constant 0 : i32
      %dma_wait3A_586 = tpu.memref_slice %arg3[%dma_wait3A_577, %add3A, %dma_wait3A_584, %dma_wait3A_585] : memref<2x32x80x128xi32, #tpu.memory_space<hbm>> -> memref<1x1x80x128xi32, #tpu.memory_space<hbm>>
      %dma_wait3A_587 = tpu.memref_squeeze %dma_wait3A_586 : memref<1x1x80x128xi32, #tpu.memory_space<hbm>> -> memref<80x128xi32, #tpu.memory_space<hbm>>
      %dma_wait3A_588 = arith.constant 0 : i32
      %dma_wait3A_589 = tpu.memref_slice %dma_wait3A_587[%mul3A_574, %dma_wait3A_588] : memref<80x128xi32, #tpu.memory_space<hbm>> -> memref<8x128xi32, #tpu.memory_space<hbm>>
      %dma_wait3A_590 = arith.constant 0 : i32
      %dma_wait3A_591 = arith.constant 0 : i32
      %dma_wait3A_592 = tpu.memref_slice %arg7[%dma_wait3A_578, %dma_wait3A_579, %dma_wait3A_590, %dma_wait3A_591] : memref<2x2x8x128xi32, #tpu.memory_space<vmem>> -> memref<1x1x8x128xi32, #tpu.memory_space<vmem>>
      %dma_wait3A_593 = tpu.memref_squeeze %dma_wait3A_592 : memref<1x1x8x128xi32, #tpu.memory_space<vmem>> -> memref<8x128xi32, #tpu.memory_space<vmem>>
      %dma_wait3A_594 = arith.constant 0 : i32
      %dma_wait3A_595 = arith.constant 0 : i32
      %dma_wait3A_596 = tpu.memref_slice %arg3[%dma_wait3A_577, %add3A, %dma_wait3A_594, %dma_wait3A_595] : memref<2x32x80x128xi32, #tpu.memory_space<hbm>> -> memref<1x1x80x128xi32, #tpu.memory_space<hbm>>
      %dma_wait3A_597 = tpu.memref_squeeze %dma_wait3A_596 : memref<1x1x80x128xi32, #tpu.memory_space<hbm>> -> memref<80x128xi32, #tpu.memory_space<hbm>>
      %dma_wait3A_598 = arith.constant 0 : i32
      %dma_wait3A_599 = tpu.memref_slice %dma_wait3A_597[%mul3A_574, %dma_wait3A_598] : memref<80x128xi32, #tpu.memory_space<hbm>> -> memref<8x128xi32, #tpu.memory_space<hbm>>
      tpu.wait_dma2 semaphore(%arg11 : memref<!tpu.dma_semaphore, #tpu.memory_space<semaphore_mem>>) src(%dma_wait3A_599 : memref<8x128xi32, #tpu.memory_space<hbm>>) dst(%dma_wait3A_593 : memref<8x128xi32, #tpu.memory_space<vmem>>)
      %dma_wait3A_600 = arith.constant 1 : i32
      %dma_wait3A_601 = arith.constant 1 : i32
      %dma_wait3A_602 = arith.constant 1 : i32
      %dma_wait3A_603 = arith.constant 0 : i32
      %dma_wait3A_604 = arith.constant 0 : i32
      %dma_wait3A_605 = tpu.memref_slice %arg7[%dma_wait3A_601, %dma_wait3A_602, %dma_wait3A_603, %dma_wait3A_604] : memref<2x2x8x128xi32, #tpu.memory_space<vmem>> -> memref<1x1x8x128xi32, #tpu.memory_space<vmem>>
      %dma_wait3A_606 = tpu.memref_squeeze %dma_wait3A_605 : memref<1x1x8x128xi32, #tpu.memory_space<vmem>> -> memref<8x128xi32, #tpu.memory_space<vmem>>
      %dma_wait3A_607 = arith.constant 0 : i32
      %dma_wait3A_608 = arith.constant 0 : i32
      %dma_wait3A_609 = tpu.memref_slice %arg3[%dma_wait3A_600, %add3A, %dma_wait3A_607, %dma_wait3A_608] : memref<2x32x80x128xi32, #tpu.memory_space<hbm>> -> memref<1x1x80x128xi32, #tpu.memory_space<hbm>>
      %dma_wait3A_610 = tpu.memref_squeeze %dma_wait3A_609 : memref<1x1x80x128xi32, #tpu.memory_space<hbm>> -> memref<80x128xi32, #tpu.memory_space<hbm>>
      %dma_wait3A_611 = arith.constant 0 : i32
      %dma_wait3A_612 = tpu.memref_slice %dma_wait3A_610[%mul3A_576, %dma_wait3A_611] : memref<80x128xi32, #tpu.memory_space<hbm>> -> memref<8x128xi32, #tpu.memory_space<hbm>>
      %dma_wait3A_613 = arith.constant 0 : i32
      %dma_wait3A_614 = arith.constant 0 : i32
      %dma_wait3A_615 = tpu.memref_slice %arg7[%dma_wait3A_601, %dma_wait3A_602, %dma_wait3A_613, %dma_wait3A_614] : memref<2x2x8x128xi32, #tpu.memory_space<vmem>> -> memref<1x1x8x128xi32, #tpu.memory_space<vmem>>
      %dma_wait3A_616 = tpu.memref_squeeze %dma_wait3A_615 : memref<1x1x8x128xi32, #tpu.memory_space<vmem>> -> memref<8x128xi32, #tpu.memory_space<vmem>>
      %dma_wait3A_617 = arith.constant 0 : i32
      %dma_wait3A_618 = arith.constant 0 : i32
      %dma_wait3A_619 = tpu.memref_slice %arg3[%dma_wait3A_600, %add3A, %dma_wait3A_617, %dma_wait3A_618] : memref<2x32x80x128xi32, #tpu.memory_space<hbm>> -> memref<1x1x80x128xi32, #tpu.memory_space<hbm>>
      %dma_wait3A_620 = tpu.memref_squeeze %dma_wait3A_619 : memref<1x1x80x128xi32, #tpu.memory_space<hbm>> -> memref<80x128xi32, #tpu.memory_space<hbm>>
      %dma_wait3A_621 = arith.constant 0 : i32
      %dma_wait3A_622 = tpu.memref_slice %dma_wait3A_620[%mul3A_576, %dma_wait3A_621] : memref<80x128xi32, #tpu.memory_space<hbm>> -> memref<8x128xi32, #tpu.memory_space<hbm>>
      tpu.wait_dma2 semaphore(%arg11 : memref<!tpu.dma_semaphore, #tpu.memory_space<semaphore_mem>>) src(%dma_wait3A_622 : memref<8x128xi32, #tpu.memory_space<hbm>>) dst(%dma_wait3A_616 : memref<8x128xi32, #tpu.memory_space<vmem>>)
      %jit3A_623 = arith.constant 2 : i32
      %eq3A_624 = arith.constant 0 : i32
      %eq3A_625 = arith.cmpi eq, %jit3A_623, %eq3A_624 : i32
      %jit3A_626 = arith.constant 1 : i32
      %select_n3A_627 = arith.select %eq3A_625, %jit3A_626, %jit3A_623 : i32
      %rem3A_628 = arith.remsi %add3A_572, %select_n3A_627 : i32
      %ne3A_629 = arith.constant 0 : i32
      %ne3A_630 = arith.cmpi ne, %rem3A_628, %ne3A_629 : i32
      %lt3A_631 = arith.constant 0 : i32
      %lt3A_632 = arith.cmpi slt, %rem3A_628, %lt3A_631 : i32
      %lt3A_633 = arith.constant 0 : i32
      %lt3A_634 = arith.cmpi slt, %select_n3A_627, %lt3A_633 : i32
      %ne3A_635 = arith.xori %lt3A_632, %lt3A_634 : i1
      %and3A_636 = arith.andi %ne3A_635, %ne3A_630 : i1
      %add3A_637 = arith.addi %rem3A_628, %select_n3A_627 : i32
      %select_n3A_638 = arith.select %and3A_636, %add3A_637, %rem3A_628 : i32
      %dma_start3A_639 = arith.constant 0 : i32
      %dma_start3A_640 = arith.constant 0 : i32
      %dma_start3A_641 = arith.constant 0 : i32
      %dma_start3A_642 = tpu.memref_slice %arg7[%select_n3A_638, %dma_start3A_639, %dma_start3A_640, %dma_start3A_641] : memref<2x2x8x128xi32, #tpu.memory_space<vmem>> -> memref<1x1x1x128xi32, #tpu.memory_space<vmem>>
      %dma_start3A_643 = tpu.memref_squeeze %dma_start3A_642 : memref<1x1x1x128xi32, #tpu.memory_space<vmem>> -> memref<128xi32, #tpu.memory_space<vmem>>
      %dma_start3A_644 = arith.constant 0 : i32
      %dma_start3A_645 = arith.constant 0 : i32
      %dma_start3A_646 = tpu.memref_slice %arg2[%dma_start3A_644, %dma_start3A_645] : memref<10112x128xf32, #tpu.memory_space<hbm>> -> memref<10112x128xf32, #tpu.memory_space<hbm>>
      tpu.enqueue_indirect_dma source(%dma_start3A_646 : memref<10112x128xf32, #tpu.memory_space<hbm>>) target(%arg8 : memref<128x128xf32, #tpu.memory_space<vmem>>) offsets(%dma_start3A_643 : memref<128xi32, #tpu.memory_space<vmem>>) semaphore(%arg12 : memref<!tpu.dma_semaphore, #tpu.memory_space<semaphore_mem>>)
      %jit3A_647 = arith.constant 2 : i32
      %eq3A_648 = arith.constant 0 : i32
      %eq3A_649 = arith.cmpi eq, %jit3A_647, %eq3A_648 : i32
      %jit3A_650 = arith.constant 1 : i32
      %select_n3A_651 = arith.select %eq3A_649, %jit3A_650, %jit3A_647 : i32
      %rem3A_652 = arith.remsi %add3A_572, %select_n3A_651 : i32
      %ne3A_653 = arith.constant 0 : i32
      %ne3A_654 = arith.cmpi ne, %rem3A_652, %ne3A_653 : i32
      %lt3A_655 = arith.constant 0 : i32
      %lt3A_656 = arith.cmpi slt, %rem3A_652, %lt3A_655 : i32
      %lt3A_657 = arith.constant 0 : i32
      %lt3A_658 = arith.cmpi slt, %select_n3A_651, %lt3A_657 : i32
      %ne3A_659 = arith.xori %lt3A_656, %lt3A_658 : i1
      %and3A_660 = arith.andi %ne3A_659, %ne3A_654 : i1
      %add3A_661 = arith.addi %rem3A_652, %select_n3A_651 : i32
      %select_n3A_662 = arith.select %and3A_660, %add3A_661, %rem3A_652 : i32
      %dma_start3A_663 = arith.constant 0 : i32
      %dma_start3A_664 = arith.constant 1 : i32
      %dma_start3A_665 = arith.constant 0 : i32
      %dma_start3A_666 = tpu.memref_slice %arg7[%select_n3A_662, %dma_start3A_663, %dma_start3A_664, %dma_start3A_665] : memref<2x2x8x128xi32, #tpu.memory_space<vmem>> -> memref<1x1x1x128xi32, #tpu.memory_space<vmem>>
      %dma_start3A_667 = tpu.memref_squeeze %dma_start3A_666 : memref<1x1x1x128xi32, #tpu.memory_space<vmem>> -> memref<128xi32, #tpu.memory_space<vmem>>
      %dma_start3A_668 = arith.constant 0 : i32
      %dma_start3A_669 = arith.constant 0 : i32
      %dma_start3A_670 = tpu.memref_slice %arg2[%dma_start3A_668, %dma_start3A_669] : memref<10112x128xf32, #tpu.memory_space<hbm>> -> memref<10112x128xf32, #tpu.memory_space<hbm>>
      tpu.enqueue_indirect_dma source(%dma_start3A_670 : memref<10112x128xf32, #tpu.memory_space<hbm>>) target(%arg9 : memref<128x128xf32, #tpu.memory_space<vmem>>) offsets(%dma_start3A_667 : memref<128xi32, #tpu.memory_space<vmem>>) semaphore(%arg13 : memref<!tpu.dma_semaphore, #tpu.memory_space<semaphore_mem>>)
      %jit3A_671 = arith.constant 2 : i32
      %eq3A_672 = arith.constant 0 : i32
      %eq3A_673 = arith.cmpi eq, %jit3A_671, %eq3A_672 : i32
      %jit3A_674 = arith.constant 1 : i32
      %select_n3A_675 = arith.select %eq3A_673, %jit3A_674, %jit3A_671 : i32
      %rem3A_676 = arith.remsi %add3A_572, %select_n3A_675 : i32
      %ne3A_677 = arith.constant 0 : i32
      %ne3A_678 = arith.cmpi ne, %rem3A_676, %ne3A_677 : i32
      %lt3A_679 = arith.constant 0 : i32
      %lt3A_680 = arith.cmpi slt, %rem3A_676, %lt3A_679 : i32
      %lt3A_681 = arith.constant 0 : i32
      %lt3A_682 = arith.cmpi slt, %select_n3A_675, %lt3A_681 : i32
      %ne3A_683 = arith.xori %lt3A_680, %lt3A_682 : i1
      %and3A_684 = arith.andi %ne3A_683, %ne3A_678 : i1
      %add3A_685 = arith.addi %rem3A_676, %select_n3A_675 : i32
      %select_n3A_686 = arith.select %and3A_684, %add3A_685, %rem3A_676 : i32
      %dma_wait3A_687 = arith.constant 0 : i32
      %dma_wait3A_688 = arith.constant 0 : i32
      %dma_wait3A_689 = arith.constant 0 : i32
      %dma_wait3A_690 = tpu.memref_slice %arg7[%select_n3A_686, %dma_wait3A_687, %dma_wait3A_688, %dma_wait3A_689] : memref<2x2x8x128xi32, #tpu.memory_space<vmem>> -> memref<1x1x1x128xi32, #tpu.memory_space<vmem>>
      %dma_wait3A_691 = tpu.memref_squeeze %dma_wait3A_690 : memref<1x1x1x128xi32, #tpu.memory_space<vmem>> -> memref<128xi32, #tpu.memory_space<vmem>>
      %dma_wait3A_692 = arith.constant 0 : i32
      %dma_wait3A_693 = arith.constant 0 : i32
      %dma_wait3A_694 = tpu.memref_slice %arg2[%dma_wait3A_692, %dma_wait3A_693] : memref<10112x128xf32, #tpu.memory_space<hbm>> -> memref<10112x128xf32, #tpu.memory_space<hbm>>
      tpu.wait_indirect_dma semaphore(%arg12 : memref<!tpu.dma_semaphore, #tpu.memory_space<semaphore_mem>>) src(%dma_wait3A_694 : memref<10112x128xf32, #tpu.memory_space<hbm>>) dst(%arg8 : memref<128x128xf32, #tpu.memory_space<vmem>>)
      %run_scoped3A_695 = arith.constant 1 : i32
      %run_scoped3A_696 = arith.constant 1 : i32
      %run_scoped3A_697 = arith.constant 0 : i32
      "tpu.region"() ({
        %run_scoped3A_1038 = tpu.sem_alloc : memref<!tpu.dma_semaphore, #tpu.memory_space<semaphore_mem>>
        %dma_start3A_1039 = arith.constant 0 : i32
        %dma_start3A_1040 = tpu.memref_slice %arg7[%run_scoped3A_695, %run_scoped3A_696, %run_scoped3A_697, %dma_start3A_1039] : memref<2x2x8x128xi32, #tpu.memory_space<vmem>> -> memref<1x1x1x128xi32, #tpu.memory_space<vmem>>
        %dma_start3A_1041 = tpu.memref_squeeze %dma_start3A_1040 : memref<1x1x1x128xi32, #tpu.memory_space<vmem>> -> memref<128xi32, #tpu.memory_space<vmem>>
        %dma_start3A_1042 = arith.constant 0 : i32
        %dma_start3A_1043 = arith.constant 0 : i32
        %dma_start3A_1044 = tpu.memref_slice %arg6[%dma_start3A_1042, %dma_start3A_1043] : memref<10112x128xf32, #tpu.memory_space<vmem_shared>> -> memref<10112x128xf32, #tpu.memory_space<vmem_shared>>
        tpu.enqueue_indirect_dma source(%arg8 : memref<128x128xf32, #tpu.memory_space<vmem>>) target(%dma_start3A_1044 : memref<10112x128xf32, #tpu.memory_space<vmem_shared>>) offsets(%dma_start3A_1041 : memref<128xi32, #tpu.memory_space<vmem>>) semaphore(%run_scoped3A_1038 : memref<!tpu.dma_semaphore, #tpu.memory_space<semaphore_mem>>) {add = true}
        %dma_wait3A_1045 = arith.constant 0 : i32
        %dma_wait3A_1046 = tpu.memref_slice %arg7[%run_scoped3A_695, %run_scoped3A_696, %run_scoped3A_697, %dma_wait3A_1045] : memref<2x2x8x128xi32, #tpu.memory_space<vmem>> -> memref<1x1x1x128xi32, #tpu.memory_space<vmem>>
        %dma_wait3A_1047 = tpu.memref_squeeze %dma_wait3A_1046 : memref<1x1x1x128xi32, #tpu.memory_space<vmem>> -> memref<128xi32, #tpu.memory_space<vmem>>
        %dma_wait3A_1048 = arith.constant 0 : i32
        %dma_wait3A_1049 = arith.constant 0 : i32
        %dma_wait3A_1050 = tpu.memref_slice %arg6[%dma_wait3A_1048, %dma_wait3A_1049] : memref<10112x128xf32, #tpu.memory_space<vmem_shared>> -> memref<10112x128xf32, #tpu.memory_space<vmem_shared>>
        tpu.wait_indirect_dma semaphore(%run_scoped3A_1038 : memref<!tpu.dma_semaphore, #tpu.memory_space<semaphore_mem>>) src(%arg8 : memref<128x128xf32, #tpu.memory_space<vmem>>) dst(%dma_wait3A_1050 : memref<10112x128xf32, #tpu.memory_space<vmem_shared>>)
        tpu.yield
      }) : () -> ()
      %jit3A_698 = arith.constant 2 : i32
      %eq3A_699 = arith.constant 0 : i32
      %eq3A_700 = arith.cmpi eq, %jit3A_698, %eq3A_699 : i32
      %jit3A_701 = arith.constant 1 : i32
      %select_n3A_702 = arith.select %eq3A_700, %jit3A_701, %jit3A_698 : i32
      %rem3A_703 = arith.remsi %add3A_572, %select_n3A_702 : i32
      %ne3A_704 = arith.constant 0 : i32
      %ne3A_705 = arith.cmpi ne, %rem3A_703, %ne3A_704 : i32
      %lt3A_706 = arith.constant 0 : i32
      %lt3A_707 = arith.cmpi slt, %rem3A_703, %lt3A_706 : i32
      %lt3A_708 = arith.constant 0 : i32
      %lt3A_709 = arith.cmpi slt, %select_n3A_702, %lt3A_708 : i32
      %ne3A_710 = arith.xori %lt3A_707, %lt3A_709 : i1
      %and3A_711 = arith.andi %ne3A_710, %ne3A_705 : i1
      %add3A_712 = arith.addi %rem3A_703, %select_n3A_702 : i32
      %select_n3A_713 = arith.select %and3A_711, %add3A_712, %rem3A_703 : i32
      %dma_start3A_714 = arith.constant 0 : i32
      %dma_start3A_715 = arith.constant 2 : i32
      %dma_start3A_716 = arith.constant 0 : i32
      %dma_start3A_717 = tpu.memref_slice %arg7[%select_n3A_713, %dma_start3A_714, %dma_start3A_715, %dma_start3A_716] : memref<2x2x8x128xi32, #tpu.memory_space<vmem>> -> memref<1x1x1x128xi32, #tpu.memory_space<vmem>>
      %dma_start3A_718 = tpu.memref_squeeze %dma_start3A_717 : memref<1x1x1x128xi32, #tpu.memory_space<vmem>> -> memref<128xi32, #tpu.memory_space<vmem>>
      %dma_start3A_719 = arith.constant 0 : i32
      %dma_start3A_720 = arith.constant 0 : i32
      %dma_start3A_721 = tpu.memref_slice %arg2[%dma_start3A_719, %dma_start3A_720] : memref<10112x128xf32, #tpu.memory_space<hbm>> -> memref<10112x128xf32, #tpu.memory_space<hbm>>
      tpu.enqueue_indirect_dma source(%dma_start3A_721 : memref<10112x128xf32, #tpu.memory_space<hbm>>) target(%arg8 : memref<128x128xf32, #tpu.memory_space<vmem>>) offsets(%dma_start3A_718 : memref<128xi32, #tpu.memory_space<vmem>>) semaphore(%arg12 : memref<!tpu.dma_semaphore, #tpu.memory_space<semaphore_mem>>)
      %jit3A_722 = arith.constant 2 : i32
      %eq3A_723 = arith.constant 0 : i32
      %eq3A_724 = arith.cmpi eq, %jit3A_722, %eq3A_723 : i32
      %jit3A_725 = arith.constant 1 : i32
      %select_n3A_726 = arith.select %eq3A_724, %jit3A_725, %jit3A_722 : i32
      %rem3A_727 = arith.remsi %add3A_572, %select_n3A_726 : i32
      %ne3A_728 = arith.constant 0 : i32
      %ne3A_729 = arith.cmpi ne, %rem3A_727, %ne3A_728 : i32
      %lt3A_730 = arith.constant 0 : i32
      %lt3A_731 = arith.cmpi slt, %rem3A_727, %lt3A_730 : i32
      %lt3A_732 = arith.constant 0 : i32
      %lt3A_733 = arith.cmpi slt, %select_n3A_726, %lt3A_732 : i32
      %ne3A_734 = arith.xori %lt3A_731, %lt3A_733 : i1
      %and3A_735 = arith.andi %ne3A_734, %ne3A_729 : i1
      %add3A_736 = arith.addi %rem3A_727, %select_n3A_726 : i32
      %select_n3A_737 = arith.select %and3A_735, %add3A_736, %rem3A_727 : i32
      %dma_wait3A_738 = arith.constant 0 : i32
      %dma_wait3A_739 = arith.constant 1 : i32
      %dma_wait3A_740 = arith.constant 0 : i32
      %dma_wait3A_741 = tpu.memref_slice %arg7[%select_n3A_737, %dma_wait3A_738, %dma_wait3A_739, %dma_wait3A_740] : memref<2x2x8x128xi32, #tpu.memory_space<vmem>> -> memref<1x1x1x128xi32, #tpu.memory_space<vmem>>
      %dma_wait3A_742 = tpu.memref_squeeze %dma_wait3A_741 : memref<1x1x1x128xi32, #tpu.memory_space<vmem>> -> memref<128xi32, #tpu.memory_space<vmem>>
      %dma_wait3A_743 = arith.constant 0 : i32
      %dma_wait3A_744 = arith.constant 0 : i32
      %dma_wait3A_745 = tpu.memref_slice %arg2[%dma_wait3A_743, %dma_wait3A_744] : memref<10112x128xf32, #tpu.memory_space<hbm>> -> memref<10112x128xf32, #tpu.memory_space<hbm>>
      tpu.wait_indirect_dma semaphore(%arg13 : memref<!tpu.dma_semaphore, #tpu.memory_space<semaphore_mem>>) src(%dma_wait3A_745 : memref<10112x128xf32, #tpu.memory_space<hbm>>) dst(%arg9 : memref<128x128xf32, #tpu.memory_space<vmem>>)
      %run_scoped3A_746 = arith.constant 1 : i32
      %run_scoped3A_747 = arith.constant 1 : i32
      %run_scoped3A_748 = arith.constant 1 : i32
      "tpu.region"() ({
        %run_scoped3A_1038 = tpu.sem_alloc : memref<!tpu.dma_semaphore, #tpu.memory_space<semaphore_mem>>
        %dma_start3A_1039 = arith.constant 0 : i32
        %dma_start3A_1040 = tpu.memref_slice %arg7[%run_scoped3A_746, %run_scoped3A_747, %run_scoped3A_748, %dma_start3A_1039] : memref<2x2x8x128xi32, #tpu.memory_space<vmem>> -> memref<1x1x1x128xi32, #tpu.memory_space<vmem>>
        %dma_start3A_1041 = tpu.memref_squeeze %dma_start3A_1040 : memref<1x1x1x128xi32, #tpu.memory_space<vmem>> -> memref<128xi32, #tpu.memory_space<vmem>>
        %dma_start3A_1042 = arith.constant 0 : i32
        %dma_start3A_1043 = arith.constant 0 : i32
        %dma_start3A_1044 = tpu.memref_slice %arg6[%dma_start3A_1042, %dma_start3A_1043] : memref<10112x128xf32, #tpu.memory_space<vmem_shared>> -> memref<10112x128xf32, #tpu.memory_space<vmem_shared>>
        tpu.enqueue_indirect_dma source(%arg9 : memref<128x128xf32, #tpu.memory_space<vmem>>) target(%dma_start3A_1044 : memref<10112x128xf32, #tpu.memory_space<vmem_shared>>) offsets(%dma_start3A_1041 : memref<128xi32, #tpu.memory_space<vmem>>) semaphore(%run_scoped3A_1038 : memref<!tpu.dma_semaphore, #tpu.memory_space<semaphore_mem>>) {add = true}
        %dma_wait3A_1045 = arith.constant 0 : i32
        %dma_wait3A_1046 = tpu.memref_slice %arg7[%run_scoped3A_746, %run_scoped3A_747, %run_scoped3A_748, %dma_wait3A_1045] : memref<2x2x8x128xi32, #tpu.memory_space<vmem>> -> memref<1x1x1x128xi32, #tpu.memory_space<vmem>>
        %dma_wait3A_1047 = tpu.memref_squeeze %dma_wait3A_1046 : memref<1x1x1x128xi32, #tpu.memory_space<vmem>> -> memref<128xi32, #tpu.memory_space<vmem>>
        %dma_wait3A_1048 = arith.constant 0 : i32
        %dma_wait3A_1049 = arith.constant 0 : i32
        %dma_wait3A_1050 = tpu.memref_slice %arg6[%dma_wait3A_1048, %dma_wait3A_1049] : memref<10112x128xf32, #tpu.memory_space<vmem_shared>> -> memref<10112x128xf32, #tpu.memory_space<vmem_shared>>
        tpu.wait_indirect_dma semaphore(%run_scoped3A_1038 : memref<!tpu.dma_semaphore, #tpu.memory_space<semaphore_mem>>) src(%arg9 : memref<128x128xf32, #tpu.memory_space<vmem>>) dst(%dma_wait3A_1050 : memref<10112x128xf32, #tpu.memory_space<vmem_shared>>)
        tpu.yield
      }) : () -> ()
      %jit3A_749 = arith.constant 2 : i32
      %eq3A_750 = arith.constant 0 : i32
      %eq3A_751 = arith.cmpi eq, %jit3A_749, %eq3A_750 : i32
      %jit3A_752 = arith.constant 1 : i32
      %select_n3A_753 = arith.select %eq3A_751, %jit3A_752, %jit3A_749 : i32
      %rem3A_754 = arith.remsi %add3A_572, %select_n3A_753 : i32
      %ne3A_755 = arith.constant 0 : i32
      %ne3A_756 = arith.cmpi ne, %rem3A_754, %ne3A_755 : i32
      %lt3A_757 = arith.constant 0 : i32
      %lt3A_758 = arith.cmpi slt, %rem3A_754, %lt3A_757 : i32
      %lt3A_759 = arith.constant 0 : i32
      %lt3A_760 = arith.cmpi slt, %select_n3A_753, %lt3A_759 : i32
      %ne3A_761 = arith.xori %lt3A_758, %lt3A_760 : i1
      %and3A_762 = arith.andi %ne3A_761, %ne3A_756 : i1
      %add3A_763 = arith.addi %rem3A_754, %select_n3A_753 : i32
      %select_n3A_764 = arith.select %and3A_762, %add3A_763, %rem3A_754 : i32
      %dma_start3A_765 = arith.constant 0 : i32
      %dma_start3A_766 = arith.constant 3 : i32
      %dma_start3A_767 = arith.constant 0 : i32
      %dma_start3A_768 = tpu.memref_slice %arg7[%select_n3A_764, %dma_start3A_765, %dma_start3A_766, %dma_start3A_767] : memref<2x2x8x128xi32, #tpu.memory_space<vmem>> -> memref<1x1x1x128xi32, #tpu.memory_space<vmem>>
      %dma_start3A_769 = tpu.memref_squeeze %dma_start3A_768 : memref<1x1x1x128xi32, #tpu.memory_space<vmem>> -> memref<128xi32, #tpu.memory_space<vmem>>
      %dma_start3A_770 = arith.constant 0 : i32
      %dma_start3A_771 = arith.constant 0 : i32
      %dma_start3A_772 = tpu.memref_slice %arg2[%dma_start3A_770, %dma_start3A_771] : memref<10112x128xf32, #tpu.memory_space<hbm>> -> memref<10112x128xf32, #tpu.memory_space<hbm>>
      tpu.enqueue_indirect_dma source(%dma_start3A_772 : memref<10112x128xf32, #tpu.memory_space<hbm>>) target(%arg9 : memref<128x128xf32, #tpu.memory_space<vmem>>) offsets(%dma_start3A_769 : memref<128xi32, #tpu.memory_space<vmem>>) semaphore(%arg13 : memref<!tpu.dma_semaphore, #tpu.memory_space<semaphore_mem>>)
      %jit3A_773 = arith.constant 2 : i32
      %eq3A_774 = arith.constant 0 : i32
      %eq3A_775 = arith.cmpi eq, %jit3A_773, %eq3A_774 : i32
      %jit3A_776 = arith.constant 1 : i32
      %select_n3A_777 = arith.select %eq3A_775, %jit3A_776, %jit3A_773 : i32
      %rem3A_778 = arith.remsi %add3A_572, %select_n3A_777 : i32
      %ne3A_779 = arith.constant 0 : i32
      %ne3A_780 = arith.cmpi ne, %rem3A_778, %ne3A_779 : i32
      %lt3A_781 = arith.constant 0 : i32
      %lt3A_782 = arith.cmpi slt, %rem3A_778, %lt3A_781 : i32
      %lt3A_783 = arith.constant 0 : i32
      %lt3A_784 = arith.cmpi slt, %select_n3A_777, %lt3A_783 : i32
      %ne3A_785 = arith.xori %lt3A_782, %lt3A_784 : i1
      %and3A_786 = arith.andi %ne3A_785, %ne3A_780 : i1
      %add3A_787 = arith.addi %rem3A_778, %select_n3A_777 : i32
      %select_n3A_788 = arith.select %and3A_786, %add3A_787, %rem3A_778 : i32
      %dma_wait3A_789 = arith.constant 0 : i32
      %dma_wait3A_790 = arith.constant 2 : i32
      %dma_wait3A_791 = arith.constant 0 : i32
      %dma_wait3A_792 = tpu.memref_slice %arg7[%select_n3A_788, %dma_wait3A_789, %dma_wait3A_790, %dma_wait3A_791] : memref<2x2x8x128xi32, #tpu.memory_space<vmem>> -> memref<1x1x1x128xi32, #tpu.memory_space<vmem>>
      %dma_wait3A_793 = tpu.memref_squeeze %dma_wait3A_792 : memref<1x1x1x128xi32, #tpu.memory_space<vmem>> -> memref<128xi32, #tpu.memory_space<vmem>>
      %dma_wait3A_794 = arith.constant 0 : i32
      %dma_wait3A_795 = arith.constant 0 : i32
      %dma_wait3A_796 = tpu.memref_slice %arg2[%dma_wait3A_794, %dma_wait3A_795] : memref<10112x128xf32, #tpu.memory_space<hbm>> -> memref<10112x128xf32, #tpu.memory_space<hbm>>
      tpu.wait_indirect_dma semaphore(%arg12 : memref<!tpu.dma_semaphore, #tpu.memory_space<semaphore_mem>>) src(%dma_wait3A_796 : memref<10112x128xf32, #tpu.memory_space<hbm>>) dst(%arg8 : memref<128x128xf32, #tpu.memory_space<vmem>>)
      %run_scoped3A_797 = arith.constant 1 : i32
      %run_scoped3A_798 = arith.constant 1 : i32
      %run_scoped3A_799 = arith.constant 2 : i32
      "tpu.region"() ({
        %run_scoped3A_1038 = tpu.sem_alloc : memref<!tpu.dma_semaphore, #tpu.memory_space<semaphore_mem>>
        %dma_start3A_1039 = arith.constant 0 : i32
        %dma_start3A_1040 = tpu.memref_slice %arg7[%run_scoped3A_797, %run_scoped3A_798, %run_scoped3A_799, %dma_start3A_1039] : memref<2x2x8x128xi32, #tpu.memory_space<vmem>> -> memref<1x1x1x128xi32, #tpu.memory_space<vmem>>
        %dma_start3A_1041 = tpu.memref_squeeze %dma_start3A_1040 : memref<1x1x1x128xi32, #tpu.memory_space<vmem>> -> memref<128xi32, #tpu.memory_space<vmem>>
        %dma_start3A_1042 = arith.constant 0 : i32
        %dma_start3A_1043 = arith.constant 0 : i32
        %dma_start3A_1044 = tpu.memref_slice %arg6[%dma_start3A_1042, %dma_start3A_1043] : memref<10112x128xf32, #tpu.memory_space<vmem_shared>> -> memref<10112x128xf32, #tpu.memory_space<vmem_shared>>
        tpu.enqueue_indirect_dma source(%arg8 : memref<128x128xf32, #tpu.memory_space<vmem>>) target(%dma_start3A_1044 : memref<10112x128xf32, #tpu.memory_space<vmem_shared>>) offsets(%dma_start3A_1041 : memref<128xi32, #tpu.memory_space<vmem>>) semaphore(%run_scoped3A_1038 : memref<!tpu.dma_semaphore, #tpu.memory_space<semaphore_mem>>) {add = true}
        %dma_wait3A_1045 = arith.constant 0 : i32
        %dma_wait3A_1046 = tpu.memref_slice %arg7[%run_scoped3A_797, %run_scoped3A_798, %run_scoped3A_799, %dma_wait3A_1045] : memref<2x2x8x128xi32, #tpu.memory_space<vmem>> -> memref<1x1x1x128xi32, #tpu.memory_space<vmem>>
        %dma_wait3A_1047 = tpu.memref_squeeze %dma_wait3A_1046 : memref<1x1x1x128xi32, #tpu.memory_space<vmem>> -> memref<128xi32, #tpu.memory_space<vmem>>
        %dma_wait3A_1048 = arith.constant 0 : i32
        %dma_wait3A_1049 = arith.constant 0 : i32
        %dma_wait3A_1050 = tpu.memref_slice %arg6[%dma_wait3A_1048, %dma_wait3A_1049] : memref<10112x128xf32, #tpu.memory_space<vmem_shared>> -> memref<10112x128xf32, #tpu.memory_space<vmem_shared>>
        tpu.wait_indirect_dma semaphore(%run_scoped3A_1038 : memref<!tpu.dma_semaphore, #tpu.memory_space<semaphore_mem>>) src(%arg8 : memref<128x128xf32, #tpu.memory_space<vmem>>) dst(%dma_wait3A_1050 : memref<10112x128xf32, #tpu.memory_space<vmem_shared>>)
        tpu.yield
      }) : () -> ()
      %jit3A_800 = arith.constant 2 : i32
      %eq3A_801 = arith.constant 0 : i32
      %eq3A_802 = arith.cmpi eq, %jit3A_800, %eq3A_801 : i32
      %jit3A_803 = arith.constant 1 : i32
      %select_n3A_804 = arith.select %eq3A_802, %jit3A_803, %jit3A_800 : i32
      %rem3A_805 = arith.remsi %add3A_572, %select_n3A_804 : i32
      %ne3A_806 = arith.constant 0 : i32
      %ne3A_807 = arith.cmpi ne, %rem3A_805, %ne3A_806 : i32
      %lt3A_808 = arith.constant 0 : i32
      %lt3A_809 = arith.cmpi slt, %rem3A_805, %lt3A_808 : i32
      %lt3A_810 = arith.constant 0 : i32
      %lt3A_811 = arith.cmpi slt, %select_n3A_804, %lt3A_810 : i32
      %ne3A_812 = arith.xori %lt3A_809, %lt3A_811 : i1
      %and3A_813 = arith.andi %ne3A_812, %ne3A_807 : i1
      %add3A_814 = arith.addi %rem3A_805, %select_n3A_804 : i32
      %select_n3A_815 = arith.select %and3A_813, %add3A_814, %rem3A_805 : i32
      %dma_start3A_816 = arith.constant 0 : i32
      %dma_start3A_817 = arith.constant 4 : i32
      %dma_start3A_818 = arith.constant 0 : i32
      %dma_start3A_819 = tpu.memref_slice %arg7[%select_n3A_815, %dma_start3A_816, %dma_start3A_817, %dma_start3A_818] : memref<2x2x8x128xi32, #tpu.memory_space<vmem>> -> memref<1x1x1x128xi32, #tpu.memory_space<vmem>>
      %dma_start3A_820 = tpu.memref_squeeze %dma_start3A_819 : memref<1x1x1x128xi32, #tpu.memory_space<vmem>> -> memref<128xi32, #tpu.memory_space<vmem>>
      %dma_start3A_821 = arith.constant 0 : i32
      %dma_start3A_822 = arith.constant 0 : i32
      %dma_start3A_823 = tpu.memref_slice %arg2[%dma_start3A_821, %dma_start3A_822] : memref<10112x128xf32, #tpu.memory_space<hbm>> -> memref<10112x128xf32, #tpu.memory_space<hbm>>
      tpu.enqueue_indirect_dma source(%dma_start3A_823 : memref<10112x128xf32, #tpu.memory_space<hbm>>) target(%arg8 : memref<128x128xf32, #tpu.memory_space<vmem>>) offsets(%dma_start3A_820 : memref<128xi32, #tpu.memory_space<vmem>>) semaphore(%arg12 : memref<!tpu.dma_semaphore, #tpu.memory_space<semaphore_mem>>)
      %jit3A_824 = arith.constant 2 : i32
      %eq3A_825 = arith.constant 0 : i32
      %eq3A_826 = arith.cmpi eq, %jit3A_824, %eq3A_825 : i32
      %jit3A_827 = arith.constant 1 : i32
      %select_n3A_828 = arith.select %eq3A_826, %jit3A_827, %jit3A_824 : i32
      %rem3A_829 = arith.remsi %add3A_572, %select_n3A_828 : i32
      %ne3A_830 = arith.constant 0 : i32
      %ne3A_831 = arith.cmpi ne, %rem3A_829, %ne3A_830 : i32
      %lt3A_832 = arith.constant 0 : i32
      %lt3A_833 = arith.cmpi slt, %rem3A_829, %lt3A_832 : i32
      %lt3A_834 = arith.constant 0 : i32
      %lt3A_835 = arith.cmpi slt, %select_n3A_828, %lt3A_834 : i32
      %ne3A_836 = arith.xori %lt3A_833, %lt3A_835 : i1
      %and3A_837 = arith.andi %ne3A_836, %ne3A_831 : i1
      %add3A_838 = arith.addi %rem3A_829, %select_n3A_828 : i32
      %select_n3A_839 = arith.select %and3A_837, %add3A_838, %rem3A_829 : i32
      %dma_wait3A_840 = arith.constant 0 : i32
      %dma_wait3A_841 = arith.constant 3 : i32
      %dma_wait3A_842 = arith.constant 0 : i32
      %dma_wait3A_843 = tpu.memref_slice %arg7[%select_n3A_839, %dma_wait3A_840, %dma_wait3A_841, %dma_wait3A_842] : memref<2x2x8x128xi32, #tpu.memory_space<vmem>> -> memref<1x1x1x128xi32, #tpu.memory_space<vmem>>
      %dma_wait3A_844 = tpu.memref_squeeze %dma_wait3A_843 : memref<1x1x1x128xi32, #tpu.memory_space<vmem>> -> memref<128xi32, #tpu.memory_space<vmem>>
      %dma_wait3A_845 = arith.constant 0 : i32
      %dma_wait3A_846 = arith.constant 0 : i32
      %dma_wait3A_847 = tpu.memref_slice %arg2[%dma_wait3A_845, %dma_wait3A_846] : memref<10112x128xf32, #tpu.memory_space<hbm>> -> memref<10112x128xf32, #tpu.memory_space<hbm>>
      tpu.wait_indirect_dma semaphore(%arg13 : memref<!tpu.dma_semaphore, #tpu.memory_space<semaphore_mem>>) src(%dma_wait3A_847 : memref<10112x128xf32, #tpu.memory_space<hbm>>) dst(%arg9 : memref<128x128xf32, #tpu.memory_space<vmem>>)
      %run_scoped3A_848 = arith.constant 1 : i32
      %run_scoped3A_849 = arith.constant 1 : i32
      %run_scoped3A_850 = arith.constant 3 : i32
      "tpu.region"() ({
        %run_scoped3A_1038 = tpu.sem_alloc : memref<!tpu.dma_semaphore, #tpu.memory_space<semaphore_mem>>
        %dma_start3A_1039 = arith.constant 0 : i32
        %dma_start3A_1040 = tpu.memref_slice %arg7[%run_scoped3A_848, %run_scoped3A_849, %run_scoped3A_850, %dma_start3A_1039] : memref<2x2x8x128xi32, #tpu.memory_space<vmem>> -> memref<1x1x1x128xi32, #tpu.memory_space<vmem>>
        %dma_start3A_1041 = tpu.memref_squeeze %dma_start3A_1040 : memref<1x1x1x128xi32, #tpu.memory_space<vmem>> -> memref<128xi32, #tpu.memory_space<vmem>>
        %dma_start3A_1042 = arith.constant 0 : i32
        %dma_start3A_1043 = arith.constant 0 : i32
        %dma_start3A_1044 = tpu.memref_slice %arg6[%dma_start3A_1042, %dma_start3A_1043] : memref<10112x128xf32, #tpu.memory_space<vmem_shared>> -> memref<10112x128xf32, #tpu.memory_space<vmem_shared>>
        tpu.enqueue_indirect_dma source(%arg9 : memref<128x128xf32, #tpu.memory_space<vmem>>) target(%dma_start3A_1044 : memref<10112x128xf32, #tpu.memory_space<vmem_shared>>) offsets(%dma_start3A_1041 : memref<128xi32, #tpu.memory_space<vmem>>) semaphore(%run_scoped3A_1038 : memref<!tpu.dma_semaphore, #tpu.memory_space<semaphore_mem>>) {add = true}
        %dma_wait3A_1045 = arith.constant 0 : i32
        %dma_wait3A_1046 = tpu.memref_slice %arg7[%run_scoped3A_848, %run_scoped3A_849, %run_scoped3A_850, %dma_wait3A_1045] : memref<2x2x8x128xi32, #tpu.memory_space<vmem>> -> memref<1x1x1x128xi32, #tpu.memory_space<vmem>>
        %dma_wait3A_1047 = tpu.memref_squeeze %dma_wait3A_1046 : memref<1x1x1x128xi32, #tpu.memory_space<vmem>> -> memref<128xi32, #tpu.memory_space<vmem>>
        %dma_wait3A_1048 = arith.constant 0 : i32
        %dma_wait3A_1049 = arith.constant 0 : i32
        %dma_wait3A_1050 = tpu.memref_slice %arg6[%dma_wait3A_1048, %dma_wait3A_1049] : memref<10112x128xf32, #tpu.memory_space<vmem_shared>> -> memref<10112x128xf32, #tpu.memory_space<vmem_shared>>
        tpu.wait_indirect_dma semaphore(%run_scoped3A_1038 : memref<!tpu.dma_semaphore, #tpu.memory_space<semaphore_mem>>) src(%arg9 : memref<128x128xf32, #tpu.memory_space<vmem>>) dst(%dma_wait3A_1050 : memref<10112x128xf32, #tpu.memory_space<vmem_shared>>)
        tpu.yield
      }) : () -> ()
      %jit3A_851 = arith.constant 2 : i32
      %eq3A_852 = arith.constant 0 : i32
      %eq3A_853 = arith.cmpi eq, %jit3A_851, %eq3A_852 : i32
      %jit3A_854 = arith.constant 1 : i32
      %select_n3A_855 = arith.select %eq3A_853, %jit3A_854, %jit3A_851 : i32
      %rem3A_856 = arith.remsi %add3A_572, %select_n3A_855 : i32
      %ne3A_857 = arith.constant 0 : i32
      %ne3A_858 = arith.cmpi ne, %rem3A_856, %ne3A_857 : i32
      %lt3A_859 = arith.constant 0 : i32
      %lt3A_860 = arith.cmpi slt, %rem3A_856, %lt3A_859 : i32
      %lt3A_861 = arith.constant 0 : i32
      %lt3A_862 = arith.cmpi slt, %select_n3A_855, %lt3A_861 : i32
      %ne3A_863 = arith.xori %lt3A_860, %lt3A_862 : i1
      %and3A_864 = arith.andi %ne3A_863, %ne3A_858 : i1
      %add3A_865 = arith.addi %rem3A_856, %select_n3A_855 : i32
      %select_n3A_866 = arith.select %and3A_864, %add3A_865, %rem3A_856 : i32
      %dma_start3A_867 = arith.constant 0 : i32
      %dma_start3A_868 = arith.constant 5 : i32
      %dma_start3A_869 = arith.constant 0 : i32
      %dma_start3A_870 = tpu.memref_slice %arg7[%select_n3A_866, %dma_start3A_867, %dma_start3A_868, %dma_start3A_869] : memref<2x2x8x128xi32, #tpu.memory_space<vmem>> -> memref<1x1x1x128xi32, #tpu.memory_space<vmem>>
      %dma_start3A_871 = tpu.memref_squeeze %dma_start3A_870 : memref<1x1x1x128xi32, #tpu.memory_space<vmem>> -> memref<128xi32, #tpu.memory_space<vmem>>
      %dma_start3A_872 = arith.constant 0 : i32
      %dma_start3A_873 = arith.constant 0 : i32
      %dma_start3A_874 = tpu.memref_slice %arg2[%dma_start3A_872, %dma_start3A_873] : memref<10112x128xf32, #tpu.memory_space<hbm>> -> memref<10112x128xf32, #tpu.memory_space<hbm>>
      tpu.enqueue_indirect_dma source(%dma_start3A_874 : memref<10112x128xf32, #tpu.memory_space<hbm>>) target(%arg9 : memref<128x128xf32, #tpu.memory_space<vmem>>) offsets(%dma_start3A_871 : memref<128xi32, #tpu.memory_space<vmem>>) semaphore(%arg13 : memref<!tpu.dma_semaphore, #tpu.memory_space<semaphore_mem>>)
      %jit3A_875 = arith.constant 2 : i32
      %eq3A_876 = arith.constant 0 : i32
      %eq3A_877 = arith.cmpi eq, %jit3A_875, %eq3A_876 : i32
      %jit3A_878 = arith.constant 1 : i32
      %select_n3A_879 = arith.select %eq3A_877, %jit3A_878, %jit3A_875 : i32
      %rem3A_880 = arith.remsi %add3A_572, %select_n3A_879 : i32
      %ne3A_881 = arith.constant 0 : i32
      %ne3A_882 = arith.cmpi ne, %rem3A_880, %ne3A_881 : i32
      %lt3A_883 = arith.constant 0 : i32
      %lt3A_884 = arith.cmpi slt, %rem3A_880, %lt3A_883 : i32
      %lt3A_885 = arith.constant 0 : i32
      %lt3A_886 = arith.cmpi slt, %select_n3A_879, %lt3A_885 : i32
      %ne3A_887 = arith.xori %lt3A_884, %lt3A_886 : i1
      %and3A_888 = arith.andi %ne3A_887, %ne3A_882 : i1
      %add3A_889 = arith.addi %rem3A_880, %select_n3A_879 : i32
      %select_n3A_890 = arith.select %and3A_888, %add3A_889, %rem3A_880 : i32
      %dma_wait3A_891 = arith.constant 0 : i32
      %dma_wait3A_892 = arith.constant 4 : i32
      %dma_wait3A_893 = arith.constant 0 : i32
      %dma_wait3A_894 = tpu.memref_slice %arg7[%select_n3A_890, %dma_wait3A_891, %dma_wait3A_892, %dma_wait3A_893] : memref<2x2x8x128xi32, #tpu.memory_space<vmem>> -> memref<1x1x1x128xi32, #tpu.memory_space<vmem>>
      %dma_wait3A_895 = tpu.memref_squeeze %dma_wait3A_894 : memref<1x1x1x128xi32, #tpu.memory_space<vmem>> -> memref<128xi32, #tpu.memory_space<vmem>>
      %dma_wait3A_896 = arith.constant 0 : i32
      %dma_wait3A_897 = arith.constant 0 : i32
      %dma_wait3A_898 = tpu.memref_slice %arg2[%dma_wait3A_896, %dma_wait3A_897] : memref<10112x128xf32, #tpu.memory_space<hbm>> -> memref<10112x128xf32, #tpu.memory_space<hbm>>
      tpu.wait_indirect_dma semaphore(%arg12 : memref<!tpu.dma_semaphore, #tpu.memory_space<semaphore_mem>>) src(%dma_wait3A_898 : memref<10112x128xf32, #tpu.memory_space<hbm>>) dst(%arg8 : memref<128x128xf32, #tpu.memory_space<vmem>>)
      %run_scoped3A_899 = arith.constant 1 : i32
      %run_scoped3A_900 = arith.constant 1 : i32
      %run_scoped3A_901 = arith.constant 4 : i32
      "tpu.region"() ({
        %run_scoped3A_1038 = tpu.sem_alloc : memref<!tpu.dma_semaphore, #tpu.memory_space<semaphore_mem>>
        %dma_start3A_1039 = arith.constant 0 : i32
        %dma_start3A_1040 = tpu.memref_slice %arg7[%run_scoped3A_899, %run_scoped3A_900, %run_scoped3A_901, %dma_start3A_1039] : memref<2x2x8x128xi32, #tpu.memory_space<vmem>> -> memref<1x1x1x128xi32, #tpu.memory_space<vmem>>
        %dma_start3A_1041 = tpu.memref_squeeze %dma_start3A_1040 : memref<1x1x1x128xi32, #tpu.memory_space<vmem>> -> memref<128xi32, #tpu.memory_space<vmem>>
        %dma_start3A_1042 = arith.constant 0 : i32
        %dma_start3A_1043 = arith.constant 0 : i32
        %dma_start3A_1044 = tpu.memref_slice %arg6[%dma_start3A_1042, %dma_start3A_1043] : memref<10112x128xf32, #tpu.memory_space<vmem_shared>> -> memref<10112x128xf32, #tpu.memory_space<vmem_shared>>
        tpu.enqueue_indirect_dma source(%arg8 : memref<128x128xf32, #tpu.memory_space<vmem>>) target(%dma_start3A_1044 : memref<10112x128xf32, #tpu.memory_space<vmem_shared>>) offsets(%dma_start3A_1041 : memref<128xi32, #tpu.memory_space<vmem>>) semaphore(%run_scoped3A_1038 : memref<!tpu.dma_semaphore, #tpu.memory_space<semaphore_mem>>) {add = true}
        %dma_wait3A_1045 = arith.constant 0 : i32
        %dma_wait3A_1046 = tpu.memref_slice %arg7[%run_scoped3A_899, %run_scoped3A_900, %run_scoped3A_901, %dma_wait3A_1045] : memref<2x2x8x128xi32, #tpu.memory_space<vmem>> -> memref<1x1x1x128xi32, #tpu.memory_space<vmem>>
        %dma_wait3A_1047 = tpu.memref_squeeze %dma_wait3A_1046 : memref<1x1x1x128xi32, #tpu.memory_space<vmem>> -> memref<128xi32, #tpu.memory_space<vmem>>
        %dma_wait3A_1048 = arith.constant 0 : i32
        %dma_wait3A_1049 = arith.constant 0 : i32
        %dma_wait3A_1050 = tpu.memref_slice %arg6[%dma_wait3A_1048, %dma_wait3A_1049] : memref<10112x128xf32, #tpu.memory_space<vmem_shared>> -> memref<10112x128xf32, #tpu.memory_space<vmem_shared>>
        tpu.wait_indirect_dma semaphore(%run_scoped3A_1038 : memref<!tpu.dma_semaphore, #tpu.memory_space<semaphore_mem>>) src(%arg8 : memref<128x128xf32, #tpu.memory_space<vmem>>) dst(%dma_wait3A_1050 : memref<10112x128xf32, #tpu.memory_space<vmem_shared>>)
        tpu.yield
      }) : () -> ()
      %jit3A_902 = arith.constant 2 : i32
      %eq3A_903 = arith.constant 0 : i32
      %eq3A_904 = arith.cmpi eq, %jit3A_902, %eq3A_903 : i32
      %jit3A_905 = arith.constant 1 : i32
      %select_n3A_906 = arith.select %eq3A_904, %jit3A_905, %jit3A_902 : i32
      %rem3A_907 = arith.remsi %add3A_572, %select_n3A_906 : i32
      %ne3A_908 = arith.constant 0 : i32
      %ne3A_909 = arith.cmpi ne, %rem3A_907, %ne3A_908 : i32
      %lt3A_910 = arith.constant 0 : i32
      %lt3A_911 = arith.cmpi slt, %rem3A_907, %lt3A_910 : i32
      %lt3A_912 = arith.constant 0 : i32
      %lt3A_913 = arith.cmpi slt, %select_n3A_906, %lt3A_912 : i32
      %ne3A_914 = arith.xori %lt3A_911, %lt3A_913 : i1
      %and3A_915 = arith.andi %ne3A_914, %ne3A_909 : i1
      %add3A_916 = arith.addi %rem3A_907, %select_n3A_906 : i32
      %select_n3A_917 = arith.select %and3A_915, %add3A_916, %rem3A_907 : i32
      %dma_start3A_918 = arith.constant 0 : i32
      %dma_start3A_919 = arith.constant 6 : i32
      %dma_start3A_920 = arith.constant 0 : i32
      %dma_start3A_921 = tpu.memref_slice %arg7[%select_n3A_917, %dma_start3A_918, %dma_start3A_919, %dma_start3A_920] : memref<2x2x8x128xi32, #tpu.memory_space<vmem>> -> memref<1x1x1x128xi32, #tpu.memory_space<vmem>>
      %dma_start3A_922 = tpu.memref_squeeze %dma_start3A_921 : memref<1x1x1x128xi32, #tpu.memory_space<vmem>> -> memref<128xi32, #tpu.memory_space<vmem>>
      %dma_start3A_923 = arith.constant 0 : i32
      %dma_start3A_924 = arith.constant 0 : i32
      %dma_start3A_925 = tpu.memref_slice %arg2[%dma_start3A_923, %dma_start3A_924] : memref<10112x128xf32, #tpu.memory_space<hbm>> -> memref<10112x128xf32, #tpu.memory_space<hbm>>
      tpu.enqueue_indirect_dma source(%dma_start3A_925 : memref<10112x128xf32, #tpu.memory_space<hbm>>) target(%arg8 : memref<128x128xf32, #tpu.memory_space<vmem>>) offsets(%dma_start3A_922 : memref<128xi32, #tpu.memory_space<vmem>>) semaphore(%arg12 : memref<!tpu.dma_semaphore, #tpu.memory_space<semaphore_mem>>)
      %jit3A_926 = arith.constant 2 : i32
      %eq3A_927 = arith.constant 0 : i32
      %eq3A_928 = arith.cmpi eq, %jit3A_926, %eq3A_927 : i32
      %jit3A_929 = arith.constant 1 : i32
      %select_n3A_930 = arith.select %eq3A_928, %jit3A_929, %jit3A_926 : i32
      %rem3A_931 = arith.remsi %add3A_572, %select_n3A_930 : i32
      %ne3A_932 = arith.constant 0 : i32
      %ne3A_933 = arith.cmpi ne, %rem3A_931, %ne3A_932 : i32
      %lt3A_934 = arith.constant 0 : i32
      %lt3A_935 = arith.cmpi slt, %rem3A_931, %lt3A_934 : i32
      %lt3A_936 = arith.constant 0 : i32
      %lt3A_937 = arith.cmpi slt, %select_n3A_930, %lt3A_936 : i32
      %ne3A_938 = arith.xori %lt3A_935, %lt3A_937 : i1
      %and3A_939 = arith.andi %ne3A_938, %ne3A_933 : i1
      %add3A_940 = arith.addi %rem3A_931, %select_n3A_930 : i32
      %select_n3A_941 = arith.select %and3A_939, %add3A_940, %rem3A_931 : i32
      %dma_wait3A_942 = arith.constant 0 : i32
      %dma_wait3A_943 = arith.constant 5 : i32
      %dma_wait3A_944 = arith.constant 0 : i32
      %dma_wait3A_945 = tpu.memref_slice %arg7[%select_n3A_941, %dma_wait3A_942, %dma_wait3A_943, %dma_wait3A_944] : memref<2x2x8x128xi32, #tpu.memory_space<vmem>> -> memref<1x1x1x128xi32, #tpu.memory_space<vmem>>
      %dma_wait3A_946 = tpu.memref_squeeze %dma_wait3A_945 : memref<1x1x1x128xi32, #tpu.memory_space<vmem>> -> memref<128xi32, #tpu.memory_space<vmem>>
      %dma_wait3A_947 = arith.constant 0 : i32
      %dma_wait3A_948 = arith.constant 0 : i32
      %dma_wait3A_949 = tpu.memref_slice %arg2[%dma_wait3A_947, %dma_wait3A_948] : memref<10112x128xf32, #tpu.memory_space<hbm>> -> memref<10112x128xf32, #tpu.memory_space<hbm>>
      tpu.wait_indirect_dma semaphore(%arg13 : memref<!tpu.dma_semaphore, #tpu.memory_space<semaphore_mem>>) src(%dma_wait3A_949 : memref<10112x128xf32, #tpu.memory_space<hbm>>) dst(%arg9 : memref<128x128xf32, #tpu.memory_space<vmem>>)
      %run_scoped3A_950 = arith.constant 1 : i32
      %run_scoped3A_951 = arith.constant 1 : i32
      %run_scoped3A_952 = arith.constant 5 : i32
      "tpu.region"() ({
        %run_scoped3A_1038 = tpu.sem_alloc : memref<!tpu.dma_semaphore, #tpu.memory_space<semaphore_mem>>
        %dma_start3A_1039 = arith.constant 0 : i32
        %dma_start3A_1040 = tpu.memref_slice %arg7[%run_scoped3A_950, %run_scoped3A_951, %run_scoped3A_952, %dma_start3A_1039] : memref<2x2x8x128xi32, #tpu.memory_space<vmem>> -> memref<1x1x1x128xi32, #tpu.memory_space<vmem>>
        %dma_start3A_1041 = tpu.memref_squeeze %dma_start3A_1040 : memref<1x1x1x128xi32, #tpu.memory_space<vmem>> -> memref<128xi32, #tpu.memory_space<vmem>>
        %dma_start3A_1042 = arith.constant 0 : i32
        %dma_start3A_1043 = arith.constant 0 : i32
        %dma_start3A_1044 = tpu.memref_slice %arg6[%dma_start3A_1042, %dma_start3A_1043] : memref<10112x128xf32, #tpu.memory_space<vmem_shared>> -> memref<10112x128xf32, #tpu.memory_space<vmem_shared>>
        tpu.enqueue_indirect_dma source(%arg9 : memref<128x128xf32, #tpu.memory_space<vmem>>) target(%dma_start3A_1044 : memref<10112x128xf32, #tpu.memory_space<vmem_shared>>) offsets(%dma_start3A_1041 : memref<128xi32, #tpu.memory_space<vmem>>) semaphore(%run_scoped3A_1038 : memref<!tpu.dma_semaphore, #tpu.memory_space<semaphore_mem>>) {add = true}
        %dma_wait3A_1045 = arith.constant 0 : i32
        %dma_wait3A_1046 = tpu.memref_slice %arg7[%run_scoped3A_950, %run_scoped3A_951, %run_scoped3A_952, %dma_wait3A_1045] : memref<2x2x8x128xi32, #tpu.memory_space<vmem>> -> memref<1x1x1x128xi32, #tpu.memory_space<vmem>>
        %dma_wait3A_1047 = tpu.memref_squeeze %dma_wait3A_1046 : memref<1x1x1x128xi32, #tpu.memory_space<vmem>> -> memref<128xi32, #tpu.memory_space<vmem>>
        %dma_wait3A_1048 = arith.constant 0 : i32
        %dma_wait3A_1049 = arith.constant 0 : i32
        %dma_wait3A_1050 = tpu.memref_slice %arg6[%dma_wait3A_1048, %dma_wait3A_1049] : memref<10112x128xf32, #tpu.memory_space<vmem_shared>> -> memref<10112x128xf32, #tpu.memory_space<vmem_shared>>
        tpu.wait_indirect_dma semaphore(%run_scoped3A_1038 : memref<!tpu.dma_semaphore, #tpu.memory_space<semaphore_mem>>) src(%arg9 : memref<128x128xf32, #tpu.memory_space<vmem>>) dst(%dma_wait3A_1050 : memref<10112x128xf32, #tpu.memory_space<vmem_shared>>)
        tpu.yield
      }) : () -> ()
      %jit3A_953 = arith.constant 2 : i32
      %eq3A_954 = arith.constant 0 : i32
      %eq3A_955 = arith.cmpi eq, %jit3A_953, %eq3A_954 : i32
      %jit3A_956 = arith.constant 1 : i32
      %select_n3A_957 = arith.select %eq3A_955, %jit3A_956, %jit3A_953 : i32
      %rem3A_958 = arith.remsi %add3A_572, %select_n3A_957 : i32
      %ne3A_959 = arith.constant 0 : i32
      %ne3A_960 = arith.cmpi ne, %rem3A_958, %ne3A_959 : i32
      %lt3A_961 = arith.constant 0 : i32
      %lt3A_962 = arith.cmpi slt, %rem3A_958, %lt3A_961 : i32
      %lt3A_963 = arith.constant 0 : i32
      %lt3A_964 = arith.cmpi slt, %select_n3A_957, %lt3A_963 : i32
      %ne3A_965 = arith.xori %lt3A_962, %lt3A_964 : i1
      %and3A_966 = arith.andi %ne3A_965, %ne3A_960 : i1
      %add3A_967 = arith.addi %rem3A_958, %select_n3A_957 : i32
      %select_n3A_968 = arith.select %and3A_966, %add3A_967, %rem3A_958 : i32
      %dma_start3A_969 = arith.constant 0 : i32
      %dma_start3A_970 = arith.constant 7 : i32
      %dma_start3A_971 = arith.constant 0 : i32
      %dma_start3A_972 = tpu.memref_slice %arg7[%select_n3A_968, %dma_start3A_969, %dma_start3A_970, %dma_start3A_971] : memref<2x2x8x128xi32, #tpu.memory_space<vmem>> -> memref<1x1x1x128xi32, #tpu.memory_space<vmem>>
      %dma_start3A_973 = tpu.memref_squeeze %dma_start3A_972 : memref<1x1x1x128xi32, #tpu.memory_space<vmem>> -> memref<128xi32, #tpu.memory_space<vmem>>
      %dma_start3A_974 = arith.constant 0 : i32
      %dma_start3A_975 = arith.constant 0 : i32
      %dma_start3A_976 = tpu.memref_slice %arg2[%dma_start3A_974, %dma_start3A_975] : memref<10112x128xf32, #tpu.memory_space<hbm>> -> memref<10112x128xf32, #tpu.memory_space<hbm>>
      tpu.enqueue_indirect_dma source(%dma_start3A_976 : memref<10112x128xf32, #tpu.memory_space<hbm>>) target(%arg9 : memref<128x128xf32, #tpu.memory_space<vmem>>) offsets(%dma_start3A_973 : memref<128xi32, #tpu.memory_space<vmem>>) semaphore(%arg13 : memref<!tpu.dma_semaphore, #tpu.memory_space<semaphore_mem>>)
      %jit3A_977 = arith.constant 2 : i32
      %eq3A_978 = arith.constant 0 : i32
      %eq3A_979 = arith.cmpi eq, %jit3A_977, %eq3A_978 : i32
      %jit3A_980 = arith.constant 1 : i32
      %select_n3A_981 = arith.select %eq3A_979, %jit3A_980, %jit3A_977 : i32
      %rem3A_982 = arith.remsi %add3A_572, %select_n3A_981 : i32
      %ne3A_983 = arith.constant 0 : i32
      %ne3A_984 = arith.cmpi ne, %rem3A_982, %ne3A_983 : i32
      %lt3A_985 = arith.constant 0 : i32
      %lt3A_986 = arith.cmpi slt, %rem3A_982, %lt3A_985 : i32
      %lt3A_987 = arith.constant 0 : i32
      %lt3A_988 = arith.cmpi slt, %select_n3A_981, %lt3A_987 : i32
      %ne3A_989 = arith.xori %lt3A_986, %lt3A_988 : i1
      %and3A_990 = arith.andi %ne3A_989, %ne3A_984 : i1
      %add3A_991 = arith.addi %rem3A_982, %select_n3A_981 : i32
      %select_n3A_992 = arith.select %and3A_990, %add3A_991, %rem3A_982 : i32
      %dma_wait3A_993 = arith.constant 0 : i32
      %dma_wait3A_994 = arith.constant 6 : i32
      %dma_wait3A_995 = arith.constant 0 : i32
      %dma_wait3A_996 = tpu.memref_slice %arg7[%select_n3A_992, %dma_wait3A_993, %dma_wait3A_994, %dma_wait3A_995] : memref<2x2x8x128xi32, #tpu.memory_space<vmem>> -> memref<1x1x1x128xi32, #tpu.memory_space<vmem>>
      %dma_wait3A_997 = tpu.memref_squeeze %dma_wait3A_996 : memref<1x1x1x128xi32, #tpu.memory_space<vmem>> -> memref<128xi32, #tpu.memory_space<vmem>>
      %dma_wait3A_998 = arith.constant 0 : i32
      %dma_wait3A_999 = arith.constant 0 : i32
      %dma_wait3A_1000 = tpu.memref_slice %arg2[%dma_wait3A_998, %dma_wait3A_999] : memref<10112x128xf32, #tpu.memory_space<hbm>> -> memref<10112x128xf32, #tpu.memory_space<hbm>>
      tpu.wait_indirect_dma semaphore(%arg12 : memref<!tpu.dma_semaphore, #tpu.memory_space<semaphore_mem>>) src(%dma_wait3A_1000 : memref<10112x128xf32, #tpu.memory_space<hbm>>) dst(%arg8 : memref<128x128xf32, #tpu.memory_space<vmem>>)
      %run_scoped3A_1001 = arith.constant 1 : i32
      %run_scoped3A_1002 = arith.constant 1 : i32
      %run_scoped3A_1003 = arith.constant 6 : i32
      "tpu.region"() ({
        %run_scoped3A_1038 = tpu.sem_alloc : memref<!tpu.dma_semaphore, #tpu.memory_space<semaphore_mem>>
        %dma_start3A_1039 = arith.constant 0 : i32
        %dma_start3A_1040 = tpu.memref_slice %arg7[%run_scoped3A_1001, %run_scoped3A_1002, %run_scoped3A_1003, %dma_start3A_1039] : memref<2x2x8x128xi32, #tpu.memory_space<vmem>> -> memref<1x1x1x128xi32, #tpu.memory_space<vmem>>
        %dma_start3A_1041 = tpu.memref_squeeze %dma_start3A_1040 : memref<1x1x1x128xi32, #tpu.memory_space<vmem>> -> memref<128xi32, #tpu.memory_space<vmem>>
        %dma_start3A_1042 = arith.constant 0 : i32
        %dma_start3A_1043 = arith.constant 0 : i32
        %dma_start3A_1044 = tpu.memref_slice %arg6[%dma_start3A_1042, %dma_start3A_1043] : memref<10112x128xf32, #tpu.memory_space<vmem_shared>> -> memref<10112x128xf32, #tpu.memory_space<vmem_shared>>
        tpu.enqueue_indirect_dma source(%arg8 : memref<128x128xf32, #tpu.memory_space<vmem>>) target(%dma_start3A_1044 : memref<10112x128xf32, #tpu.memory_space<vmem_shared>>) offsets(%dma_start3A_1041 : memref<128xi32, #tpu.memory_space<vmem>>) semaphore(%run_scoped3A_1038 : memref<!tpu.dma_semaphore, #tpu.memory_space<semaphore_mem>>) {add = true}
        %dma_wait3A_1045 = arith.constant 0 : i32
        %dma_wait3A_1046 = tpu.memref_slice %arg7[%run_scoped3A_1001, %run_scoped3A_1002, %run_scoped3A_1003, %dma_wait3A_1045] : memref<2x2x8x128xi32, #tpu.memory_space<vmem>> -> memref<1x1x1x128xi32, #tpu.memory_space<vmem>>
        %dma_wait3A_1047 = tpu.memref_squeeze %dma_wait3A_1046 : memref<1x1x1x128xi32, #tpu.memory_space<vmem>> -> memref<128xi32, #tpu.memory_space<vmem>>
        %dma_wait3A_1048 = arith.constant 0 : i32
        %dma_wait3A_1049 = arith.constant 0 : i32
        %dma_wait3A_1050 = tpu.memref_slice %arg6[%dma_wait3A_1048, %dma_wait3A_1049] : memref<10112x128xf32, #tpu.memory_space<vmem_shared>> -> memref<10112x128xf32, #tpu.memory_space<vmem_shared>>
        tpu.wait_indirect_dma semaphore(%run_scoped3A_1038 : memref<!tpu.dma_semaphore, #tpu.memory_space<semaphore_mem>>) src(%arg8 : memref<128x128xf32, #tpu.memory_space<vmem>>) dst(%dma_wait3A_1050 : memref<10112x128xf32, #tpu.memory_space<vmem_shared>>)
        tpu.yield
      }) : () -> ()
      %jit3A_1004 = arith.constant 2 : i32
      %eq3A_1005 = arith.constant 0 : i32
      %eq3A_1006 = arith.cmpi eq, %jit3A_1004, %eq3A_1005 : i32
      %jit3A_1007 = arith.constant 1 : i32
      %select_n3A_1008 = arith.select %eq3A_1006, %jit3A_1007, %jit3A_1004 : i32
      %rem3A_1009 = arith.remsi %add3A_572, %select_n3A_1008 : i32
      %ne3A_1010 = arith.constant 0 : i32
      %ne3A_1011 = arith.cmpi ne, %rem3A_1009, %ne3A_1010 : i32
      %lt3A_1012 = arith.constant 0 : i32
      %lt3A_1013 = arith.cmpi slt, %rem3A_1009, %lt3A_1012 : i32
      %lt3A_1014 = arith.constant 0 : i32
      %lt3A_1015 = arith.cmpi slt, %select_n3A_1008, %lt3A_1014 : i32
      %ne3A_1016 = arith.xori %lt3A_1013, %lt3A_1015 : i1
      %and3A_1017 = arith.andi %ne3A_1016, %ne3A_1011 : i1
      %add3A_1018 = arith.addi %rem3A_1009, %select_n3A_1008 : i32
      %select_n3A_1019 = arith.select %and3A_1017, %add3A_1018, %rem3A_1009 : i32
      %dma_wait3A_1020 = arith.constant 0 : i32
      %dma_wait3A_1021 = arith.constant 7 : i32
      %dma_wait3A_1022 = arith.constant 0 : i32
      %dma_wait3A_1023 = tpu.memref_slice %arg7[%select_n3A_1019, %dma_wait3A_1020, %dma_wait3A_1021, %dma_wait3A_1022] : memref<2x2x8x128xi32, #tpu.memory_space<vmem>> -> memref<1x1x1x128xi32, #tpu.memory_space<vmem>>
      %dma_wait3A_1024 = tpu.memref_squeeze %dma_wait3A_1023 : memref<1x1x1x128xi32, #tpu.memory_space<vmem>> -> memref<128xi32, #tpu.memory_space<vmem>>
      %dma_wait3A_1025 = arith.constant 0 : i32
      %dma_wait3A_1026 = arith.constant 0 : i32
      %dma_wait3A_1027 = tpu.memref_slice %arg2[%dma_wait3A_1025, %dma_wait3A_1026] : memref<10112x128xf32, #tpu.memory_space<hbm>> -> memref<10112x128xf32, #tpu.memory_space<hbm>>
      tpu.wait_indirect_dma semaphore(%arg13 : memref<!tpu.dma_semaphore, #tpu.memory_space<semaphore_mem>>) src(%dma_wait3A_1027 : memref<10112x128xf32, #tpu.memory_space<hbm>>) dst(%arg9 : memref<128x128xf32, #tpu.memory_space<vmem>>)
      %run_scoped3A_1028 = arith.constant 1 : i32
      %run_scoped3A_1029 = arith.constant 1 : i32
      %run_scoped3A_1030 = arith.constant 7 : i32
      "tpu.region"() ({
        %run_scoped3A_1038 = tpu.sem_alloc : memref<!tpu.dma_semaphore, #tpu.memory_space<semaphore_mem>>
        %dma_start3A_1039 = arith.constant 0 : i32
        %dma_start3A_1040 = tpu.memref_slice %arg7[%run_scoped3A_1028, %run_scoped3A_1029, %run_scoped3A_1030, %dma_start3A_1039] : memref<2x2x8x128xi32, #tpu.memory_space<vmem>> -> memref<1x1x1x128xi32, #tpu.memory_space<vmem>>
        %dma_start3A_1041 = tpu.memref_squeeze %dma_start3A_1040 : memref<1x1x1x128xi32, #tpu.memory_space<vmem>> -> memref<128xi32, #tpu.memory_space<vmem>>
        %dma_start3A_1042 = arith.constant 0 : i32
        %dma_start3A_1043 = arith.constant 0 : i32
        %dma_start3A_1044 = tpu.memref_slice %arg6[%dma_start3A_1042, %dma_start3A_1043] : memref<10112x128xf32, #tpu.memory_space<vmem_shared>> -> memref<10112x128xf32, #tpu.memory_space<vmem_shared>>
        tpu.enqueue_indirect_dma source(%arg9 : memref<128x128xf32, #tpu.memory_space<vmem>>) target(%dma_start3A_1044 : memref<10112x128xf32, #tpu.memory_space<vmem_shared>>) offsets(%dma_start3A_1041 : memref<128xi32, #tpu.memory_space<vmem>>) semaphore(%run_scoped3A_1038 : memref<!tpu.dma_semaphore, #tpu.memory_space<semaphore_mem>>) {add = true}
        %dma_wait3A_1045 = arith.constant 0 : i32
        %dma_wait3A_1046 = tpu.memref_slice %arg7[%run_scoped3A_1028, %run_scoped3A_1029, %run_scoped3A_1030, %dma_wait3A_1045] : memref<2x2x8x128xi32, #tpu.memory_space<vmem>> -> memref<1x1x1x128xi32, #tpu.memory_space<vmem>>
        %dma_wait3A_1047 = tpu.memref_squeeze %dma_wait3A_1046 : memref<1x1x1x128xi32, #tpu.memory_space<vmem>> -> memref<128xi32, #tpu.memory_space<vmem>>
        %dma_wait3A_1048 = arith.constant 0 : i32
        %dma_wait3A_1049 = arith.constant 0 : i32
        %dma_wait3A_1050 = tpu.memref_slice %arg6[%dma_wait3A_1048, %dma_wait3A_1049] : memref<10112x128xf32, #tpu.memory_space<vmem_shared>> -> memref<10112x128xf32, #tpu.memory_space<vmem_shared>>
        tpu.wait_indirect_dma semaphore(%run_scoped3A_1038 : memref<!tpu.dma_semaphore, #tpu.memory_space<semaphore_mem>>) src(%arg9 : memref<128x128xf32, #tpu.memory_space<vmem>>) dst(%dma_wait3A_1050 : memref<10112x128xf32, #tpu.memory_space<vmem_shared>>)
        tpu.yield
      }) : () -> ()
      %add3A_1031 = arith.constant 2 : i32
      %add3A_1032 = arith.addi %add3A_572, %add3A_1031 : i32
      %lt3A_1033 = arith.constant 10 : i32
      %lt3A_1034 = arith.cmpi slt, %add3A_1032, %lt3A_1033 : i32
      %convert_element_type3A_1035 = arith.extui %lt3A_1034 : i1 to i32
      %cond3A_1036 = arith.constant 0 : i32
      %cond3A_1037 = arith.cmpi ne, %convert_element_type3A_1035, %cond3A_1036 : i32
      scf.if %cond3A_1037 {
        %add3A_1038 = arith.constant 2 : i32
        %add3A_1039 = arith.addi %add3A_572, %add3A_1038 : i32
        %mul3A_1040 = arith.constant 8 : i32
        %mul3A_1041 = arith.muli %add3A_1039, %mul3A_1040 : i32
        %mul3A_1042 = arith.constant 8 : i32
        %mul3A_1043 = arith.muli %add3A_1039, %mul3A_1042 : i32
        %dma_start3A_1044 = arith.constant 0 : i32
        %dma_start3A_1045 = arith.constant 1 : i32
        %dma_start3A_1046 = arith.constant 0 : i32
        %dma_start3A_1047 = arith.constant 0 : i32
        %dma_start3A_1048 = arith.constant 0 : i32
        %dma_start3A_1049 = tpu.memref_slice %arg7[%dma_start3A_1045, %dma_start3A_1046, %dma_start3A_1047, %dma_start3A_1048] : memref<2x2x8x128xi32, #tpu.memory_space<vmem>> -> memref<1x1x8x128xi32, #tpu.memory_space<vmem>>
        %dma_start3A_1050 = tpu.memref_squeeze %dma_start3A_1049 : memref<1x1x8x128xi32, #tpu.memory_space<vmem>> -> memref<8x128xi32, #tpu.memory_space<vmem>>
        %dma_start3A_1051 = arith.constant 0 : i32
        %dma_start3A_1052 = arith.constant 0 : i32
        %dma_start3A_1053 = tpu.memref_slice %arg3[%dma_start3A_1044, %add3A, %dma_start3A_1051, %dma_start3A_1052] : memref<2x32x80x128xi32, #tpu.memory_space<hbm>> -> memref<1x1x80x128xi32, #tpu.memory_space<hbm>>
        %dma_start3A_1054 = tpu.memref_squeeze %dma_start3A_1053 : memref<1x1x80x128xi32, #tpu.memory_space<hbm>> -> memref<80x128xi32, #tpu.memory_space<hbm>>
        %dma_start3A_1055 = arith.constant 0 : i32
        %dma_start3A_1056 = tpu.memref_slice %dma_start3A_1054[%mul3A_1041, %dma_start3A_1055] : memref<80x128xi32, #tpu.memory_space<hbm>> -> memref<8x128xi32, #tpu.memory_space<hbm>>
        %dma_start3A_1057 = arith.constant 0 : i32
        %dma_start3A_1058 = arith.constant 0 : i32
        %dma_start3A_1059 = tpu.memref_slice %arg7[%dma_start3A_1045, %dma_start3A_1046, %dma_start3A_1057, %dma_start3A_1058] : memref<2x2x8x128xi32, #tpu.memory_space<vmem>> -> memref<1x1x8x128xi32, #tpu.memory_space<vmem>>
        %dma_start3A_1060 = tpu.memref_squeeze %dma_start3A_1059 : memref<1x1x8x128xi32, #tpu.memory_space<vmem>> -> memref<8x128xi32, #tpu.memory_space<vmem>>
        %dma_start3A_1061 = arith.constant 0 : i32
        %dma_start3A_1062 = arith.constant 0 : i32
        %dma_start3A_1063 = tpu.memref_slice %arg3[%dma_start3A_1044, %add3A, %dma_start3A_1061, %dma_start3A_1062] : memref<2x32x80x128xi32, #tpu.memory_space<hbm>> -> memref<1x1x80x128xi32, #tpu.memory_space<hbm>>
        %dma_start3A_1064 = tpu.memref_squeeze %dma_start3A_1063 : memref<1x1x80x128xi32, #tpu.memory_space<hbm>> -> memref<80x128xi32, #tpu.memory_space<hbm>>
        %dma_start3A_1065 = arith.constant 0 : i32
        %dma_start3A_1066 = tpu.memref_slice %dma_start3A_1064[%mul3A_1041, %dma_start3A_1065] : memref<80x128xi32, #tpu.memory_space<hbm>> -> memref<8x128xi32, #tpu.memory_space<hbm>>
        tpu.enqueue_dma source(%dma_start3A_1066 : memref<8x128xi32, #tpu.memory_space<hbm>>) target(%dma_start3A_1060 : memref<8x128xi32, #tpu.memory_space<vmem>>) target_semaphore(%arg11 : memref<!tpu.dma_semaphore, #tpu.memory_space<semaphore_mem>>)
        %dma_start3A_1067 = arith.constant 1 : i32
        %dma_start3A_1068 = arith.constant 1 : i32
        %dma_start3A_1069 = arith.constant 1 : i32
        %dma_start3A_1070 = arith.constant 0 : i32
        %dma_start3A_1071 = arith.constant 0 : i32
        %dma_start3A_1072 = tpu.memref_slice %arg7[%dma_start3A_1068, %dma_start3A_1069, %dma_start3A_1070, %dma_start3A_1071] : memref<2x2x8x128xi32, #tpu.memory_space<vmem>> -> memref<1x1x8x128xi32, #tpu.memory_space<vmem>>
        %dma_start3A_1073 = tpu.memref_squeeze %dma_start3A_1072 : memref<1x1x8x128xi32, #tpu.memory_space<vmem>> -> memref<8x128xi32, #tpu.memory_space<vmem>>
        %dma_start3A_1074 = arith.constant 0 : i32
        %dma_start3A_1075 = arith.constant 0 : i32
        %dma_start3A_1076 = tpu.memref_slice %arg3[%dma_start3A_1067, %add3A, %dma_start3A_1074, %dma_start3A_1075] : memref<2x32x80x128xi32, #tpu.memory_space<hbm>> -> memref<1x1x80x128xi32, #tpu.memory_space<hbm>>
        %dma_start3A_1077 = tpu.memref_squeeze %dma_start3A_1076 : memref<1x1x80x128xi32, #tpu.memory_space<hbm>> -> memref<80x128xi32, #tpu.memory_space<hbm>>
        %dma_start3A_1078 = arith.constant 0 : i32
        %dma_start3A_1079 = tpu.memref_slice %dma_start3A_1077[%mul3A_1043, %dma_start3A_1078] : memref<80x128xi32, #tpu.memory_space<hbm>> -> memref<8x128xi32, #tpu.memory_space<hbm>>
        %dma_start3A_1080 = arith.constant 0 : i32
        %dma_start3A_1081 = arith.constant 0 : i32
        %dma_start3A_1082 = tpu.memref_slice %arg7[%dma_start3A_1068, %dma_start3A_1069, %dma_start3A_1080, %dma_start3A_1081] : memref<2x2x8x128xi32, #tpu.memory_space<vmem>> -> memref<1x1x8x128xi32, #tpu.memory_space<vmem>>
        %dma_start3A_1083 = tpu.memref_squeeze %dma_start3A_1082 : memref<1x1x8x128xi32, #tpu.memory_space<vmem>> -> memref<8x128xi32, #tpu.memory_space<vmem>>
        %dma_start3A_1084 = arith.constant 0 : i32
        %dma_start3A_1085 = arith.constant 0 : i32
        %dma_start3A_1086 = tpu.memref_slice %arg3[%dma_start3A_1067, %add3A, %dma_start3A_1084, %dma_start3A_1085] : memref<2x32x80x128xi32, #tpu.memory_space<hbm>> -> memref<1x1x80x128xi32, #tpu.memory_space<hbm>>
        %dma_start3A_1087 = tpu.memref_squeeze %dma_start3A_1086 : memref<1x1x80x128xi32, #tpu.memory_space<hbm>> -> memref<80x128xi32, #tpu.memory_space<hbm>>
        %dma_start3A_1088 = arith.constant 0 : i32
        %dma_start3A_1089 = tpu.memref_slice %dma_start3A_1087[%mul3A_1043, %dma_start3A_1088] : memref<80x128xi32, #tpu.memory_space<hbm>> -> memref<8x128xi32, #tpu.memory_space<hbm>>
        tpu.enqueue_dma source(%dma_start3A_1089 : memref<8x128xi32, #tpu.memory_space<hbm>>) target(%dma_start3A_1083 : memref<8x128xi32, #tpu.memory_space<vmem>>) target_semaphore(%arg11 : memref<!tpu.dma_semaphore, #tpu.memory_space<semaphore_mem>>)
      } else {
      }
    }
    %scan3A_106 = arith.constant 5 : i32
    %barrier3A_107 = arith.constant 0 : index
    tpu.barrier barrier_id(%barrier3A_107)
    %mul3A_108 = arith.constant 632 : i32
    %mul3A_109 = arith.muli %arg1, %mul3A_108 : i32
    %mul3A_110 = arith.constant 632 : i32
    %mul3A_111 = arith.muli %arg1, %mul3A_110 : i32
    "tpu.region"() ({
      %run_scoped3A = tpu.sem_alloc : memref<!tpu.dma_semaphore, #tpu.memory_space<semaphore_mem>>
      %dma_start3A_112 = arith.constant 0 : i32
      %dma_start3A_113 = tpu.memref_slice %arg5[%arg0, %mul3A_111, %dma_start3A_112] : memref<2x10112x128xf32, #tpu.memory_space<hbm>> -> memref<1x632x128xf32, #tpu.memory_space<hbm>>
      %dma_start3A_114 = tpu.memref_squeeze %dma_start3A_113 : memref<1x632x128xf32, #tpu.memory_space<hbm>> -> memref<632x128xf32, #tpu.memory_space<hbm>>
      %dma_start3A_115 = arith.constant 0 : i32
      %dma_start3A_116 = tpu.memref_slice %arg6[%mul3A_109, %dma_start3A_115] : memref<10112x128xf32, #tpu.memory_space<vmem_shared>> -> memref<632x128xf32, #tpu.memory_space<vmem_shared>>
      tpu.enqueue_dma source(%dma_start3A_116 : memref<632x128xf32, #tpu.memory_space<vmem_shared>>) target(%dma_start3A_114 : memref<632x128xf32, #tpu.memory_space<hbm>>) target_semaphore(%run_scoped3A : memref<!tpu.dma_semaphore, #tpu.memory_space<semaphore_mem>>)
      %dma_wait3A = arith.constant 0 : i32
      %dma_wait3A_117 = tpu.memref_slice %arg5[%arg0, %mul3A_111, %dma_wait3A] : memref<2x10112x128xf32, #tpu.memory_space<hbm>> -> memref<1x632x128xf32, #tpu.memory_space<hbm>>
      %dma_wait3A_118 = tpu.memref_squeeze %dma_wait3A_117 : memref<1x632x128xf32, #tpu.memory_space<hbm>> -> memref<632x128xf32, #tpu.memory_space<hbm>>
      %dma_wait3A_119 = arith.constant 0 : i32
      %dma_wait3A_120 = tpu.memref_slice %arg6[%mul3A_109, %dma_wait3A_119] : memref<10112x128xf32, #tpu.memory_space<vmem_shared>> -> memref<632x128xf32, #tpu.memory_space<vmem_shared>>
      tpu.wait_dma2 semaphore(%run_scoped3A : memref<!tpu.dma_semaphore, #tpu.memory_space<semaphore_mem>>) src(%dma_wait3A_120 : memref<632x128xf32, #tpu.memory_space<vmem_shared>>) dst(%dma_wait3A_118 : memref<632x128xf32, #tpu.memory_space<hbm>>)
      tpu.yield
    }) : () -> ()
    return
  }
}

module attributes {stable_mosaic.version = 14 : i64} {
  func.func @_mm_scale_body(%arg0: i32, %arg1: memref<2000x128xf32, #tpu.memory_space<vmem>>, %arg2: memref<128x128xf32, #tpu.memory_space<vmem>>, %arg3: memref<2000x1xf32, #tpu.memory_space<vmem>>, %arg4: memref<2000x128xf32, #tpu.memory_space<vmem>>) attributes {dimension_semantics = [#tpu.dimension_semantics<arbitrary>], iteration_bounds = array<i64: 5>, scalar_prefetch = 0 : i64, scratch_operands = 0 : i64, tpu.core_type = #tpu.core_type<tc>, window_params = [{transform_indices = @transform_0, window_bounds = array<i64: 2000, 128>}, {pipeline_mode = #tpu.pipeline_mode<synchronous>, transform_indices = @transform_1, window_bounds = array<i64: 128, 128>}, {transform_indices = @transform_2, window_bounds = array<i64: 2000, 1>}, {transform_indices = @transform_3, window_bounds = array<i64: 2000, 128>}]} {
    %get3A = arith.constant 0 : index
    %get3A_0 = arith.constant 0 : index
    %get3A_1 = vector.load %arg3[%get3A, %get3A_0] : memref<2000x1xf32, #tpu.memory_space<vmem>>, vector<2000x1xf32>
    %get3A_2 = arith.constant 0 : index
    %get3A_3 = arith.constant 0 : index
    %get3A_4 = vector.load %arg1[%get3A_2, %get3A_3] : memref<2000x128xf32, #tpu.memory_space<vmem>>, vector<2000x128xf32>
    %get3A_5 = arith.constant 0 : index
    %get3A_6 = arith.constant 0 : index
    %get3A_7 = vector.load %arg2[%get3A_5, %get3A_6] : memref<128x128xf32, #tpu.memory_space<vmem>>, vector<128x128xf32>
    %dot_general3A = arith.constant dense<0.000000e+00> : vector<2000x128xf32>
    %dot_general3A_8 = tpu.matmul %get3A_4, %get3A_7, %dot_general3A {dimension_numbers = #tpu.dot_dimension_numbers<[1], [0], [0], [1], [0, 0, 1, 1], [], []>, precision = #tpu.contract_precision<fp32>, transpose_lhs_hint = false} : vector<2000x128xf32>, vector<128x128xf32>, vector<2000x128xf32> -> vector<2000x128xf32>
    %mul3A = vector.broadcast %get3A_1 : vector<2000x1xf32> to vector<2000x128xf32>
    %mul3A_9 = arith.mulf %mul3A, %dot_general3A_8 : vector<2000x128xf32>
    %swap3A = arith.constant 0 : index
    %swap3A_10 = arith.constant 0 : index
    %swap3A_11 = vector.load %arg4[%swap3A, %swap3A_10] : memref<2000x128xf32, #tpu.memory_space<vmem>>, vector<2000x128xf32>
    tpu.vector_store %arg4[%swap3A, %swap3A_10], %mul3A_9 {strides = array<i32>} : memref<2000x128xf32, #tpu.memory_space<vmem>>, vector<2000x128xf32>,
    return
  }
  func.func @transform_0(%arg0: i32) -> (i32, i32) {
    %c0_i32 = arith.constant 0 : i32
    %c0_i32_0 = arith.constant 0 : i32
    return %arg0, %c0_i32 : i32, i32
  }
  func.func @transform_1(%arg0: i32) -> (i32, i32) {
    %c0_i32 = arith.constant 0 : i32
    %c0_i32_0 = arith.constant 0 : i32
    %c0_i32_1 = arith.constant 0 : i32
    return %c0_i32, %c0_i32_0 : i32, i32
  }
  func.func @transform_2(%arg0: i32) -> (i32, i32) {
    %c0_i32 = arith.constant 0 : i32
    %c0_i32_0 = arith.constant 0 : i32
    return %arg0, %c0_i32 : i32, i32
  }
  func.func @transform_3(%arg0: i32) -> (i32, i32) {
    %c0_i32 = arith.constant 0 : i32
    %c0_i32_0 = arith.constant 0 : i32
    return %arg0, %c0_i32 : i32, i32
  }
}

module attributes {stable_mosaic.version = 14 : i64} {
  func.func @_mid_body(%arg0: i32, %arg1: memref<2x2000x128xf32, #tpu.memory_space<vmem>>, %arg2: memref<2000x128xf32, #tpu.memory_space<vmem>>, %arg3: memref<2000x1xf32, #tpu.memory_space<vmem>>, %arg4: memref<1x128xf32, #tpu.memory_space<vmem>>, %arg5: memref<128x128xf32, #tpu.memory_space<vmem>>, %arg6: memref<2000x128xf32, #tpu.memory_space<vmem>>) attributes {dimension_semantics = [#tpu.dimension_semantics<arbitrary>], iteration_bounds = array<i64: 5>, scalar_prefetch = 0 : i64, scratch_operands = 0 : i64, tpu.core_type = #tpu.core_type<tc>, window_params = [{transform_indices = @transform_0, window_bounds = array<i64: 2, 2000, 128>}, {transform_indices = @transform_1, window_bounds = array<i64: 2000, 128>}, {transform_indices = @transform_2, window_bounds = array<i64: 2000, 1>}, {pipeline_mode = #tpu.pipeline_mode<synchronous>, transform_indices = @transform_3, window_bounds = array<i64: 1, 128>}, {pipeline_mode = #tpu.pipeline_mode<synchronous>, transform_indices = @transform_4, window_bounds = array<i64: 128, 128>}, {transform_indices = @transform_5, window_bounds = array<i64: 2000, 128>}]} {
    %get3A = arith.constant 0 : index
    %get3A_0 = arith.constant 0 : index
    %get3A_1 = vector.load %arg3[%get3A, %get3A_0] : memref<2000x1xf32, #tpu.memory_space<vmem>>, vector<2000x1xf32>
    %get3A_2 = arith.constant 0 : index
    %get3A_3 = arith.constant 0 : index
    %get3A_4 = arith.constant 0 : index
    %get3A_5 = vector.load %arg1[%get3A_2, %get3A_3, %get3A_4] : memref<2x2000x128xf32, #tpu.memory_space<vmem>>, vector<1x2000x128xf32>
    %get3A_6 = vector.shape_cast %get3A_5 : vector<1x2000x128xf32> to vector<2000x128xf32>
    %get3A_7 = arith.constant 1 : index
    %get3A_8 = arith.constant 0 : index
    %get3A_9 = arith.constant 0 : index
    %get3A_10 = vector.load %arg1[%get3A_7, %get3A_8, %get3A_9] : memref<2x2000x128xf32, #tpu.memory_space<vmem>>, vector<1x2000x128xf32>
    %get3A_11 = vector.shape_cast %get3A_10 : vector<1x2000x128xf32> to vector<2000x128xf32>
    %add3A = arith.addf %get3A_6, %get3A_11 : vector<2000x128xf32>
    %get3A_12 = arith.constant 0 : index
    %get3A_13 = arith.constant 0 : index
    %get3A_14 = vector.load %arg2[%get3A_12, %get3A_13] : memref<2000x128xf32, #tpu.memory_space<vmem>>, vector<2000x128xf32>
    %add3A_15 = arith.addf %add3A, %get3A_14 : vector<2000x128xf32>
    %mul3A = vector.broadcast %get3A_1 : vector<2000x1xf32> to vector<2000x128xf32>
    %mul3A_16 = arith.mulf %mul3A, %add3A_15 : vector<2000x128xf32>
    %get3A_17 = arith.constant 0 : index
    %get3A_18 = arith.constant 0 : index
    %get3A_19 = vector.load %arg4[%get3A_17, %get3A_18] : memref<1x128xf32, #tpu.memory_space<vmem>>, vector<1x128xf32>
    %add3A_20 = vector.broadcast %get3A_19 : vector<1x128xf32> to vector<2000x128xf32>
    %add3A_21 = arith.addf %mul3A_16, %add3A_20 : vector<2000x128xf32>
    %max3A = arith.constant 0.000000e+00 : f32
    %max3A_22 = vector.broadcast %max3A : f32 to vector<2000x128xf32>
    %max3A_23 = arith.maximumf %add3A_21, %max3A_22 : vector<2000x128xf32>
    %get3A_24 = arith.constant 0 : index
    %get3A_25 = arith.constant 0 : index
    %get3A_26 = vector.load %arg3[%get3A_24, %get3A_25] : memref<2000x1xf32, #tpu.memory_space<vmem>>, vector<2000x1xf32>
    %get3A_27 = arith.constant 0 : index
    %get3A_28 = arith.constant 0 : index
    %get3A_29 = vector.load %arg5[%get3A_27, %get3A_28] : memref<128x128xf32, #tpu.memory_space<vmem>>, vector<128x128xf32>
    %dot_general3A = arith.constant dense<0.000000e+00> : vector<2000x128xf32>
    %dot_general3A_30 = tpu.matmul %max3A_23, %get3A_29, %dot_general3A {dimension_numbers = #tpu.dot_dimension_numbers<[1], [0], [0], [1], [0, 0, 1, 1], [], []>, precision = #tpu.contract_precision<fp32>, transpose_lhs_hint = false} : vector<2000x128xf32>, vector<128x128xf32>, vector<2000x128xf32> -> vector<2000x128xf32>
    %mul3A_31 = vector.broadcast %get3A_26 : vector<2000x1xf32> to vector<2000x128xf32>
    %mul3A_32 = arith.mulf %mul3A_31, %dot_general3A_30 : vector<2000x128xf32>
    %swap3A = arith.constant 0 : index
    %swap3A_33 = arith.constant 0 : index
    %swap3A_34 = vector.load %arg6[%swap3A, %swap3A_33] : memref<2000x128xf32, #tpu.memory_space<vmem>>, vector<2000x128xf32>
    tpu.vector_store %arg6[%swap3A, %swap3A_33], %mul3A_32 {strides = array<i32>} : memref<2000x128xf32, #tpu.memory_space<vmem>>, vector<2000x128xf32>,
    return
  }
  func.func @transform_0(%arg0: i32) -> (i32, i32, i32) {
    %c0_i32 = arith.constant 0 : i32
    %c0_i32_0 = arith.constant 0 : i32
    %c0_i32_1 = arith.constant 0 : i32
    return %c0_i32, %arg0, %c0_i32_0 : i32, i32, i32
  }
  func.func @transform_1(%arg0: i32) -> (i32, i32) {
    %c0_i32 = arith.constant 0 : i32
    %c0_i32_0 = arith.constant 0 : i32
    return %arg0, %c0_i32 : i32, i32
  }
  func.func @transform_2(%arg0: i32) -> (i32, i32) {
    %c0_i32 = arith.constant 0 : i32
    %c0_i32_0 = arith.constant 0 : i32
    return %arg0, %c0_i32 : i32, i32
  }
  func.func @transform_3(%arg0: i32) -> (i32, i32) {
    %c0_i32 = arith.constant 0 : i32
    %c0_i32_0 = arith.constant 0 : i32
    %c0_i32_1 = arith.constant 0 : i32
    return %c0_i32, %c0_i32_0 : i32, i32
  }
  func.func @transform_4(%arg0: i32) -> (i32, i32) {
    %c0_i32 = arith.constant 0 : i32
    %c0_i32_0 = arith.constant 0 : i32
    %c0_i32_1 = arith.constant 0 : i32
    return %c0_i32, %c0_i32_0 : i32, i32
  }
  func.func @transform_5(%arg0: i32) -> (i32, i32) {
    %c0_i32 = arith.constant 0 : i32
    %c0_i32_0 = arith.constant 0 : i32
    return %arg0, %c0_i32 : i32, i32
  }
}

module attributes {stable_mosaic.version = 14 : i64} {
  func.func @_fin_body(%arg0: i32, %arg1: memref<2x2000x128xf32, #tpu.memory_space<vmem>>, %arg2: memref<2000x128xf32, #tpu.memory_space<vmem>>, %arg3: memref<2000x1xf32, #tpu.memory_space<vmem>>, %arg4: memref<1x128xf32, #tpu.memory_space<vmem>>, %arg5: memref<2000x128xf32, #tpu.memory_space<vmem>>) attributes {dimension_semantics = [#tpu.dimension_semantics<arbitrary>], iteration_bounds = array<i64: 5>, scalar_prefetch = 0 : i64, scratch_operands = 0 : i64, tpu.core_type = #tpu.core_type<tc>, window_params = [{transform_indices = @transform_0, window_bounds = array<i64: 2, 2000, 128>}, {transform_indices = @transform_1, window_bounds = array<i64: 2000, 128>}, {transform_indices = @transform_2, window_bounds = array<i64: 2000, 1>}, {pipeline_mode = #tpu.pipeline_mode<synchronous>, transform_indices = @transform_3, window_bounds = array<i64: 1, 128>}, {transform_indices = @transform_4, window_bounds = array<i64: 2000, 128>}]} {
    %get3A = arith.constant 0 : index
    %get3A_0 = arith.constant 0 : index
    %get3A_1 = vector.load %arg3[%get3A, %get3A_0] : memref<2000x1xf32, #tpu.memory_space<vmem>>, vector<2000x1xf32>
    %get3A_2 = arith.constant 0 : index
    %get3A_3 = arith.constant 0 : index
    %get3A_4 = arith.constant 0 : index
    %get3A_5 = vector.load %arg1[%get3A_2, %get3A_3, %get3A_4] : memref<2x2000x128xf32, #tpu.memory_space<vmem>>, vector<1x2000x128xf32>
    %get3A_6 = vector.shape_cast %get3A_5 : vector<1x2000x128xf32> to vector<2000x128xf32>
    %get3A_7 = arith.constant 1 : index
    %get3A_8 = arith.constant 0 : index
    %get3A_9 = arith.constant 0 : index
    %get3A_10 = vector.load %arg1[%get3A_7, %get3A_8, %get3A_9] : memref<2x2000x128xf32, #tpu.memory_space<vmem>>, vector<1x2000x128xf32>
    %get3A_11 = vector.shape_cast %get3A_10 : vector<1x2000x128xf32> to vector<2000x128xf32>
    %add3A = arith.addf %get3A_6, %get3A_11 : vector<2000x128xf32>
    %get3A_12 = arith.constant 0 : index
    %get3A_13 = arith.constant 0 : index
    %get3A_14 = vector.load %arg2[%get3A_12, %get3A_13] : memref<2000x128xf32, #tpu.memory_space<vmem>>, vector<2000x128xf32>
    %add3A_15 = arith.addf %add3A, %get3A_14 : vector<2000x128xf32>
    %mul3A = vector.broadcast %get3A_1 : vector<2000x1xf32> to vector<2000x128xf32>
    %mul3A_16 = arith.mulf %mul3A, %add3A_15 : vector<2000x128xf32>
    %get3A_17 = arith.constant 0 : index
    %get3A_18 = arith.constant 0 : index
    %get3A_19 = vector.load %arg4[%get3A_17, %get3A_18] : memref<1x128xf32, #tpu.memory_space<vmem>>, vector<1x128xf32>
    %add3A_20 = vector.broadcast %get3A_19 : vector<1x128xf32> to vector<2000x128xf32>
    %add3A_21 = arith.addf %mul3A_16, %add3A_20 : vector<2000x128xf32>
    %swap3A = arith.constant 0 : index
    %swap3A_22 = arith.constant 0 : index
    %swap3A_23 = vector.load %arg5[%swap3A, %swap3A_22] : memref<2000x128xf32, #tpu.memory_space<vmem>>, vector<2000x128xf32>
    tpu.vector_store %arg5[%swap3A, %swap3A_22], %add3A_21 {strides = array<i32>} : memref<2000x128xf32, #tpu.memory_space<vmem>>, vector<2000x128xf32>,
    return
  }
  func.func @transform_0(%arg0: i32) -> (i32, i32, i32) {
    %c0_i32 = arith.constant 0 : i32
    %c0_i32_0 = arith.constant 0 : i32
    %c0_i32_1 = arith.constant 0 : i32
    return %c0_i32, %arg0, %c0_i32_0 : i32, i32, i32
  }
  func.func @transform_1(%arg0: i32) -> (i32, i32) {
    %c0_i32 = arith.constant 0 : i32
    %c0_i32_0 = arith.constant 0 : i32
    return %arg0, %c0_i32 : i32, i32
  }
  func.func @transform_2(%arg0: i32) -> (i32, i32) {
    %c0_i32 = arith.constant 0 : i32
    %c0_i32_0 = arith.constant 0 : i32
    return %arg0, %c0_i32 : i32, i32
  }
  func.func @transform_3(%arg0: i32) -> (i32, i32) {
    %c0_i32 = arith.constant 0 : i32
    %c0_i32_0 = arith.constant 0 : i32
    %c0_i32_1 = arith.constant 0 : i32
    return %c0_i32, %c0_i32_0 : i32, i32
  }
  func.func @transform_4(%arg0: i32) -> (i32, i32) {
    %c0_i32 = arith.constant 0 : i32
    %c0_i32_0 = arith.constant 0 : i32
    return %arg0, %c0_i32 : i32, i32
  }
}

</mosaic_0001>

<sc_bundles>
// kernel: kernel.11.cloned.1.call-start
scs
__scs_entry_jumppad:
0x0: {  	(pc) =	sbr.rel $0x88, $3  }
0x1: {  	(tag) =	ssettag $0x0;
	lr =	simm.s32 $0x1  }
0x2: {  	[smem:$0x3F9B] =	sst lr;
	_ =	strace $0xD0000000  }
0x3: {  	_ = 	snop  }
0x4: {  	_ = 	snop  }
0x5: {  	_ = 	snop  }
0x6: {  	_ = 	snop  }
0x7: {  	_ = 	snop  }
__scs_overlays_trampoline_lowered:
0x8: {  	[smem:$0x3FAA] =	sst s0  }
0x9: {  	[smem:$0x3FAB] =	sst s1  }
0xa: {  	[smem:$0x3FAC] =	sst s2  }
0xb: {  	[smem:$0x3FAD] =	sst s3  }
0xc: {  	[smem:$0x3FAE] =	sst s4  }
0xd: {  	[smem:$0x3FAF] =	sst s5  }
0xe: {  	[smem:$0x3FB0] =	sst s6  }
0xf: {  	[smem:$0x3FB1] =	sst s7  }
0x10: {  	[smem:$0x3FB2] =	sst s8  }
0x11: {  	[smem:$0x3FB3] =	sst s9;
	s0 =	simm.s32 @!p0 $0x0  }
0x12: {  	s1 =	sld [smem:$0x3F99];
	s0 =	simm.s32 @p0 $0x1  }
0x13: {  	[smem:$0x3FB4] =	sst s0;
	s0 =	simm.s32 @!p1 $0x0  }
0x14: {  	s2 =	sld [smem:$0x3F98];
	s0 =	simm.s32 @p1 $0x1  }
0x15: {  	[smem:$0x3FB5] =	sst s0;
	s0 =	simm.s32 @!p2 $0x0  }
0x16: {  	s3 =	sld [smem:$0x3FDB];
	s0 =	simm.s32 @p2 $0x1  }
0x17: {  	s4 =	simm.s32 $0x1BF5;
	[smem:$0x3FB7] =	sst s0  }
0x18: {  	s0 =	sld [smem:$0x3F9A];
	_ =	swait.ge [sflag:s4], $0x0  }
0x19: {  	s7 =	sld [smem:$0x3F9B]  }
0x1a: {  	s8 =	sadd.s32 $0xFFFFE003, lr  }
0x1b: {  	s9 =	sadd.s32 $0xFFFFFEF7, lr;
	s5 =	simm.s32 $0xFFFFFFFF;
	p2 =	slt.u32 s8, $0xFFFFF086  }
0x1c: {  	p1 =	slt.u32 s9, $0xF7A;
	s5 =	simm.s32 @!p2 $0x0  }
0x1d: {  	s5 =	simm.s32 @p1 $0x1;
	p0 =	seq.s32 s7, s2  }
0x1e: {  	s7 =	smul.u32 @!p0 $0xF7A, s2;
	p2 =	seq.s32 @!p0 s5, $0x0  }
0x1f: {  	s9 =	smul.u32 $0xF7A, s1;
	s8 =	simm.s32 @!p0 $0x1BF5;
	p2 =	por !p2, p0  }
0x20: {  	[sflag:s8] =	ssyncset.s32 @!p0 $0xFFFFF086;
	s6 =	sadd.s32 @!p0 s3, s7;
	s7 =	simm.s32 @!p0 $0x108  }
0x21: {  	s3 =	sadd.s32 s3, s9;
	s6 =	sadd.s32 @!p0 $0x88, s6;
	s7 =	simm.s32 @p2 $0x1082  }
0x22: {  	[simem:s7], [sflag:s8] =	dma.local @!p0 [hbm:s6], $0xF7A  }
0x23: {  	s9 =	sor.u32 $0xD0000000, s2;
	s6 =	simm.s32 $0x108;
	_ =	swait.ge @!p0 [sflag:s8], $0x0  }
0x24: {  	s3 =	sadd.s32 $0x88, s3;
	s6 =	simm.s32 @!p1 $0x1082;
	[sflag:s4] =	ssyncset.s32 $0xFFFFF086  }
0x25: {  	[simem:s6], [sflag:s4] =	dma.local [hbm:s3], $0xF7A  }
0x26: {  	[smem:$0x3F9B] =	sst s1;
	(tag) =	ssettag s2;
	_ =	strace s9  }
0x27: {  	s1 =	sld [smem:$0x3FAB]  }
0x28: {  	s2 =	sld [smem:$0x3FAC]  }
0x29: {  	s4 =	sld [smem:$0x3FAE]  }
0x2a: {  	p0 =	seq.s32 s5, $0x0;
	s5 =	sld [smem:$0x3FAF]  }
0x2b: {  	s6 =	sld [smem:$0x3FB0]  }
0x2c: {  	s7 =	sld [smem:$0x3FB1]  }
0x2d: {  	s3 =	simm.s32 $0x108;
	s8 =	sld [smem:$0x3FB2]  }
0x2e: {  	s3 =	simm.s32 @!p0 $0x1082;
	s9 =	sld [smem:$0x3FB3]  }
0x2f: {  	lr =	sadd.s32 s0, s3;
	s0 =	sld [smem:$0x3FAA]  }
0x30: {  	s3 =	sld [smem:$0x3FAD]  }
0x31: {  	[smem:$0x3FB6] =	sst s10  }
0x32: {  	s10 =	sld [smem:$0x3FB4];
	_ =	sdelay $0x3  }
0x33: {  	p0 =	seq.s32 s10, $0x1;
	s10 =	sld [smem:$0x3FB6];
	_ =	sdelay $0x3  }
0x34: {  	[smem:$0x3FB6] =	sst s10  }
0x35: {  	s10 =	sld [smem:$0x3FB5];
	_ =	sdelay $0x3  }
0x36: {  	p1 =	seq.s32 s10, $0x1;
	s10 =	sld [smem:$0x3FB6];
	_ =	sdelay $0x3  }
0x37: {  	[smem:$0x3FB6] =	sst s10  }
0x38: {  	s10 =	sld [smem:$0x3FB7]  }
0x39: {  	_ = 	snop;
	(pc) =	sbr.ind lr, $3  }
0x3a: {  	_ = 	snop  }
0x3b: {  	_ = 	snop  }
0x3c: {  	p2 =	seq.s32 s10, $0x1;
	s10 =	sld [smem:$0x3FB6]  }
0x3d: {  	_ =	shalt  }
0x3e: {  	_ =	shalt  }
0x3f: {  	_ =	shalt  }
0x40: {  	_ =	shalt  }
0x41: {  	_ =	shalt  }
0x42: {  	_ =	shalt  }
0x43: {  	_ =	shalt  }
0x44: {  	_ =	shalt  }
0x45: {  	_ =	shalt  }
0x46: {  	_ =	shalt  }
0x47: {  	_ =	shalt  }
0x48: {  	_ =	shalt  }
0x49: {  	_ =	shalt  }
0x4a: {  	_ =	shalt  }
0x4b: {  	_ =	shalt  }
0x4c: {  	_ =	shalt  }
0x4d: {  	_ =	shalt  }
0x4e: {  	_ =	shalt  }
0x4f: {  	_ =	shalt  }
0x50: {  	_ =	shalt  }
0x51: {  	_ =	shalt  }
0x52: {  	_ =	shalt  }
0x53: {  	_ =	shalt  }
0x54: {  	_ =	shalt  }
0x55: {  	_ =	shalt  }
0x56: {  	_ =	shalt  }
0x57: {  	_ =	shalt  }
0x58: {  	_ =	shalt  }
0x59: {  	_ =	shalt  }
0x5a: {  	_ =	shalt  }
0x5b: {  	_ =	shalt  }
0x5c: {  	_ =	shalt  }
0x5d: {  	_ =	shalt  }
0x5e: {  	_ =	shalt  }
0x5f: {  	_ =	shalt  }
0x60: {  	_ =	shalt  }
0x61: {  	_ =	shalt  }
0x62: {  	_ =	shalt  }
0x63: {  	_ =	shalt  }
0x64: {  	_ =	shalt  }
0x65: {  	_ =	shalt  }
0x66: {  	_ =	shalt  }
0x67: {  	_ =	shalt  }
0x68: {  	_ =	shalt  }
0x69: {  	_ =	shalt  }
0x6a: {  	_ =	shalt  }
0x6b: {  	_ =	shalt  }
0x6c: {  	_ =	shalt  }
0x6d: {  	_ =	shalt  }
0x6e: {  	_ =	shalt  }
0x6f: {  	_ =	shalt  }
0x70: {  	_ =	shalt  }
0x71: {  	_ =	shalt  }
0x72: {  	_ =	shalt  }
0x73: {  	_ =	shalt  }
0x74: {  	_ =	shalt  }
0x75: {  	_ =	shalt  }
0x76: {  	_ =	shalt  }
0x77: {  	_ =	shalt  }
0x78: {  	_ =	shalt  }
0x79: {  	_ =	shalt  }
0x7a: {  	_ =	shalt  }
0x7b: {  	_ =	shalt  }
0x7c: {  	_ =	shalt  }
0x7d: {  	_ =	shalt  }
0x7e: {  	_ =	shalt  }
0x7f: {  	_ =	shalt  }
0x80: {  	_ =	shalt  }
0x81: {  	_ =	shalt  }
0x82: {  	_ =	shalt  }
0x83: {  	_ =	shalt  }
0x84: {  	_ =	shalt  }
0x85: {  	_ =	shalt  }
0x86: {  	_ =	shalt  }
0x87: {  	_ =	shalt  }
.Lfunc_end0:
.L_simem_size_0:
called_computation.1_lowered:
.L_overlay_start_0:
0x88: {  	s2 =	sld [smem:$0x3FD9]  }
0x89: {  	s3 =	sld [smem:$0x3FFE];
	_ =	sdelay $0x1  }
0x8a: {  	s1 =	srdreg.scid  }
0x8b: {  	s0 =	sand.u32 $0x1, s1  }
0x8c: {  	s17 =	sshll.u32 s0, $0xA;
	s2 =	sadd.s32 s3, s2  }
0x8d: {  	s2 =	sadd.s32 s2, s17  }
0x8e: {  	[smem:$0x3FC2] =	sst s2  }
0x8f: {  	_ = 	snop  }
0x90: {  	s2 =	sld [smem:$0x3FD0];
	(tm) =	ssettm $0x1  }
0x91: {  	s18 =	sld [smem:$0x3FFB];
	_ =	sdelay $0x3  }
0x92: {  	_ =	strace s18  }
0x93: {  	s3 =	sld [smem:$0x3FFC];
	_ =	sdelay $0x3  }
0x94: {  	_ =	strace s3  }
0x95: {  	s3 =	sld [smem:$0x3FFD];
	_ =	sdelay $0x3  }
0x96: {  	_ =	strace s3  }
0x97: {  	_ =	strace $0x8FFFFFFF  }
0x98: {  	s19 =	sld [smem:$0x3FDB];
	_ =	sdelay $0x1  }
0x99: {  	s4 =	simm.s32 $_scs_section_size  }
0x9a: {  	s5 =	simm.s32 $_size__tile_overlayer_lowered;
	s6 =	simm.s32 $_tile_overlayer_lowered  }
0x9b: {  	s22 =	simm.s32 $0x1BFF;
	s21 =	sshll.u32 s6, $0x1;
	s3 =	sadd.s32 s4, s19  }
0x9c: {  	s7 =	simm.s32 $0x0;
	s20 =	sshll.u32 s5, $0x1;
	s5 =	sadd.s32 s21, s3  }
0x9d: {  	[timem:s7], [sflag:s22] =	dma.local [hbm:s5], s20  }
0x9e: {  	_ =	swait.ge [sflag:s22], s20  }
0x9f: {  	s4 =	ssub.s32 $0x0, s20;
	[sflag:s22] =	ssyncset.done $0x0  }
0xa0: {  	[sflag:s22] =	ssyncadd.s32 s4;
	_ =	sdelay $0x1  }
0xa1: {  	s23 =	simm.s32 $0x1B8B  }
0xa2: {  	_ =	swait.ge [sflag:s23], $0x1  }
0xa3: {  	[sflag:s23] =	ssyncset.done $0x0  }
0xa4: {  	s25 =	simm.s32 $0x1B8E;
	s24 =	sld [smem:$0x3FFE];
	[sflag:s23] =	ssyncadd.s32 $0xFFFFFFFF  }
0xa5: {  	s26 =	simm.s32 $execute0_lowered;
	[smem:$0x3FD2] =	sst s25  }
0xa6: {  	s5 =	sshll.u32 s26, $0x1;
	_ =	strace $0x80000049;
	[dreg:$0x1] =	wrdreg $0xFFFFFFFF  }
0xa7: {  	s28 =	simm.s32 $_size_execute0_lowered;
	s3 =	sadd.s32 s3, s5;
	[dreg:$0x0] =	wrdreg $0x0  }
0xa8: {  	s5 =	sshll.u32 s28, $0x1;
	[dreg:$0x2] =	wrdreg s3  }
0xa9: {  	[dreg:$0x3] =	wrdreg s5  }
0xaa: {  	[dreg:$0x4] =	wrdreg $0xC0  }
0xab: {  	_ =	task [dreg:s7], $0x5FFFF  }
0xac: {  	[dreg:$0x1] =	wrdreg $0xFFFFFFFF  }
0xad: {  	[dreg:$0x0] =	wrdreg $0x60  }
0xae: {  	[dreg:$0x2] =	wrdreg s24  }
0xaf: {  	[dreg:$0x3] =	wrdreg s2  }
0xb0: {  	[dreg:$0x4] =	wrdreg $0x0  }
0xb1: {  	[dreg:$0x5] =	wrdreg $0x9  }
0xb2: {  	_ =	task.clear_ibuf [dreg:s7], $0x6FFFF;
	_ =	strace $0x90000049  }
0xb3: {  	s29 =	simm.s32 $0x9;
	_ =	strace $0x8000004B  }
0xb4: {  	_ =	swait.ge [sflag:s29], $0x1  }
0xb5: {  	[sflag:s29] =	ssyncadd.s32 $0xFFFFFFFF  }
0xb6: {  	_ =	strace $0x9000004B  }
0xb7: {  	_ =	sfence  }
0xb8: {  	s30 =	sld [smem:$0x0];
	_ =	sdelay $0x2  }
0xb9: {  	s31 =	sshll.u32 s1, $0xD;
	s1 =	sshrl.u32 s1, $0x2  }
0xba: {  	s3 =	sand.u32 $0x4000, s31;
	s1 =	sadd.s32 s1, s30  }
0xbb: {  	s0 =	sor.u32 s3, s0;
	s1 =	sshll.u32 s1, $0x11  }
0xbc: {  	s0 =	sor.u32 s1, s0  }
0xbd: {  	s0 =	sadd.s32 $0x8F2B, s0  }
0xbe: {  	[sflag:s0] =	ssyncadd.remote.s32 $0x1  }
0xbf: {  	_ =	sfence.sel $0xFFFF  }
0xc0: {  	[dreg:$0x0] =	wrdreg $0xFFFFFFFF;
	(pc) =	sbr.abs _section_cstart, $3  }
0xc1: {  	[dreg:$0x1] =	wrdreg $0xFFFFFFFF  }
0xc2: {  	_ =	task.clear_ibuf [dreg:s7], $0x2FFFF;
	_ =	strace $0x9FFFFFFF  }
0xc3: {  	(tm) =	ssettm $0x7FFFFFFF  }
tec
execute0_lowered:
.L_overlay_start_1:
0x0: {  	(tag) =	ssettag $0x1  }
0x1: {  	s0 =	rddreg [dreg:$0x0]  }
0x2: {  	s2 =	rddreg [dreg:$0x1]  }
0x3: {  	s1 =	rddreg [dreg:$0x2]  }
0x4: {  	s3 =	srdreg.scid;
	s10 =	stileid.u32;
	s12 =	simm.s32 $0x5  }
0x5: {  	s16 =	simm.s32 $0x14400;
	s11 =	simm.s32 $0x2;
	s28 =	simm.s32 $0x14900  }
0x6: {  	s29 =	simm.s32 $0x14600;
	s30 =	simm.s32 $0x14980;
	s31 =	simm.s32 $0x14680  }
0x7: {  	s15 =	simm.s32 $0x14B80;
	s17 =	simm.s32 $0x0;
	s5 =	sand.u32 $0x1, s3  }
0x8: {  	s3 =	simm.s32 $0x0;
	s7 =	smul.u32 $0x13C00, s10;
	s4 =	sadd.s32 $0x5600, s0  }
0x9: {  	s19 =	smul.u32 $0x4F000, s10;
	s9 =	sadd.s32 $0x2E00, s0;
	s23 =	sshll.u32 s10, $0x6  }
0xa: {  	s6 =	smul.u32 $0x13C000, s5;
	[smem:$0x7FF] =	sst s3;
	s8 =	sshll.u32 s5, $0x4  }
0xb: {  	s5 =	ssub.s32 $0x2, s5;
	s13 =	sor.u32 $0x1C05, s23;
	s23 =	simm.s32 $0x18C00  }
0xc: {  	_ =	strace $0x8000004A;
	s18 =	sor.u32 s10, s8;
	[dreg:$0x4] =	wrdreg s9  }
0xd: {  	s20 =	sshrl.u32 s5, $0x1;
	s21 =	sshrl.u32 s19, $0x2;
	s19 =	simm.s32 $0x1  }
0xe: {  	s9 =	simm.s32 $0x14780;
	s10 =	simm.s32 $0x14B00;
	[dreg:$0x5] =	wrdreg s13  }
0xf: {  	s6 =	sadd.s32 s7, s6;
	s7 =	smul.u32 $0x2800, s18;
	s5 =	ssub.s32 s5, s20  }
0x10: {  	s22 =	sadd.s32 s21, s1;
	s18 =	simm.s32 $0x14800;
	s20 =	simm.s32 $0x80  }
0x11: {  	s21 =	simm.s32 $0x14C00;
	s6 =	sshrl.u32 s6, $0x3;
	s24 =	smax.u32 s5, $0x1  }
0x12: {  	s14 =	sshrl.u32 s22, $0x3;
	s22 =	simm.s32 $0x14880;
	s5 =	simm.s32 $0x14A80  }
0x13: {  	s0 =	sadd.s32 s6, s0;
	s7 =	sshrl.u32 s7, $0x3;
	[dreg:$0x7] =	wrdreg s24  }
.Ltmp0:
0x14: {  	s24 =	simm.s32 $0x3;
	[dreg:$0x8] =	wrdreg s14;
	(pc) =	sbr.rel .LBB2_1-.Ltmp0, $4  }
0x15: {  	s6 =	sadd.s32 s2, s7;
	s0 =	sadd.s32 $0x2CE00, s0;
	s2 =	simm.s32 $0x14700  }
0x16: {  	s8 =	sadd.s32 $0xA000, s6;
	[dreg:$0x6] =	wrdreg s0;
	s25 =	sadd.s32 $0x80, s6  }
0x17: {  	s0 =	simm.s32 $0x14A00;
	[dreg:$0x9] =	wrdreg s25;
	s26 =	sadd.s32 $0x80, s8  }
0x18: {  	s25 =	simm.s32 $0x14580;
	[dreg:$0xa] =	wrdreg s26;
	s26 =	simm.s32 $0x4  }
.LBB2_4:
0x19: {  	[bflag:$0x0] =	sbarrier.arrive $0xFFFF  }
0x1a: {  	s13 =	rddreg [dreg:$0x5]  }
0x1b: {  	s7 =	rddreg [dreg:$0x6]  }
0x1c: {  	s14 =	rddreg [dreg:$0x8]  }
0x1d: {  	[hbm:s7], [sflag:s13] =	dma.local [spmem:s14], $0x2780  }
0x1e: {  	_ =	swait.ge [sflag:s12], $0x2780  }
0x1f: {  	s17 =	rddreg [dreg:$0xb]  }
0x20: {  	s7 =	rddreg [dreg:$0x7];
	s17 =	sadd.s32 $0x1, s17  }
0x21: {  	p0 =	sne.s32 s17, s7  }
.Ltmp1:
0x22: {  	_ = 	snop;
	(pc) =	sbr.rel @!p0 .LBB2_5-.Ltmp1, $3  }
0x23: {  	_ =	sdelay $0x1  }
0x24: {  	[sflag:s12] =	ssyncset.done $0x0  }
0x25: {  	[sflag:s12] =	ssyncadd.s32 $0xFFFFD880  }
.LBB2_1:
0x26: {  	[dreg:$0xb] =	wrdreg s17  }
0x27: {  	s7 =	rddreg [dreg:$0x4]  }
0x28: {  	[spmem:s14], [sflag:s13] =	dma.local [hbm:s7], $0x2780  }
0x29: {  	_ =	swait.ge [sflag:s12], $0x2780  }
0x2a: {  	[sflag:s12] =	ssyncset.done $0x0  }
0x2b: {  	s17 =	simm.s32 $0x13C00;
	[sflag:s12] =	ssyncadd.s32 $0xFFFFD880  }
0x2c: {  	[tilespmem:s17], [sflag:$0x1] =	stream.linear.gather [hbm4b:s6+s3], $0x400, $0x38;
	[tilespmem:$0x1CC00] =	vst v63  }
0x2d: {  	s13 =	simm.s32 $0x14000  }
0x2e: {  	[tilespmem:s13], [sflag:$0x1] =	stream.linear.gather [hbm4b:s8+s3], $0x400, $0x38;
	[tilespmem:$0x1CC00] =	vst v63  }
0x2f: {  	s14 =	rddreg [dreg:$0x9]  }
0x30: {  	[tilespmem:s16], [sflag:$0x2] =	stream.linear.gather [hbm4b:s14+s3], $0x400, $0x38;
	[tilespmem:$0x1CC00] =	vst v63  }
0x31: {  	s17 =	rddreg [dreg:$0xa]  }
0x32: {  	[tilespmem:s18], [sflag:$0x2] =	stream.linear.gather [hbm4b:s17+s3], $0x400, $0x38;
	[tilespmem:$0x1CC00] =	vst v63  }
0x33: {  	s17 =	simm.s32 $0xFFFFFC00;
	[bflag:$0x0] =	sbarrier.arrive $0xFFFF  }
.LBB2_2:
0x34: {  	_ =	swait.ge [sflag:s19], $0x400  }
0x35: {  	[sflag:s19] =	ssyncset.done $0x0  }
0x36: {  	[sflag:s19] =	ssyncadd.s32 $0xFFFFFC00  }
0x37: {  	_ =	swait.ge [sflag:s19], $0x400  }
0x38: {  	[sflag:s19] =	ssyncset.done $0x0  }
0x39: {  	s7 =	simm.s32 $0x13C00;
	[sflag:s19] =	ssyncadd.s32 $0xFFFFFC00  }
0x3a: {  	[tilespmem:s21], [sflag:$0x3] =	stream.indirect.gather [hbm4b:s4+s20], $0x80, s7, s20, $0xb8;
	[tilespmem:$0x1CC00] =	vst v63  }
0x3b: {  	s14 =	simm.s32 $0x13C80  }
0x3c: {  	[tilespmem:s23], [sflag:$0x4] =	stream.indirect.gather [hbm4b:s4+s20], $0x80, s14, s20, $0xb8;
	[tilespmem:$0x1CC00] =	vst v63  }
0x3d: {  	_ =	swait.ge [sflag:s24], $0x4000  }
0x3e: {  	[sflag:s24] =	ssyncset.done $0x0  }
0x3f: {  	s13 =	simm.s32 $0x14000;
	[sflag:s24] =	ssyncadd.s32 $0xFFFFC000  }
0x40: {  	[spmem:s1] =	stream.indirect.scatter.add.f32 [tilespmem:s21], [sflag:$0x5], $0x80, s13, s20, $0xb8;
	[tilespmem:$0x1CC00] =	vst v63  }
0x41: {  	_ =	swait.ge [sflag:s12], $0x4000  }
0x42: {  	[sflag:s12] =	ssyncset.done $0x0  }
0x43: {  	s14 =	simm.s32 $0x13D00;
	[sflag:s12] =	ssyncadd.s32 $0xFFFFC000  }
0x44: {  	[tilespmem:s21], [sflag:$0x3] =	stream.indirect.gather [hbm4b:s4+s20], $0x80, s14, s20, $0xb8;
	[tilespmem:$0x1CC00] =	vst v63  }
0x45: {  	_ =	swait.ge [sflag:s26], $0x4000  }
0x46: {  	[sflag:s26] =	ssyncset.done $0x0  }
0x47: {  	s13 =	simm.s32 $0x14080;
	[sflag:s26] =	ssyncadd.s32 $0xFFFFC000  }
0x48: {  	[spmem:s1] =	stream.indirect.scatter.add.f32 [tilespmem:s23], [sflag:$0x5], $0x80, s13, s20, $0xb8;
	[tilespmem:$0x1CC00] =	vst v63  }
0x49: {  	_ =	swait.ge [sflag:s12], $0x4000  }
0x4a: {  	[sflag:s12] =	ssyncset.done $0x0  }
0x4b: {  	s14 =	simm.s32 $0x13D80;
	[sflag:s12] =	ssyncadd.s32 $0xFFFFC000  }
0x4c: {  	[tilespmem:s23], [sflag:$0x4] =	stream.indirect.gather [hbm4b:s4+s20], $0x80, s14, s20, $0xb8;
	[tilespmem:$0x1CC00] =	vst v63  }
0x4d: {  	_ =	swait.ge [sflag:s24], $0x4000  }
0x4e: {  	[sflag:s24] =	ssyncset.done $0x0  }
0x4f: {  	s13 =	simm.s32 $0x14100;
	[sflag:s24] =	ssyncadd.s32 $0xFFFFC000  }
0x50: {  	[spmem:s1] =	stream.indirect.scatter.add.f32 [tilespmem:s21], [sflag:$0x5], $0x80, s13, s20, $0xb8;
	[tilespmem:$0x1CC00] =	vst v63  }
0x51: {  	_ =	swait.ge [sflag:s12], $0x4000  }
0x52: {  	[sflag:s12] =	ssyncset.done $0x0  }
0x53: {  	s14 =	simm.s32 $0x13E00;
	[sflag:s12] =	ssyncadd.s32 $0xFFFFC000  }
0x54: {  	[tilespmem:s21], [sflag:$0x3] =	stream.indirect.gather [hbm4b:s4+s20], $0x80, s14, s20, $0xb8;
	[tilespmem:$0x1CC00] =	vst v63  }
0x55: {  	_ =	swait.ge [sflag:s26], $0x4000  }
0x56: {  	[sflag:s26] =	ssyncset.done $0x0  }
0x57: {  	s13 =	simm.s32 $0x14180;
	[sflag:s26] =	ssyncadd.s32 $0xFFFFC000  }
0x58: {  	[spmem:s1] =	stream.indirect.scatter.add.f32 [tilespmem:s23], [sflag:$0x5], $0x80, s13, s20, $0xb8;
	[tilespmem:$0x1CC00] =	vst v63  }
0x59: {  	_ =	swait.ge [sflag:s12], $0x4000  }
0x5a: {  	[sflag:s12] =	ssyncset.done $0x0  }
0x5b: {  	s14 =	simm.s32 $0x13E80;
	[sflag:s12] =	ssyncadd.s32 $0xFFFFC000  }
0x5c: {  	[tilespmem:s23], [sflag:$0x4] =	stream.indirect.gather [hbm4b:s4+s20], $0x80, s14, s20, $0xb8;
	[tilespmem:$0x1CC00] =	vst v63  }
0x5d: {  	_ =	swait.ge [sflag:s24], $0x4000  }
0x5e: {  	[sflag:s24] =	ssyncset.done $0x0  }
0x5f: {  	s13 =	simm.s32 $0x14200;
	[sflag:s24] =	ssyncadd.s32 $0xFFFFC000  }
0x60: {  	[spmem:s1] =	stream.indirect.scatter.add.f32 [tilespmem:s21], [sflag:$0x5], $0x80, s13, s20, $0xb8;
	[tilespmem:$0x1CC00] =	vst v63  }
0x61: {  	_ =	swait.ge [sflag:s12], $0x4000  }
0x62: {  	[sflag:s12] =	ssyncset.done $0x0  }
0x63: {  	s14 =	simm.s32 $0x13F00;
	[sflag:s12] =	ssyncadd.s32 $0xFFFFC000  }
0x64: {  	[tilespmem:s21], [sflag:$0x3] =	stream.indirect.gather [hbm4b:s4+s20], $0x80, s14, s20, $0xb8;
	[tilespmem:$0x1CC00] =	vst v63  }
0x65: {  	_ =	swait.ge [sflag:s26], $0x4000  }
0x66: {  	[sflag:s26] =	ssyncset.done $0x0  }
0x67: {  	s13 =	simm.s32 $0x14280;
	[sflag:s26] =	ssyncadd.s32 $0xFFFFC000  }
0x68: {  	[spmem:s1] =	stream.indirect.scatter.add.f32 [tilespmem:s23], [sflag:$0x5], $0x80, s13, s20, $0xb8;
	[tilespmem:$0x1CC00] =	vst v63  }
0x69: {  	_ =	swait.ge [sflag:s12], $0x4000  }
0x6a: {  	[sflag:s12] =	ssyncset.done $0x0  }
0x6b: {  	s14 =	simm.s32 $0x13F80;
	[sflag:s12] =	ssyncadd.s32 $0xFFFFC000  }
0x6c: {  	[tilespmem:s23], [sflag:$0x4] =	stream.indirect.gather [hbm4b:s4+s20], $0x80, s14, s20, $0xb8;
	[tilespmem:$0x1CC00] =	vst v63  }
0x6d: {  	_ =	swait.ge [sflag:s24], $0x4000  }
0x6e: {  	[sflag:s24] =	ssyncset.done $0x0  }
0x6f: {  	s13 =	simm.s32 $0x14300;
	[sflag:s24] =	ssyncadd.s32 $0xFFFFC000  }
0x70: {  	[spmem:s1] =	stream.indirect.scatter.add.f32 [tilespmem:s21], [sflag:$0x5], $0x80, s13, s20, $0xb8;
	[tilespmem:$0x1CC00] =	vst v63  }
0x71: {  	_ =	swait.ge [sflag:s12], $0x4000  }
0x72: {  	[sflag:s12] =	ssyncset.done $0x0  }
0x73: {  	[sflag:s12] =	ssyncadd.s32 $0xFFFFC000  }
0x74: {  	_ =	swait.ge [sflag:s26], $0x4000  }
0x75: {  	[sflag:s26] =	ssyncset.done $0x0  }
0x76: {  	p0 =	seq.s32 s17, $0x0;
	s14 =	simm.s32 $0x14380;
	[sflag:s26] =	ssyncadd.s32 $0xFFFFC000  }
0x77: {  	[spmem:s1] =	stream.indirect.scatter.add.f32 [tilespmem:s23], [sflag:$0x5], $0x80, s14, s20, $0xb8;
	[tilespmem:$0x1CC00] =	vst v63  }
0x78: {  	s7 =	sadd.s32 @!p0 s17, s6;
	_ =	swait.ge [sflag:s12], $0x4000  }
0x79: {  	s7 =	sadd.s32 @!p0 $0x500, s7;
	[sflag:s12] =	ssyncset.done $0x0  }
0x7a: {  	s13 =	simm.s32 @!p0 $0x0;
	s14 =	simm.s32 @!p0 $0x13C00;
	[sflag:s12] =	ssyncadd.s32 $0xFFFFC000  }
0x7b: {  	[tilespmem:s14], [sflag:$0x1] =	stream.linear.gather @!p0 [hbm4b:s7+s13], $0x400, $0x38;
	[tilespmem:$0x1CC00] =	vst v63  }
0x7c: {  	s7 =	sadd.s32 @!p0 s17, s8  }
0x7d: {  	s14 =	simm.s32 @!p0 $0x14000;
	s7 =	sadd.s32 @!p0 $0x500, s7  }
0x7e: {  	[tilespmem:s14], [sflag:$0x1] =	stream.linear.gather @!p0 [hbm4b:s7+s13], $0x400, $0x38;
	[tilespmem:$0x1CC00] =	vst v63  }
0x7f: {  	_ =	swait.ge [sflag:s11], $0x400  }
0x80: {  	[sflag:s11] =	ssyncset.done $0x0  }
0x81: {  	[sflag:s11] =	ssyncadd.s32 $0xFFFFFC00  }
0x82: {  	_ =	swait.ge [sflag:s11], $0x400  }
0x83: {  	[sflag:s11] =	ssyncset.done $0x0  }
0x84: {  	[sflag:s11] =	ssyncadd.s32 $0xFFFFFC00  }
0x85: {  	[tilespmem:s21], [sflag:$0x3] =	stream.indirect.gather [hbm4b:s4+s20], $0x80, s16, s20, $0xb8;
	[tilespmem:$0x1CC00] =	vst v63  }
0x86: {  	s13 =	simm.s32 $0x14480  }
0x87: {  	[tilespmem:s23], [sflag:$0x4] =	stream.indirect.gather [hbm4b:s4+s20], $0x80, s13, s20, $0xb8;
	[tilespmem:$0x1CC00] =	vst v63  }
0x88: {  	_ =	swait.ge [sflag:s24], $0x4000  }
0x89: {  	[sflag:s24] =	ssyncset.done $0x0  }
0x8a: {  	[sflag:s24] =	ssyncadd.s32 $0xFFFFC000  }
0x8b: {  	[spmem:s1] =	stream.indirect.scatter.add.f32 [tilespmem:s21], [sflag:$0x5], $0x80, s18, s20, $0xb8;
	[tilespmem:$0x1CC00] =	vst v63  }
0x8c: {  	_ =	swait.ge [sflag:s12], $0x4000  }
0x8d: {  	[sflag:s12] =	ssyncset.done $0x0  }
0x8e: {  	s14 =	simm.s32 $0x14500;
	[sflag:s12] =	ssyncadd.s32 $0xFFFFC000  }
0x8f: {  	[tilespmem:s21], [sflag:$0x3] =	stream.indirect.gather [hbm4b:s4+s20], $0x80, s14, s20, $0xb8;
	[tilespmem:$0x1CC00] =	vst v63  }
0x90: {  	_ =	swait.ge [sflag:s26], $0x4000  }
0x91: {  	[sflag:s26] =	ssyncset.done $0x0  }
0x92: {  	[sflag:s26] =	ssyncadd.s32 $0xFFFFC000  }
0x93: {  	[spmem:s1] =	stream.indirect.scatter.add.f32 [tilespmem:s23], [sflag:$0x5], $0x80, s22, s20, $0xb8;
	[tilespmem:$0x1CC00] =	vst v63  }
0x94: {  	_ =	swait.ge [sflag:s12], $0x4000  }
0x95: {  	[sflag:s12] =	ssyncset.done $0x0  }
0x96: {  	[sflag:s12] =	ssyncadd.s32 $0xFFFFC000  }
0x97: {  	[tilespmem:s23], [sflag:$0x4] =	stream.indirect.gather [hbm4b:s4+s20], $0x80, s25, s20, $0xb8;
	[tilespmem:$0x1CC00] =	vst v63  }
0x98: {  	_ =	swait.ge [sflag:s24], $0x4000  }
0x99: {  	[sflag:s24] =	ssyncset.done $0x0  }
0x9a: {  	[sflag:s24] =	ssyncadd.s32 $0xFFFFC000  }
0x9b: {  	[spmem:s1] =	stream.indirect.scatter.add.f32 [tilespmem:s21], [sflag:$0x5], $0x80, s28, s20, $0xb8;
	[tilespmem:$0x1CC00] =	vst v63  }
0x9c: {  	_ =	swait.ge [sflag:s12], $0x4000  }
0x9d: {  	[sflag:s12] =	ssyncset.done $0x0  }
0x9e: {  	[sflag:s12] =	ssyncadd.s32 $0xFFFFC000  }
0x9f: {  	[tilespmem:s21], [sflag:$0x3] =	stream.indirect.gather [hbm4b:s4+s20], $0x80, s29, s20, $0xb8;
	[tilespmem:$0x1CC00] =	vst v63  }
0xa0: {  	_ =	swait.ge [sflag:s26], $0x4000  }
0xa1: {  	[sflag:s26] =	ssyncset.done $0x0  }
0xa2: {  	[sflag:s26] =	ssyncadd.s32 $0xFFFFC000  }
0xa3: {  	[spmem:s1] =	stream.indirect.scatter.add.f32 [tilespmem:s23], [sflag:$0x5], $0x80, s30, s20, $0xb8;
	[tilespmem:$0x1CC00] =	vst v63  }
0xa4: {  	_ =	swait.ge [sflag:s12], $0x4000  }
0xa5: {  	[sflag:s12] =	ssyncset.done $0x0  }
0xa6: {  	[sflag:s12] =	ssyncadd.s32 $0xFFFFC000  }
0xa7: {  	[tilespmem:s23], [sflag:$0x4] =	stream.indirect.gather [hbm4b:s4+s20], $0x80, s31, s20, $0xb8;
	[tilespmem:$0x1CC00] =	vst v63  }
0xa8: {  	_ =	swait.ge [sflag:s24], $0x4000  }
0xa9: {  	[sflag:s24] =	ssyncset.done $0x0  }
0xaa: {  	[sflag:s24] =	ssyncadd.s32 $0xFFFFC000  }
0xab: {  	[spmem:s1] =	stream.indirect.scatter.add.f32 [tilespmem:s21], [sflag:$0x5], $0x80, s0, s20, $0xb8;
	[tilespmem:$0x1CC00] =	vst v63  }
0xac: {  	_ =	swait.ge [sflag:s12], $0x4000  }
0xad: {  	[sflag:s12] =	ssyncset.done $0x0  }
0xae: {  	[sflag:s12] =	ssyncadd.s32 $0xFFFFC000  }
0xaf: {  	[tilespmem:s21], [sflag:$0x3] =	stream.indirect.gather [hbm4b:s4+s20], $0x80, s2, s20, $0xb8;
	[tilespmem:$0x1CC00] =	vst v63  }
0xb0: {  	_ =	swait.ge [sflag:s26], $0x4000  }
0xb1: {  	[sflag:s26] =	ssyncset.done $0x0  }
0xb2: {  	[sflag:s26] =	ssyncadd.s32 $0xFFFFC000  }
0xb3: {  	[spmem:s1] =	stream.indirect.scatter.add.f32 [tilespmem:s23], [sflag:$0x5], $0x80, s5, s20, $0xb8;
	[tilespmem:$0x1CC00] =	vst v63  }
0xb4: {  	_ =	swait.ge [sflag:s12], $0x4000  }
0xb5: {  	[sflag:s12] =	ssyncset.done $0x0  }
0xb6: {  	[sflag:s12] =	ssyncadd.s32 $0xFFFFC000  }
0xb7: {  	[tilespmem:s23], [sflag:$0x4] =	stream.indirect.gather [hbm4b:s4+s20], $0x80, s9, s20, $0xb8;
	[tilespmem:$0x1CC00] =	vst v63  }
0xb8: {  	_ =	swait.ge [sflag:s24], $0x4000  }
0xb9: {  	[sflag:s24] =	ssyncset.done $0x0  }
0xba: {  	[sflag:s24] =	ssyncadd.s32 $0xFFFFC000  }
0xbb: {  	[spmem:s1] =	stream.indirect.scatter.add.f32 [tilespmem:s21], [sflag:$0x5], $0x80, s10, s20, $0xb8;
	[tilespmem:$0x1CC00] =	vst v63  }
0xbc: {  	_ =	swait.ge [sflag:s12], $0x4000  }
0xbd: {  	[sflag:s12] =	ssyncset.done $0x0  }
0xbe: {  	[sflag:s12] =	ssyncadd.s32 $0xFFFFC000  }
0xbf: {  	_ =	swait.ge [sflag:s26], $0x4000  }
0xc0: {  	[sflag:s26] =	ssyncset.done $0x0  }
.Ltmp2:
0xc1: {  	[sflag:s26] =	ssyncadd.s32 $0xFFFFC000;
	(pc) =	sbr.rel @p0 .LBB2_4-.Ltmp2, $4  }
0xc2: {  	[spmem:s1] =	stream.indirect.scatter.add.f32 [tilespmem:s23], [sflag:$0x5], $0x80, s15, s20, $0xb8;
	[tilespmem:$0x1CC00] =	vst v63  }
0xc3: {  	_ =	swait.ge [sflag:s12], $0x4000  }
0xc4: {  	[sflag:s12] =	ssyncset.done $0x0  }
0xc5: {  	[sflag:s12] =	ssyncadd.s32 $0xFFFFC000  }
.Ltmp3:
0xc6: {  	s7 =	sadd.s32 s17, s6;
	(pc) =	sbr.rel .LBB2_2-.Ltmp3, $4  }
0xc7: {  	s14 =	sadd.s32 s17, s8;
	s7 =	sadd.s32 $0x580, s7  }
0xc8: {  	[tilespmem:s16], [sflag:$0x2] =	stream.linear.gather [hbm4b:s7+s3], $0x400, $0x38;
	[tilespmem:$0x1CC00] =	vst v63  }
0xc9: {  	s17 =	sadd.s32 $0x100, s17;
	s7 =	sadd.s32 $0x580, s14  }
0xca: {  	[tilespmem:s18], [sflag:$0x2] =	stream.linear.gather [hbm4b:s7+s3], $0x400, $0x38;
	[tilespmem:$0x1CC00] =	vst v63  }
.LBB2_5:
0xcb: {  	_ =	sfence.sel $0x180000  }
0xcc: {  	[bflag:$0x0] =	sbarrier.arrive $0xFFFF  }
0xcd: {  	_ =	strace $0x9000004A  }
0xce: {  	s0 =	stileid.u32;
	[bflag:$0x2] =	sbarrier.arrive $0xFFFF  }
0xcf: {  	p0 =	sne.s32 s0, $0x0;
	s0 =	rddreg [dreg:$0x3]  }
0xd0: {  	s0 =	sadd.s32 @!p0 $0x100000, s0  }
0xd1: {  	[sflag:s0] =	ssyncadd.tile.s32 @!p0 $0x1;
	_ =	shalt  }
.Lfunc_end2:
_tile_overlayer_lowered:
.L_overlay_start_2:
0xd2: {  	(tag) =	ssettag $0x2  }
0xd3: {  	s0 =	rddreg [dreg:$0x0];
	s2 =	stileid.u32  }
0xd4: {  	s1 =	rddreg [dreg:$0x1];
	p0 =	sne.s32 s2, $0x0  }
0xd5: {  	s3 =	rddreg [dreg:$0x2];
	[bflag:$0x3] =	sbarrier.arrive $0xFFFF;
	s2 =	simm.s32 @!p0 $0x1C05  }
0xd6: {  	[timem:s3], [sflag:s2] =	dma.local @!p0 [hbm:s0], s1  }
0xd7: {  	s0 =	simm.s32 @!p0 $0x5  }
0xd8: {  	_ =	swait.ge @!p0 [sflag:s0], s1  }
0xd9: {  	s1 =	ssub.s32 @!p0 $0x0, s1;
	[sflag:s0] =	ssyncset.done @!p0 $0x0  }
0xda: {  	[sflag:s0] =	ssyncadd.s32 @!p0 s1  }
0xdb: {  	[bflag:$0x3] =	sbarrier.arrive $0xFFFF  }
0xdc: {  	_ =	shalt  }

// kernel: kernel.14.cloned.1.call-start
scs
__scs_entry_jumppad:
0x0: {  	(pc) =	sbr.rel $0x88, $3  }
0x1: {  	(tag) =	ssettag $0x0;
	lr =	simm.s32 $0x1  }
0x2: {  	[smem:$0x3F9B] =	sst lr;
	_ =	strace $0xD0000000  }
0x3: {  	_ = 	snop  }
0x4: {  	_ = 	snop  }
0x5: {  	_ = 	snop  }
0x6: {  	_ = 	snop  }
0x7: {  	_ = 	snop  }
__scs_overlays_trampoline_lowered:
0x8: {  	[smem:$0x3FAA] =	sst s0  }
0x9: {  	[smem:$0x3FAB] =	sst s1  }
0xa: {  	[smem:$0x3FAC] =	sst s2  }
0xb: {  	[smem:$0x3FAD] =	sst s3  }
0xc: {  	[smem:$0x3FAE] =	sst s4  }
0xd: {  	[smem:$0x3FAF] =	sst s5  }
0xe: {  	[smem:$0x3FB0] =	sst s6  }
0xf: {  	[smem:$0x3FB1] =	sst s7  }
0x10: {  	[smem:$0x3FB2] =	sst s8  }
0x11: {  	[smem:$0x3FB3] =	sst s9;
	s0 =	simm.s32 @!p0 $0x0  }
0x12: {  	s1 =	sld [smem:$0x3F99];
	s0 =	simm.s32 @p0 $0x1  }
0x13: {  	[smem:$0x3FB4] =	sst s0;
	s0 =	simm.s32 @!p1 $0x0  }
0x14: {  	s2 =	sld [smem:$0x3F98];
	s0 =	simm.s32 @p1 $0x1  }
0x15: {  	[smem:$0x3FB5] =	sst s0;
	s0 =	simm.s32 @!p2 $0x0  }
0x16: {  	s3 =	sld [smem:$0x3FDB];
	s0 =	simm.s32 @p2 $0x1  }
0x17: {  	s4 =	simm.s32 $0x1BF5;
	[smem:$0x3FB7] =	sst s0  }
0x18: {  	s0 =	sld [smem:$0x3F9A];
	_ =	swait.ge [sflag:s4], $0x0  }
0x19: {  	s7 =	sld [smem:$0x3F9B]  }
0x1a: {  	s8 =	sadd.s32 $0xFFFFE003, lr  }
0x1b: {  	s9 =	sadd.s32 $0xFFFFFEF7, lr;
	s5 =	simm.s32 $0xFFFFFFFF;
	p2 =	slt.u32 s8, $0xFFFFF086  }
0x1c: {  	p1 =	slt.u32 s9, $0xF7A;
	s5 =	simm.s32 @!p2 $0x0  }
0x1d: {  	s5 =	simm.s32 @p1 $0x1;
	p0 =	seq.s32 s7, s2  }
0x1e: {  	s7 =	smul.u32 @!p0 $0xF7A, s2;
	p2 =	seq.s32 @!p0 s5, $0x0  }
0x1f: {  	s9 =	smul.u32 $0xF7A, s1;
	s8 =	simm.s32 @!p0 $0x1BF5;
	p2 =	por !p2, p0  }
0x20: {  	[sflag:s8] =	ssyncset.s32 @!p0 $0xFFFFF086;
	s6 =	sadd.s32 @!p0 s3, s7;
	s7 =	simm.s32 @!p0 $0x108  }
0x21: {  	s3 =	sadd.s32 s3, s9;
	s6 =	sadd.s32 @!p0 $0x88, s6;
	s7 =	simm.s32 @p2 $0x1082  }
0x22: {  	[simem:s7], [sflag:s8] =	dma.local @!p0 [hbm:s6], $0xF7A  }
0x23: {  	s9 =	sor.u32 $0xD0000000, s2;
	s6 =	simm.s32 $0x108;
	_ =	swait.ge @!p0 [sflag:s8], $0x0  }
0x24: {  	s3 =	sadd.s32 $0x88, s3;
	s6 =	simm.s32 @!p1 $0x1082;
	[sflag:s4] =	ssyncset.s32 $0xFFFFF086  }
0x25: {  	[simem:s6], [sflag:s4] =	dma.local [hbm:s3], $0xF7A  }
0x26: {  	[smem:$0x3F9B] =	sst s1;
	(tag) =	ssettag s2;
	_ =	strace s9  }
0x27: {  	s1 =	sld [smem:$0x3FAB]  }
0x28: {  	s2 =	sld [smem:$0x3FAC]  }
0x29: {  	s4 =	sld [smem:$0x3FAE]  }
0x2a: {  	p0 =	seq.s32 s5, $0x0;
	s5 =	sld [smem:$0x3FAF]  }
0x2b: {  	s6 =	sld [smem:$0x3FB0]  }
0x2c: {  	s7 =	sld [smem:$0x3FB1]  }
0x2d: {  	s3 =	simm.s32 $0x108;
	s8 =	sld [smem:$0x3FB2]  }
0x2e: {  	s3 =	simm.s32 @!p0 $0x1082;
	s9 =	sld [smem:$0x3FB3]  }
0x2f: {  	lr =	sadd.s32 s0, s3;
	s0 =	sld [smem:$0x3FAA]  }
0x30: {  	s3 =	sld [smem:$0x3FAD]  }
0x31: {  	[smem:$0x3FB6] =	sst s10  }
0x32: {  	s10 =	sld [smem:$0x3FB4];
	_ =	sdelay $0x3  }
0x33: {  	p0 =	seq.s32 s10, $0x1;
	s10 =	sld [smem:$0x3FB6];
	_ =	sdelay $0x3  }
0x34: {  	[smem:$0x3FB6] =	sst s10  }
0x35: {  	s10 =	sld [smem:$0x3FB5];
	_ =	sdelay $0x3  }
0x36: {  	p1 =	seq.s32 s10, $0x1;
	s10 =	sld [smem:$0x3FB6];
	_ =	sdelay $0x3  }
0x37: {  	[smem:$0x3FB6] =	sst s10  }
0x38: {  	s10 =	sld [smem:$0x3FB7]  }
0x39: {  	_ = 	snop;
	(pc) =	sbr.ind lr, $3  }
0x3a: {  	_ = 	snop  }
0x3b: {  	_ = 	snop  }
0x3c: {  	p2 =	seq.s32 s10, $0x1;
	s10 =	sld [smem:$0x3FB6]  }
0x3d: {  	_ =	shalt  }
0x3e: {  	_ =	shalt  }
0x3f: {  	_ =	shalt  }
0x40: {  	_ =	shalt  }
0x41: {  	_ =	shalt  }
0x42: {  	_ =	shalt  }
0x43: {  	_ =	shalt  }
0x44: {  	_ =	shalt  }
0x45: {  	_ =	shalt  }
0x46: {  	_ =	shalt  }
0x47: {  	_ =	shalt  }
0x48: {  	_ =	shalt  }
0x49: {  	_ =	shalt  }
0x4a: {  	_ =	shalt  }
0x4b: {  	_ =	shalt  }
0x4c: {  	_ =	shalt  }
0x4d: {  	_ =	shalt  }
0x4e: {  	_ =	shalt  }
0x4f: {  	_ =	shalt  }
0x50: {  	_ =	shalt  }
0x51: {  	_ =	shalt  }
0x52: {  	_ =	shalt  }
0x53: {  	_ =	shalt  }
0x54: {  	_ =	shalt  }
0x55: {  	_ =	shalt  }
0x56: {  	_ =	shalt  }
0x57: {  	_ =	shalt  }
0x58: {  	_ =	shalt  }
0x59: {  	_ =	shalt  }
0x5a: {  	_ =	shalt  }
0x5b: {  	_ =	shalt  }
0x5c: {  	_ =	shalt  }
0x5d: {  	_ =	shalt  }
0x5e: {  	_ =	shalt  }
0x5f: {  	_ =	shalt  }
0x60: {  	_ =	shalt  }
0x61: {  	_ =	shalt  }
0x62: {  	_ =	shalt  }
0x63: {  	_ =	shalt  }
0x64: {  	_ =	shalt  }
0x65: {  	_ =	shalt  }
0x66: {  	_ =	shalt  }
0x67: {  	_ =	shalt  }
0x68: {  	_ =	shalt  }
0x69: {  	_ =	shalt  }
0x6a: {  	_ =	shalt  }
0x6b: {  	_ =	shalt  }
0x6c: {  	_ =	shalt  }
0x6d: {  	_ =	shalt  }
0x6e: {  	_ =	shalt  }
0x6f: {  	_ =	shalt  }
0x70: {  	_ =	shalt  }
0x71: {  	_ =	shalt  }
0x72: {  	_ =	shalt  }
0x73: {  	_ =	shalt  }
0x74: {  	_ =	shalt  }
0x75: {  	_ =	shalt  }
0x76: {  	_ =	shalt  }
0x77: {  	_ =	shalt  }
0x78: {  	_ =	shalt  }
0x79: {  	_ =	shalt  }
0x7a: {  	_ =	shalt  }
0x7b: {  	_ =	shalt  }
0x7c: {  	_ =	shalt  }
0x7d: {  	_ =	shalt  }
0x7e: {  	_ =	shalt  }
0x7f: {  	_ =	shalt  }
0x80: {  	_ =	shalt  }
0x81: {  	_ =	shalt  }
0x82: {  	_ =	shalt  }
0x83: {  	_ =	shalt  }
0x84: {  	_ =	shalt  }
0x85: {  	_ =	shalt  }
0x86: {  	_ =	shalt  }
0x87: {  	_ =	shalt  }
.Lfunc_end0:
.L_simem_size_0:
called_computation.2_lowered:
.L_overlay_start_0:
0x88: {  	s2 =	sld [smem:$0x3FD9]  }
0x89: {  	s3 =	sld [smem:$0x3FFE];
	_ =	sdelay $0x1  }
0x8a: {  	s1 =	srdreg.scid  }
0x8b: {  	s0 =	sand.u32 $0x1, s1  }
0x8c: {  	s17 =	sshll.u32 s0, $0xA;
	s2 =	sadd.s32 s3, s2  }
0x8d: {  	s2 =	sadd.s32 s2, s17  }
0x8e: {  	[smem:$0x3FC2] =	sst s2  }
0x8f: {  	_ = 	snop  }
0x90: {  	s2 =	sld [smem:$0x3FD0];
	(tm) =	ssettm $0x1  }
0x91: {  	s18 =	sld [smem:$0x3FFB];
	_ =	sdelay $0x3  }
0x92: {  	_ =	strace s18  }
0x93: {  	s3 =	sld [smem:$0x3FFC];
	_ =	sdelay $0x3  }
0x94: {  	_ =	strace s3  }
0x95: {  	s3 =	sld [smem:$0x3FFD];
	_ =	sdelay $0x3  }
0x96: {  	_ =	strace s3  }
0x97: {  	_ =	strace $0x8FFFFFFF  }
0x98: {  	s19 =	sld [smem:$0x3FDB];
	_ =	sdelay $0x1  }
0x99: {  	s4 =	simm.s32 $_scs_section_size  }
0x9a: {  	s5 =	simm.s32 $_size__tile_overlayer_lowered;
	s6 =	simm.s32 $_tile_overlayer_lowered  }
0x9b: {  	s22 =	simm.s32 $0x1BFF;
	s21 =	sshll.u32 s6, $0x1;
	s3 =	sadd.s32 s4, s19  }
0x9c: {  	s7 =	simm.s32 $0x0;
	s20 =	sshll.u32 s5, $0x1;
	s5 =	sadd.s32 s21, s3  }
0x9d: {  	[timem:s7], [sflag:s22] =	dma.local [hbm:s5], s20  }
0x9e: {  	_ =	swait.ge [sflag:s22], s20  }
0x9f: {  	s4 =	ssub.s32 $0x0, s20;
	[sflag:s22] =	ssyncset.done $0x0  }
0xa0: {  	[sflag:s22] =	ssyncadd.s32 s4;
	_ =	sdelay $0x1  }
0xa1: {  	s23 =	simm.s32 $0x1B8B  }
0xa2: {  	_ =	swait.ge [sflag:s23], $0x1  }
0xa3: {  	[sflag:s23] =	ssyncset.done $0x0  }
0xa4: {  	s25 =	simm.s32 $0x1B8E;
	s24 =	sld [smem:$0x3FFE];
	[sflag:s23] =	ssyncadd.s32 $0xFFFFFFFF  }
0xa5: {  	s26 =	simm.s32 $execute0_lowered;
	[smem:$0x3FD2] =	sst s25  }
0xa6: {  	s5 =	sshll.u32 s26, $0x1;
	_ =	strace $0x8000004C;
	[dreg:$0x1] =	wrdreg $0xFFFFFFFF  }
0xa7: {  	s28 =	simm.s32 $_size_execute0_lowered;
	s3 =	sadd.s32 s3, s5;
	[dreg:$0x0] =	wrdreg $0x0  }
0xa8: {  	s5 =	sshll.u32 s28, $0x1;
	[dreg:$0x2] =	wrdreg s3  }
0xa9: {  	[dreg:$0x3] =	wrdreg s5  }
0xaa: {  	[dreg:$0x4] =	wrdreg $0xC0  }
0xab: {  	_ =	task [dreg:s7], $0x5FFFF  }
0xac: {  	[dreg:$0x1] =	wrdreg $0xFFFFFFFF  }
0xad: {  	[dreg:$0x0] =	wrdreg $0x60  }
0xae: {  	[dreg:$0x2] =	wrdreg s24  }
0xaf: {  	[dreg:$0x3] =	wrdreg s2  }
0xb0: {  	[dreg:$0x4] =	wrdreg $0x0  }
0xb1: {  	[dreg:$0x5] =	wrdreg $0x9  }
0xb2: {  	_ =	task.clear_ibuf [dreg:s7], $0x6FFFF;
	_ =	strace $0x9000004C  }
0xb3: {  	s29 =	simm.s32 $0x9;
	_ =	strace $0x8000004E  }
0xb4: {  	_ =	swait.ge [sflag:s29], $0x1  }
0xb5: {  	[sflag:s29] =	ssyncadd.s32 $0xFFFFFFFF  }
0xb6: {  	_ =	strace $0x9000004E  }
0xb7: {  	_ =	sfence  }
0xb8: {  	s30 =	sld [smem:$0x0];
	_ =	sdelay $0x2  }
0xb9: {  	s31 =	sshll.u32 s1, $0xD;
	s1 =	sshrl.u32 s1, $0x2  }
0xba: {  	s3 =	sand.u32 $0x4000, s31;
	s1 =	sadd.s32 s1, s30  }
0xbb: {  	s0 =	sor.u32 s3, s0;
	s1 =	sshll.u32 s1, $0x11  }
0xbc: {  	s0 =	sor.u32 s1, s0  }
0xbd: {  	s0 =	sadd.s32 $0x8F2B, s0  }
0xbe: {  	[sflag:s0] =	ssyncadd.remote.s32 $0x1  }
0xbf: {  	_ =	sfence.sel $0xFFFF  }
0xc0: {  	[dreg:$0x0] =	wrdreg $0xFFFFFFFF;
	(pc) =	sbr.abs _section_cstart, $3  }
0xc1: {  	[dreg:$0x1] =	wrdreg $0xFFFFFFFF  }
0xc2: {  	_ =	task.clear_ibuf [dreg:s7], $0x2FFFF;
	_ =	strace $0x9FFFFFFF  }
0xc3: {  	(tm) =	ssettm $0x7FFFFFFF  }
tec
execute0_lowered:
.L_overlay_start_1:
0x0: {  	(tag) =	ssettag $0x1  }
0x1: {  	s0 =	rddreg [dreg:$0x0]  }
0x2: {  	s2 =	rddreg [dreg:$0x1]  }
0x3: {  	s1 =	rddreg [dreg:$0x2]  }
0x4: {  	s3 =	srdreg.scid;
	s10 =	stileid.u32;
	s12 =	simm.s32 $0x5  }
0x5: {  	s16 =	simm.s32 $0x14400;
	s11 =	simm.s32 $0x2;
	s28 =	simm.s32 $0x14900  }
0x6: {  	s29 =	simm.s32 $0x14600;
	s30 =	simm.s32 $0x14980;
	s31 =	simm.s32 $0x14680  }
0x7: {  	s15 =	simm.s32 $0x14B80;
	s17 =	simm.s32 $0x0;
	s5 =	sand.u32 $0x1, s3  }
0x8: {  	s3 =	simm.s32 $0x0;
	s7 =	smul.u32 $0x13C00, s10;
	s4 =	sadd.s32 $0x5600, s0  }
0x9: {  	s19 =	smul.u32 $0x4F000, s10;
	s9 =	sadd.s32 $0x2E00, s0;
	s23 =	sshll.u32 s10, $0x6  }
0xa: {  	s6 =	smul.u32 $0x13C000, s5;
	[smem:$0x7FF] =	sst s3;
	s8 =	sshll.u32 s5, $0x4  }
0xb: {  	s5 =	ssub.s32 $0x2, s5;
	s13 =	sor.u32 $0x1C05, s23;
	s23 =	simm.s32 $0x18C00  }
0xc: {  	_ =	strace $0x8000004D;
	s18 =	sor.u32 s10, s8;
	[dreg:$0x4] =	wrdreg s9  }
0xd: {  	s20 =	sshrl.u32 s5, $0x1;
	s21 =	sshrl.u32 s19, $0x2;
	s19 =	simm.s32 $0x1  }
0xe: {  	s9 =	simm.s32 $0x14780;
	s10 =	simm.s32 $0x14B00;
	[dreg:$0x5] =	wrdreg s13  }
0xf: {  	s6 =	sadd.s32 s7, s6;
	s7 =	smul.u32 $0x2800, s18;
	s5 =	ssub.s32 s5, s20  }
0x10: {  	s22 =	sadd.s32 s21, s1;
	s18 =	simm.s32 $0x14800;
	s20 =	simm.s32 $0x80  }
0x11: {  	s21 =	simm.s32 $0x14C00;
	s6 =	sshrl.u32 s6, $0x3;
	s24 =	smax.u32 s5, $0x1  }
0x12: {  	s14 =	sshrl.u32 s22, $0x3;
	s22 =	simm.s32 $0x14880;
	s5 =	simm.s32 $0x14A80  }
0x13: {  	s0 =	sadd.s32 s6, s0;
	s7 =	sshrl.u32 s7, $0x3;
	[dreg:$0x7] =	wrdreg s24  }
.Ltmp0:
0x14: {  	s24 =	simm.s32 $0x3;
	[dreg:$0x8] =	wrdreg s14;
	(pc) =	sbr.rel .LBB2_1-.Ltmp0, $4  }
0x15: {  	s6 =	sadd.s32 s2, s7;
	s0 =	sadd.s32 $0x2CE00, s0;
	s2 =	simm.s32 $0x14700  }
0x16: {  	s8 =	sadd.s32 $0xA000, s6;
	[dreg:$0x6] =	wrdreg s0;
	s25 =	sadd.s32 $0x80, s6  }
0x17: {  	s0 =	simm.s32 $0x14A00;
	[dreg:$0x9] =	wrdreg s25;
	s26 =	sadd.s32 $0x80, s8  }
0x18: {  	s25 =	simm.s32 $0x14580;
	[dreg:$0xa] =	wrdreg s26;
	s26 =	simm.s32 $0x4  }
.LBB2_4:
0x19: {  	[bflag:$0x0] =	sbarrier.arrive $0xFFFF  }
0x1a: {  	s13 =	rddreg [dreg:$0x5]  }
0x1b: {  	s7 =	rddreg [dreg:$0x6]  }
0x1c: {  	s14 =	rddreg [dreg:$0x8]  }
0x1d: {  	[hbm:s7], [sflag:s13] =	dma.local [spmem:s14], $0x2780  }
0x1e: {  	_ =	swait.ge [sflag:s12], $0x2780  }
0x1f: {  	s17 =	rddreg [dreg:$0xb]  }
0x20: {  	s7 =	rddreg [dreg:$0x7];
	s17 =	sadd.s32 $0x1, s17  }
0x21: {  	p0 =	sne.s32 s17, s7  }
.Ltmp1:
0x22: {  	_ = 	snop;
	(pc) =	sbr.rel @!p0 .LBB2_5-.Ltmp1, $3  }
0x23: {  	_ =	sdelay $0x1  }
0x24: {  	[sflag:s12] =	ssyncset.done $0x0  }
0x25: {  	[sflag:s12] =	ssyncadd.s32 $0xFFFFD880  }
.LBB2_1:
0x26: {  	[dreg:$0xb] =	wrdreg s17  }
0x27: {  	s7 =	rddreg [dreg:$0x4]  }
0x28: {  	[spmem:s14], [sflag:s13] =	dma.local [hbm:s7], $0x2780  }
0x29: {  	_ =	swait.ge [sflag:s12], $0x2780  }
0x2a: {  	[sflag:s12] =	ssyncset.done $0x0  }
0x2b: {  	s17 =	simm.s32 $0x13C00;
	[sflag:s12] =	ssyncadd.s32 $0xFFFFD880  }
0x2c: {  	[tilespmem:s17], [sflag:$0x1] =	stream.linear.gather [hbm4b:s6+s3], $0x400, $0x38;
	[tilespmem:$0x1CC00] =	vst v63  }
0x2d: {  	s13 =	simm.s32 $0x14000  }
0x2e: {  	[tilespmem:s13], [sflag:$0x1] =	stream.linear.gather [hbm4b:s8+s3], $0x400, $0x38;
	[tilespmem:$0x1CC00] =	vst v63  }
0x2f: {  	s14 =	rddreg [dreg:$0x9]  }
0x30: {  	[tilespmem:s16], [sflag:$0x2] =	stream.linear.gather [hbm4b:s14+s3], $0x400, $0x38;
	[tilespmem:$0x1CC00] =	vst v63  }
0x31: {  	s17 =	rddreg [dreg:$0xa]  }
0x32: {  	[tilespmem:s18], [sflag:$0x2] =	stream.linear.gather [hbm4b:s17+s3], $0x400, $0x38;
	[tilespmem:$0x1CC00] =	vst v63  }
0x33: {  	s17 =	simm.s32 $0xFFFFFC00;
	[bflag:$0x0] =	sbarrier.arrive $0xFFFF  }
.LBB2_2:
0x34: {  	_ =	swait.ge [sflag:s19], $0x400  }
0x35: {  	[sflag:s19] =	ssyncset.done $0x0  }
0x36: {  	[sflag:s19] =	ssyncadd.s32 $0xFFFFFC00  }
0x37: {  	_ =	swait.ge [sflag:s19], $0x400  }
0x38: {  	[sflag:s19] =	ssyncset.done $0x0  }
0x39: {  	s7 =	simm.s32 $0x13C00;
	[sflag:s19] =	ssyncadd.s32 $0xFFFFFC00  }
0x3a: {  	[tilespmem:s21], [sflag:$0x3] =	stream.indirect.gather [hbm4b:s4+s20], $0x80, s7, s20, $0xb8;
	[tilespmem:$0x1CC00] =	vst v63  }
0x3b: {  	s14 =	simm.s32 $0x13C80  }
0x3c: {  	[tilespmem:s23], [sflag:$0x4] =	stream.indirect.gather [hbm4b:s4+s20], $0x80, s14, s20, $0xb8;
	[tilespmem:$0x1CC00] =	vst v63  }
0x3d: {  	_ =	swait.ge [sflag:s24], $0x4000  }
0x3e: {  	[sflag:s24] =	ssyncset.done $0x0  }
0x3f: {  	s13 =	simm.s32 $0x14000;
	[sflag:s24] =	ssyncadd.s32 $0xFFFFC000  }
0x40: {  	[spmem:s1] =	stream.indirect.scatter.add.f32 [tilespmem:s21], [sflag:$0x5], $0x80, s13, s20, $0xb8;
	[tilespmem:$0x1CC00] =	vst v63  }
0x41: {  	_ =	swait.ge [sflag:s12], $0x4000  }
0x42: {  	[sflag:s12] =	ssyncset.done $0x0  }
0x43: {  	s14 =	simm.s32 $0x13D00;
	[sflag:s12] =	ssyncadd.s32 $0xFFFFC000  }
0x44: {  	[tilespmem:s21], [sflag:$0x3] =	stream.indirect.gather [hbm4b:s4+s20], $0x80, s14, s20, $0xb8;
	[tilespmem:$0x1CC00] =	vst v63  }
0x45: {  	_ =	swait.ge [sflag:s26], $0x4000  }
0x46: {  	[sflag:s26] =	ssyncset.done $0x0  }
0x47: {  	s13 =	simm.s32 $0x14080;
	[sflag:s26] =	ssyncadd.s32 $0xFFFFC000  }
0x48: {  	[spmem:s1] =	stream.indirect.scatter.add.f32 [tilespmem:s23], [sflag:$0x5], $0x80, s13, s20, $0xb8;
	[tilespmem:$0x1CC00] =	vst v63  }
0x49: {  	_ =	swait.ge [sflag:s12], $0x4000  }
0x4a: {  	[sflag:s12] =	ssyncset.done $0x0  }
0x4b: {  	s14 =	simm.s32 $0x13D80;
	[sflag:s12] =	ssyncadd.s32 $0xFFFFC000  }
0x4c: {  	[tilespmem:s23], [sflag:$0x4] =	stream.indirect.gather [hbm4b:s4+s20], $0x80, s14, s20, $0xb8;
	[tilespmem:$0x1CC00] =	vst v63  }
0x4d: {  	_ =	swait.ge [sflag:s24], $0x4000  }
0x4e: {  	[sflag:s24] =	ssyncset.done $0x0  }
0x4f: {  	s13 =	simm.s32 $0x14100;
	[sflag:s24] =	ssyncadd.s32 $0xFFFFC000  }
0x50: {  	[spmem:s1] =	stream.indirect.scatter.add.f32 [tilespmem:s21], [sflag:$0x5], $0x80, s13, s20, $0xb8;
	[tilespmem:$0x1CC00] =	vst v63  }
0x51: {  	_ =	swait.ge [sflag:s12], $0x4000  }
0x52: {  	[sflag:s12] =	ssyncset.done $0x0  }
0x53: {  	s14 =	simm.s32 $0x13E00;
	[sflag:s12] =	ssyncadd.s32 $0xFFFFC000  }
0x54: {  	[tilespmem:s21], [sflag:$0x3] =	stream.indirect.gather [hbm4b:s4+s20], $0x80, s14, s20, $0xb8;
	[tilespmem:$0x1CC00] =	vst v63  }
0x55: {  	_ =	swait.ge [sflag:s26], $0x4000  }
0x56: {  	[sflag:s26] =	ssyncset.done $0x0  }
0x57: {  	s13 =	simm.s32 $0x14180;
	[sflag:s26] =	ssyncadd.s32 $0xFFFFC000  }
0x58: {  	[spmem:s1] =	stream.indirect.scatter.add.f32 [tilespmem:s23], [sflag:$0x5], $0x80, s13, s20, $0xb8;
	[tilespmem:$0x1CC00] =	vst v63  }
0x59: {  	_ =	swait.ge [sflag:s12], $0x4000  }
0x5a: {  	[sflag:s12] =	ssyncset.done $0x0  }
0x5b: {  	s14 =	simm.s32 $0x13E80;
	[sflag:s12] =	ssyncadd.s32 $0xFFFFC000  }
0x5c: {  	[tilespmem:s23], [sflag:$0x4] =	stream.indirect.gather [hbm4b:s4+s20], $0x80, s14, s20, $0xb8;
	[tilespmem:$0x1CC00] =	vst v63  }
0x5d: {  	_ =	swait.ge [sflag:s24], $0x4000  }
0x5e: {  	[sflag:s24] =	ssyncset.done $0x0  }
0x5f: {  	s13 =	simm.s32 $0x14200;
	[sflag:s24] =	ssyncadd.s32 $0xFFFFC000  }
0x60: {  	[spmem:s1] =	stream.indirect.scatter.add.f32 [tilespmem:s21], [sflag:$0x5], $0x80, s13, s20, $0xb8;
	[tilespmem:$0x1CC00] =	vst v63  }
0x61: {  	_ =	swait.ge [sflag:s12], $0x4000  }
0x62: {  	[sflag:s12] =	ssyncset.done $0x0  }
0x63: {  	s14 =	simm.s32 $0x13F00;
	[sflag:s12] =	ssyncadd.s32 $0xFFFFC000  }
0x64: {  	[tilespmem:s21], [sflag:$0x3] =	stream.indirect.gather [hbm4b:s4+s20], $0x80, s14, s20, $0xb8;
	[tilespmem:$0x1CC00] =	vst v63  }
0x65: {  	_ =	swait.ge [sflag:s26], $0x4000  }
0x66: {  	[sflag:s26] =	ssyncset.done $0x0  }
0x67: {  	s13 =	simm.s32 $0x14280;
	[sflag:s26] =	ssyncadd.s32 $0xFFFFC000  }
0x68: {  	[spmem:s1] =	stream.indirect.scatter.add.f32 [tilespmem:s23], [sflag:$0x5], $0x80, s13, s20, $0xb8;
	[tilespmem:$0x1CC00] =	vst v63  }
0x69: {  	_ =	swait.ge [sflag:s12], $0x4000  }
0x6a: {  	[sflag:s12] =	ssyncset.done $0x0  }
0x6b: {  	s14 =	simm.s32 $0x13F80;
	[sflag:s12] =	ssyncadd.s32 $0xFFFFC000  }
0x6c: {  	[tilespmem:s23], [sflag:$0x4] =	stream.indirect.gather [hbm4b:s4+s20], $0x80, s14, s20, $0xb8;
	[tilespmem:$0x1CC00] =	vst v63  }
0x6d: {  	_ =	swait.ge [sflag:s24], $0x4000  }
0x6e: {  	[sflag:s24] =	ssyncset.done $0x0  }
0x6f: {  	s13 =	simm.s32 $0x14300;
	[sflag:s24] =	ssyncadd.s32 $0xFFFFC000  }
0x70: {  	[spmem:s1] =	stream.indirect.scatter.add.f32 [tilespmem:s21], [sflag:$0x5], $0x80, s13, s20, $0xb8;
	[tilespmem:$0x1CC00] =	vst v63  }
0x71: {  	_ =	swait.ge [sflag:s12], $0x4000  }
0x72: {  	[sflag:s12] =	ssyncset.done $0x0  }
0x73: {  	[sflag:s12] =	ssyncadd.s32 $0xFFFFC000  }
0x74: {  	_ =	swait.ge [sflag:s26], $0x4000  }
0x75: {  	[sflag:s26] =	ssyncset.done $0x0  }
0x76: {  	p0 =	seq.s32 s17, $0x0;
	s14 =	simm.s32 $0x14380;
	[sflag:s26] =	ssyncadd.s32 $0xFFFFC000  }
0x77: {  	[spmem:s1] =	stream.indirect.scatter.add.f32 [tilespmem:s23], [sflag:$0x5], $0x80, s14, s20, $0xb8;
	[tilespmem:$0x1CC00] =	vst v63  }
0x78: {  	s7 =	sadd.s32 @!p0 s17, s6;
	_ =	swait.ge [sflag:s12], $0x4000  }
0x79: {  	s7 =	sadd.s32 @!p0 $0x500, s7;
	[sflag:s12] =	ssyncset.done $0x0  }
0x7a: {  	s13 =	simm.s32 @!p0 $0x0;
	s14 =	simm.s32 @!p0 $0x13C00;
	[sflag:s12] =	ssyncadd.s32 $0xFFFFC000  }
0x7b: {  	[tilespmem:s14], [sflag:$0x1] =	stream.linear.gather @!p0 [hbm4b:s7+s13], $0x400, $0x38;
	[tilespmem:$0x1CC00] =	vst v63  }
0x7c: {  	s7 =	sadd.s32 @!p0 s17, s8  }
0x7d: {  	s14 =	simm.s32 @!p0 $0x14000;
	s7 =	sadd.s32 @!p0 $0x500, s7  }
0x7e: {  	[tilespmem:s14], [sflag:$0x1] =	stream.linear.gather @!p0 [hbm4b:s7+s13], $0x400, $0x38;
	[tilespmem:$0x1CC00] =	vst v63  }
0x7f: {  	_ =	swait.ge [sflag:s11], $0x400  }
0x80: {  	[sflag:s11] =	ssyncset.done $0x0  }
0x81: {  	[sflag:s11] =	ssyncadd.s32 $0xFFFFFC00  }
0x82: {  	_ =	swait.ge [sflag:s11], $0x400  }
0x83: {  	[sflag:s11] =	ssyncset.done $0x0  }
0x84: {  	[sflag:s11] =	ssyncadd.s32 $0xFFFFFC00  }
0x85: {  	[tilespmem:s21], [sflag:$0x3] =	stream.indirect.gather [hbm4b:s4+s20], $0x80, s16, s20, $0xb8;
	[tilespmem:$0x1CC00] =	vst v63  }
0x86: {  	s13 =	simm.s32 $0x14480  }
0x87: {  	[tilespmem:s23], [sflag:$0x4] =	stream.indirect.gather [hbm4b:s4+s20], $0x80, s13, s20, $0xb8;
	[tilespmem:$0x1CC00] =	vst v63  }
0x88: {  	_ =	swait.ge [sflag:s24], $0x4000  }
0x89: {  	[sflag:s24] =	ssyncset.done $0x0  }
0x8a: {  	[sflag:s24] =	ssyncadd.s32 $0xFFFFC000  }
0x8b: {  	[spmem:s1] =	stream.indirect.scatter.add.f32 [tilespmem:s21], [sflag:$0x5], $0x80, s18, s20, $0xb8;
	[tilespmem:$0x1CC00] =	vst v63  }
0x8c: {  	_ =	swait.ge [sflag:s12], $0x4000  }
0x8d: {  	[sflag:s12] =	ssyncset.done $0x0  }
0x8e: {  	s14 =	simm.s32 $0x14500;
	[sflag:s12] =	ssyncadd.s32 $0xFFFFC000  }
0x8f: {  	[tilespmem:s21], [sflag:$0x3] =	stream.indirect.gather [hbm4b:s4+s20], $0x80, s14, s20, $0xb8;
	[tilespmem:$0x1CC00] =	vst v63  }
0x90: {  	_ =	swait.ge [sflag:s26], $0x4000  }
0x91: {  	[sflag:s26] =	ssyncset.done $0x0  }
0x92: {  	[sflag:s26] =	ssyncadd.s32 $0xFFFFC000  }
0x93: {  	[spmem:s1] =	stream.indirect.scatter.add.f32 [tilespmem:s23], [sflag:$0x5], $0x80, s22, s20, $0xb8;
	[tilespmem:$0x1CC00] =	vst v63  }
0x94: {  	_ =	swait.ge [sflag:s12], $0x4000  }
0x95: {  	[sflag:s12] =	ssyncset.done $0x0  }
0x96: {  	[sflag:s12] =	ssyncadd.s32 $0xFFFFC000  }
0x97: {  	[tilespmem:s23], [sflag:$0x4] =	stream.indirect.gather [hbm4b:s4+s20], $0x80, s25, s20, $0xb8;
	[tilespmem:$0x1CC00] =	vst v63  }
0x98: {  	_ =	swait.ge [sflag:s24], $0x4000  }
0x99: {  	[sflag:s24] =	ssyncset.done $0x0  }
0x9a: {  	[sflag:s24] =	ssyncadd.s32 $0xFFFFC000  }
0x9b: {  	[spmem:s1] =	stream.indirect.scatter.add.f32 [tilespmem:s21], [sflag:$0x5], $0x80, s28, s20, $0xb8;
	[tilespmem:$0x1CC00] =	vst v63  }
0x9c: {  	_ =	swait.ge [sflag:s12], $0x4000  }
0x9d: {  	[sflag:s12] =	ssyncset.done $0x0  }
0x9e: {  	[sflag:s12] =	ssyncadd.s32 $0xFFFFC000  }
0x9f: {  	[tilespmem:s21], [sflag:$0x3] =	stream.indirect.gather [hbm4b:s4+s20], $0x80, s29, s20, $0xb8;
	[tilespmem:$0x1CC00] =	vst v63  }
0xa0: {  	_ =	swait.ge [sflag:s26], $0x4000  }
0xa1: {  	[sflag:s26] =	ssyncset.done $0x0  }
0xa2: {  	[sflag:s26] =	ssyncadd.s32 $0xFFFFC000  }
0xa3: {  	[spmem:s1] =	stream.indirect.scatter.add.f32 [tilespmem:s23], [sflag:$0x5], $0x80, s30, s20, $0xb8;
	[tilespmem:$0x1CC00] =	vst v63  }
0xa4: {  	_ =	swait.ge [sflag:s12], $0x4000  }
0xa5: {  	[sflag:s12] =	ssyncset.done $0x0  }
0xa6: {  	[sflag:s12] =	ssyncadd.s32 $0xFFFFC000  }
0xa7: {  	[tilespmem:s23], [sflag:$0x4] =	stream.indirect.gather [hbm4b:s4+s20], $0x80, s31, s20, $0xb8;
	[tilespmem:$0x1CC00] =	vst v63  }
0xa8: {  	_ =	swait.ge [sflag:s24], $0x4000  }
0xa9: {  	[sflag:s24] =	ssyncset.done $0x0  }
0xaa: {  	[sflag:s24] =	ssyncadd.s32 $0xFFFFC000  }
0xab: {  	[spmem:s1] =	stream.indirect.scatter.add.f32 [tilespmem:s21], [sflag:$0x5], $0x80, s0, s20, $0xb8;
	[tilespmem:$0x1CC00] =	vst v63  }
0xac: {  	_ =	swait.ge [sflag:s12], $0x4000  }
0xad: {  	[sflag:s12] =	ssyncset.done $0x0  }
0xae: {  	[sflag:s12] =	ssyncadd.s32 $0xFFFFC000  }
0xaf: {  	[tilespmem:s21], [sflag:$0x3] =	stream.indirect.gather [hbm4b:s4+s20], $0x80, s2, s20, $0xb8;
	[tilespmem:$0x1CC00] =	vst v63  }
0xb0: {  	_ =	swait.ge [sflag:s26], $0x4000  }
0xb1: {  	[sflag:s26] =	ssyncset.done $0x0  }
0xb2: {  	[sflag:s26] =	ssyncadd.s32 $0xFFFFC000  }
0xb3: {  	[spmem:s1] =	stream.indirect.scatter.add.f32 [tilespmem:s23], [sflag:$0x5], $0x80, s5, s20, $0xb8;
	[tilespmem:$0x1CC00] =	vst v63  }
0xb4: {  	_ =	swait.ge [sflag:s12], $0x4000  }
0xb5: {  	[sflag:s12] =	ssyncset.done $0x0  }
0xb6: {  	[sflag:s12] =	ssyncadd.s32 $0xFFFFC000  }
0xb7: {  	[tilespmem:s23], [sflag:$0x4] =	stream.indirect.gather [hbm4b:s4+s20], $0x80, s9, s20, $0xb8;
	[tilespmem:$0x1CC00] =	vst v63  }
0xb8: {  	_ =	swait.ge [sflag:s24], $0x4000  }
0xb9: {  	[sflag:s24] =	ssyncset.done $0x0  }
0xba: {  	[sflag:s24] =	ssyncadd.s32 $0xFFFFC000  }
0xbb: {  	[spmem:s1] =	stream.indirect.scatter.add.f32 [tilespmem:s21], [sflag:$0x5], $0x80, s10, s20, $0xb8;
	[tilespmem:$0x1CC00] =	vst v63  }
0xbc: {  	_ =	swait.ge [sflag:s12], $0x4000  }
0xbd: {  	[sflag:s12] =	ssyncset.done $0x0  }
0xbe: {  	[sflag:s12] =	ssyncadd.s32 $0xFFFFC000  }
0xbf: {  	_ =	swait.ge [sflag:s26], $0x4000  }
0xc0: {  	[sflag:s26] =	ssyncset.done $0x0  }
.Ltmp2:
0xc1: {  	[sflag:s26] =	ssyncadd.s32 $0xFFFFC000;
	(pc) =	sbr.rel @p0 .LBB2_4-.Ltmp2, $4  }
0xc2: {  	[spmem:s1] =	stream.indirect.scatter.add.f32 [tilespmem:s23], [sflag:$0x5], $0x80, s15, s20, $0xb8;
	[tilespmem:$0x1CC00] =	vst v63  }
0xc3: {  	_ =	swait.ge [sflag:s12], $0x4000  }
0xc4: {  	[sflag:s12] =	ssyncset.done $0x0  }
0xc5: {  	[sflag:s12] =	ssyncadd.s32 $0xFFFFC000  }
.Ltmp3:
0xc6: {  	s7 =	sadd.s32 s17, s6;
	(pc) =	sbr.rel .LBB2_2-.Ltmp3, $4  }
0xc7: {  	s14 =	sadd.s32 s17, s8;
	s7 =	sadd.s32 $0x580, s7  }
0xc8: {  	[tilespmem:s16], [sflag:$0x2] =	stream.linear.gather [hbm4b:s7+s3], $0x400, $0x38;
	[tilespmem:$0x1CC00] =	vst v63  }
0xc9: {  	s17 =	sadd.s32 $0x100, s17;
	s7 =	sadd.s32 $0x580, s14  }
0xca: {  	[tilespmem:s18], [sflag:$0x2] =	stream.linear.gather [hbm4b:s7+s3], $0x400, $0x38;
	[tilespmem:$0x1CC00] =	vst v63  }
.LBB2_5:
0xcb: {  	_ =	sfence.sel $0x180000  }
0xcc: {  	[bflag:$0x0] =	sbarrier.arrive $0xFFFF  }
0xcd: {  	_ =	strace $0x9000004D  }
0xce: {  	s0 =	stileid.u32;
	[bflag:$0x2] =	sbarrier.arrive $0xFFFF  }
0xcf: {  	p0 =	sne.s32 s0, $0x0;
	s0 =	rddreg [dreg:$0x3]  }
0xd0: {  	s0 =	sadd.s32 @!p0 $0x100000, s0  }
0xd1: {  	[sflag:s0] =	ssyncadd.tile.s32 @!p0 $0x1;
	_ =	shalt  }
.Lfunc_end2:
_tile_overlayer_lowered:
.L_overlay_start_2:
0xd2: {  	(tag) =	ssettag $0x2  }
0xd3: {  	s0 =	rddreg [dreg:$0x0];
	s2 =	stileid.u32  }
0xd4: {  	s1 =	rddreg [dreg:$0x1];
	p0 =	sne.s32 s2, $0x0  }
0xd5: {  	s3 =	rddreg [dreg:$0x2];
	[bflag:$0x3] =	sbarrier.arrive $0xFFFF;
	s2 =	simm.s32 @!p0 $0x1C05  }
0xd6: {  	[timem:s3], [sflag:s2] =	dma.local @!p0 [hbm:s0], s1  }
0xd7: {  	s0 =	simm.s32 @!p0 $0x5  }
0xd8: {  	_ =	swait.ge @!p0 [sflag:s0], s1  }
0xd9: {  	s1 =	ssub.s32 @!p0 $0x0, s1;
	[sflag:s0] =	ssyncset.done @!p0 $0x0  }
0xda: {  	[sflag:s0] =	ssyncadd.s32 @!p0 s1  }
0xdb: {  	[bflag:$0x3] =	sbarrier.arrive $0xFFFF  }
0xdc: {  	_ =	shalt  }

// kernel: kernel.8.cloned.1.call-start
scs
__scs_entry_jumppad:
0x0: {  	(pc) =	sbr.rel $0x88, $3  }
0x1: {  	(tag) =	ssettag $0x0;
	lr =	simm.s32 $0x1  }
0x2: {  	[smem:$0x3F9B] =	sst lr;
	_ =	strace $0xD0000000  }
0x3: {  	_ = 	snop  }
0x4: {  	_ = 	snop  }
0x5: {  	_ = 	snop  }
0x6: {  	_ = 	snop  }
0x7: {  	_ = 	snop  }
__scs_overlays_trampoline_lowered:
0x8: {  	[smem:$0x3FAA] =	sst s0  }
0x9: {  	[smem:$0x3FAB] =	sst s1  }
0xa: {  	[smem:$0x3FAC] =	sst s2  }
0xb: {  	[smem:$0x3FAD] =	sst s3  }
0xc: {  	[smem:$0x3FAE] =	sst s4  }
0xd: {  	[smem:$0x3FAF] =	sst s5  }
0xe: {  	[smem:$0x3FB0] =	sst s6  }
0xf: {  	[smem:$0x3FB1] =	sst s7  }
0x10: {  	[smem:$0x3FB2] =	sst s8  }
0x11: {  	[smem:$0x3FB3] =	sst s9;
	s0 =	simm.s32 @!p0 $0x0  }
0x12: {  	s1 =	sld [smem:$0x3F99];
	s0 =	simm.s32 @p0 $0x1  }
0x13: {  	[smem:$0x3FB4] =	sst s0;
	s0 =	simm.s32 @!p1 $0x0  }
0x14: {  	s2 =	sld [smem:$0x3F98];
	s0 =	simm.s32 @p1 $0x1  }
0x15: {  	[smem:$0x3FB5] =	sst s0;
	s0 =	simm.s32 @!p2 $0x0  }
0x16: {  	s3 =	sld [smem:$0x3FDB];
	s0 =	simm.s32 @p2 $0x1  }
0x17: {  	s4 =	simm.s32 $0x1BF5;
	[smem:$0x3FB7] =	sst s0  }
0x18: {  	s0 =	sld [smem:$0x3F9A];
	_ =	swait.ge [sflag:s4], $0x0  }
0x19: {  	s7 =	sld [smem:$0x3F9B]  }
0x1a: {  	s8 =	sadd.s32 $0xFFFFE003, lr  }
0x1b: {  	s9 =	sadd.s32 $0xFFFFFEF7, lr;
	s5 =	simm.s32 $0xFFFFFFFF;
	p2 =	slt.u32 s8, $0xFFFFF086  }
0x1c: {  	p1 =	slt.u32 s9, $0xF7A;
	s5 =	simm.s32 @!p2 $0x0  }
0x1d: {  	s5 =	simm.s32 @p1 $0x1;
	p0 =	seq.s32 s7, s2  }
0x1e: {  	s7 =	smul.u32 @!p0 $0xF7A, s2;
	p2 =	seq.s32 @!p0 s5, $0x0  }
0x1f: {  	s9 =	smul.u32 $0xF7A, s1;
	s8 =	simm.s32 @!p0 $0x1BF5;
	p2 =	por !p2, p0  }
0x20: {  	[sflag:s8] =	ssyncset.s32 @!p0 $0xFFFFF086;
	s6 =	sadd.s32 @!p0 s3, s7;
	s7 =	simm.s32 @!p0 $0x108  }
0x21: {  	s3 =	sadd.s32 s3, s9;
	s6 =	sadd.s32 @!p0 $0x88, s6;
	s7 =	simm.s32 @p2 $0x1082  }
0x22: {  	[simem:s7], [sflag:s8] =	dma.local @!p0 [hbm:s6], $0xF7A  }
0x23: {  	s9 =	sor.u32 $0xD0000000, s2;
	s6 =	simm.s32 $0x108;
	_ =	swait.ge @!p0 [sflag:s8], $0x0  }
0x24: {  	s3 =	sadd.s32 $0x88, s3;
	s6 =	simm.s32 @!p1 $0x1082;
	[sflag:s4] =	ssyncset.s32 $0xFFFFF086  }
0x25: {  	[simem:s6], [sflag:s4] =	dma.local [hbm:s3], $0xF7A  }
0x26: {  	[smem:$0x3F9B] =	sst s1;
	(tag) =	ssettag s2;
	_ =	strace s9  }
0x27: {  	s1 =	sld [smem:$0x3FAB]  }
0x28: {  	s2 =	sld [smem:$0x3FAC]  }
0x29: {  	s4 =	sld [smem:$0x3FAE]  }
0x2a: {  	p0 =	seq.s32 s5, $0x0;
	s5 =	sld [smem:$0x3FAF]  }
0x2b: {  	s6 =	sld [smem:$0x3FB0]  }
0x2c: {  	s7 =	sld [smem:$0x3FB1]  }
0x2d: {  	s3 =	simm.s32 $0x108;
	s8 =	sld [smem:$0x3FB2]  }
0x2e: {  	s3 =	simm.s32 @!p0 $0x1082;
	s9 =	sld [smem:$0x3FB3]  }
0x2f: {  	lr =	sadd.s32 s0, s3;
	s0 =	sld [smem:$0x3FAA]  }
0x30: {  	s3 =	sld [smem:$0x3FAD]  }
0x31: {  	[smem:$0x3FB6] =	sst s10  }
0x32: {  	s10 =	sld [smem:$0x3FB4];
	_ =	sdelay $0x3  }
0x33: {  	p0 =	seq.s32 s10, $0x1;
	s10 =	sld [smem:$0x3FB6];
	_ =	sdelay $0x3  }
0x34: {  	[smem:$0x3FB6] =	sst s10  }
0x35: {  	s10 =	sld [smem:$0x3FB5];
	_ =	sdelay $0x3  }
0x36: {  	p1 =	seq.s32 s10, $0x1;
	s10 =	sld [smem:$0x3FB6];
	_ =	sdelay $0x3  }
0x37: {  	[smem:$0x3FB6] =	sst s10  }
0x38: {  	s10 =	sld [smem:$0x3FB7]  }
0x39: {  	_ = 	snop;
	(pc) =	sbr.ind lr, $3  }
0x3a: {  	_ = 	snop  }
0x3b: {  	_ = 	snop  }
0x3c: {  	p2 =	seq.s32 s10, $0x1;
	s10 =	sld [smem:$0x3FB6]  }
0x3d: {  	_ =	shalt  }
0x3e: {  	_ =	shalt  }
0x3f: {  	_ =	shalt  }
0x40: {  	_ =	shalt  }
0x41: {  	_ =	shalt  }
0x42: {  	_ =	shalt  }
0x43: {  	_ =	shalt  }
0x44: {  	_ =	shalt  }
0x45: {  	_ =	shalt  }
0x46: {  	_ =	shalt  }
0x47: {  	_ =	shalt  }
0x48: {  	_ =	shalt  }
0x49: {  	_ =	shalt  }
0x4a: {  	_ =	shalt  }
0x4b: {  	_ =	shalt  }
0x4c: {  	_ =	shalt  }
0x4d: {  	_ =	shalt  }
0x4e: {  	_ =	shalt  }
0x4f: {  	_ =	shalt  }
0x50: {  	_ =	shalt  }
0x51: {  	_ =	shalt  }
0x52: {  	_ =	shalt  }
0x53: {  	_ =	shalt  }
0x54: {  	_ =	shalt  }
0x55: {  	_ =	shalt  }
0x56: {  	_ =	shalt  }
0x57: {  	_ =	shalt  }
0x58: {  	_ =	shalt  }
0x59: {  	_ =	shalt  }
0x5a: {  	_ =	shalt  }
0x5b: {  	_ =	shalt  }
0x5c: {  	_ =	shalt  }
0x5d: {  	_ =	shalt  }
0x5e: {  	_ =	shalt  }
0x5f: {  	_ =	shalt  }
0x60: {  	_ =	shalt  }
0x61: {  	_ =	shalt  }
0x62: {  	_ =	shalt  }
0x63: {  	_ =	shalt  }
0x64: {  	_ =	shalt  }
0x65: {  	_ =	shalt  }
0x66: {  	_ =	shalt  }
0x67: {  	_ =	shalt  }
0x68: {  	_ =	shalt  }
0x69: {  	_ =	shalt  }
0x6a: {  	_ =	shalt  }
0x6b: {  	_ =	shalt  }
0x6c: {  	_ =	shalt  }
0x6d: {  	_ =	shalt  }
0x6e: {  	_ =	shalt  }
0x6f: {  	_ =	shalt  }
0x70: {  	_ =	shalt  }
0x71: {  	_ =	shalt  }
0x72: {  	_ =	shalt  }
0x73: {  	_ =	shalt  }
0x74: {  	_ =	shalt  }
0x75: {  	_ =	shalt  }
0x76: {  	_ =	shalt  }
0x77: {  	_ =	shalt  }
0x78: {  	_ =	shalt  }
0x79: {  	_ =	shalt  }
0x7a: {  	_ =	shalt  }
0x7b: {  	_ =	shalt  }
0x7c: {  	_ =	shalt  }
0x7d: {  	_ =	shalt  }
0x7e: {  	_ =	shalt  }
0x7f: {  	_ =	shalt  }
0x80: {  	_ =	shalt  }
0x81: {  	_ =	shalt  }
0x82: {  	_ =	shalt  }
0x83: {  	_ =	shalt  }
0x84: {  	_ =	shalt  }
0x85: {  	_ =	shalt  }
0x86: {  	_ =	shalt  }
0x87: {  	_ =	shalt  }
.Lfunc_end0:
.L_simem_size_0:
called_computation_lowered:
.L_overlay_start_0:
0x88: {  	s2 =	sld [smem:$0x3FD9]  }
0x89: {  	s3 =	sld [smem:$0x3FFE];
	_ =	sdelay $0x1  }
0x8a: {  	s1 =	srdreg.scid  }
0x8b: {  	s0 =	sand.u32 $0x1, s1  }
0x8c: {  	s17 =	sshll.u32 s0, $0xA;
	s2 =	sadd.s32 s3, s2  }
0x8d: {  	s2 =	sadd.s32 s2, s17  }
0x8e: {  	[smem:$0x3FC2] =	sst s2  }
0x8f: {  	_ = 	snop  }
0x90: {  	s2 =	sld [smem:$0x3FD0];
	(tm) =	ssettm $0x1  }
0x91: {  	s18 =	sld [smem:$0x3FFB];
	_ =	sdelay $0x3  }
0x92: {  	_ =	strace s18  }
0x93: {  	s3 =	sld [smem:$0x3FFC];
	_ =	sdelay $0x3  }
0x94: {  	_ =	strace s3  }
0x95: {  	s3 =	sld [smem:$0x3FFD];
	_ =	sdelay $0x3  }
0x96: {  	_ =	strace s3  }
0x97: {  	_ =	strace $0x8FFFFFFF  }
0x98: {  	s19 =	sld [smem:$0x3FDB];
	_ =	sdelay $0x1  }
0x99: {  	s4 =	simm.s32 $_scs_section_size  }
0x9a: {  	s5 =	simm.s32 $_size__tile_overlayer_lowered;
	s6 =	simm.s32 $_tile_overlayer_lowered  }
0x9b: {  	s22 =	simm.s32 $0x1BFF;
	s21 =	sshll.u32 s6, $0x1;
	s3 =	sadd.s32 s4, s19  }
0x9c: {  	s7 =	simm.s32 $0x0;
	s20 =	sshll.u32 s5, $0x1;
	s5 =	sadd.s32 s21, s3  }
0x9d: {  	[timem:s7], [sflag:s22] =	dma.local [hbm:s5], s20  }
0x9e: {  	_ =	swait.ge [sflag:s22], s20  }
0x9f: {  	s4 =	ssub.s32 $0x0, s20;
	[sflag:s22] =	ssyncset.done $0x0  }
0xa0: {  	[sflag:s22] =	ssyncadd.s32 s4;
	_ =	sdelay $0x1  }
0xa1: {  	s23 =	simm.s32 $0x1B8B  }
0xa2: {  	_ =	swait.ge [sflag:s23], $0x1  }
0xa3: {  	[sflag:s23] =	ssyncset.done $0x0  }
0xa4: {  	s25 =	simm.s32 $0x1B8E;
	s24 =	sld [smem:$0x3FFE];
	[sflag:s23] =	ssyncadd.s32 $0xFFFFFFFF  }
0xa5: {  	s26 =	simm.s32 $execute0_lowered;
	[smem:$0x3FD2] =	sst s25  }
0xa6: {  	s5 =	sshll.u32 s26, $0x1;
	_ =	strace $0x80000046;
	[dreg:$0x1] =	wrdreg $0xFFFFFFFF  }
0xa7: {  	s28 =	simm.s32 $_size_execute0_lowered;
	s3 =	sadd.s32 s3, s5;
	[dreg:$0x0] =	wrdreg $0x0  }
0xa8: {  	s5 =	sshll.u32 s28, $0x1;
	[dreg:$0x2] =	wrdreg s3  }
0xa9: {  	[dreg:$0x3] =	wrdreg s5  }
0xaa: {  	[dreg:$0x4] =	wrdreg $0xC0  }
0xab: {  	_ =	task [dreg:s7], $0x5FFFF  }
0xac: {  	[dreg:$0x1] =	wrdreg $0xFFFFFFFF  }
0xad: {  	[dreg:$0x0] =	wrdreg $0x60  }
0xae: {  	[dreg:$0x2] =	wrdreg s2  }
0xaf: {  	[dreg:$0x3] =	wrdreg s24  }
0xb0: {  	[dreg:$0x4] =	wrdreg $0x0  }
0xb1: {  	[dreg:$0x5] =	wrdreg $0x9  }
0xb2: {  	_ =	task.clear_ibuf [dreg:s7], $0x6FFFF;
	_ =	strace $0x90000046  }
0xb3: {  	s29 =	simm.s32 $0x9;
	_ =	strace $0x80000048  }
0xb4: {  	_ =	swait.ge [sflag:s29], $0x1  }
0xb5: {  	[sflag:s29] =	ssyncadd.s32 $0xFFFFFFFF  }
0xb6: {  	_ =	strace $0x90000048  }
0xb7: {  	_ =	sfence  }
0xb8: {  	s30 =	sld [smem:$0x0];
	_ =	sdelay $0x2  }
0xb9: {  	s31 =	sshll.u32 s1, $0xD;
	s1 =	sshrl.u32 s1, $0x2  }
0xba: {  	s3 =	sand.u32 $0x4000, s31;
	s1 =	sadd.s32 s1, s30  }
0xbb: {  	s0 =	sor.u32 s3, s0;
	s1 =	sshll.u32 s1, $0x11  }
0xbc: {  	s0 =	sor.u32 s1, s0  }
0xbd: {  	s0 =	sadd.s32 $0x8F2B, s0  }
0xbe: {  	[sflag:s0] =	ssyncadd.remote.s32 $0x1  }
0xbf: {  	_ =	sfence.sel $0xFFFF  }
0xc0: {  	[dreg:$0x0] =	wrdreg $0xFFFFFFFF;
	(pc) =	sbr.abs _section_cstart, $3  }
0xc1: {  	[dreg:$0x1] =	wrdreg $0xFFFFFFFF  }
0xc2: {  	_ =	task.clear_ibuf [dreg:s7], $0x2FFFF;
	_ =	strace $0x9FFFFFFF  }
0xc3: {  	(tm) =	ssettm $0x7FFFFFFF  }
tec
execute0_lowered:
.L_overlay_start_1:
0x0: {  	(tag) =	ssettag $0x1  }
0x1: {  	s6 =	rddreg [dreg:$0x0]  }
0x2: {  	s7 =	rddreg [dreg:$0x1]  }
0x3: {  	s1 =	rddreg [dreg:$0x2]  }
0x4: {  	s0 =	rddreg [dreg:$0x3]  }
0x5: {  	s3 =	simm.s32 $0x0;
	s2 =	srdreg.scid;
	s13 =	simm.s32 $0x16400  }
0x6: {  	s14 =	simm.s32 $0x80;
	s15 =	simm.s32 $0x13C80;
	s16 =	simm.s32 $0x13D00  }
0x7: {  	s17 =	simm.s32 $0x13D80;
	s18 =	simm.s32 $0x1;
	s19 =	simm.s32 $0x2  }
0x8: {  	s20 =	simm.s32 $0x3;
	s21 =	simm.s32 $0x4;
	s22 =	simm.s32 $0x0  }
0x9: {  	[smem:$0x7FF] =	sst s3;
	s8 =	sand.u32 $0x1, s2;
	s2 =	stileid.u32  }
0xa: {  	s4 =	sadd.s32 $0x2600, s7;
	s5 =	sadd.s32 $0x2E00, s7;
	s9 =	smul.u32 $0x13C000, s8  }
0xb: {  	_ =	strace $0x80000047;
	s10 =	smul.u32 $0x13C00, s2;
	s11 =	sshll.u32 s8, $0x4  }
0xc: {  	s8 =	ssub.s32 $0x2, s8;
	s12 =	smul.u32 $0x4F000, s2;
	s31 =	sshll.u32 s2, $0x6  }
0xd: {  	s11 =	sor.u32 s2, s11;
	s28 =	sshrl.u32 s8, $0x1;
	s9 =	sadd.s32 s10, s9  }
0xe: {  	s26 =	smul.u32 $0x2800, s11;
	s30 =	sshrl.u32 s12, $0x2;
	s9 =	sshrl.u32 s9, $0x3  }
0xf: {  	s11 =	ssub.s32 s8, s28;
	s12 =	sadd.s32 s30, s1;
	s9 =	sadd.s32 s9, s7  }
0x10: {  	s29 =	sshrl.u32 s26, $0x3;
	s10 =	sshrl.u32 s12, $0x3;
	s12 =	simm.s32 $0x13C00  }
0x11: {  	s7 =	sadd.s32 s6, s29;
	s6 =	sor.u32 $0x1C05, s31;
	s8 =	sadd.s32 $0x5600, s9  }
0x12: {  	s9 =	smax.u32 s11, $0x1;
	s11 =	simm.s32 $0x5;
	s7 =	sadd.s32 $0xA000, s7  }
.LBB2_1:
0x13: {  	[spmem:s10], [sflag:s6] =	dma.local [hbm:s5], $0x2780  }
0x14: {  	_ =	swait.ge [sflag:s11], $0x2780  }
0x15: {  	[sflag:s11] =	ssyncset.done $0x0  }
0x16: {  	[sflag:s11] =	ssyncadd.s32 $0xFFFFD880  }
0x17: {  	[tilespmem:s12], [sflag:$0x5] =	stream.linear.gather [hbm4b:s7+s3], $0x2800, $0x38;
	[tilespmem:$0x1A400] =	vst v63  }
0x18: {  	_ =	swait.ge [sflag:s11], $0x2800  }
0x19: {  	[sflag:s11] =	ssyncset.done $0x0  }
0x1a: {  	[sflag:s11] =	ssyncadd.s32 $0xFFFFD800  }
0x1b: {  	[tilespmem:s13], [sflag:$0x5] =	stream.linear.gather [hbm4b:s4+s3], $0x4000, $0x38;
	[tilespmem:$0x1A400] =	vst v63  }
0x1c: {  	_ =	swait.ge [sflag:s11], $0x4000  }
0x1d: {  	[sflag:s11] =	ssyncset.done $0x0  }
0x1e: {  	[sflag:s11] =	ssyncadd.s32 $0xFFFFC000  }
0x1f: {  	[bflag:$0x0] =	sbarrier.arrive $0xFFFF  }
0x20: {  	[spmem:s1] =	stream.indirect.scatter.add.f32 [tilespmem:s13], [sflag:$0x1], $0x80, s12, s14, $0xb8;
	[tilespmem:$0x1A400] =	vst v63  }
0x21: {  	_ = 	snop  }
0x22: {  	[spmem:s1] =	stream.indirect.scatter.add.f32 [tilespmem:s13], [sflag:$0x2], $0x80, s15, s14, $0xb8;
	[tilespmem:$0x1A400] =	vst v63  }
0x23: {  	_ = 	snop  }
0x24: {  	[spmem:s1] =	stream.indirect.scatter.add.f32 [tilespmem:s13], [sflag:$0x3], $0x80, s16, s14, $0xb8;
	[tilespmem:$0x1A400] =	vst v63  }
0x25: {  	_ = 	snop  }
0x26: {  	[spmem:s1] =	stream.indirect.scatter.add.f32 [tilespmem:s13], [sflag:$0x4], $0x80, s17, s14, $0xb8;
	[tilespmem:$0x1A400] =	vst v63  }
0x27: {  	_ =	swait.ge [sflag:s18], $0x4000  }
0x28: {  	[sflag:s18] =	ssyncset.done $0x0  }
0x29: {  	s23 =	simm.s32 $0x13E00;
	[sflag:s18] =	ssyncadd.s32 $0xFFFFC000  }
0x2a: {  	[spmem:s1] =	stream.indirect.scatter.add.f32 [tilespmem:s13], [sflag:$0x1], $0x80, s23, s14, $0xb8;
	[tilespmem:$0x1A400] =	vst v63  }
0x2b: {  	_ =	swait.ge [sflag:s19], $0x4000  }
0x2c: {  	[sflag:s19] =	ssyncset.done $0x0  }
0x2d: {  	s30 =	simm.s32 $0x13E80;
	[sflag:s19] =	ssyncadd.s32 $0xFFFFC000  }
0x2e: {  	[spmem:s1] =	stream.indirect.scatter.add.f32 [tilespmem:s13], [sflag:$0x2], $0x80, s30, s14, $0xb8;
	[tilespmem:$0x1A400] =	vst v63  }
0x2f: {  	_ =	swait.ge [sflag:s20], $0x4000  }
0x30: {  	[sflag:s20] =	ssyncset.done $0x0  }
0x31: {  	s31 =	simm.s32 $0x13F00;
	[sflag:s20] =	ssyncadd.s32 $0xFFFFC000  }
0x32: {  	[spmem:s1] =	stream.indirect.scatter.add.f32 [tilespmem:s13], [sflag:$0x3], $0x80, s31, s14, $0xb8;
	[tilespmem:$0x1A400] =	vst v63  }
0x33: {  	_ =	swait.ge [sflag:s21], $0x4000  }
0x34: {  	[sflag:s21] =	ssyncset.done $0x0  }
0x35: {  	s24 =	simm.s32 $0x13F80;
	s23 =	simm.s32 $0xFFFF7000;
	[sflag:s21] =	ssyncadd.s32 $0xFFFFC000  }
.LBB2_2:
0x36: {  	[spmem:s1] =	stream.indirect.scatter.add.f32 [tilespmem:s13], [sflag:$0x4], $0x80, s24, s14, $0xb8;
	[tilespmem:$0x1A400] =	vst v63  }
0x37: {  	s24 =	smov.u32 s23  }
0x38: {  	p0 =	sne.s32 s23, $0xFFFFF800;
	s23 =	sadd.s32 $0x800, s23;
	_ =	swait.ge [sflag:s18], $0x4000  }
0x39: {  	s24 =	sshra.s32 s24, $0x2;
	[sflag:s18] =	ssyncset.done $0x0  }
0x3a: {  	s25 =	sadd.s32 $0x16400, s24;
	[sflag:s18] =	ssyncadd.s32 $0xFFFFC000  }
0x3b: {  	[spmem:s1] =	stream.indirect.scatter.add.f32 [tilespmem:s13], [sflag:$0x1], $0x80, s25, s14, $0xb8;
	[tilespmem:$0x1A400] =	vst v63  }
0x3c: {  	_ =	swait.ge [sflag:s19], $0x4000  }
0x3d: {  	[sflag:s19] =	ssyncset.done $0x0  }
0x3e: {  	s25 =	sadd.s32 $0x16480, s24;
	[sflag:s19] =	ssyncadd.s32 $0xFFFFC000  }
0x3f: {  	[spmem:s1] =	stream.indirect.scatter.add.f32 [tilespmem:s13], [sflag:$0x2], $0x80, s25, s14, $0xb8;
	[tilespmem:$0x1A400] =	vst v63  }
0x40: {  	_ =	swait.ge [sflag:s20], $0x4000  }
0x41: {  	[sflag:s20] =	ssyncset.done $0x0  }
.Ltmp0:
0x42: {  	s25 =	sadd.s32 $0x16500, s24;
	[sflag:s20] =	ssyncadd.s32 $0xFFFFC000;
	(pc) =	sbr.rel @p0 .LBB2_2-.Ltmp0, $4  }
0x43: {  	[spmem:s1] =	stream.indirect.scatter.add.f32 [tilespmem:s13], [sflag:$0x3], $0x80, s25, s14, $0xb8;
	[tilespmem:$0x1A400] =	vst v63  }
0x44: {  	_ =	swait.ge [sflag:s21], $0x4000  }
0x45: {  	[sflag:s21] =	ssyncset.done $0x0  }
0x46: {  	s24 =	sadd.s32 $0x16580, s24;
	[sflag:s21] =	ssyncadd.s32 $0xFFFFC000  }
0x47: {  	[spmem:s1] =	stream.indirect.scatter.add.f32 [tilespmem:s13], [sflag:$0x4], $0x80, s24, s14, $0xb8;
	[tilespmem:$0x1A400] =	vst v63  }
0x48: {  	_ =	swait.ge [sflag:s18], $0x4000  }
0x49: {  	[sflag:s18] =	ssyncset.done $0x0  }
0x4a: {  	[sflag:s18] =	ssyncadd.s32 $0xFFFFC000  }
0x4b: {  	_ =	swait.ge [sflag:s19], $0x4000  }
0x4c: {  	[sflag:s19] =	ssyncset.done $0x0  }
0x4d: {  	[sflag:s19] =	ssyncadd.s32 $0xFFFFC000  }
0x4e: {  	_ =	swait.ge [sflag:s20], $0x4000  }
0x4f: {  	[sflag:s20] =	ssyncset.done $0x0  }
0x50: {  	[sflag:s20] =	ssyncadd.s32 $0xFFFFC000  }
0x51: {  	_ =	swait.ge [sflag:s21], $0x4000  }
0x52: {  	s22 =	sadd.s32 $0x1, s22;
	[sflag:s21] =	ssyncset.done $0x0  }
0x53: {  	p0 =	sne.s32 s22, s9;
	[sflag:s21] =	ssyncadd.s32 $0xFFFFC000  }
.Ltmp1:
0x54: {  	[bflag:$0x0] =	sbarrier.arrive $0xFFFF;
	(pc) =	sbr.rel @p0 .LBB2_1-.Ltmp1, $4  }
0x55: {  	[hbm:s8], [sflag:s6] =	dma.local [spmem:s10], $0x2780  }
0x56: {  	_ =	swait.ge [sflag:s11], $0x2780  }
0x57: {  	[sflag:s11] =	ssyncset.done $0x0  }
0x58: {  	[sflag:s11] =	ssyncadd.s32 $0xFFFFD880  }
0x59: {  	_ =	sfence.sel $0x180000  }
0x5a: {  	[bflag:$0x0] =	sbarrier.arrive $0xFFFF  }
0x5b: {  	p0 =	sne.s32 s2, $0x0;
	_ =	strace $0x90000047  }
0x5c: {  	s0 =	sadd.s32 @!p0 $0x100000, s0;
	[bflag:$0x2] =	sbarrier.arrive $0xFFFF  }
0x5d: {  	[sflag:s0] =	ssyncadd.tile.s32 @!p0 $0x1;
	_ =	shalt  }
.Lfunc_end2:
_tile_overlayer_lowered:
.L_overlay_start_2:
0x5e: {  	(tag) =	ssettag $0x2  }
0x5f: {  	s0 =	rddreg [dreg:$0x0];
	s2 =	stileid.u32  }
0x60: {  	s1 =	rddreg [dreg:$0x1];
	p0 =	sne.s32 s2, $0x0  }
0x61: {  	s3 =	rddreg [dreg:$0x2];
	[bflag:$0x3] =	sbarrier.arrive $0xFFFF;
	s2 =	simm.s32 @!p0 $0x1C05  }
0x62: {  	[timem:s3], [sflag:s2] =	dma.local @!p0 [hbm:s0], s1  }
0x63: {  	s0 =	simm.s32 @!p0 $0x5  }
0x64: {  	_ =	swait.ge @!p0 [sflag:s0], s1  }
0x65: {  	s1 =	ssub.s32 @!p0 $0x0, s1;
	[sflag:s0] =	ssyncset.done @!p0 $0x0  }
0x66: {  	[sflag:s0] =	ssyncadd.s32 @!p0 s1  }
0x67: {  	[bflag:$0x3] =	sbarrier.arrive $0xFFFF  }
0x68: {  	_ =	shalt  }

</sc_bundles>
